<compile_context>
chip_gen: v7x
topology: tpu7x:2x2x1
jax: 0.10.2.dev20260603
libtpu: 0.0.44.dev20260713+nightly
codegen_flags: <defaults>
</compile_context>

<pallas_src>
import functools

import jax
import jax.numpy as jnp
from jax import lax
from jax.experimental import pallas as pl
from jax.experimental.pallas import tpu as pltpu
from jax.experimental.pallas import tpu_sc as plsc

N = 100000
D = 128
K = 50000

NBLK = 98
NP = NBLK * 1024
NT = 16
CH = NP // NT
NVR = CH // 16
LPB = NVR // 16
RADIX = 256
HIST = NT * RADIX



SB = 7168
SGRID = NP // SB


def _scores_body(x_ref, w_ref, b_ref, out_ref):
    i = pl.program_id(0)
    xb = x_ref[...]
    w = w_ref[...]
    s = lax.dot_general(xb, w, (((1,), (0,)), ((), ())),
                        preferred_element_type=jnp.float32)
    s = s.reshape(SB) + b_ref[0]
    bits = lax.bitcast_convert_type(s, jnp.uint32)
    neg = bits >= jnp.uint32(0x80000000)
    v = jnp.where(neg, bits, ~(bits | jnp.uint32(0x80000000)))
    v2 = v.reshape(SB // 128, 128)
    rid = (lax.broadcasted_iota(jnp.int32, (SB // 128, 128), 0) * 128
           + lax.broadcasted_iota(jnp.int32, (SB // 128, 128), 1) + i * SB)
    v2 = jnp.where(rid < N, v2, jnp.uint32(0xFFFFFFFF))
    out_ref[...] = lax.bitcast_convert_type(v2, jnp.int32)


def _scores(x, w_row, b):
    return pl.pallas_call(
        _scores_body,
        grid=(SGRID,),
        in_specs=[
            pl.BlockSpec((SB, D), lambda i: (i, 0)),
            pl.BlockSpec((D, 1), lambda i: (0, 0)),
            pl.BlockSpec(memory_space=pltpu.SMEM),
        ],
        out_specs=pl.BlockSpec((SB // 128, 128), lambda i: (i, 0)),
        out_shape=jax.ShapeDtypeStruct((NP // 128, 128), jnp.int32),
    )(x, w_row, b)



_SORT_MESH = plsc.VectorSubcoreMesh(
    core_axis_name="c", subcore_axis_name="s", num_cores=1)

_LANE = lambda: lax.iota(jnp.int32, 16)


def _sort_impl(vk_hbm, perm_hbm,
               bufVA, bufIA, bufVB, bufIB, ghist,
               chunkV, chunkI, allhist, hist, run,
               posb, encb, sem, semI):
    t = lax.axis_index("s")
    lane = _LANE()
    zeros = jnp.full((16,), 0, jnp.int32)

    pltpu.sync_copy(vk_hbm.at[pl.ds(t * CH, CH)], chunkV)

    def init_idx(r, _):
        for q in range(8):
            k = r * 8 + q
            chunkI[pl.ds(k * 16, 16)] = t * CH + k * 16 + lane
        return 0
    lax.fori_loop(0, NVR // 8, init_idx, 0)

    for p in range(4):
        shift = p * 8
        srcV, srcI, dstV, dstI = [
            (None, None, bufVA, bufIA),
            (bufVA, bufIA, bufVB, bufIB),
            (bufVB, bufIB, bufVA, bufIA),
            (bufVA, bufIA, bufVB, bufIB),
        ][p]
        di = None
        if srcV is not None:
            pltpu.sync_copy(srcV.at[pl.ds(t * CH, CH)], chunkV)
            di = pltpu.async_copy(srcI.at[pl.ds(t * CH, CH)], chunkI, semI)

        def zero_hist(k, _):
            hist[pl.ds(k * 16, 16)] = zeros
            return 0
        lax.fori_loop(0, RADIX // 16, zero_hist, 0)

        def hist_body(r, _):
            for q in range(8):
                i = r * 8 + q
                sl = pl.ds(i * 16, 16)
                v = chunkV[sl]
                d = (v >> shift) & 255
                cnt, lastm = plsc.scan_count(d)
                prior = plsc.load_gather(hist, [d])
                encb[sl] = d | ((prior + cnt) << 8)
                plsc.addupdate_scatter(hist, [d], cnt, mask=lastm)
            return 0
        lax.fori_loop(0, NVR // 8, hist_body, 0)
        pltpu.sync_copy(hist, ghist.at[pl.ds(t * RADIX, RADIX)])
        plsc.subcore_barrier()

        pltpu.sync_copy(ghist, allhist)

        def scan_body(g, carry):
            gidx = g * 16 + lane

            def t_body(tt, a):
                h = plsc.load_gather(allhist, [tt * RADIX + gidx])
                return (a[0] + h, a[1] + jnp.where(tt < t, h, 0))
            total, pref = lax.fori_loop(0, NT, t_body, (zeros, zeros))
            excl = plsc.cumsum(total) - total
            run[pl.ds(g * 16, 16)] = excl + carry + pref - 1
            return carry + jnp.sum(total)
        lax.fori_loop(0, RADIX // 16, scan_body, jnp.int32(0))

        def perm_body(r, _):
            for q in range(8):
                i = r * 8 + q
                sl = pl.ds(i * 16, 16)
                e = encb[sl]
                posb[sl] = plsc.load_gather(run, [e & 255]) + (e >> 8)
            return 0
        lax.fori_loop(0, NVR // 8, perm_body, 0)

        d1 = None
        if p < 3:
            d1 = pltpu.async_copy(chunkV, dstV.at[posb], sem)
        if di is not None:
            di.wait()
        d2 = pltpu.async_copy(chunkI, dstI.at[posb], sem)
        if d1 is not None:
            d1.wait()
        d2.wait()
        plsc.subcore_barrier()


    @pl.when(t < NT - 1)
    def _():
        pltpu.sync_copy(bufIB.at[pl.ds(t * 3200, 3200)], chunkI.at[pl.ds(0, 3200)])
        pltpu.sync_copy(chunkI.at[pl.ds(0, 3200)], perm_hbm.at[pl.ds(t * 3200, 3200)])

    @pl.when(t == NT - 1)
    def _():
        pltpu.sync_copy(bufIB.at[pl.ds(48000, 2000)], chunkI.at[pl.ds(0, 2000)])
        pltpu.sync_copy(chunkI.at[pl.ds(0, 2000)], perm_hbm.at[pl.ds(48000, 2000)])


_sort = functools.partial(
    pl.kernel,
    out_type=jax.ShapeDtypeStruct((K,), jnp.int32),
    mesh=_SORT_MESH,
    compiler_params=pltpu.CompilerParams(needs_layout_passes=False),
    scratch_types=[
        pltpu.VMEM_SHARED((NP,), jnp.int32),
        pltpu.VMEM_SHARED((NP,), jnp.int32),
        pltpu.VMEM_SHARED((NP,), jnp.int32),
        pltpu.VMEM_SHARED((NP,), jnp.int32),
        pltpu.VMEM_SHARED((HIST,), jnp.int32),
        pltpu.VMEM((CH,), jnp.int32),
        pltpu.VMEM((CH,), jnp.int32),
        pltpu.VMEM((HIST,), jnp.int32),
        pltpu.VMEM((RADIX,), jnp.int32),
        pltpu.VMEM((RADIX,), jnp.int32),
        pltpu.VMEM((CH,), jnp.int32),
        pltpu.VMEM((CH,), jnp.int32),
        pltpu.SemaphoreType.DMA,
        pltpu.SemaphoreType.DMA,
    ],
)(_sort_impl)



_GATHER_MESH = plsc.VectorSubcoreMesh(core_axis_name="c", subcore_axis_name="s")
NW = 32
RPW = 1568
RCH = 224
NCHK = RPW // RCH


def _gather_impl(x_hbm, perm_hbm, out_hbm,
                 idxb, rowb0, rowb1, gs0, gs1, ss0, ss1):
    c = lax.axis_index("c")
    s = lax.axis_index("s")
    w = s * 2 + c
    start = jnp.where(w == NW - 1, K - RPW, w * RPW)
    rowb = (rowb0, rowb1)
    gsem = (gs0, gs1)
    ssem = (ss0, ss1)

    pltpu.sync_copy(perm_hbm.at[pl.ds(start, RPW)], idxb)
    gd = [pltpu.async_copy(x_hbm.at[idxb.at[pl.ds(0, RCH)]], rowb[0],
                           gsem[0]), None]
    sd = [None, None]
    for j in range(NCHK):
        cur = j & 1
        nxt = cur ^ 1
        if j + 1 < NCHK:
            if sd[nxt] is not None:
                sd[nxt].wait()
            gd[nxt] = pltpu.async_copy(
                x_hbm.at[idxb.at[pl.ds((j + 1) * RCH, RCH)]], rowb[nxt],
                gsem[nxt])
        gd[cur].wait()
        off = start + j * RCH
        sd[cur] = pltpu.async_copy(rowb[cur], out_hbm.at[pl.ds(off, RCH)],
                                   ssem[cur])
    sd[(NCHK - 1) & 1].wait()
    if sd[NCHK & 1] is not None:
        sd[NCHK & 1].wait()


_gather = functools.partial(
    pl.kernel,
    out_type=jax.ShapeDtypeStruct((K, D), jnp.float32),
    mesh=_GATHER_MESH,
    compiler_params=pltpu.CompilerParams(needs_layout_passes=False),
    scratch_types=[
        pltpu.VMEM((RPW,), jnp.int32),
        pltpu.VMEM((RCH, D), jnp.float32),
        pltpu.VMEM((RCH, D), jnp.float32),
        pltpu.SemaphoreType.DMA,
        pltpu.SemaphoreType.DMA,
        pltpu.SemaphoreType.DMA,
        pltpu.SemaphoreType.DMA,
    ],
)(_gather_impl)




def kernel(x, W, b):
    vkeys = _scores(x, W, b)
    perm = _sort(vkeys.reshape(NP))
    pooled = _gather(x, perm)
    batch_mask = jnp.zeros((K,), jnp.int32)
    return (pooled, perm, batch_mask)

# --- scband reference (transcript-rebuilt; emitter-appended) ---
"""Pipeline reference for scband-graph-pooling-operator-15006615732847 (READ-ONLY COPY).

The authoritative reference and input builder live on the scoring server;
editing this copy changes nothing except your own understanding.
"""

import jax, jax.numpy as jnp
import numpy as np

N = 100000
D = 128
RATIO = 0.5
NUM_POOLED = max(1, int(N * RATIO))


def setup_inputs(seed: int = 0) -> dict:
    key = jax.random.key(seed)
    k1, k2, k3 = jax.random.split(key, 3)
    x = jax.random.normal(k1, (N, D), dtype=jnp.float32)
    # score_net: nn.Linear(in_channels=128, out_features=1)
    W = jax.random.normal(k2, (D, 1), dtype=jnp.float32) * (1.0 / np.sqrt(D))
    b = jax.random.normal(k3, (1,), dtype=jnp.float32) * (1.0 / np.sqrt(D))
    return {"x": x, "W": W, "b": b}


def reference(x, W, b):
    # scores = score_net(x).squeeze(-1)
    scores = (x @ W + b)[:, 0]
    # perm = argsort(scores, descending=True)[:num_pooled]  == top_k indices
    _, perm = jax.lax.top_k(scores, NUM_POOLED)
    # pooled_x = x[perm]
    pooled_x = jnp.take(x, perm, axis=0)
    cluster_index = perm
    batch_mask = jnp.zeros((NUM_POOLED,), dtype=jnp.int32)
    return (pooled_x, cluster_index, batch_mask)

if __name__ == "__main__":
    import jax
    _d = setup_inputs()
    print(jax.jit(kernel)(*tuple(_d.values())))

</pallas_src>

<mosaic_0001>
#map = affine_map<(d0, d1) -> (0, 0)>
#map1 = affine_map<(d0, d1) -> (0)>
module attributes {stable_mosaic.version = 14 : i64} {
  func.func @_gather_impl(%arg0: i32, %arg1: i32, %arg2: memref<100000x128xf32, #tpu.memory_space<hbm>>, %arg3: memref<50000xi32, #tpu.memory_space<hbm>>, %arg4: memref<50000x128xf32, #tpu.memory_space<hbm>>, %arg5: memref<1568xi32, #tpu.memory_space<vmem>>, %arg6: memref<224x128xf32, #tpu.memory_space<vmem>>, %arg7: memref<224x128xf32, #tpu.memory_space<vmem>>, %arg8: memref<!tpu.dma_semaphore, #tpu.memory_space<semaphore_mem>>, %arg9: memref<!tpu.dma_semaphore, #tpu.memory_space<semaphore_mem>>, %arg10: memref<!tpu.dma_semaphore, #tpu.memory_space<semaphore_mem>>, %arg11: memref<!tpu.dma_semaphore, #tpu.memory_space<semaphore_mem>>) attributes {dimension_semantics = [#tpu.dimension_semantics<core_parallel>, #tpu.dimension_semantics<subcore_parallel>], iteration_bounds = array<i64: 2, 16>, scalar_prefetch = 0 : i64, scratch_operands = 7 : i64, tpu.core_type = #tpu.core_type<sc_vector_subcore>, window_params = [{transform_indices = #map}, {transform_indices = #map1}, {transform_indices = #map}]} {
    %mul3A = arith.constant 2 : i32
    %mul3A_0 = arith.muli %arg1, %mul3A : i32
    %add3A = arith.addi %mul3A_0, %arg0 : i32
    %eq3A = arith.constant 31 : i32
    %eq3A_1 = arith.cmpi eq, %add3A, %eq3A : i32
    %mul3A_2 = arith.constant 1568 : i32
    %mul3A_3 = arith.muli %add3A, %mul3A_2 : i32
    %jit3A = arith.constant 48432 : i32
    %select_n3A = arith.select %eq3A_1, %jit3A, %mul3A_3 : i32
    "tpu.region"() ({
      %run_scoped3A = tpu.sem_alloc : memref<!tpu.dma_semaphore, #tpu.memory_space<semaphore_mem>>
      %dma_start3A_142 = tpu.memref_slice %arg3[%select_n3A] : memref<50000xi32, #tpu.memory_space<hbm>> -> memref<1568xi32, #tpu.memory_space<hbm>>
      %dma_start3A_143 = tpu.memref_slice %arg3[%select_n3A] : memref<50000xi32, #tpu.memory_space<hbm>> -> memref<1568xi32, #tpu.memory_space<hbm>>
      tpu.enqueue_dma source(%dma_start3A_143 : memref<1568xi32, #tpu.memory_space<hbm>>) target(%arg5 : memref<1568xi32, #tpu.memory_space<vmem>>) target_semaphore(%run_scoped3A : memref<!tpu.dma_semaphore, #tpu.memory_space<semaphore_mem>>)
      %dma_wait3A_144 = tpu.memref_slice %arg3[%select_n3A] : memref<50000xi32, #tpu.memory_space<hbm>> -> memref<1568xi32, #tpu.memory_space<hbm>>
      %dma_wait3A_145 = tpu.memref_slice %arg3[%select_n3A] : memref<50000xi32, #tpu.memory_space<hbm>> -> memref<1568xi32, #tpu.memory_space<hbm>>
      tpu.wait_dma2 semaphore(%run_scoped3A : memref<!tpu.dma_semaphore, #tpu.memory_space<semaphore_mem>>) src(%dma_wait3A_145 : memref<1568xi32, #tpu.memory_space<hbm>>) dst(%arg5 : memref<1568xi32, #tpu.memory_space<vmem>>)
      tpu.yield
    }) : () -> ()
    %dma_start3A = arith.constant 0 : i32
    %dma_start3A_4 = tpu.memref_slice %arg5[%dma_start3A] : memref<1568xi32, #tpu.memory_space<vmem>> -> memref<224xi32, #tpu.memory_space<vmem>>
    %dma_start3A_5 = arith.constant 0 : i32
    %dma_start3A_6 = arith.constant 0 : i32
    %dma_start3A_7 = tpu.memref_slice %arg2[%dma_start3A_5, %dma_start3A_6] : memref<100000x128xf32, #tpu.memory_space<hbm>> -> memref<100000x128xf32, #tpu.memory_space<hbm>>
    tpu.enqueue_indirect_dma source(%dma_start3A_7 : memref<100000x128xf32, #tpu.memory_space<hbm>>) target(%arg6 : memref<224x128xf32, #tpu.memory_space<vmem>>) offsets(%dma_start3A_4 : memref<224xi32, #tpu.memory_space<vmem>>) semaphore(%arg8 : memref<!tpu.dma_semaphore, #tpu.memory_space<semaphore_mem>>)
    %dma_start3A_8 = arith.constant 224 : i32
    %dma_start3A_9 = tpu.memref_slice %arg5[%dma_start3A_8] : memref<1568xi32, #tpu.memory_space<vmem>> -> memref<224xi32, #tpu.memory_space<vmem>>
    %dma_start3A_10 = arith.constant 0 : i32
    %dma_start3A_11 = arith.constant 0 : i32
    %dma_start3A_12 = tpu.memref_slice %arg2[%dma_start3A_10, %dma_start3A_11] : memref<100000x128xf32, #tpu.memory_space<hbm>> -> memref<100000x128xf32, #tpu.memory_space<hbm>>
    tpu.enqueue_indirect_dma source(%dma_start3A_12 : memref<100000x128xf32, #tpu.memory_space<hbm>>) target(%arg7 : memref<224x128xf32, #tpu.memory_space<vmem>>) offsets(%dma_start3A_9 : memref<224xi32, #tpu.memory_space<vmem>>) semaphore(%arg9 : memref<!tpu.dma_semaphore, #tpu.memory_space<semaphore_mem>>)
    %dma_wait3A = arith.constant 0 : i32
    %dma_wait3A_13 = tpu.memref_slice %arg5[%dma_wait3A] : memref<1568xi32, #tpu.memory_space<vmem>> -> memref<224xi32, #tpu.memory_space<vmem>>
    %dma_wait3A_14 = arith.constant 0 : i32
    %dma_wait3A_15 = arith.constant 0 : i32
    %dma_wait3A_16 = tpu.memref_slice %arg2[%dma_wait3A_14, %dma_wait3A_15] : memref<100000x128xf32, #tpu.memory_space<hbm>> -> memref<100000x128xf32, #tpu.memory_space<hbm>>
    tpu.wait_indirect_dma semaphore(%arg8 : memref<!tpu.dma_semaphore, #tpu.memory_space<semaphore_mem>>) src(%dma_wait3A_16 : memref<100000x128xf32, #tpu.memory_space<hbm>>) dst(%arg6 : memref<224x128xf32, #tpu.memory_space<vmem>>)
    %add3A_17 = arith.constant 0 : i32
    %add3A_18 = arith.addi %select_n3A, %add3A_17 : i32
    %dma_start3A_19 = arith.constant 0 : i32
    %dma_start3A_20 = tpu.memref_slice %arg4[%add3A_18, %dma_start3A_19] : memref<50000x128xf32, #tpu.memory_space<hbm>> -> memref<224x128xf32, #tpu.memory_space<hbm>>
    %dma_start3A_21 = arith.constant 0 : i32
    %dma_start3A_22 = tpu.memref_slice %arg4[%add3A_18, %dma_start3A_21] : memref<50000x128xf32, #tpu.memory_space<hbm>> -> memref<224x128xf32, #tpu.memory_space<hbm>>
    tpu.enqueue_dma source(%arg6 : memref<224x128xf32, #tpu.memory_space<vmem>>) target(%dma_start3A_22 : memref<224x128xf32, #tpu.memory_space<hbm>>) target_semaphore(%arg10 : memref<!tpu.dma_semaphore, #tpu.memory_space<semaphore_mem>>)
    %dma_wait3A_23 = arith.constant 0 : i32
    %dma_wait3A_24 = tpu.memref_slice %arg4[%add3A_18, %dma_wait3A_23] : memref<50000x128xf32, #tpu.memory_space<hbm>> -> memref<224x128xf32, #tpu.memory_space<hbm>>
    %dma_wait3A_25 = arith.constant 0 : i32
    %dma_wait3A_26 = tpu.memref_slice %arg4[%add3A_18, %dma_wait3A_25] : memref<50000x128xf32, #tpu.memory_space<hbm>> -> memref<224x128xf32, #tpu.memory_space<hbm>>
    tpu.wait_dma2 semaphore(%arg10 : memref<!tpu.dma_semaphore, #tpu.memory_space<semaphore_mem>>) src(%arg6 : memref<224x128xf32, #tpu.memory_space<vmem>>) dst(%dma_wait3A_26 : memref<224x128xf32, #tpu.memory_space<hbm>>)
    %dma_start3A_27 = arith.constant 448 : i32
    %dma_start3A_28 = tpu.memref_slice %arg5[%dma_start3A_27] : memref<1568xi32, #tpu.memory_space<vmem>> -> memref<224xi32, #tpu.memory_space<vmem>>
    %dma_start3A_29 = arith.constant 0 : i32
    %dma_start3A_30 = arith.constant 0 : i32
    %dma_start3A_31 = tpu.memref_slice %arg2[%dma_start3A_29, %dma_start3A_30] : memref<100000x128xf32, #tpu.memory_space<hbm>> -> memref<100000x128xf32, #tpu.memory_space<hbm>>
    tpu.enqueue_indirect_dma source(%dma_start3A_31 : memref<100000x128xf32, #tpu.memory_space<hbm>>) target(%arg6 : memref<224x128xf32, #tpu.memory_space<vmem>>) offsets(%dma_start3A_28 : memref<224xi32, #tpu.memory_space<vmem>>) semaphore(%arg8 : memref<!tpu.dma_semaphore, #tpu.memory_space<semaphore_mem>>)
    %dma_wait3A_32 = arith.constant 224 : i32
    %dma_wait3A_33 = tpu.memref_slice %arg5[%dma_wait3A_32] : memref<1568xi32, #tpu.memory_space<vmem>> -> memref<224xi32, #tpu.memory_space<vmem>>
    %dma_wait3A_34 = arith.constant 0 : i32
    %dma_wait3A_35 = arith.constant 0 : i32
    %dma_wait3A_36 = tpu.memref_slice %arg2[%dma_wait3A_34, %dma_wait3A_35] : memref<100000x128xf32, #tpu.memory_space<hbm>> -> memref<100000x128xf32, #tpu.memory_space<hbm>>
    tpu.wait_indirect_dma semaphore(%arg9 : memref<!tpu.dma_semaphore, #tpu.memory_space<semaphore_mem>>) src(%dma_wait3A_36 : memref<100000x128xf32, #tpu.memory_space<hbm>>) dst(%arg7 : memref<224x128xf32, #tpu.memory_space<vmem>>)
    %add3A_37 = arith.constant 224 : i32
    %add3A_38 = arith.addi %select_n3A, %add3A_37 : i32
    %dma_start3A_39 = arith.constant 0 : i32
    %dma_start3A_40 = tpu.memref_slice %arg4[%add3A_38, %dma_start3A_39] : memref<50000x128xf32, #tpu.memory_space<hbm>> -> memref<224x128xf32, #tpu.memory_space<hbm>>
    %dma_start3A_41 = arith.constant 0 : i32
    %dma_start3A_42 = tpu.memref_slice %arg4[%add3A_38, %dma_start3A_41] : memref<50000x128xf32, #tpu.memory_space<hbm>> -> memref<224x128xf32, #tpu.memory_space<hbm>>
    tpu.enqueue_dma source(%arg7 : memref<224x128xf32, #tpu.memory_space<vmem>>) target(%dma_start3A_42 : memref<224x128xf32, #tpu.memory_space<hbm>>) target_semaphore(%arg11 : memref<!tpu.dma_semaphore, #tpu.memory_space<semaphore_mem>>)
    %dma_wait3A_43 = arith.constant 0 : i32
    %dma_wait3A_44 = tpu.memref_slice %arg4[%add3A_38, %dma_wait3A_43] : memref<50000x128xf32, #tpu.memory_space<hbm>> -> memref<224x128xf32, #tpu.memory_space<hbm>>
    %dma_wait3A_45 = arith.constant 0 : i32
    %dma_wait3A_46 = tpu.memref_slice %arg4[%add3A_38, %dma_wait3A_45] : memref<50000x128xf32, #tpu.memory_space<hbm>> -> memref<224x128xf32, #tpu.memory_space<hbm>>
    tpu.wait_dma2 semaphore(%arg11 : memref<!tpu.dma_semaphore, #tpu.memory_space<semaphore_mem>>) src(%arg7 : memref<224x128xf32, #tpu.memory_space<vmem>>) dst(%dma_wait3A_46 : memref<224x128xf32, #tpu.memory_space<hbm>>)
    %dma_start3A_47 = arith.constant 672 : i32
    %dma_start3A_48 = tpu.memref_slice %arg5[%dma_start3A_47] : memref<1568xi32, #tpu.memory_space<vmem>> -> memref<224xi32, #tpu.memory_space<vmem>>
    %dma_start3A_49 = arith.constant 0 : i32
    %dma_start3A_50 = arith.constant 0 : i32
    %dma_start3A_51 = tpu.memref_slice %arg2[%dma_start3A_49, %dma_start3A_50] : memref<100000x128xf32, #tpu.memory_space<hbm>> -> memref<100000x128xf32, #tpu.memory_space<hbm>>
    tpu.enqueue_indirect_dma source(%dma_start3A_51 : memref<100000x128xf32, #tpu.memory_space<hbm>>) target(%arg7 : memref<224x128xf32, #tpu.memory_space<vmem>>) offsets(%dma_start3A_48 : memref<224xi32, #tpu.memory_space<vmem>>) semaphore(%arg9 : memref<!tpu.dma_semaphore, #tpu.memory_space<semaphore_mem>>)
    %dma_wait3A_52 = arith.constant 448 : i32
    %dma_wait3A_53 = tpu.memref_slice %arg5[%dma_wait3A_52] : memref<1568xi32, #tpu.memory_space<vmem>> -> memref<224xi32, #tpu.memory_space<vmem>>
    %dma_wait3A_54 = arith.constant 0 : i32
    %dma_wait3A_55 = arith.constant 0 : i32
    %dma_wait3A_56 = tpu.memref_slice %arg2[%dma_wait3A_54, %dma_wait3A_55] : memref<100000x128xf32, #tpu.memory_space<hbm>> -> memref<100000x128xf32, #tpu.memory_space<hbm>>
    tpu.wait_indirect_dma semaphore(%arg8 : memref<!tpu.dma_semaphore, #tpu.memory_space<semaphore_mem>>) src(%dma_wait3A_56 : memref<100000x128xf32, #tpu.memory_space<hbm>>) dst(%arg6 : memref<224x128xf32, #tpu.memory_space<vmem>>)
    %add3A_57 = arith.constant 448 : i32
    %add3A_58 = arith.addi %select_n3A, %add3A_57 : i32
    %dma_start3A_59 = arith.constant 0 : i32
    %dma_start3A_60 = tpu.memref_slice %arg4[%add3A_58, %dma_start3A_59] : memref<50000x128xf32, #tpu.memory_space<hbm>> -> memref<224x128xf32, #tpu.memory_space<hbm>>
    %dma_start3A_61 = arith.constant 0 : i32
    %dma_start3A_62 = tpu.memref_slice %arg4[%add3A_58, %dma_start3A_61] : memref<50000x128xf32, #tpu.memory_space<hbm>> -> memref<224x128xf32, #tpu.memory_space<hbm>>
    tpu.enqueue_dma source(%arg6 : memref<224x128xf32, #tpu.memory_space<vmem>>) target(%dma_start3A_62 : memref<224x128xf32, #tpu.memory_space<hbm>>) target_semaphore(%arg10 : memref<!tpu.dma_semaphore, #tpu.memory_space<semaphore_mem>>)
    %dma_wait3A_63 = arith.constant 0 : i32
    %dma_wait3A_64 = tpu.memref_slice %arg4[%add3A_58, %dma_wait3A_63] : memref<50000x128xf32, #tpu.memory_space<hbm>> -> memref<224x128xf32, #tpu.memory_space<hbm>>
    %dma_wait3A_65 = arith.constant 0 : i32
    %dma_wait3A_66 = tpu.memref_slice %arg4[%add3A_58, %dma_wait3A_65] : memref<50000x128xf32, #tpu.memory_space<hbm>> -> memref<224x128xf32, #tpu.memory_space<hbm>>
    tpu.wait_dma2 semaphore(%arg10 : memref<!tpu.dma_semaphore, #tpu.memory_space<semaphore_mem>>) src(%arg6 : memref<224x128xf32, #tpu.memory_space<vmem>>) dst(%dma_wait3A_66 : memref<224x128xf32, #tpu.memory_space<hbm>>)
    %dma_start3A_67 = arith.constant 896 : i32
    %dma_start3A_68 = tpu.memref_slice %arg5[%dma_start3A_67] : memref<1568xi32, #tpu.memory_space<vmem>> -> memref<224xi32, #tpu.memory_space<vmem>>
    %dma_start3A_69 = arith.constant 0 : i32
    %dma_start3A_70 = arith.constant 0 : i32
    %dma_start3A_71 = tpu.memref_slice %arg2[%dma_start3A_69, %dma_start3A_70] : memref<100000x128xf32, #tpu.memory_space<hbm>> -> memref<100000x128xf32, #tpu.memory_space<hbm>>
    tpu.enqueue_indirect_dma source(%dma_start3A_71 : memref<100000x128xf32, #tpu.memory_space<hbm>>) target(%arg6 : memref<224x128xf32, #tpu.memory_space<vmem>>) offsets(%dma_start3A_68 : memref<224xi32, #tpu.memory_space<vmem>>) semaphore(%arg8 : memref<!tpu.dma_semaphore, #tpu.memory_space<semaphore_mem>>)
    %dma_wait3A_72 = arith.constant 672 : i32
    %dma_wait3A_73 = tpu.memref_slice %arg5[%dma_wait3A_72] : memref<1568xi32, #tpu.memory_space<vmem>> -> memref<224xi32, #tpu.memory_space<vmem>>
    %dma_wait3A_74 = arith.constant 0 : i32
    %dma_wait3A_75 = arith.constant 0 : i32
    %dma_wait3A_76 = tpu.memref_slice %arg2[%dma_wait3A_74, %dma_wait3A_75] : memref<100000x128xf32, #tpu.memory_space<hbm>> -> memref<100000x128xf32, #tpu.memory_space<hbm>>
    tpu.wait_indirect_dma semaphore(%arg9 : memref<!tpu.dma_semaphore, #tpu.memory_space<semaphore_mem>>) src(%dma_wait3A_76 : memref<100000x128xf32, #tpu.memory_space<hbm>>) dst(%arg7 : memref<224x128xf32, #tpu.memory_space<vmem>>)
    %add3A_77 = arith.constant 672 : i32
    %add3A_78 = arith.addi %select_n3A, %add3A_77 : i32
    %dma_start3A_79 = arith.constant 0 : i32
    %dma_start3A_80 = tpu.memref_slice %arg4[%add3A_78, %dma_start3A_79] : memref<50000x128xf32, #tpu.memory_space<hbm>> -> memref<224x128xf32, #tpu.memory_space<hbm>>
    %dma_start3A_81 = arith.constant 0 : i32
    %dma_start3A_82 = tpu.memref_slice %arg4[%add3A_78, %dma_start3A_81] : memref<50000x128xf32, #tpu.memory_space<hbm>> -> memref<224x128xf32, #tpu.memory_space<hbm>>
    tpu.enqueue_dma source(%arg7 : memref<224x128xf32, #tpu.memory_space<vmem>>) target(%dma_start3A_82 : memref<224x128xf32, #tpu.memory_space<hbm>>) target_semaphore(%arg11 : memref<!tpu.dma_semaphore, #tpu.memory_space<semaphore_mem>>)
    %dma_wait3A_83 = arith.constant 0 : i32
    %dma_wait3A_84 = tpu.memref_slice %arg4[%add3A_78, %dma_wait3A_83] : memref<50000x128xf32, #tpu.memory_space<hbm>> -> memref<224x128xf32, #tpu.memory_space<hbm>>
    %dma_wait3A_85 = arith.constant 0 : i32
    %dma_wait3A_86 = tpu.memref_slice %arg4[%add3A_78, %dma_wait3A_85] : memref<50000x128xf32, #tpu.memory_space<hbm>> -> memref<224x128xf32, #tpu.memory_space<hbm>>
    tpu.wait_dma2 semaphore(%arg11 : memref<!tpu.dma_semaphore, #tpu.memory_space<semaphore_mem>>) src(%arg7 : memref<224x128xf32, #tpu.memory_space<vmem>>) dst(%dma_wait3A_86 : memref<224x128xf32, #tpu.memory_space<hbm>>)
    %dma_start3A_87 = arith.constant 1120 : i32
    %dma_start3A_88 = tpu.memref_slice %arg5[%dma_start3A_87] : memref<1568xi32, #tpu.memory_space<vmem>> -> memref<224xi32, #tpu.memory_space<vmem>>
    %dma_start3A_89 = arith.constant 0 : i32
    %dma_start3A_90 = arith.constant 0 : i32
    %dma_start3A_91 = tpu.memref_slice %arg2[%dma_start3A_89, %dma_start3A_90] : memref<100000x128xf32, #tpu.memory_space<hbm>> -> memref<100000x128xf32, #tpu.memory_space<hbm>>
    tpu.enqueue_indirect_dma source(%dma_start3A_91 : memref<100000x128xf32, #tpu.memory_space<hbm>>) target(%arg7 : memref<224x128xf32, #tpu.memory_space<vmem>>) offsets(%dma_start3A_88 : memref<224xi32, #tpu.memory_space<vmem>>) semaphore(%arg9 : memref<!tpu.dma_semaphore, #tpu.memory_space<semaphore_mem>>)
    %dma_wait3A_92 = arith.constant 896 : i32
    %dma_wait3A_93 = tpu.memref_slice %arg5[%dma_wait3A_92] : memref<1568xi32, #tpu.memory_space<vmem>> -> memref<224xi32, #tpu.memory_space<vmem>>
    %dma_wait3A_94 = arith.constant 0 : i32
    %dma_wait3A_95 = arith.constant 0 : i32
    %dma_wait3A_96 = tpu.memref_slice %arg2[%dma_wait3A_94, %dma_wait3A_95] : memref<100000x128xf32, #tpu.memory_space<hbm>> -> memref<100000x128xf32, #tpu.memory_space<hbm>>
    tpu.wait_indirect_dma semaphore(%arg8 : memref<!tpu.dma_semaphore, #tpu.memory_space<semaphore_mem>>) src(%dma_wait3A_96 : memref<100000x128xf32, #tpu.memory_space<hbm>>) dst(%arg6 : memref<224x128xf32, #tpu.memory_space<vmem>>)
    %add3A_97 = arith.constant 896 : i32
    %add3A_98 = arith.addi %select_n3A, %add3A_97 : i32
    %dma_start3A_99 = arith.constant 0 : i32
    %dma_start3A_100 = tpu.memref_slice %arg4[%add3A_98, %dma_start3A_99] : memref<50000x128xf32, #tpu.memory_space<hbm>> -> memref<224x128xf32, #tpu.memory_space<hbm>>
    %dma_start3A_101 = arith.constant 0 : i32
    %dma_start3A_102 = tpu.memref_slice %arg4[%add3A_98, %dma_start3A_101] : memref<50000x128xf32, #tpu.memory_space<hbm>> -> memref<224x128xf32, #tpu.memory_space<hbm>>
    tpu.enqueue_dma source(%arg6 : memref<224x128xf32, #tpu.memory_space<vmem>>) target(%dma_start3A_102 : memref<224x128xf32, #tpu.memory_space<hbm>>) target_semaphore(%arg10 : memref<!tpu.dma_semaphore, #tpu.memory_space<semaphore_mem>>)
    %dma_wait3A_103 = arith.constant 0 : i32
    %dma_wait3A_104 = tpu.memref_slice %arg4[%add3A_98, %dma_wait3A_103] : memref<50000x128xf32, #tpu.memory_space<hbm>> -> memref<224x128xf32, #tpu.memory_space<hbm>>
    %dma_wait3A_105 = arith.constant 0 : i32
    %dma_wait3A_106 = tpu.memref_slice %arg4[%add3A_98, %dma_wait3A_105] : memref<50000x128xf32, #tpu.memory_space<hbm>> -> memref<224x128xf32, #tpu.memory_space<hbm>>
    tpu.wait_dma2 semaphore(%arg10 : memref<!tpu.dma_semaphore, #tpu.memory_space<semaphore_mem>>) src(%arg6 : memref<224x128xf32, #tpu.memory_space<vmem>>) dst(%dma_wait3A_106 : memref<224x128xf32, #tpu.memory_space<hbm>>)
    %dma_start3A_107 = arith.constant 1344 : i32
    %dma_start3A_108 = tpu.memref_slice %arg5[%dma_start3A_107] : memref<1568xi32, #tpu.memory_space<vmem>> -> memref<224xi32, #tpu.memory_space<vmem>>
    %dma_start3A_109 = arith.constant 0 : i32
    %dma_start3A_110 = arith.constant 0 : i32
    %dma_start3A_111 = tpu.memref_slice %arg2[%dma_start3A_109, %dma_start3A_110] : memref<100000x128xf32, #tpu.memory_space<hbm>> -> memref<100000x128xf32, #tpu.memory_space<hbm>>
    tpu.enqueue_indirect_dma source(%dma_start3A_111 : memref<100000x128xf32, #tpu.memory_space<hbm>>) target(%arg6 : memref<224x128xf32, #tpu.memory_space<vmem>>) offsets(%dma_start3A_108 : memref<224xi32, #tpu.memory_space<vmem>>) semaphore(%arg8 : memref<!tpu.dma_semaphore, #tpu.memory_space<semaphore_mem>>)
    %dma_wait3A_112 = arith.constant 1120 : i32
    %dma_wait3A_113 = tpu.memref_slice %arg5[%dma_wait3A_112] : memref<1568xi32, #tpu.memory_space<vmem>> -> memref<224xi32, #tpu.memory_space<vmem>>
    %dma_wait3A_114 = arith.constant 0 : i32
    %dma_wait3A_115 = arith.constant 0 : i32
    %dma_wait3A_116 = tpu.memref_slice %arg2[%dma_wait3A_114, %dma_wait3A_115] : memref<100000x128xf32, #tpu.memory_space<hbm>> -> memref<100000x128xf32, #tpu.memory_space<hbm>>
    tpu.wait_indirect_dma semaphore(%arg9 : memref<!tpu.dma_semaphore, #tpu.memory_space<semaphore_mem>>) src(%dma_wait3A_116 : memref<100000x128xf32, #tpu.memory_space<hbm>>) dst(%arg7 : memref<224x128xf32, #tpu.memory_space<vmem>>)
    %add3A_117 = arith.constant 1120 : i32
    %add3A_118 = arith.addi %select_n3A, %add3A_117 : i32
    %dma_start3A_119 = arith.constant 0 : i32
    %dma_start3A_120 = tpu.memref_slice %arg4[%add3A_118, %dma_start3A_119] : memref<50000x128xf32, #tpu.memory_space<hbm>> -> memref<224x128xf32, #tpu.memory_space<hbm>>
    %dma_start3A_121 = arith.constant 0 : i32
    %dma_start3A_122 = tpu.memref_slice %arg4[%add3A_118, %dma_start3A_121] : memref<50000x128xf32, #tpu.memory_space<hbm>> -> memref<224x128xf32, #tpu.memory_space<hbm>>
    tpu.enqueue_dma source(%arg7 : memref<224x128xf32, #tpu.memory_space<vmem>>) target(%dma_start3A_122 : memref<224x128xf32, #tpu.memory_space<hbm>>) target_semaphore(%arg11 : memref<!tpu.dma_semaphore, #tpu.memory_space<semaphore_mem>>)
    %dma_wait3A_123 = arith.constant 1344 : i32
    %dma_wait3A_124 = tpu.memref_slice %arg5[%dma_wait3A_123] : memref<1568xi32, #tpu.memory_space<vmem>> -> memref<224xi32, #tpu.memory_space<vmem>>
    %dma_wait3A_125 = arith.constant 0 : i32
    %dma_wait3A_126 = arith.constant 0 : i32
    %dma_wait3A_127 = tpu.memref_slice %arg2[%dma_wait3A_125, %dma_wait3A_126] : memref<100000x128xf32, #tpu.memory_space<hbm>> -> memref<100000x128xf32, #tpu.memory_space<hbm>>
    tpu.wait_indirect_dma semaphore(%arg8 : memref<!tpu.dma_semaphore, #tpu.memory_space<semaphore_mem>>) src(%dma_wait3A_127 : memref<100000x128xf32, #tpu.memory_space<hbm>>) dst(%arg6 : memref<224x128xf32, #tpu.memory_space<vmem>>)
    %add3A_128 = arith.constant 1344 : i32
    %add3A_129 = arith.addi %select_n3A, %add3A_128 : i32
    %dma_start3A_130 = arith.constant 0 : i32
    %dma_start3A_131 = tpu.memref_slice %arg4[%add3A_129, %dma_start3A_130] : memref<50000x128xf32, #tpu.memory_space<hbm>> -> memref<224x128xf32, #tpu.memory_space<hbm>>
    %dma_start3A_132 = arith.constant 0 : i32
    %dma_start3A_133 = tpu.memref_slice %arg4[%add3A_129, %dma_start3A_132] : memref<50000x128xf32, #tpu.memory_space<hbm>> -> memref<224x128xf32, #tpu.memory_space<hbm>>
    tpu.enqueue_dma source(%arg6 : memref<224x128xf32, #tpu.memory_space<vmem>>) target(%dma_start3A_133 : memref<224x128xf32, #tpu.memory_space<hbm>>) target_semaphore(%arg10 : memref<!tpu.dma_semaphore, #tpu.memory_space<semaphore_mem>>)
    %dma_wait3A_134 = arith.constant 0 : i32
    %dma_wait3A_135 = tpu.memref_slice %arg4[%add3A_129, %dma_wait3A_134] : memref<50000x128xf32, #tpu.memory_space<hbm>> -> memref<224x128xf32, #tpu.memory_space<hbm>>
    %dma_wait3A_136 = arith.constant 0 : i32
    %dma_wait3A_137 = tpu.memref_slice %arg4[%add3A_129, %dma_wait3A_136] : memref<50000x128xf32, #tpu.memory_space<hbm>> -> memref<224x128xf32, #tpu.memory_space<hbm>>
    tpu.wait_dma2 semaphore(%arg10 : memref<!tpu.dma_semaphore, #tpu.memory_space<semaphore_mem>>) src(%arg6 : memref<224x128xf32, #tpu.memory_space<vmem>>) dst(%dma_wait3A_137 : memref<224x128xf32, #tpu.memory_space<hbm>>)
    %dma_wait3A_138 = arith.constant 0 : i32
    %dma_wait3A_139 = tpu.memref_slice %arg4[%add3A_118, %dma_wait3A_138] : memref<50000x128xf32, #tpu.memory_space<hbm>> -> memref<224x128xf32, #tpu.memory_space<hbm>>
    %dma_wait3A_140 = arith.constant 0 : i32
    %dma_wait3A_141 = tpu.memref_slice %arg4[%add3A_118, %dma_wait3A_140] : memref<50000x128xf32, #tpu.memory_space<hbm>> -> memref<224x128xf32, #tpu.memory_space<hbm>>
    tpu.wait_dma2 semaphore(%arg11 : memref<!tpu.dma_semaphore, #tpu.memory_space<semaphore_mem>>) src(%arg7 : memref<224x128xf32, #tpu.memory_space<vmem>>) dst(%dma_wait3A_141 : memref<224x128xf32, #tpu.memory_space<hbm>>)
    return
  }
}

#map = affine_map<(d0, d1) -> (0)>
module attributes {stable_mosaic.version = 14 : i64} {
  func.func @_sort_impl(%arg0: i32, %arg1: i32, %arg2: memref<100352xi32, #tpu.memory_space<hbm>>, %arg3: memref<50000xi32, #tpu.memory_space<hbm>>, %arg4: memref<100352xi32, #tpu.memory_space<vmem_shared>>, %arg5: memref<100352xi32, #tpu.memory_space<vmem_shared>>, %arg6: memref<100352xi32, #tpu.memory_space<vmem_shared>>, %arg7: memref<100352xi32, #tpu.memory_space<vmem_shared>>, %arg8: memref<4096xi32, #tpu.memory_space<vmem_shared>>, %arg9: memref<6272xi32, #tpu.memory_space<vmem>>, %arg10: memref<6272xi32, #tpu.memory_space<vmem>>, %arg11: memref<4096xi32, #tpu.memory_space<vmem>>, %arg12: memref<256xi32, #tpu.memory_space<vmem>>, %arg13: memref<256xi32, #tpu.memory_space<vmem>>, %arg14: memref<6272xi32, #tpu.memory_space<vmem>>, %arg15: memref<6272xi32, #tpu.memory_space<vmem>>, %arg16: memref<!tpu.dma_semaphore, #tpu.memory_space<semaphore_mem>>, %arg17: memref<!tpu.dma_semaphore, #tpu.memory_space<semaphore_mem>>) attributes {dimension_semantics = [#tpu.dimension_semantics<core_parallel>, #tpu.dimension_semantics<subcore_parallel>], iteration_bounds = array<i64: 1, 16>, scalar_prefetch = 0 : i64, scratch_operands = 14 : i64, tpu.core_type = #tpu.core_type<sc_vector_subcore>, window_params = [{transform_indices = #map}, {transform_indices = #map}]} {
    %iota3A = tpu.iota {dimensions = array<i32: 0>} : vector<16xi32>
    %broadcast_in_dim3A = arith.constant 0 : i32
    %broadcast_in_dim3A_0 = vector.broadcast %broadcast_in_dim3A : i32 to vector<16xi32>
    %mul3A = arith.constant 6272 : i32
    %mul3A_1 = arith.muli %arg1, %mul3A : i32
    "tpu.region"() ({
      %run_scoped3A = tpu.sem_alloc : memref<!tpu.dma_semaphore, #tpu.memory_space<semaphore_mem>>
      %dma_start3A_191 = tpu.memref_slice %arg2[%mul3A_1] : memref<100352xi32, #tpu.memory_space<hbm>> -> memref<6272xi32, #tpu.memory_space<hbm>>
      %dma_start3A_192 = tpu.memref_slice %arg2[%mul3A_1] : memref<100352xi32, #tpu.memory_space<hbm>> -> memref<6272xi32, #tpu.memory_space<hbm>>
      tpu.enqueue_dma source(%dma_start3A_192 : memref<6272xi32, #tpu.memory_space<hbm>>) target(%arg9 : memref<6272xi32, #tpu.memory_space<vmem>>) target_semaphore(%run_scoped3A : memref<!tpu.dma_semaphore, #tpu.memory_space<semaphore_mem>>)
      %dma_wait3A_193 = tpu.memref_slice %arg2[%mul3A_1] : memref<100352xi32, #tpu.memory_space<hbm>> -> memref<6272xi32, #tpu.memory_space<hbm>>
      %dma_wait3A_194 = tpu.memref_slice %arg2[%mul3A_1] : memref<100352xi32, #tpu.memory_space<hbm>> -> memref<6272xi32, #tpu.memory_space<hbm>>
      tpu.wait_dma2 semaphore(%run_scoped3A : memref<!tpu.dma_semaphore, #tpu.memory_space<semaphore_mem>>) src(%dma_wait3A_194 : memref<6272xi32, #tpu.memory_space<hbm>>) dst(%arg9 : memref<6272xi32, #tpu.memory_space<vmem>>)
      tpu.yield
    }) : () -> ()
    %scan3A = arith.constant 0 : i32
    %scan3A_2 = arith.constant 0 : i32
    %scan3A_3 = arith.constant 49 : i32
    %scan3A_4 = arith.addi %scan3A_2, %scan3A_3 : i32
    %scan3A_5 = arith.constant 1 : i32
    %scan3A_6 = scf.for %scan3A_191 = %scan3A_2 to %scan3A_4 step %scan3A_5 iter_args(%scan3A_192 = %scan3A) -> (i32)  : i32 {
      %mul3A_193 = arith.constant 8 : i32
      %mul3A_194 = arith.muli %scan3A_191, %mul3A_193 : i32
      %add3A = arith.constant 0 : i32
      %add3A_195 = arith.addi %mul3A_194, %add3A : i32
      %mul3A_196 = arith.constant 6272 : i32
      %mul3A_197 = arith.muli %arg1, %mul3A_196 : i32
      %mul3A_198 = arith.constant 16 : i32
      %mul3A_199 = arith.muli %add3A_195, %mul3A_198 : i32
      %add3A_200 = arith.addi %mul3A_197, %mul3A_199 : i32
      %add3A_201 = vector.broadcast %add3A_200 : i32 to vector<16xi32>
      %add3A_202 = arith.addi %add3A_201, %iota3A : vector<16xi32>
      %mul3A_203 = arith.constant 16 : i32
      %mul3A_204 = arith.muli %add3A_195, %mul3A_203 : i32
      %swap3A = arith.index_cast %mul3A_204 : i32 to index
      %swap3A_205 = tpu.vector_load %arg10[%swap3A] {strides = array<i32>} : memref<6272xi32, #tpu.memory_space<vmem>>, vector<16xi32>,
      tpu.vector_store %arg10[%swap3A], %add3A_202 {strides = array<i32>} : memref<6272xi32, #tpu.memory_space<vmem>>, vector<16xi32>,
      %mul3A_206 = arith.constant 8 : i32
      %mul3A_207 = arith.muli %scan3A_191, %mul3A_206 : i32
      %add3A_208 = arith.constant 1 : i32
      %add3A_209 = arith.addi %mul3A_207, %add3A_208 : i32
      %mul3A_210 = arith.constant 6272 : i32
      %mul3A_211 = arith.muli %arg1, %mul3A_210 : i32
      %mul3A_212 = arith.constant 16 : i32
      %mul3A_213 = arith.muli %add3A_209, %mul3A_212 : i32
      %add3A_214 = arith.addi %mul3A_211, %mul3A_213 : i32
      %add3A_215 = vector.broadcast %add3A_214 : i32 to vector<16xi32>
      %add3A_216 = arith.addi %add3A_215, %iota3A : vector<16xi32>
      %mul3A_217 = arith.constant 16 : i32
      %mul3A_218 = arith.muli %add3A_209, %mul3A_217 : i32
      %swap3A_219 = arith.index_cast %mul3A_218 : i32 to index
      %swap3A_220 = tpu.vector_load %arg10[%swap3A_219] {strides = array<i32>} : memref<6272xi32, #tpu.memory_space<vmem>>, vector<16xi32>,
      tpu.vector_store %arg10[%swap3A_219], %add3A_216 {strides = array<i32>} : memref<6272xi32, #tpu.memory_space<vmem>>, vector<16xi32>,
      %mul3A_221 = arith.constant 8 : i32
      %mul3A_222 = arith.muli %scan3A_191, %mul3A_221 : i32
      %add3A_223 = arith.constant 2 : i32
      %add3A_224 = arith.addi %mul3A_222, %add3A_223 : i32
      %mul3A_225 = arith.constant 6272 : i32
      %mul3A_226 = arith.muli %arg1, %mul3A_225 : i32
      %mul3A_227 = arith.constant 16 : i32
      %mul3A_228 = arith.muli %add3A_224, %mul3A_227 : i32
      %add3A_229 = arith.addi %mul3A_226, %mul3A_228 : i32
      %add3A_230 = vector.broadcast %add3A_229 : i32 to vector<16xi32>
      %add3A_231 = arith.addi %add3A_230, %iota3A : vector<16xi32>
      %mul3A_232 = arith.constant 16 : i32
      %mul3A_233 = arith.muli %add3A_224, %mul3A_232 : i32
      %swap3A_234 = arith.index_cast %mul3A_233 : i32 to index
      %swap3A_235 = tpu.vector_load %arg10[%swap3A_234] {strides = array<i32>} : memref<6272xi32, #tpu.memory_space<vmem>>, vector<16xi32>,
      tpu.vector_store %arg10[%swap3A_234], %add3A_231 {strides = array<i32>} : memref<6272xi32, #tpu.memory_space<vmem>>, vector<16xi32>,
      %mul3A_236 = arith.constant 8 : i32
      %mul3A_237 = arith.muli %scan3A_191, %mul3A_236 : i32
      %add3A_238 = arith.constant 3 : i32
      %add3A_239 = arith.addi %mul3A_237, %add3A_238 : i32
      %mul3A_240 = arith.constant 6272 : i32
      %mul3A_241 = arith.muli %arg1, %mul3A_240 : i32
      %mul3A_242 = arith.constant 16 : i32
      %mul3A_243 = arith.muli %add3A_239, %mul3A_242 : i32
      %add3A_244 = arith.addi %mul3A_241, %mul3A_243 : i32
      %add3A_245 = vector.broadcast %add3A_244 : i32 to vector<16xi32>
      %add3A_246 = arith.addi %add3A_245, %iota3A : vector<16xi32>
      %mul3A_247 = arith.constant 16 : i32
      %mul3A_248 = arith.muli %add3A_239, %mul3A_247 : i32
      %swap3A_249 = arith.index_cast %mul3A_248 : i32 to index
      %swap3A_250 = tpu.vector_load %arg10[%swap3A_249] {strides = array<i32>} : memref<6272xi32, #tpu.memory_space<vmem>>, vector<16xi32>,
      tpu.vector_store %arg10[%swap3A_249], %add3A_246 {strides = array<i32>} : memref<6272xi32, #tpu.memory_space<vmem>>, vector<16xi32>,
      %mul3A_251 = arith.constant 8 : i32
      %mul3A_252 = arith.muli %scan3A_191, %mul3A_251 : i32
      %add3A_253 = arith.constant 4 : i32
      %add3A_254 = arith.addi %mul3A_252, %add3A_253 : i32
      %mul3A_255 = arith.constant 6272 : i32
      %mul3A_256 = arith.muli %arg1, %mul3A_255 : i32
      %mul3A_257 = arith.constant 16 : i32
      %mul3A_258 = arith.muli %add3A_254, %mul3A_257 : i32
      %add3A_259 = arith.addi %mul3A_256, %mul3A_258 : i32
      %add3A_260 = vector.broadcast %add3A_259 : i32 to vector<16xi32>
      %add3A_261 = arith.addi %add3A_260, %iota3A : vector<16xi32>
      %mul3A_262 = arith.constant 16 : i32
      %mul3A_263 = arith.muli %add3A_254, %mul3A_262 : i32
      %swap3A_264 = arith.index_cast %mul3A_263 : i32 to index
      %swap3A_265 = tpu.vector_load %arg10[%swap3A_264] {strides = array<i32>} : memref<6272xi32, #tpu.memory_space<vmem>>, vector<16xi32>,
      tpu.vector_store %arg10[%swap3A_264], %add3A_261 {strides = array<i32>} : memref<6272xi32, #tpu.memory_space<vmem>>, vector<16xi32>,
      %mul3A_266 = arith.constant 8 : i32
      %mul3A_267 = arith.muli %scan3A_191, %mul3A_266 : i32
      %add3A_268 = arith.constant 5 : i32
      %add3A_269 = arith.addi %mul3A_267, %add3A_268 : i32
      %mul3A_270 = arith.constant 6272 : i32
      %mul3A_271 = arith.muli %arg1, %mul3A_270 : i32
      %mul3A_272 = arith.constant 16 : i32
      %mul3A_273 = arith.muli %add3A_269, %mul3A_272 : i32
      %add3A_274 = arith.addi %mul3A_271, %mul3A_273 : i32
      %add3A_275 = vector.broadcast %add3A_274 : i32 to vector<16xi32>
      %add3A_276 = arith.addi %add3A_275, %iota3A : vector<16xi32>
      %mul3A_277 = arith.constant 16 : i32
      %mul3A_278 = arith.muli %add3A_269, %mul3A_277 : i32
      %swap3A_279 = arith.index_cast %mul3A_278 : i32 to index
      %swap3A_280 = tpu.vector_load %arg10[%swap3A_279] {strides = array<i32>} : memref<6272xi32, #tpu.memory_space<vmem>>, vector<16xi32>,
      tpu.vector_store %arg10[%swap3A_279], %add3A_276 {strides = array<i32>} : memref<6272xi32, #tpu.memory_space<vmem>>, vector<16xi32>,
      %mul3A_281 = arith.constant 8 : i32
      %mul3A_282 = arith.muli %scan3A_191, %mul3A_281 : i32
      %add3A_283 = arith.constant 6 : i32
      %add3A_284 = arith.addi %mul3A_282, %add3A_283 : i32
      %mul3A_285 = arith.constant 6272 : i32
      %mul3A_286 = arith.muli %arg1, %mul3A_285 : i32
      %mul3A_287 = arith.constant 16 : i32
      %mul3A_288 = arith.muli %add3A_284, %mul3A_287 : i32
      %add3A_289 = arith.addi %mul3A_286, %mul3A_288 : i32
      %add3A_290 = vector.broadcast %add3A_289 : i32 to vector<16xi32>
      %add3A_291 = arith.addi %add3A_290, %iota3A : vector<16xi32>
      %mul3A_292 = arith.constant 16 : i32
      %mul3A_293 = arith.muli %add3A_284, %mul3A_292 : i32
      %swap3A_294 = arith.index_cast %mul3A_293 : i32 to index
      %swap3A_295 = tpu.vector_load %arg10[%swap3A_294] {strides = array<i32>} : memref<6272xi32, #tpu.memory_space<vmem>>, vector<16xi32>,
      tpu.vector_store %arg10[%swap3A_294], %add3A_291 {strides = array<i32>} : memref<6272xi32, #tpu.memory_space<vmem>>, vector<16xi32>,
      %mul3A_296 = arith.constant 8 : i32
      %mul3A_297 = arith.muli %scan3A_191, %mul3A_296 : i32
      %add3A_298 = arith.constant 7 : i32
      %add3A_299 = arith.addi %mul3A_297, %add3A_298 : i32
      %mul3A_300 = arith.constant 6272 : i32
      %mul3A_301 = arith.muli %arg1, %mul3A_300 : i32
      %mul3A_302 = arith.constant 16 : i32
      %mul3A_303 = arith.muli %add3A_299, %mul3A_302 : i32
      %add3A_304 = arith.addi %mul3A_301, %mul3A_303 : i32
      %add3A_305 = vector.broadcast %add3A_304 : i32 to vector<16xi32>
      %add3A_306 = arith.addi %add3A_305, %iota3A : vector<16xi32>
      %mul3A_307 = arith.constant 16 : i32
      %mul3A_308 = arith.muli %add3A_299, %mul3A_307 : i32
      %swap3A_309 = arith.index_cast %mul3A_308 : i32 to index
      %swap3A_310 = tpu.vector_load %arg10[%swap3A_309] {strides = array<i32>} : memref<6272xi32, #tpu.memory_space<vmem>>, vector<16xi32>,
      tpu.vector_store %arg10[%swap3A_309], %add3A_306 {strides = array<i32>} : memref<6272xi32, #tpu.memory_space<vmem>>, vector<16xi32>,
      %scan3A_311 = arith.constant 0 : i32
      scf.yield %scan3A_311 : i32
    }
    %scan3A_7 = arith.constant 49 : i32
    %scan3A_8 = arith.constant 0 : i32
    %scan3A_9 = arith.constant 0 : i32
    %scan3A_10 = arith.constant 16 : i32
    %scan3A_11 = arith.addi %scan3A_9, %scan3A_10 : i32
    %scan3A_12 = arith.constant 1 : i32
    %scan3A_13 = scf.for %scan3A_191 = %scan3A_9 to %scan3A_11 step %scan3A_12 iter_args(%scan3A_192 = %scan3A_8) -> (i32)  : i32 {
      %mul3A_193 = arith.constant 16 : i32
      %mul3A_194 = arith.muli %scan3A_191, %mul3A_193 : i32
      %swap3A = arith.index_cast %mul3A_194 : i32 to index
      %swap3A_195 = tpu.vector_load %arg12[%swap3A] {strides = array<i32>} : memref<256xi32, #tpu.memory_space<vmem>>, vector<16xi32>,
      tpu.vector_store %arg12[%swap3A], %broadcast_in_dim3A_0 {strides = array<i32>} : memref<256xi32, #tpu.memory_space<vmem>>, vector<16xi32>,
      %scan3A_196 = arith.constant 0 : i32
      scf.yield %scan3A_196 : i32
    }
    %scan3A_14 = arith.constant 16 : i32
    %scan3A_15 = arith.constant 0 : i32
    %scan3A_16 = arith.constant 0 : i32
    %scan3A_17 = arith.constant 49 : i32
    %scan3A_18 = arith.addi %scan3A_16, %scan3A_17 : i32
    %scan3A_19 = arith.constant 1 : i32
    %scan3A_20 = scf.for %scan3A_191 = %scan3A_16 to %scan3A_18 step %scan3A_19 iter_args(%scan3A_192 = %scan3A_15) -> (i32)  : i32 {
      %mul3A_193 = arith.constant 8 : i32
      %mul3A_194 = arith.muli %scan3A_191, %mul3A_193 : i32
      %add3A = arith.constant 0 : i32
      %add3A_195 = arith.addi %mul3A_194, %add3A : i32
      %mul3A_196 = arith.constant 16 : i32
      %mul3A_197 = arith.muli %add3A_195, %mul3A_196 : i32
      %get3A = arith.index_cast %mul3A_197 : i32 to index
      %get3A_198 = tpu.vector_load %arg9[%get3A] {strides = array<i32>} : memref<6272xi32, #tpu.memory_space<vmem>>, vector<16xi32>,
      %shift_right_arithmetic3A = arith.constant 0 : i32
      %shift_right_arithmetic3A_199 = vector.broadcast %shift_right_arithmetic3A : i32 to vector<16xi32>
      %shift_right_arithmetic3A_200 = arith.shrsi %get3A_198, %shift_right_arithmetic3A_199 : vector<16xi32>
      %and3A = arith.constant 255 : i32
      %and3A_201 = vector.broadcast %and3A : i32 to vector<16xi32>
      %and3A_202 = arith.andi %shift_right_arithmetic3A_200, %and3A_201 : vector<16xi32>
      %broadcast_in_dim3A_203 = arith.constant true
      %broadcast_in_dim3A_204 = vector.broadcast %broadcast_in_dim3A_203 : i1 to vector<16xi1>
      %unique3A, %unique3A_205 = tpu.scan_count mask(%broadcast_in_dim3A_204 : vector<16xi1>) value(%and3A_202 : vector<16xi32>) : vector<16xi1>, vector<16xi32>
      %gather3A = tpu.vector_load_idx %arg12[%and3A_202] : memref<256xi32, #tpu.memory_space<vmem>>[vector<16xi32>], vector<16xi32>,
      %add3A_206 = arith.addi %gather3A, %unique3A_205 : vector<16xi32>
      %shift_left3A = arith.constant 8 : i32
      %shift_left3A_207 = vector.broadcast %shift_left3A : i32 to vector<16xi32>
      %shift_left3A_208 = arith.shli %add3A_206, %shift_left3A_207 : vector<16xi32>
      %or3A = arith.ori %and3A_202, %shift_left3A_208 : vector<16xi32>
      %swap3A = arith.index_cast %mul3A_197 : i32 to index
      %swap3A_209 = tpu.vector_load %arg15[%swap3A] {strides = array<i32>} : memref<6272xi32, #tpu.memory_space<vmem>>, vector<16xi32>,
      tpu.vector_store %arg15[%swap3A], %or3A {strides = array<i32>} : memref<6272xi32, #tpu.memory_space<vmem>>, vector<16xi32>,
      tpu.vector_store_idx %arg12[%and3A_202], %unique3A_205 masked %unique3A {add = true} : memref<256xi32, #tpu.memory_space<vmem>>[vector<16xi32>], vector<16xi32>, vector<16xi1>
      %mul3A_210 = arith.constant 8 : i32
      %mul3A_211 = arith.muli %scan3A_191, %mul3A_210 : i32
      %add3A_212 = arith.constant 1 : i32
      %add3A_213 = arith.addi %mul3A_211, %add3A_212 : i32
      %mul3A_214 = arith.constant 16 : i32
      %mul3A_215 = arith.muli %add3A_213, %mul3A_214 : i32
      %get3A_216 = arith.index_cast %mul3A_215 : i32 to index
      %get3A_217 = tpu.vector_load %arg9[%get3A_216] {strides = array<i32>} : memref<6272xi32, #tpu.memory_space<vmem>>, vector<16xi32>,
      %shift_right_arithmetic3A_218 = arith.constant 0 : i32
      %shift_right_arithmetic3A_219 = vector.broadcast %shift_right_arithmetic3A_218 : i32 to vector<16xi32>
      %shift_right_arithmetic3A_220 = arith.shrsi %get3A_217, %shift_right_arithmetic3A_219 : vector<16xi32>
      %and3A_221 = arith.constant 255 : i32
      %and3A_222 = vector.broadcast %and3A_221 : i32 to vector<16xi32>
      %and3A_223 = arith.andi %shift_right_arithmetic3A_220, %and3A_222 : vector<16xi32>
      %broadcast_in_dim3A_224 = arith.constant true
      %broadcast_in_dim3A_225 = vector.broadcast %broadcast_in_dim3A_224 : i1 to vector<16xi1>
      %unique3A_226, %unique3A_227 = tpu.scan_count mask(%broadcast_in_dim3A_225 : vector<16xi1>) value(%and3A_223 : vector<16xi32>) : vector<16xi1>, vector<16xi32>
      %gather3A_228 = tpu.vector_load_idx %arg12[%and3A_223] : memref<256xi32, #tpu.memory_space<vmem>>[vector<16xi32>], vector<16xi32>,
      %add3A_229 = arith.addi %gather3A_228, %unique3A_227 : vector<16xi32>
      %shift_left3A_230 = arith.constant 8 : i32
      %shift_left3A_231 = vector.broadcast %shift_left3A_230 : i32 to vector<16xi32>
      %shift_left3A_232 = arith.shli %add3A_229, %shift_left3A_231 : vector<16xi32>
      %or3A_233 = arith.ori %and3A_223, %shift_left3A_232 : vector<16xi32>
      %swap3A_234 = arith.index_cast %mul3A_215 : i32 to index
      %swap3A_235 = tpu.vector_load %arg15[%swap3A_234] {strides = array<i32>} : memref<6272xi32, #tpu.memory_space<vmem>>, vector<16xi32>,
      tpu.vector_store %arg15[%swap3A_234], %or3A_233 {strides = array<i32>} : memref<6272xi32, #tpu.memory_space<vmem>>, vector<16xi32>,
      tpu.vector_store_idx %arg12[%and3A_223], %unique3A_227 masked %unique3A_226 {add = true} : memref<256xi32, #tpu.memory_space<vmem>>[vector<16xi32>], vector<16xi32>, vector<16xi1>
      %mul3A_236 = arith.constant 8 : i32
      %mul3A_237 = arith.muli %scan3A_191, %mul3A_236 : i32
      %add3A_238 = arith.constant 2 : i32
      %add3A_239 = arith.addi %mul3A_237, %add3A_238 : i32
      %mul3A_240 = arith.constant 16 : i32
      %mul3A_241 = arith.muli %add3A_239, %mul3A_240 : i32
      %get3A_242 = arith.index_cast %mul3A_241 : i32 to index
      %get3A_243 = tpu.vector_load %arg9[%get3A_242] {strides = array<i32>} : memref<6272xi32, #tpu.memory_space<vmem>>, vector<16xi32>,
      %shift_right_arithmetic3A_244 = arith.constant 0 : i32
      %shift_right_arithmetic3A_245 = vector.broadcast %shift_right_arithmetic3A_244 : i32 to vector<16xi32>
      %shift_right_arithmetic3A_246 = arith.shrsi %get3A_243, %shift_right_arithmetic3A_245 : vector<16xi32>
      %and3A_247 = arith.constant 255 : i32
      %and3A_248 = vector.broadcast %and3A_247 : i32 to vector<16xi32>
      %and3A_249 = arith.andi %shift_right_arithmetic3A_246, %and3A_248 : vector<16xi32>
      %broadcast_in_dim3A_250 = arith.constant true
      %broadcast_in_dim3A_251 = vector.broadcast %broadcast_in_dim3A_250 : i1 to vector<16xi1>
      %unique3A_252, %unique3A_253 = tpu.scan_count mask(%broadcast_in_dim3A_251 : vector<16xi1>) value(%and3A_249 : vector<16xi32>) : vector<16xi1>, vector<16xi32>
      %gather3A_254 = tpu.vector_load_idx %arg12[%and3A_249] : memref<256xi32, #tpu.memory_space<vmem>>[vector<16xi32>], vector<16xi32>,
      %add3A_255 = arith.addi %gather3A_254, %unique3A_253 : vector<16xi32>
      %shift_left3A_256 = arith.constant 8 : i32
      %shift_left3A_257 = vector.broadcast %shift_left3A_256 : i32 to vector<16xi32>
      %shift_left3A_258 = arith.shli %add3A_255, %shift_left3A_257 : vector<16xi32>
      %or3A_259 = arith.ori %and3A_249, %shift_left3A_258 : vector<16xi32>
      %swap3A_260 = arith.index_cast %mul3A_241 : i32 to index
      %swap3A_261 = tpu.vector_load %arg15[%swap3A_260] {strides = array<i32>} : memref<6272xi32, #tpu.memory_space<vmem>>, vector<16xi32>,
      tpu.vector_store %arg15[%swap3A_260], %or3A_259 {strides = array<i32>} : memref<6272xi32, #tpu.memory_space<vmem>>, vector<16xi32>,
      tpu.vector_store_idx %arg12[%and3A_249], %unique3A_253 masked %unique3A_252 {add = true} : memref<256xi32, #tpu.memory_space<vmem>>[vector<16xi32>], vector<16xi32>, vector<16xi1>
      %mul3A_262 = arith.constant 8 : i32
      %mul3A_263 = arith.muli %scan3A_191, %mul3A_262 : i32
      %add3A_264 = arith.constant 3 : i32
      %add3A_265 = arith.addi %mul3A_263, %add3A_264 : i32
      %mul3A_266 = arith.constant 16 : i32
      %mul3A_267 = arith.muli %add3A_265, %mul3A_266 : i32
      %get3A_268 = arith.index_cast %mul3A_267 : i32 to index
      %get3A_269 = tpu.vector_load %arg9[%get3A_268] {strides = array<i32>} : memref<6272xi32, #tpu.memory_space<vmem>>, vector<16xi32>,
      %shift_right_arithmetic3A_270 = arith.constant 0 : i32
      %shift_right_arithmetic3A_271 = vector.broadcast %shift_right_arithmetic3A_270 : i32 to vector<16xi32>
      %shift_right_arithmetic3A_272 = arith.shrsi %get3A_269, %shift_right_arithmetic3A_271 : vector<16xi32>
      %and3A_273 = arith.constant 255 : i32
      %and3A_274 = vector.broadcast %and3A_273 : i32 to vector<16xi32>
      %and3A_275 = arith.andi %shift_right_arithmetic3A_272, %and3A_274 : vector<16xi32>
      %broadcast_in_dim3A_276 = arith.constant true
      %broadcast_in_dim3A_277 = vector.broadcast %broadcast_in_dim3A_276 : i1 to vector<16xi1>
      %unique3A_278, %unique3A_279 = tpu.scan_count mask(%broadcast_in_dim3A_277 : vector<16xi1>) value(%and3A_275 : vector<16xi32>) : vector<16xi1>, vector<16xi32>
      %gather3A_280 = tpu.vector_load_idx %arg12[%and3A_275] : memref<256xi32, #tpu.memory_space<vmem>>[vector<16xi32>], vector<16xi32>,
      %add3A_281 = arith.addi %gather3A_280, %unique3A_279 : vector<16xi32>
      %shift_left3A_282 = arith.constant 8 : i32
      %shift_left3A_283 = vector.broadcast %shift_left3A_282 : i32 to vector<16xi32>
      %shift_left3A_284 = arith.shli %add3A_281, %shift_left3A_283 : vector<16xi32>
      %or3A_285 = arith.ori %and3A_275, %shift_left3A_284 : vector<16xi32>
      %swap3A_286 = arith.index_cast %mul3A_267 : i32 to index
      %swap3A_287 = tpu.vector_load %arg15[%swap3A_286] {strides = array<i32>} : memref<6272xi32, #tpu.memory_space<vmem>>, vector<16xi32>,
      tpu.vector_store %arg15[%swap3A_286], %or3A_285 {strides = array<i32>} : memref<6272xi32, #tpu.memory_space<vmem>>, vector<16xi32>,
      tpu.vector_store_idx %arg12[%and3A_275], %unique3A_279 masked %unique3A_278 {add = true} : memref<256xi32, #tpu.memory_space<vmem>>[vector<16xi32>], vector<16xi32>, vector<16xi1>
      %mul3A_288 = arith.constant 8 : i32
      %mul3A_289 = arith.muli %scan3A_191, %mul3A_288 : i32
      %add3A_290 = arith.constant 4 : i32
      %add3A_291 = arith.addi %mul3A_289, %add3A_290 : i32
      %mul3A_292 = arith.constant 16 : i32
      %mul3A_293 = arith.muli %add3A_291, %mul3A_292 : i32
      %get3A_294 = arith.index_cast %mul3A_293 : i32 to index
      %get3A_295 = tpu.vector_load %arg9[%get3A_294] {strides = array<i32>} : memref<6272xi32, #tpu.memory_space<vmem>>, vector<16xi32>,
      %shift_right_arithmetic3A_296 = arith.constant 0 : i32
      %shift_right_arithmetic3A_297 = vector.broadcast %shift_right_arithmetic3A_296 : i32 to vector<16xi32>
      %shift_right_arithmetic3A_298 = arith.shrsi %get3A_295, %shift_right_arithmetic3A_297 : vector<16xi32>
      %and3A_299 = arith.constant 255 : i32
      %and3A_300 = vector.broadcast %and3A_299 : i32 to vector<16xi32>
      %and3A_301 = arith.andi %shift_right_arithmetic3A_298, %and3A_300 : vector<16xi32>
      %broadcast_in_dim3A_302 = arith.constant true
      %broadcast_in_dim3A_303 = vector.broadcast %broadcast_in_dim3A_302 : i1 to vector<16xi1>
      %unique3A_304, %unique3A_305 = tpu.scan_count mask(%broadcast_in_dim3A_303 : vector<16xi1>) value(%and3A_301 : vector<16xi32>) : vector<16xi1>, vector<16xi32>
      %gather3A_306 = tpu.vector_load_idx %arg12[%and3A_301] : memref<256xi32, #tpu.memory_space<vmem>>[vector<16xi32>], vector<16xi32>,
      %add3A_307 = arith.addi %gather3A_306, %unique3A_305 : vector<16xi32>
      %shift_left3A_308 = arith.constant 8 : i32
      %shift_left3A_309 = vector.broadcast %shift_left3A_308 : i32 to vector<16xi32>
      %shift_left3A_310 = arith.shli %add3A_307, %shift_left3A_309 : vector<16xi32>
      %or3A_311 = arith.ori %and3A_301, %shift_left3A_310 : vector<16xi32>
      %swap3A_312 = arith.index_cast %mul3A_293 : i32 to index
      %swap3A_313 = tpu.vector_load %arg15[%swap3A_312] {strides = array<i32>} : memref<6272xi32, #tpu.memory_space<vmem>>, vector<16xi32>,
      tpu.vector_store %arg15[%swap3A_312], %or3A_311 {strides = array<i32>} : memref<6272xi32, #tpu.memory_space<vmem>>, vector<16xi32>,
      tpu.vector_store_idx %arg12[%and3A_301], %unique3A_305 masked %unique3A_304 {add = true} : memref<256xi32, #tpu.memory_space<vmem>>[vector<16xi32>], vector<16xi32>, vector<16xi1>
      %mul3A_314 = arith.constant 8 : i32
      %mul3A_315 = arith.muli %scan3A_191, %mul3A_314 : i32
      %add3A_316 = arith.constant 5 : i32
      %add3A_317 = arith.addi %mul3A_315, %add3A_316 : i32
      %mul3A_318 = arith.constant 16 : i32
      %mul3A_319 = arith.muli %add3A_317, %mul3A_318 : i32
      %get3A_320 = arith.index_cast %mul3A_319 : i32 to index
      %get3A_321 = tpu.vector_load %arg9[%get3A_320] {strides = array<i32>} : memref<6272xi32, #tpu.memory_space<vmem>>, vector<16xi32>,
      %shift_right_arithmetic3A_322 = arith.constant 0 : i32
      %shift_right_arithmetic3A_323 = vector.broadcast %shift_right_arithmetic3A_322 : i32 to vector<16xi32>
      %shift_right_arithmetic3A_324 = arith.shrsi %get3A_321, %shift_right_arithmetic3A_323 : vector<16xi32>
      %and3A_325 = arith.constant 255 : i32
      %and3A_326 = vector.broadcast %and3A_325 : i32 to vector<16xi32>
      %and3A_327 = arith.andi %shift_right_arithmetic3A_324, %and3A_326 : vector<16xi32>
      %broadcast_in_dim3A_328 = arith.constant true
      %broadcast_in_dim3A_329 = vector.broadcast %broadcast_in_dim3A_328 : i1 to vector<16xi1>
      %unique3A_330, %unique3A_331 = tpu.scan_count mask(%broadcast_in_dim3A_329 : vector<16xi1>) value(%and3A_327 : vector<16xi32>) : vector<16xi1>, vector<16xi32>
      %gather3A_332 = tpu.vector_load_idx %arg12[%and3A_327] : memref<256xi32, #tpu.memory_space<vmem>>[vector<16xi32>], vector<16xi32>,
      %add3A_333 = arith.addi %gather3A_332, %unique3A_331 : vector<16xi32>
      %shift_left3A_334 = arith.constant 8 : i32
      %shift_left3A_335 = vector.broadcast %shift_left3A_334 : i32 to vector<16xi32>
      %shift_left3A_336 = arith.shli %add3A_333, %shift_left3A_335 : vector<16xi32>
      %or3A_337 = arith.ori %and3A_327, %shift_left3A_336 : vector<16xi32>
      %swap3A_338 = arith.index_cast %mul3A_319 : i32 to index
      %swap3A_339 = tpu.vector_load %arg15[%swap3A_338] {strides = array<i32>} : memref<6272xi32, #tpu.memory_space<vmem>>, vector<16xi32>,
      tpu.vector_store %arg15[%swap3A_338], %or3A_337 {strides = array<i32>} : memref<6272xi32, #tpu.memory_space<vmem>>, vector<16xi32>,
      tpu.vector_store_idx %arg12[%and3A_327], %unique3A_331 masked %unique3A_330 {add = true} : memref<256xi32, #tpu.memory_space<vmem>>[vector<16xi32>], vector<16xi32>, vector<16xi1>
      %mul3A_340 = arith.constant 8 : i32
      %mul3A_341 = arith.muli %scan3A_191, %mul3A_340 : i32
      %add3A_342 = arith.constant 6 : i32
      %add3A_343 = arith.addi %mul3A_341, %add3A_342 : i32
      %mul3A_344 = arith.constant 16 : i32
      %mul3A_345 = arith.muli %add3A_343, %mul3A_344 : i32
      %get3A_346 = arith.index_cast %mul3A_345 : i32 to index
      %get3A_347 = tpu.vector_load %arg9[%get3A_346] {strides = array<i32>} : memref<6272xi32, #tpu.memory_space<vmem>>, vector<16xi32>,
      %shift_right_arithmetic3A_348 = arith.constant 0 : i32
      %shift_right_arithmetic3A_349 = vector.broadcast %shift_right_arithmetic3A_348 : i32 to vector<16xi32>
      %shift_right_arithmetic3A_350 = arith.shrsi %get3A_347, %shift_right_arithmetic3A_349 : vector<16xi32>
      %and3A_351 = arith.constant 255 : i32
      %and3A_352 = vector.broadcast %and3A_351 : i32 to vector<16xi32>
      %and3A_353 = arith.andi %shift_right_arithmetic3A_350, %and3A_352 : vector<16xi32>
      %broadcast_in_dim3A_354 = arith.constant true
      %broadcast_in_dim3A_355 = vector.broadcast %broadcast_in_dim3A_354 : i1 to vector<16xi1>
      %unique3A_356, %unique3A_357 = tpu.scan_count mask(%broadcast_in_dim3A_355 : vector<16xi1>) value(%and3A_353 : vector<16xi32>) : vector<16xi1>, vector<16xi32>
      %gather3A_358 = tpu.vector_load_idx %arg12[%and3A_353] : memref<256xi32, #tpu.memory_space<vmem>>[vector<16xi32>], vector<16xi32>,
      %add3A_359 = arith.addi %gather3A_358, %unique3A_357 : vector<16xi32>
      %shift_left3A_360 = arith.constant 8 : i32
      %shift_left3A_361 = vector.broadcast %shift_left3A_360 : i32 to vector<16xi32>
      %shift_left3A_362 = arith.shli %add3A_359, %shift_left3A_361 : vector<16xi32>
      %or3A_363 = arith.ori %and3A_353, %shift_left3A_362 : vector<16xi32>
      %swap3A_364 = arith.index_cast %mul3A_345 : i32 to index
      %swap3A_365 = tpu.vector_load %arg15[%swap3A_364] {strides = array<i32>} : memref<6272xi32, #tpu.memory_space<vmem>>, vector<16xi32>,
      tpu.vector_store %arg15[%swap3A_364], %or3A_363 {strides = array<i32>} : memref<6272xi32, #tpu.memory_space<vmem>>, vector<16xi32>,
      tpu.vector_store_idx %arg12[%and3A_353], %unique3A_357 masked %unique3A_356 {add = true} : memref<256xi32, #tpu.memory_space<vmem>>[vector<16xi32>], vector<16xi32>, vector<16xi1>
      %mul3A_366 = arith.constant 8 : i32
      %mul3A_367 = arith.muli %scan3A_191, %mul3A_366 : i32
      %add3A_368 = arith.constant 7 : i32
      %add3A_369 = arith.addi %mul3A_367, %add3A_368 : i32
      %mul3A_370 = arith.constant 16 : i32
      %mul3A_371 = arith.muli %add3A_369, %mul3A_370 : i32
      %get3A_372 = arith.index_cast %mul3A_371 : i32 to index
      %get3A_373 = tpu.vector_load %arg9[%get3A_372] {strides = array<i32>} : memref<6272xi32, #tpu.memory_space<vmem>>, vector<16xi32>,
      %shift_right_arithmetic3A_374 = arith.constant 0 : i32
      %shift_right_arithmetic3A_375 = vector.broadcast %shift_right_arithmetic3A_374 : i32 to vector<16xi32>
      %shift_right_arithmetic3A_376 = arith.shrsi %get3A_373, %shift_right_arithmetic3A_375 : vector<16xi32>
      %and3A_377 = arith.constant 255 : i32
      %and3A_378 = vector.broadcast %and3A_377 : i32 to vector<16xi32>
      %and3A_379 = arith.andi %shift_right_arithmetic3A_376, %and3A_378 : vector<16xi32>
      %broadcast_in_dim3A_380 = arith.constant true
      %broadcast_in_dim3A_381 = vector.broadcast %broadcast_in_dim3A_380 : i1 to vector<16xi1>
      %unique3A_382, %unique3A_383 = tpu.scan_count mask(%broadcast_in_dim3A_381 : vector<16xi1>) value(%and3A_379 : vector<16xi32>) : vector<16xi1>, vector<16xi32>
      %gather3A_384 = tpu.vector_load_idx %arg12[%and3A_379] : memref<256xi32, #tpu.memory_space<vmem>>[vector<16xi32>], vector<16xi32>,
      %add3A_385 = arith.addi %gather3A_384, %unique3A_383 : vector<16xi32>
      %shift_left3A_386 = arith.constant 8 : i32
      %shift_left3A_387 = vector.broadcast %shift_left3A_386 : i32 to vector<16xi32>
      %shift_left3A_388 = arith.shli %add3A_385, %shift_left3A_387 : vector<16xi32>
      %or3A_389 = arith.ori %and3A_379, %shift_left3A_388 : vector<16xi32>
      %swap3A_390 = arith.index_cast %mul3A_371 : i32 to index
      %swap3A_391 = tpu.vector_load %arg15[%swap3A_390] {strides = array<i32>} : memref<6272xi32, #tpu.memory_space<vmem>>, vector<16xi32>,
      tpu.vector_store %arg15[%swap3A_390], %or3A_389 {strides = array<i32>} : memref<6272xi32, #tpu.memory_space<vmem>>, vector<16xi32>,
      tpu.vector_store_idx %arg12[%and3A_379], %unique3A_383 masked %unique3A_382 {add = true} : memref<256xi32, #tpu.memory_space<vmem>>[vector<16xi32>], vector<16xi32>, vector<16xi1>
      %scan3A_392 = arith.constant 0 : i32
      scf.yield %scan3A_392 : i32
    }
    %scan3A_21 = arith.constant 49 : i32
    %mul3A_22 = arith.constant 256 : i32
    %mul3A_23 = arith.muli %arg1, %mul3A_22 : i32
    "tpu.region"() ({
      %run_scoped3A = tpu.sem_alloc : memref<!tpu.dma_semaphore, #tpu.memory_space<semaphore_mem>>
      %dma_start3A_191 = tpu.memref_slice %arg8[%mul3A_23] : memref<4096xi32, #tpu.memory_space<vmem_shared>> -> memref<256xi32, #tpu.memory_space<vmem_shared>>
      %dma_start3A_192 = tpu.memref_slice %arg8[%mul3A_23] : memref<4096xi32, #tpu.memory_space<vmem_shared>> -> memref<256xi32, #tpu.memory_space<vmem_shared>>
      tpu.enqueue_dma source(%arg12 : memref<256xi32, #tpu.memory_space<vmem>>) target(%dma_start3A_192 : memref<256xi32, #tpu.memory_space<vmem_shared>>) target_semaphore(%run_scoped3A : memref<!tpu.dma_semaphore, #tpu.memory_space<semaphore_mem>>)
      %dma_wait3A_193 = tpu.memref_slice %arg8[%mul3A_23] : memref<4096xi32, #tpu.memory_space<vmem_shared>> -> memref<256xi32, #tpu.memory_space<vmem_shared>>
      %dma_wait3A_194 = tpu.memref_slice %arg8[%mul3A_23] : memref<4096xi32, #tpu.memory_space<vmem_shared>> -> memref<256xi32, #tpu.memory_space<vmem_shared>>
      tpu.wait_dma2 semaphore(%run_scoped3A : memref<!tpu.dma_semaphore, #tpu.memory_space<semaphore_mem>>) src(%arg12 : memref<256xi32, #tpu.memory_space<vmem>>) dst(%dma_wait3A_194 : memref<256xi32, #tpu.memory_space<vmem_shared>>)
      tpu.yield
    }) : () -> ()
    %barrier3A = arith.constant 0 : index
    tpu.barrier barrier_id(%barrier3A)
    "tpu.region"() ({
      %run_scoped3A = tpu.sem_alloc : memref<!tpu.dma_semaphore, #tpu.memory_space<semaphore_mem>>
      tpu.enqueue_dma source(%arg8 : memref<4096xi32, #tpu.memory_space<vmem_shared>>) target(%arg11 : memref<4096xi32, #tpu.memory_space<vmem>>) target_semaphore(%run_scoped3A : memref<!tpu.dma_semaphore, #tpu.memory_space<semaphore_mem>>)
      tpu.wait_dma2 semaphore(%run_scoped3A : memref<!tpu.dma_semaphore, #tpu.memory_space<semaphore_mem>>) src(%arg8 : memref<4096xi32, #tpu.memory_space<vmem_shared>>) dst(%arg11 : memref<4096xi32, #tpu.memory_space<vmem>>)
      tpu.yield
    }) : () -> ()
    %scan3A_24 = arith.constant 0 : i32
    %scan3A_25 = arith.constant 0 : i32
    %scan3A_26 = arith.constant 16 : i32
    %scan3A_27 = arith.addi %scan3A_25, %scan3A_26 : i32
    %scan3A_28 = arith.constant 1 : i32
    %scan3A_29 = scf.for %scan3A_191 = %scan3A_25 to %scan3A_27 step %scan3A_28 iter_args(%scan3A_192 = %scan3A_24) -> (i32)  : i32 {
      %mul3A_193 = arith.constant 16 : i32
      %mul3A_194 = arith.muli %scan3A_191, %mul3A_193 : i32
      %add3A = vector.broadcast %mul3A_194 : i32 to vector<16xi32>
      %add3A_195 = arith.addi %add3A, %iota3A : vector<16xi32>
      %scan3A_196 = arith.constant 0 : i32
      %scan3A_197 = arith.constant 16 : i32
      %scan3A_198 = arith.addi %scan3A_196, %scan3A_197 : i32
      %scan3A_199 = arith.constant 1 : i32
      %scan3A_200:2 = scf.for %scan3A_217 = %scan3A_196 to %scan3A_198 step %scan3A_199 iter_args(%scan3A_218 = %broadcast_in_dim3A_0, %scan3A_219 = %broadcast_in_dim3A_0) -> (vector<16xi32>, vector<16xi32>)  : i32 {
        %mul3A_220 = arith.constant 256 : i32
        %mul3A_221 = arith.muli %scan3A_217, %mul3A_220 : i32
        %add3A_222 = vector.broadcast %mul3A_221 : i32 to vector<16xi32>
        %add3A_223 = arith.addi %add3A_222, %add3A_195 : vector<16xi32>
        %gather3A = tpu.vector_load_idx %arg11[%add3A_223] : memref<4096xi32, #tpu.memory_space<vmem>>[vector<16xi32>], vector<16xi32>,
        %add3A_224 = arith.addi %scan3A_218, %gather3A : vector<16xi32>
        %lt3A_225 = arith.cmpi slt, %scan3A_217, %arg1 : i32
        %jit3A = arith.constant 0 : i32
        %broadcast_in_dim3A_226 = vector.broadcast %jit3A : i32 to vector<16xi32>
        %select_n3A = arith.select %lt3A_225, %gather3A, %broadcast_in_dim3A_226 : vector<16xi32>
        %add3A_227 = arith.addi %scan3A_219, %select_n3A : vector<16xi32>
        scf.yield %add3A_224, %add3A_227 : vector<16xi32>, vector<16xi32>
      }
      %scan3A_201 = arith.constant 16 : i32
      %broadcast_in_dim3A_202 = arith.constant true
      %broadcast_in_dim3A_203 = vector.broadcast %broadcast_in_dim3A_202 : i1 to vector<16xi1>
      %masked_cumsum3A = tpu.scan <sum>, %scan3A_200#0 masked %broadcast_in_dim3A_203 : vector<16xi32>, vector<16xi1> -> vector<16xi32>
      %sub3A = arith.subi %masked_cumsum3A, %scan3A_200#0 : vector<16xi32>
      %add3A_204 = vector.broadcast %scan3A_192 : i32 to vector<16xi32>
      %add3A_205 = arith.addi %sub3A, %add3A_204 : vector<16xi32>
      %add3A_206 = arith.addi %add3A_205, %scan3A_200#1 : vector<16xi32>
      %sub3A_207 = arith.constant 1 : i32
      %sub3A_208 = vector.broadcast %sub3A_207 : i32 to vector<16xi32>
      %sub3A_209 = arith.subi %add3A_206, %sub3A_208 : vector<16xi32>
      %mul3A_210 = arith.constant 16 : i32
      %mul3A_211 = arith.muli %scan3A_191, %mul3A_210 : i32
      %swap3A = arith.index_cast %mul3A_211 : i32 to index
      %swap3A_212 = tpu.vector_load %arg13[%swap3A] {strides = array<i32>} : memref<256xi32, #tpu.memory_space<vmem>>, vector<16xi32>,
      tpu.vector_store %arg13[%swap3A], %sub3A_209 {strides = array<i32>} : memref<256xi32, #tpu.memory_space<vmem>>, vector<16xi32>,
      %reduce_sum3A = arith.constant true
      %reduce_sum3A_213 = vector.broadcast %reduce_sum3A : i1 to vector<16xi1>
      %reduce_sum3A_214 = tpu.scan <sum>, %scan3A_200#0 masked %reduce_sum3A_213 : vector<16xi32>, vector<16xi1> -> vector<16xi32>
      %reduce_sum3A_215 = vector.extract %reduce_sum3A_214[15] : i32 from vector<16xi32>
      %add3A_216 = arith.addi %scan3A_192, %reduce_sum3A_215 : i32
      scf.yield %add3A_216 : i32
    }
    %scan3A_30 = arith.constant 16 : i32
    %scan3A_31 = arith.constant 0 : i32
    %scan3A_32 = arith.constant 0 : i32
    %scan3A_33 = arith.constant 49 : i32
    %scan3A_34 = arith.addi %scan3A_32, %scan3A_33 : i32
    %scan3A_35 = arith.constant 1 : i32
    %scan3A_36 = scf.for %scan3A_191 = %scan3A_32 to %scan3A_34 step %scan3A_35 iter_args(%scan3A_192 = %scan3A_31) -> (i32)  : i32 {
      %mul3A_193 = arith.constant 8 : i32
      %mul3A_194 = arith.muli %scan3A_191, %mul3A_193 : i32
      %add3A = arith.constant 0 : i32
      %add3A_195 = arith.addi %mul3A_194, %add3A : i32
      %mul3A_196 = arith.constant 16 : i32
      %mul3A_197 = arith.muli %add3A_195, %mul3A_196 : i32
      %get3A = arith.index_cast %mul3A_197 : i32 to index
      %get3A_198 = tpu.vector_load %arg15[%get3A] {strides = array<i32>} : memref<6272xi32, #tpu.memory_space<vmem>>, vector<16xi32>,
      %and3A = arith.constant 255 : i32
      %and3A_199 = vector.broadcast %and3A : i32 to vector<16xi32>
      %and3A_200 = arith.andi %get3A_198, %and3A_199 : vector<16xi32>
      %gather3A = tpu.vector_load_idx %arg13[%and3A_200] : memref<256xi32, #tpu.memory_space<vmem>>[vector<16xi32>], vector<16xi32>,
      %shift_right_arithmetic3A = arith.constant 8 : i32
      %shift_right_arithmetic3A_201 = vector.broadcast %shift_right_arithmetic3A : i32 to vector<16xi32>
      %shift_right_arithmetic3A_202 = arith.shrsi %get3A_198, %shift_right_arithmetic3A_201 : vector<16xi32>
      %add3A_203 = arith.addi %gather3A, %shift_right_arithmetic3A_202 : vector<16xi32>
      %swap3A = arith.index_cast %mul3A_197 : i32 to index
      %swap3A_204 = tpu.vector_load %arg14[%swap3A] {strides = array<i32>} : memref<6272xi32, #tpu.memory_space<vmem>>, vector<16xi32>,
      tpu.vector_store %arg14[%swap3A], %add3A_203 {strides = array<i32>} : memref<6272xi32, #tpu.memory_space<vmem>>, vector<16xi32>,
      %mul3A_205 = arith.constant 8 : i32
      %mul3A_206 = arith.muli %scan3A_191, %mul3A_205 : i32
      %add3A_207 = arith.constant 1 : i32
      %add3A_208 = arith.addi %mul3A_206, %add3A_207 : i32
      %mul3A_209 = arith.constant 16 : i32
      %mul3A_210 = arith.muli %add3A_208, %mul3A_209 : i32
      %get3A_211 = arith.index_cast %mul3A_210 : i32 to index
      %get3A_212 = tpu.vector_load %arg15[%get3A_211] {strides = array<i32>} : memref<6272xi32, #tpu.memory_space<vmem>>, vector<16xi32>,
      %and3A_213 = arith.constant 255 : i32
      %and3A_214 = vector.broadcast %and3A_213 : i32 to vector<16xi32>
      %and3A_215 = arith.andi %get3A_212, %and3A_214 : vector<16xi32>
      %gather3A_216 = tpu.vector_load_idx %arg13[%and3A_215] : memref<256xi32, #tpu.memory_space<vmem>>[vector<16xi32>], vector<16xi32>,
      %shift_right_arithmetic3A_217 = arith.constant 8 : i32
      %shift_right_arithmetic3A_218 = vector.broadcast %shift_right_arithmetic3A_217 : i32 to vector<16xi32>
      %shift_right_arithmetic3A_219 = arith.shrsi %get3A_212, %shift_right_arithmetic3A_218 : vector<16xi32>
      %add3A_220 = arith.addi %gather3A_216, %shift_right_arithmetic3A_219 : vector<16xi32>
      %swap3A_221 = arith.index_cast %mul3A_210 : i32 to index
      %swap3A_222 = tpu.vector_load %arg14[%swap3A_221] {strides = array<i32>} : memref<6272xi32, #tpu.memory_space<vmem>>, vector<16xi32>,
      tpu.vector_store %arg14[%swap3A_221], %add3A_220 {strides = array<i32>} : memref<6272xi32, #tpu.memory_space<vmem>>, vector<16xi32>,
      %mul3A_223 = arith.constant 8 : i32
      %mul3A_224 = arith.muli %scan3A_191, %mul3A_223 : i32
      %add3A_225 = arith.constant 2 : i32
      %add3A_226 = arith.addi %mul3A_224, %add3A_225 : i32
      %mul3A_227 = arith.constant 16 : i32
      %mul3A_228 = arith.muli %add3A_226, %mul3A_227 : i32
      %get3A_229 = arith.index_cast %mul3A_228 : i32 to index
      %get3A_230 = tpu.vector_load %arg15[%get3A_229] {strides = array<i32>} : memref<6272xi32, #tpu.memory_space<vmem>>, vector<16xi32>,
      %and3A_231 = arith.constant 255 : i32
      %and3A_232 = vector.broadcast %and3A_231 : i32 to vector<16xi32>
      %and3A_233 = arith.andi %get3A_230, %and3A_232 : vector<16xi32>
      %gather3A_234 = tpu.vector_load_idx %arg13[%and3A_233] : memref<256xi32, #tpu.memory_space<vmem>>[vector<16xi32>], vector<16xi32>,
      %shift_right_arithmetic3A_235 = arith.constant 8 : i32
      %shift_right_arithmetic3A_236 = vector.broadcast %shift_right_arithmetic3A_235 : i32 to vector<16xi32>
      %shift_right_arithmetic3A_237 = arith.shrsi %get3A_230, %shift_right_arithmetic3A_236 : vector<16xi32>
      %add3A_238 = arith.addi %gather3A_234, %shift_right_arithmetic3A_237 : vector<16xi32>
      %swap3A_239 = arith.index_cast %mul3A_228 : i32 to index
      %swap3A_240 = tpu.vector_load %arg14[%swap3A_239] {strides = array<i32>} : memref<6272xi32, #tpu.memory_space<vmem>>, vector<16xi32>,
      tpu.vector_store %arg14[%swap3A_239], %add3A_238 {strides = array<i32>} : memref<6272xi32, #tpu.memory_space<vmem>>, vector<16xi32>,
      %mul3A_241 = arith.constant 8 : i32
      %mul3A_242 = arith.muli %scan3A_191, %mul3A_241 : i32
      %add3A_243 = arith.constant 3 : i32
      %add3A_244 = arith.addi %mul3A_242, %add3A_243 : i32
      %mul3A_245 = arith.constant 16 : i32
      %mul3A_246 = arith.muli %add3A_244, %mul3A_245 : i32
      %get3A_247 = arith.index_cast %mul3A_246 : i32 to index
      %get3A_248 = tpu.vector_load %arg15[%get3A_247] {strides = array<i32>} : memref<6272xi32, #tpu.memory_space<vmem>>, vector<16xi32>,
      %and3A_249 = arith.constant 255 : i32
      %and3A_250 = vector.broadcast %and3A_249 : i32 to vector<16xi32>
      %and3A_251 = arith.andi %get3A_248, %and3A_250 : vector<16xi32>
      %gather3A_252 = tpu.vector_load_idx %arg13[%and3A_251] : memref<256xi32, #tpu.memory_space<vmem>>[vector<16xi32>], vector<16xi32>,
      %shift_right_arithmetic3A_253 = arith.constant 8 : i32
      %shift_right_arithmetic3A_254 = vector.broadcast %shift_right_arithmetic3A_253 : i32 to vector<16xi32>
      %shift_right_arithmetic3A_255 = arith.shrsi %get3A_248, %shift_right_arithmetic3A_254 : vector<16xi32>
      %add3A_256 = arith.addi %gather3A_252, %shift_right_arithmetic3A_255 : vector<16xi32>
      %swap3A_257 = arith.index_cast %mul3A_246 : i32 to index
      %swap3A_258 = tpu.vector_load %arg14[%swap3A_257] {strides = array<i32>} : memref<6272xi32, #tpu.memory_space<vmem>>, vector<16xi32>,
      tpu.vector_store %arg14[%swap3A_257], %add3A_256 {strides = array<i32>} : memref<6272xi32, #tpu.memory_space<vmem>>, vector<16xi32>,
      %mul3A_259 = arith.constant 8 : i32
      %mul3A_260 = arith.muli %scan3A_191, %mul3A_259 : i32
      %add3A_261 = arith.constant 4 : i32
      %add3A_262 = arith.addi %mul3A_260, %add3A_261 : i32
      %mul3A_263 = arith.constant 16 : i32
      %mul3A_264 = arith.muli %add3A_262, %mul3A_263 : i32
      %get3A_265 = arith.index_cast %mul3A_264 : i32 to index
      %get3A_266 = tpu.vector_load %arg15[%get3A_265] {strides = array<i32>} : memref<6272xi32, #tpu.memory_space<vmem>>, vector<16xi32>,
      %and3A_267 = arith.constant 255 : i32
      %and3A_268 = vector.broadcast %and3A_267 : i32 to vector<16xi32>
      %and3A_269 = arith.andi %get3A_266, %and3A_268 : vector<16xi32>
      %gather3A_270 = tpu.vector_load_idx %arg13[%and3A_269] : memref<256xi32, #tpu.memory_space<vmem>>[vector<16xi32>], vector<16xi32>,
      %shift_right_arithmetic3A_271 = arith.constant 8 : i32
      %shift_right_arithmetic3A_272 = vector.broadcast %shift_right_arithmetic3A_271 : i32 to vector<16xi32>
      %shift_right_arithmetic3A_273 = arith.shrsi %get3A_266, %shift_right_arithmetic3A_272 : vector<16xi32>
      %add3A_274 = arith.addi %gather3A_270, %shift_right_arithmetic3A_273 : vector<16xi32>
      %swap3A_275 = arith.index_cast %mul3A_264 : i32 to index
      %swap3A_276 = tpu.vector_load %arg14[%swap3A_275] {strides = array<i32>} : memref<6272xi32, #tpu.memory_space<vmem>>, vector<16xi32>,
      tpu.vector_store %arg14[%swap3A_275], %add3A_274 {strides = array<i32>} : memref<6272xi32, #tpu.memory_space<vmem>>, vector<16xi32>,
      %mul3A_277 = arith.constant 8 : i32
      %mul3A_278 = arith.muli %scan3A_191, %mul3A_277 : i32
      %add3A_279 = arith.constant 5 : i32
      %add3A_280 = arith.addi %mul3A_278, %add3A_279 : i32
      %mul3A_281 = arith.constant 16 : i32
      %mul3A_282 = arith.muli %add3A_280, %mul3A_281 : i32
      %get3A_283 = arith.index_cast %mul3A_282 : i32 to index
      %get3A_284 = tpu.vector_load %arg15[%get3A_283] {strides = array<i32>} : memref<6272xi32, #tpu.memory_space<vmem>>, vector<16xi32>,
      %and3A_285 = arith.constant 255 : i32
      %and3A_286 = vector.broadcast %and3A_285 : i32 to vector<16xi32>
      %and3A_287 = arith.andi %get3A_284, %and3A_286 : vector<16xi32>
      %gather3A_288 = tpu.vector_load_idx %arg13[%and3A_287] : memref<256xi32, #tpu.memory_space<vmem>>[vector<16xi32>], vector<16xi32>,
      %shift_right_arithmetic3A_289 = arith.constant 8 : i32
      %shift_right_arithmetic3A_290 = vector.broadcast %shift_right_arithmetic3A_289 : i32 to vector<16xi32>
      %shift_right_arithmetic3A_291 = arith.shrsi %get3A_284, %shift_right_arithmetic3A_290 : vector<16xi32>
      %add3A_292 = arith.addi %gather3A_288, %shift_right_arithmetic3A_291 : vector<16xi32>
      %swap3A_293 = arith.index_cast %mul3A_282 : i32 to index
      %swap3A_294 = tpu.vector_load %arg14[%swap3A_293] {strides = array<i32>} : memref<6272xi32, #tpu.memory_space<vmem>>, vector<16xi32>,
      tpu.vector_store %arg14[%swap3A_293], %add3A_292 {strides = array<i32>} : memref<6272xi32, #tpu.memory_space<vmem>>, vector<16xi32>,
      %mul3A_295 = arith.constant 8 : i32
      %mul3A_296 = arith.muli %scan3A_191, %mul3A_295 : i32
      %add3A_297 = arith.constant 6 : i32
      %add3A_298 = arith.addi %mul3A_296, %add3A_297 : i32
      %mul3A_299 = arith.constant 16 : i32
      %mul3A_300 = arith.muli %add3A_298, %mul3A_299 : i32
      %get3A_301 = arith.index_cast %mul3A_300 : i32 to index
      %get3A_302 = tpu.vector_load %arg15[%get3A_301] {strides = array<i32>} : memref<6272xi32, #tpu.memory_space<vmem>>, vector<16xi32>,
      %and3A_303 = arith.constant 255 : i32
      %and3A_304 = vector.broadcast %and3A_303 : i32 to vector<16xi32>
      %and3A_305 = arith.andi %get3A_302, %and3A_304 : vector<16xi32>
      %gather3A_306 = tpu.vector_load_idx %arg13[%and3A_305] : memref<256xi32, #tpu.memory_space<vmem>>[vector<16xi32>], vector<16xi32>,
      %shift_right_arithmetic3A_307 = arith.constant 8 : i32
      %shift_right_arithmetic3A_308 = vector.broadcast %shift_right_arithmetic3A_307 : i32 to vector<16xi32>
      %shift_right_arithmetic3A_309 = arith.shrsi %get3A_302, %shift_right_arithmetic3A_308 : vector<16xi32>
      %add3A_310 = arith.addi %gather3A_306, %shift_right_arithmetic3A_309 : vector<16xi32>
      %swap3A_311 = arith.index_cast %mul3A_300 : i32 to index
      %swap3A_312 = tpu.vector_load %arg14[%swap3A_311] {strides = array<i32>} : memref<6272xi32, #tpu.memory_space<vmem>>, vector<16xi32>,
      tpu.vector_store %arg14[%swap3A_311], %add3A_310 {strides = array<i32>} : memref<6272xi32, #tpu.memory_space<vmem>>, vector<16xi32>,
      %mul3A_313 = arith.constant 8 : i32
      %mul3A_314 = arith.muli %scan3A_191, %mul3A_313 : i32
      %add3A_315 = arith.constant 7 : i32
      %add3A_316 = arith.addi %mul3A_314, %add3A_315 : i32
      %mul3A_317 = arith.constant 16 : i32
      %mul3A_318 = arith.muli %add3A_316, %mul3A_317 : i32
      %get3A_319 = arith.index_cast %mul3A_318 : i32 to index
      %get3A_320 = tpu.vector_load %arg15[%get3A_319] {strides = array<i32>} : memref<6272xi32, #tpu.memory_space<vmem>>, vector<16xi32>,
      %and3A_321 = arith.constant 255 : i32
      %and3A_322 = vector.broadcast %and3A_321 : i32 to vector<16xi32>
      %and3A_323 = arith.andi %get3A_320, %and3A_322 : vector<16xi32>
      %gather3A_324 = tpu.vector_load_idx %arg13[%and3A_323] : memref<256xi32, #tpu.memory_space<vmem>>[vector<16xi32>], vector<16xi32>,
      %shift_right_arithmetic3A_325 = arith.constant 8 : i32
      %shift_right_arithmetic3A_326 = vector.broadcast %shift_right_arithmetic3A_325 : i32 to vector<16xi32>
      %shift_right_arithmetic3A_327 = arith.shrsi %get3A_320, %shift_right_arithmetic3A_326 : vector<16xi32>
      %add3A_328 = arith.addi %gather3A_324, %shift_right_arithmetic3A_327 : vector<16xi32>
      %swap3A_329 = arith.index_cast %mul3A_318 : i32 to index
      %swap3A_330 = tpu.vector_load %arg14[%swap3A_329] {strides = array<i32>} : memref<6272xi32, #tpu.memory_space<vmem>>, vector<16xi32>,
      tpu.vector_store %arg14[%swap3A_329], %add3A_328 {strides = array<i32>} : memref<6272xi32, #tpu.memory_space<vmem>>, vector<16xi32>,
      %scan3A_331 = arith.constant 0 : i32
      scf.yield %scan3A_331 : i32
    }
    %scan3A_37 = arith.constant 49 : i32
    %dma_start3A = arith.constant 0 : i32
    %dma_start3A_38 = tpu.memref_slice %arg4[%dma_start3A] : memref<100352xi32, #tpu.memory_space<vmem_shared>> -> memref<100352xi32, #tpu.memory_space<vmem_shared>>
    tpu.enqueue_indirect_dma source(%arg9 : memref<6272xi32, #tpu.memory_space<vmem>>) target(%dma_start3A_38 : memref<100352xi32, #tpu.memory_space<vmem_shared>>) offsets(%arg14 : memref<6272xi32, #tpu.memory_space<vmem>>) semaphore(%arg16 : memref<!tpu.dma_semaphore, #tpu.memory_space<semaphore_mem>>)
    %dma_start3A_39 = arith.constant 0 : i32
    %dma_start3A_40 = tpu.memref_slice %arg5[%dma_start3A_39] : memref<100352xi32, #tpu.memory_space<vmem_shared>> -> memref<100352xi32, #tpu.memory_space<vmem_shared>>
    tpu.enqueue_indirect_dma source(%arg10 : memref<6272xi32, #tpu.memory_space<vmem>>) target(%dma_start3A_40 : memref<100352xi32, #tpu.memory_space<vmem_shared>>) offsets(%arg14 : memref<6272xi32, #tpu.memory_space<vmem>>) semaphore(%arg16 : memref<!tpu.dma_semaphore, #tpu.memory_space<semaphore_mem>>)
    %dma_wait3A = arith.constant 0 : i32
    %dma_wait3A_41 = tpu.memref_slice %arg4[%dma_wait3A] : memref<100352xi32, #tpu.memory_space<vmem_shared>> -> memref<100352xi32, #tpu.memory_space<vmem_shared>>
    tpu.wait_indirect_dma semaphore(%arg16 : memref<!tpu.dma_semaphore, #tpu.memory_space<semaphore_mem>>) src(%arg9 : memref<6272xi32, #tpu.memory_space<vmem>>) dst(%dma_wait3A_41 : memref<100352xi32, #tpu.memory_space<vmem_shared>>)
    %dma_wait3A_42 = arith.constant 0 : i32
    %dma_wait3A_43 = tpu.memref_slice %arg5[%dma_wait3A_42] : memref<100352xi32, #tpu.memory_space<vmem_shared>> -> memref<100352xi32, #tpu.memory_space<vmem_shared>>
    tpu.wait_indirect_dma semaphore(%arg16 : memref<!tpu.dma_semaphore, #tpu.memory_space<semaphore_mem>>) src(%arg10 : memref<6272xi32, #tpu.memory_space<vmem>>) dst(%dma_wait3A_43 : memref<100352xi32, #tpu.memory_space<vmem_shared>>)
    %barrier3A_44 = arith.constant 0 : index
    tpu.barrier barrier_id(%barrier3A_44)
    %mul3A_45 = arith.constant 6272 : i32
    %mul3A_46 = arith.muli %arg1, %mul3A_45 : i32
    "tpu.region"() ({
      %run_scoped3A = tpu.sem_alloc : memref<!tpu.dma_semaphore, #tpu.memory_space<semaphore_mem>>
      %dma_start3A_191 = tpu.memref_slice %arg4[%mul3A_46] : memref<100352xi32, #tpu.memory_space<vmem_shared>> -> memref<6272xi32, #tpu.memory_space<vmem_shared>>
      %dma_start3A_192 = tpu.memref_slice %arg4[%mul3A_46] : memref<100352xi32, #tpu.memory_space<vmem_shared>> -> memref<6272xi32, #tpu.memory_space<vmem_shared>>
      tpu.enqueue_dma source(%dma_start3A_192 : memref<6272xi32, #tpu.memory_space<vmem_shared>>) target(%arg9 : memref<6272xi32, #tpu.memory_space<vmem>>) target_semaphore(%run_scoped3A : memref<!tpu.dma_semaphore, #tpu.memory_space<semaphore_mem>>)
      %dma_wait3A_193 = tpu.memref_slice %arg4[%mul3A_46] : memref<100352xi32, #tpu.memory_space<vmem_shared>> -> memref<6272xi32, #tpu.memory_space<vmem_shared>>
      %dma_wait3A_194 = tpu.memref_slice %arg4[%mul3A_46] : memref<100352xi32, #tpu.memory_space<vmem_shared>> -> memref<6272xi32, #tpu.memory_space<vmem_shared>>
      tpu.wait_dma2 semaphore(%run_scoped3A : memref<!tpu.dma_semaphore, #tpu.memory_space<semaphore_mem>>) src(%dma_wait3A_194 : memref<6272xi32, #tpu.memory_space<vmem_shared>>) dst(%arg9 : memref<6272xi32, #tpu.memory_space<vmem>>)
      tpu.yield
    }) : () -> ()
    %mul3A_47 = arith.constant 6272 : i32
    %mul3A_48 = arith.muli %arg1, %mul3A_47 : i32
    %dma_start3A_49 = tpu.memref_slice %arg5[%mul3A_48] : memref<100352xi32, #tpu.memory_space<vmem_shared>> -> memref<6272xi32, #tpu.memory_space<vmem_shared>>
    %dma_start3A_50 = tpu.memref_slice %arg5[%mul3A_48] : memref<100352xi32, #tpu.memory_space<vmem_shared>> -> memref<6272xi32, #tpu.memory_space<vmem_shared>>
    tpu.enqueue_dma source(%dma_start3A_50 : memref<6272xi32, #tpu.memory_space<vmem_shared>>) target(%arg10 : memref<6272xi32, #tpu.memory_space<vmem>>) target_semaphore(%arg17 : memref<!tpu.dma_semaphore, #tpu.memory_space<semaphore_mem>>)
    %scan3A_51 = arith.constant 0 : i32
    %scan3A_52 = arith.constant 0 : i32
    %scan3A_53 = arith.constant 16 : i32
    %scan3A_54 = arith.addi %scan3A_52, %scan3A_53 : i32
    %scan3A_55 = arith.constant 1 : i32
    %scan3A_56 = scf.for %scan3A_191 = %scan3A_52 to %scan3A_54 step %scan3A_55 iter_args(%scan3A_192 = %scan3A_51) -> (i32)  : i32 {
      %mul3A_193 = arith.constant 16 : i32
      %mul3A_194 = arith.muli %scan3A_191, %mul3A_193 : i32
      %swap3A = arith.index_cast %mul3A_194 : i32 to index
      %swap3A_195 = tpu.vector_load %arg12[%swap3A] {strides = array<i32>} : memref<256xi32, #tpu.memory_space<vmem>>, vector<16xi32>,
      tpu.vector_store %arg12[%swap3A], %broadcast_in_dim3A_0 {strides = array<i32>} : memref<256xi32, #tpu.memory_space<vmem>>, vector<16xi32>,
      %scan3A_196 = arith.constant 0 : i32
      scf.yield %scan3A_196 : i32
    }
    %scan3A_57 = arith.constant 16 : i32
    %scan3A_58 = arith.constant 0 : i32
    %scan3A_59 = arith.constant 0 : i32
    %scan3A_60 = arith.constant 49 : i32
    %scan3A_61 = arith.addi %scan3A_59, %scan3A_60 : i32
    %scan3A_62 = arith.constant 1 : i32
    %scan3A_63 = scf.for %scan3A_191 = %scan3A_59 to %scan3A_61 step %scan3A_62 iter_args(%scan3A_192 = %scan3A_58) -> (i32)  : i32 {
      %mul3A_193 = arith.constant 8 : i32
      %mul3A_194 = arith.muli %scan3A_191, %mul3A_193 : i32
      %add3A = arith.constant 0 : i32
      %add3A_195 = arith.addi %mul3A_194, %add3A : i32
      %mul3A_196 = arith.constant 16 : i32
      %mul3A_197 = arith.muli %add3A_195, %mul3A_196 : i32
      %get3A = arith.index_cast %mul3A_197 : i32 to index
      %get3A_198 = tpu.vector_load %arg9[%get3A] {strides = array<i32>} : memref<6272xi32, #tpu.memory_space<vmem>>, vector<16xi32>,
      %shift_right_arithmetic3A = arith.constant 8 : i32
      %shift_right_arithmetic3A_199 = vector.broadcast %shift_right_arithmetic3A : i32 to vector<16xi32>
      %shift_right_arithmetic3A_200 = arith.shrsi %get3A_198, %shift_right_arithmetic3A_199 : vector<16xi32>
      %and3A = arith.constant 255 : i32
      %and3A_201 = vector.broadcast %and3A : i32 to vector<16xi32>
      %and3A_202 = arith.andi %shift_right_arithmetic3A_200, %and3A_201 : vector<16xi32>
      %broadcast_in_dim3A_203 = arith.constant true
      %broadcast_in_dim3A_204 = vector.broadcast %broadcast_in_dim3A_203 : i1 to vector<16xi1>
      %unique3A, %unique3A_205 = tpu.scan_count mask(%broadcast_in_dim3A_204 : vector<16xi1>) value(%and3A_202 : vector<16xi32>) : vector<16xi1>, vector<16xi32>
      %gather3A = tpu.vector_load_idx %arg12[%and3A_202] : memref<256xi32, #tpu.memory_space<vmem>>[vector<16xi32>], vector<16xi32>,
      %add3A_206 = arith.addi %gather3A, %unique3A_205 : vector<16xi32>
      %shift_left3A = arith.constant 8 : i32
      %shift_left3A_207 = vector.broadcast %shift_left3A : i32 to vector<16xi32>
      %shift_left3A_208 = arith.shli %add3A_206, %shift_left3A_207 : vector<16xi32>
      %or3A = arith.ori %and3A_202, %shift_left3A_208 : vector<16xi32>
      %swap3A = arith.index_cast %mul3A_197 : i32 to index
      %swap3A_209 = tpu.vector_load %arg15[%swap3A] {strides = array<i32>} : memref<6272xi32, #tpu.memory_space<vmem>>, vector<16xi32>,
      tpu.vector_store %arg15[%swap3A], %or3A {strides = array<i32>} : memref<6272xi32, #tpu.memory_space<vmem>>, vector<16xi32>,
      tpu.vector_store_idx %arg12[%and3A_202], %unique3A_205 masked %unique3A {add = true} : memref<256xi32, #tpu.memory_space<vmem>>[vector<16xi32>], vector<16xi32>, vector<16xi1>
      %mul3A_210 = arith.constant 8 : i32
      %mul3A_211 = arith.muli %scan3A_191, %mul3A_210 : i32
      %add3A_212 = arith.constant 1 : i32
      %add3A_213 = arith.addi %mul3A_211, %add3A_212 : i32
      %mul3A_214 = arith.constant 16 : i32
      %mul3A_215 = arith.muli %add3A_213, %mul3A_214 : i32
      %get3A_216 = arith.index_cast %mul3A_215 : i32 to index
      %get3A_217 = tpu.vector_load %arg9[%get3A_216] {strides = array<i32>} : memref<6272xi32, #tpu.memory_space<vmem>>, vector<16xi32>,
      %shift_right_arithmetic3A_218 = arith.constant 8 : i32
      %shift_right_arithmetic3A_219 = vector.broadcast %shift_right_arithmetic3A_218 : i32 to vector<16xi32>
      %shift_right_arithmetic3A_220 = arith.shrsi %get3A_217, %shift_right_arithmetic3A_219 : vector<16xi32>
      %and3A_221 = arith.constant 255 : i32
      %and3A_222 = vector.broadcast %and3A_221 : i32 to vector<16xi32>
      %and3A_223 = arith.andi %shift_right_arithmetic3A_220, %and3A_222 : vector<16xi32>
      %broadcast_in_dim3A_224 = arith.constant true
      %broadcast_in_dim3A_225 = vector.broadcast %broadcast_in_dim3A_224 : i1 to vector<16xi1>
      %unique3A_226, %unique3A_227 = tpu.scan_count mask(%broadcast_in_dim3A_225 : vector<16xi1>) value(%and3A_223 : vector<16xi32>) : vector<16xi1>, vector<16xi32>
      %gather3A_228 = tpu.vector_load_idx %arg12[%and3A_223] : memref<256xi32, #tpu.memory_space<vmem>>[vector<16xi32>], vector<16xi32>,
      %add3A_229 = arith.addi %gather3A_228, %unique3A_227 : vector<16xi32>
      %shift_left3A_230 = arith.constant 8 : i32
      %shift_left3A_231 = vector.broadcast %shift_left3A_230 : i32 to vector<16xi32>
      %shift_left3A_232 = arith.shli %add3A_229, %shift_left3A_231 : vector<16xi32>
      %or3A_233 = arith.ori %and3A_223, %shift_left3A_232 : vector<16xi32>
      %swap3A_234 = arith.index_cast %mul3A_215 : i32 to index
      %swap3A_235 = tpu.vector_load %arg15[%swap3A_234] {strides = array<i32>} : memref<6272xi32, #tpu.memory_space<vmem>>, vector<16xi32>,
      tpu.vector_store %arg15[%swap3A_234], %or3A_233 {strides = array<i32>} : memref<6272xi32, #tpu.memory_space<vmem>>, vector<16xi32>,
      tpu.vector_store_idx %arg12[%and3A_223], %unique3A_227 masked %unique3A_226 {add = true} : memref<256xi32, #tpu.memory_space<vmem>>[vector<16xi32>], vector<16xi32>, vector<16xi1>
      %mul3A_236 = arith.constant 8 : i32
      %mul3A_237 = arith.muli %scan3A_191, %mul3A_236 : i32
      %add3A_238 = arith.constant 2 : i32
      %add3A_239 = arith.addi %mul3A_237, %add3A_238 : i32
      %mul3A_240 = arith.constant 16 : i32
      %mul3A_241 = arith.muli %add3A_239, %mul3A_240 : i32
      %get3A_242 = arith.index_cast %mul3A_241 : i32 to index
      %get3A_243 = tpu.vector_load %arg9[%get3A_242] {strides = array<i32>} : memref<6272xi32, #tpu.memory_space<vmem>>, vector<16xi32>,
      %shift_right_arithmetic3A_244 = arith.constant 8 : i32
      %shift_right_arithmetic3A_245 = vector.broadcast %shift_right_arithmetic3A_244 : i32 to vector<16xi32>
      %shift_right_arithmetic3A_246 = arith.shrsi %get3A_243, %shift_right_arithmetic3A_245 : vector<16xi32>
      %and3A_247 = arith.constant 255 : i32
      %and3A_248 = vector.broadcast %and3A_247 : i32 to vector<16xi32>
      %and3A_249 = arith.andi %shift_right_arithmetic3A_246, %and3A_248 : vector<16xi32>
      %broadcast_in_dim3A_250 = arith.constant true
      %broadcast_in_dim3A_251 = vector.broadcast %broadcast_in_dim3A_250 : i1 to vector<16xi1>
      %unique3A_252, %unique3A_253 = tpu.scan_count mask(%broadcast_in_dim3A_251 : vector<16xi1>) value(%and3A_249 : vector<16xi32>) : vector<16xi1>, vector<16xi32>
      %gather3A_254 = tpu.vector_load_idx %arg12[%and3A_249] : memref<256xi32, #tpu.memory_space<vmem>>[vector<16xi32>], vector<16xi32>,
      %add3A_255 = arith.addi %gather3A_254, %unique3A_253 : vector<16xi32>
      %shift_left3A_256 = arith.constant 8 : i32
      %shift_left3A_257 = vector.broadcast %shift_left3A_256 : i32 to vector<16xi32>
      %shift_left3A_258 = arith.shli %add3A_255, %shift_left3A_257 : vector<16xi32>
      %or3A_259 = arith.ori %and3A_249, %shift_left3A_258 : vector<16xi32>
      %swap3A_260 = arith.index_cast %mul3A_241 : i32 to index
      %swap3A_261 = tpu.vector_load %arg15[%swap3A_260] {strides = array<i32>} : memref<6272xi32, #tpu.memory_space<vmem>>, vector<16xi32>,
      tpu.vector_store %arg15[%swap3A_260], %or3A_259 {strides = array<i32>} : memref<6272xi32, #tpu.memory_space<vmem>>, vector<16xi32>,
      tpu.vector_store_idx %arg12[%and3A_249], %unique3A_253 masked %unique3A_252 {add = true} : memref<256xi32, #tpu.memory_space<vmem>>[vector<16xi32>], vector<16xi32>, vector<16xi1>
      %mul3A_262 = arith.constant 8 : i32
      %mul3A_263 = arith.muli %scan3A_191, %mul3A_262 : i32
      %add3A_264 = arith.constant 3 : i32
      %add3A_265 = arith.addi %mul3A_263, %add3A_264 : i32
      %mul3A_266 = arith.constant 16 : i32
      %mul3A_267 = arith.muli %add3A_265, %mul3A_266 : i32
      %get3A_268 = arith.index_cast %mul3A_267 : i32 to index
      %get3A_269 = tpu.vector_load %arg9[%get3A_268] {strides = array<i32>} : memref<6272xi32, #tpu.memory_space<vmem>>, vector<16xi32>,
      %shift_right_arithmetic3A_270 = arith.constant 8 : i32
      %shift_right_arithmetic3A_271 = vector.broadcast %shift_right_arithmetic3A_270 : i32 to vector<16xi32>
      %shift_right_arithmetic3A_272 = arith.shrsi %get3A_269, %shift_right_arithmetic3A_271 : vector<16xi32>
      %and3A_273 = arith.constant 255 : i32
      %and3A_274 = vector.broadcast %and3A_273 : i32 to vector<16xi32>
      %and3A_275 = arith.andi %shift_right_arithmetic3A_272, %and3A_274 : vector<16xi32>
      %broadcast_in_dim3A_276 = arith.constant true
      %broadcast_in_dim3A_277 = vector.broadcast %broadcast_in_dim3A_276 : i1 to vector<16xi1>
      %unique3A_278, %unique3A_279 = tpu.scan_count mask(%broadcast_in_dim3A_277 : vector<16xi1>) value(%and3A_275 : vector<16xi32>) : vector<16xi1>, vector<16xi32>
      %gather3A_280 = tpu.vector_load_idx %arg12[%and3A_275] : memref<256xi32, #tpu.memory_space<vmem>>[vector<16xi32>], vector<16xi32>,
      %add3A_281 = arith.addi %gather3A_280, %unique3A_279 : vector<16xi32>
      %shift_left3A_282 = arith.constant 8 : i32
      %shift_left3A_283 = vector.broadcast %shift_left3A_282 : i32 to vector<16xi32>
      %shift_left3A_284 = arith.shli %add3A_281, %shift_left3A_283 : vector<16xi32>
      %or3A_285 = arith.ori %and3A_275, %shift_left3A_284 : vector<16xi32>
      %swap3A_286 = arith.index_cast %mul3A_267 : i32 to index
      %swap3A_287 = tpu.vector_load %arg15[%swap3A_286] {strides = array<i32>} : memref<6272xi32, #tpu.memory_space<vmem>>, vector<16xi32>,
      tpu.vector_store %arg15[%swap3A_286], %or3A_285 {strides = array<i32>} : memref<6272xi32, #tpu.memory_space<vmem>>, vector<16xi32>,
      tpu.vector_store_idx %arg12[%and3A_275], %unique3A_279 masked %unique3A_278 {add = true} : memref<256xi32, #tpu.memory_space<vmem>>[vector<16xi32>], vector<16xi32>, vector<16xi1>
      %mul3A_288 = arith.constant 8 : i32
      %mul3A_289 = arith.muli %scan3A_191, %mul3A_288 : i32
      %add3A_290 = arith.constant 4 : i32
      %add3A_291 = arith.addi %mul3A_289, %add3A_290 : i32
      %mul3A_292 = arith.constant 16 : i32
      %mul3A_293 = arith.muli %add3A_291, %mul3A_292 : i32
      %get3A_294 = arith.index_cast %mul3A_293 : i32 to index
      %get3A_295 = tpu.vector_load %arg9[%get3A_294] {strides = array<i32>} : memref<6272xi32, #tpu.memory_space<vmem>>, vector<16xi32>,
      %shift_right_arithmetic3A_296 = arith.constant 8 : i32
      %shift_right_arithmetic3A_297 = vector.broadcast %shift_right_arithmetic3A_296 : i32 to vector<16xi32>
      %shift_right_arithmetic3A_298 = arith.shrsi %get3A_295, %shift_right_arithmetic3A_297 : vector<16xi32>
      %and3A_299 = arith.constant 255 : i32
      %and3A_300 = vector.broadcast %and3A_299 : i32 to vector<16xi32>
      %and3A_301 = arith.andi %shift_right_arithmetic3A_298, %and3A_300 : vector<16xi32>
      %broadcast_in_dim3A_302 = arith.constant true
      %broadcast_in_dim3A_303 = vector.broadcast %broadcast_in_dim3A_302 : i1 to vector<16xi1>
      %unique3A_304, %unique3A_305 = tpu.scan_count mask(%broadcast_in_dim3A_303 : vector<16xi1>) value(%and3A_301 : vector<16xi32>) : vector<16xi1>, vector<16xi32>
      %gather3A_306 = tpu.vector_load_idx %arg12[%and3A_301] : memref<256xi32, #tpu.memory_space<vmem>>[vector<16xi32>], vector<16xi32>,
      %add3A_307 = arith.addi %gather3A_306, %unique3A_305 : vector<16xi32>
      %shift_left3A_308 = arith.constant 8 : i32
      %shift_left3A_309 = vector.broadcast %shift_left3A_308 : i32 to vector<16xi32>
      %shift_left3A_310 = arith.shli %add3A_307, %shift_left3A_309 : vector<16xi32>
      %or3A_311 = arith.ori %and3A_301, %shift_left3A_310 : vector<16xi32>
      %swap3A_312 = arith.index_cast %mul3A_293 : i32 to index
      %swap3A_313 = tpu.vector_load %arg15[%swap3A_312] {strides = array<i32>} : memref<6272xi32, #tpu.memory_space<vmem>>, vector<16xi32>,
      tpu.vector_store %arg15[%swap3A_312], %or3A_311 {strides = array<i32>} : memref<6272xi32, #tpu.memory_space<vmem>>, vector<16xi32>,
      tpu.vector_store_idx %arg12[%and3A_301], %unique3A_305 masked %unique3A_304 {add = true} : memref<256xi32, #tpu.memory_space<vmem>>[vector<16xi32>], vector<16xi32>, vector<16xi1>
      %mul3A_314 = arith.constant 8 : i32
      %mul3A_315 = arith.muli %scan3A_191, %mul3A_314 : i32
      %add3A_316 = arith.constant 5 : i32
      %add3A_317 = arith.addi %mul3A_315, %add3A_316 : i32
      %mul3A_318 = arith.constant 16 : i32
      %mul3A_319 = arith.muli %add3A_317, %mul3A_318 : i32
      %get3A_320 = arith.index_cast %mul3A_319 : i32 to index
      %get3A_321 = tpu.vector_load %arg9[%get3A_320] {strides = array<i32>} : memref<6272xi32, #tpu.memory_space<vmem>>, vector<16xi32>,
      %shift_right_arithmetic3A_322 = arith.constant 8 : i32
      %shift_right_arithmetic3A_323 = vector.broadcast %shift_right_arithmetic3A_322 : i32 to vector<16xi32>
      %shift_right_arithmetic3A_324 = arith.shrsi %get3A_321, %shift_right_arithmetic3A_323 : vector<16xi32>
      %and3A_325 = arith.constant 255 : i32
      %and3A_326 = vector.broadcast %and3A_325 : i32 to vector<16xi32>
      %and3A_327 = arith.andi %shift_right_arithmetic3A_324, %and3A_326 : vector<16xi32>
      %broadcast_in_dim3A_328 = arith.constant true
      %broadcast_in_dim3A_329 = vector.broadcast %broadcast_in_dim3A_328 : i1 to vector<16xi1>
      %unique3A_330, %unique3A_331 = tpu.scan_count mask(%broadcast_in_dim3A_329 : vector<16xi1>) value(%and3A_327 : vector<16xi32>) : vector<16xi1>, vector<16xi32>
      %gather3A_332 = tpu.vector_load_idx %arg12[%and3A_327] : memref<256xi32, #tpu.memory_space<vmem>>[vector<16xi32>], vector<16xi32>,
      %add3A_333 = arith.addi %gather3A_332, %unique3A_331 : vector<16xi32>
      %shift_left3A_334 = arith.constant 8 : i32
      %shift_left3A_335 = vector.broadcast %shift_left3A_334 : i32 to vector<16xi32>
      %shift_left3A_336 = arith.shli %add3A_333, %shift_left3A_335 : vector<16xi32>
      %or3A_337 = arith.ori %and3A_327, %shift_left3A_336 : vector<16xi32>
      %swap3A_338 = arith.index_cast %mul3A_319 : i32 to index
      %swap3A_339 = tpu.vector_load %arg15[%swap3A_338] {strides = array<i32>} : memref<6272xi32, #tpu.memory_space<vmem>>, vector<16xi32>,
      tpu.vector_store %arg15[%swap3A_338], %or3A_337 {strides = array<i32>} : memref<6272xi32, #tpu.memory_space<vmem>>, vector<16xi32>,
      tpu.vector_store_idx %arg12[%and3A_327], %unique3A_331 masked %unique3A_330 {add = true} : memref<256xi32, #tpu.memory_space<vmem>>[vector<16xi32>], vector<16xi32>, vector<16xi1>
      %mul3A_340 = arith.constant 8 : i32
      %mul3A_341 = arith.muli %scan3A_191, %mul3A_340 : i32
      %add3A_342 = arith.constant 6 : i32
      %add3A_343 = arith.addi %mul3A_341, %add3A_342 : i32
      %mul3A_344 = arith.constant 16 : i32
      %mul3A_345 = arith.muli %add3A_343, %mul3A_344 : i32
      %get3A_346 = arith.index_cast %mul3A_345 : i32 to index
      %get3A_347 = tpu.vector_load %arg9[%get3A_346] {strides = array<i32>} : memref<6272xi32, #tpu.memory_space<vmem>>, vector<16xi32>,
      %shift_right_arithmetic3A_348 = arith.constant 8 : i32
      %shift_right_arithmetic3A_349 = vector.broadcast %shift_right_arithmetic3A_348 : i32 to vector<16xi32>
      %shift_right_arithmetic3A_350 = arith.shrsi %get3A_347, %shift_right_arithmetic3A_349 : vector<16xi32>
      %and3A_351 = arith.constant 255 : i32
      %and3A_352 = vector.broadcast %and3A_351 : i32 to vector<16xi32>
      %and3A_353 = arith.andi %shift_right_arithmetic3A_350, %and3A_352 : vector<16xi32>
      %broadcast_in_dim3A_354 = arith.constant true
      %broadcast_in_dim3A_355 = vector.broadcast %broadcast_in_dim3A_354 : i1 to vector<16xi1>
      %unique3A_356, %unique3A_357 = tpu.scan_count mask(%broadcast_in_dim3A_355 : vector<16xi1>) value(%and3A_353 : vector<16xi32>) : vector<16xi1>, vector<16xi32>
      %gather3A_358 = tpu.vector_load_idx %arg12[%and3A_353] : memref<256xi32, #tpu.memory_space<vmem>>[vector<16xi32>], vector<16xi32>,
      %add3A_359 = arith.addi %gather3A_358, %unique3A_357 : vector<16xi32>
      %shift_left3A_360 = arith.constant 8 : i32
      %shift_left3A_361 = vector.broadcast %shift_left3A_360 : i32 to vector<16xi32>
      %shift_left3A_362 = arith.shli %add3A_359, %shift_left3A_361 : vector<16xi32>
      %or3A_363 = arith.ori %and3A_353, %shift_left3A_362 : vector<16xi32>
      %swap3A_364 = arith.index_cast %mul3A_345 : i32 to index
      %swap3A_365 = tpu.vector_load %arg15[%swap3A_364] {strides = array<i32>} : memref<6272xi32, #tpu.memory_space<vmem>>, vector<16xi32>,
      tpu.vector_store %arg15[%swap3A_364], %or3A_363 {strides = array<i32>} : memref<6272xi32, #tpu.memory_space<vmem>>, vector<16xi32>,
      tpu.vector_store_idx %arg12[%and3A_353], %unique3A_357 masked %unique3A_356 {add = true} : memref<256xi32, #tpu.memory_space<vmem>>[vector<16xi32>], vector<16xi32>, vector<16xi1>
      %mul3A_366 = arith.constant 8 : i32
      %mul3A_367 = arith.muli %scan3A_191, %mul3A_366 : i32
      %add3A_368 = arith.constant 7 : i32
      %add3A_369 = arith.addi %mul3A_367, %add3A_368 : i32
      %mul3A_370 = arith.constant 16 : i32
      %mul3A_371 = arith.muli %add3A_369, %mul3A_370 : i32
      %get3A_372 = arith.index_cast %mul3A_371 : i32 to index
      %get3A_373 = tpu.vector_load %arg9[%get3A_372] {strides = array<i32>} : memref<6272xi32, #tpu.memory_space<vmem>>, vector<16xi32>,
      %shift_right_arithmetic3A_374 = arith.constant 8 : i32
      %shift_right_arithmetic3A_375 = vector.broadcast %shift_right_arithmetic3A_374 : i32 to vector<16xi32>
      %shift_right_arithmetic3A_376 = arith.shrsi %get3A_373, %shift_right_arithmetic3A_375 : vector<16xi32>
      %and3A_377 = arith.constant 255 : i32
      %and3A_378 = vector.broadcast %and3A_377 : i32 to vector<16xi32>
      %and3A_379 = arith.andi %shift_right_arithmetic3A_376, %and3A_378 : vector<16xi32>
      %broadcast_in_dim3A_380 = arith.constant true
      %broadcast_in_dim3A_381 = vector.broadcast %broadcast_in_dim3A_380 : i1 to vector<16xi1>
      %unique3A_382, %unique3A_383 = tpu.scan_count mask(%broadcast_in_dim3A_381 : vector<16xi1>) value(%and3A_379 : vector<16xi32>) : vector<16xi1>, vector<16xi32>
      %gather3A_384 = tpu.vector_load_idx %arg12[%and3A_379] : memref<256xi32, #tpu.memory_space<vmem>>[vector<16xi32>], vector<16xi32>,
      %add3A_385 = arith.addi %gather3A_384, %unique3A_383 : vector<16xi32>
      %shift_left3A_386 = arith.constant 8 : i32
      %shift_left3A_387 = vector.broadcast %shift_left3A_386 : i32 to vector<16xi32>
      %shift_left3A_388 = arith.shli %add3A_385, %shift_left3A_387 : vector<16xi32>
      %or3A_389 = arith.ori %and3A_379, %shift_left3A_388 : vector<16xi32>
      %swap3A_390 = arith.index_cast %mul3A_371 : i32 to index
      %swap3A_391 = tpu.vector_load %arg15[%swap3A_390] {strides = array<i32>} : memref<6272xi32, #tpu.memory_space<vmem>>, vector<16xi32>,
      tpu.vector_store %arg15[%swap3A_390], %or3A_389 {strides = array<i32>} : memref<6272xi32, #tpu.memory_space<vmem>>, vector<16xi32>,
      tpu.vector_store_idx %arg12[%and3A_379], %unique3A_383 masked %unique3A_382 {add = true} : memref<256xi32, #tpu.memory_space<vmem>>[vector<16xi32>], vector<16xi32>, vector<16xi1>
      %scan3A_392 = arith.constant 0 : i32
      scf.yield %scan3A_392 : i32
    }
    %scan3A_64 = arith.constant 49 : i32
    %mul3A_65 = arith.constant 256 : i32
    %mul3A_66 = arith.muli %arg1, %mul3A_65 : i32
    "tpu.region"() ({
      %run_scoped3A = tpu.sem_alloc : memref<!tpu.dma_semaphore, #tpu.memory_space<semaphore_mem>>
      %dma_start3A_191 = tpu.memref_slice %arg8[%mul3A_66] : memref<4096xi32, #tpu.memory_space<vmem_shared>> -> memref<256xi32, #tpu.memory_space<vmem_shared>>
      %dma_start3A_192 = tpu.memref_slice %arg8[%mul3A_66] : memref<4096xi32, #tpu.memory_space<vmem_shared>> -> memref<256xi32, #tpu.memory_space<vmem_shared>>
      tpu.enqueue_dma source(%arg12 : memref<256xi32, #tpu.memory_space<vmem>>) target(%dma_start3A_192 : memref<256xi32, #tpu.memory_space<vmem_shared>>) target_semaphore(%run_scoped3A : memref<!tpu.dma_semaphore, #tpu.memory_space<semaphore_mem>>)
      %dma_wait3A_193 = tpu.memref_slice %arg8[%mul3A_66] : memref<4096xi32, #tpu.memory_space<vmem_shared>> -> memref<256xi32, #tpu.memory_space<vmem_shared>>
      %dma_wait3A_194 = tpu.memref_slice %arg8[%mul3A_66] : memref<4096xi32, #tpu.memory_space<vmem_shared>> -> memref<256xi32, #tpu.memory_space<vmem_shared>>
      tpu.wait_dma2 semaphore(%run_scoped3A : memref<!tpu.dma_semaphore, #tpu.memory_space<semaphore_mem>>) src(%arg12 : memref<256xi32, #tpu.memory_space<vmem>>) dst(%dma_wait3A_194 : memref<256xi32, #tpu.memory_space<vmem_shared>>)
      tpu.yield
    }) : () -> ()
    %barrier3A_67 = arith.constant 0 : index
    tpu.barrier barrier_id(%barrier3A_67)
    "tpu.region"() ({
      %run_scoped3A = tpu.sem_alloc : memref<!tpu.dma_semaphore, #tpu.memory_space<semaphore_mem>>
      tpu.enqueue_dma source(%arg8 : memref<4096xi32, #tpu.memory_space<vmem_shared>>) target(%arg11 : memref<4096xi32, #tpu.memory_space<vmem>>) target_semaphore(%run_scoped3A : memref<!tpu.dma_semaphore, #tpu.memory_space<semaphore_mem>>)
      tpu.wait_dma2 semaphore(%run_scoped3A : memref<!tpu.dma_semaphore, #tpu.memory_space<semaphore_mem>>) src(%arg8 : memref<4096xi32, #tpu.memory_space<vmem_shared>>) dst(%arg11 : memref<4096xi32, #tpu.memory_space<vmem>>)
      tpu.yield
    }) : () -> ()
    %scan3A_68 = arith.constant 0 : i32
    %scan3A_69 = arith.constant 0 : i32
    %scan3A_70 = arith.constant 16 : i32
    %scan3A_71 = arith.addi %scan3A_69, %scan3A_70 : i32
    %scan3A_72 = arith.constant 1 : i32
    %scan3A_73 = scf.for %scan3A_191 = %scan3A_69 to %scan3A_71 step %scan3A_72 iter_args(%scan3A_192 = %scan3A_68) -> (i32)  : i32 {
      %mul3A_193 = arith.constant 16 : i32
      %mul3A_194 = arith.muli %scan3A_191, %mul3A_193 : i32
      %add3A = vector.broadcast %mul3A_194 : i32 to vector<16xi32>
      %add3A_195 = arith.addi %add3A, %iota3A : vector<16xi32>
      %scan3A_196 = arith.constant 0 : i32
      %scan3A_197 = arith.constant 16 : i32
      %scan3A_198 = arith.addi %scan3A_196, %scan3A_197 : i32
      %scan3A_199 = arith.constant 1 : i32
      %scan3A_200:2 = scf.for %scan3A_217 = %scan3A_196 to %scan3A_198 step %scan3A_199 iter_args(%scan3A_218 = %broadcast_in_dim3A_0, %scan3A_219 = %broadcast_in_dim3A_0) -> (vector<16xi32>, vector<16xi32>)  : i32 {
        %mul3A_220 = arith.constant 256 : i32
        %mul3A_221 = arith.muli %scan3A_217, %mul3A_220 : i32
        %add3A_222 = vector.broadcast %mul3A_221 : i32 to vector<16xi32>
        %add3A_223 = arith.addi %add3A_222, %add3A_195 : vector<16xi32>
        %gather3A = tpu.vector_load_idx %arg11[%add3A_223] : memref<4096xi32, #tpu.memory_space<vmem>>[vector<16xi32>], vector<16xi32>,
        %add3A_224 = arith.addi %scan3A_218, %gather3A : vector<16xi32>
        %lt3A_225 = arith.cmpi slt, %scan3A_217, %arg1 : i32
        %jit3A = arith.constant 0 : i32
        %broadcast_in_dim3A_226 = vector.broadcast %jit3A : i32 to vector<16xi32>
        %select_n3A = arith.select %lt3A_225, %gather3A, %broadcast_in_dim3A_226 : vector<16xi32>
        %add3A_227 = arith.addi %scan3A_219, %select_n3A : vector<16xi32>
        scf.yield %add3A_224, %add3A_227 : vector<16xi32>, vector<16xi32>
      }
      %scan3A_201 = arith.constant 16 : i32
      %broadcast_in_dim3A_202 = arith.constant true
      %broadcast_in_dim3A_203 = vector.broadcast %broadcast_in_dim3A_202 : i1 to vector<16xi1>
      %masked_cumsum3A = tpu.scan <sum>, %scan3A_200#0 masked %broadcast_in_dim3A_203 : vector<16xi32>, vector<16xi1> -> vector<16xi32>
      %sub3A = arith.subi %masked_cumsum3A, %scan3A_200#0 : vector<16xi32>
      %add3A_204 = vector.broadcast %scan3A_192 : i32 to vector<16xi32>
      %add3A_205 = arith.addi %sub3A, %add3A_204 : vector<16xi32>
      %add3A_206 = arith.addi %add3A_205, %scan3A_200#1 : vector<16xi32>
      %sub3A_207 = arith.constant 1 : i32
      %sub3A_208 = vector.broadcast %sub3A_207 : i32 to vector<16xi32>
      %sub3A_209 = arith.subi %add3A_206, %sub3A_208 : vector<16xi32>
      %mul3A_210 = arith.constant 16 : i32
      %mul3A_211 = arith.muli %scan3A_191, %mul3A_210 : i32
      %swap3A = arith.index_cast %mul3A_211 : i32 to index
      %swap3A_212 = tpu.vector_load %arg13[%swap3A] {strides = array<i32>} : memref<256xi32, #tpu.memory_space<vmem>>, vector<16xi32>,
      tpu.vector_store %arg13[%swap3A], %sub3A_209 {strides = array<i32>} : memref<256xi32, #tpu.memory_space<vmem>>, vector<16xi32>,
      %reduce_sum3A = arith.constant true
      %reduce_sum3A_213 = vector.broadcast %reduce_sum3A : i1 to vector<16xi1>
      %reduce_sum3A_214 = tpu.scan <sum>, %scan3A_200#0 masked %reduce_sum3A_213 : vector<16xi32>, vector<16xi1> -> vector<16xi32>
      %reduce_sum3A_215 = vector.extract %reduce_sum3A_214[15] : i32 from vector<16xi32>
      %add3A_216 = arith.addi %scan3A_192, %reduce_sum3A_215 : i32
      scf.yield %add3A_216 : i32
    }
    %scan3A_74 = arith.constant 16 : i32
    %scan3A_75 = arith.constant 0 : i32
    %scan3A_76 = arith.constant 0 : i32
    %scan3A_77 = arith.constant 49 : i32
    %scan3A_78 = arith.addi %scan3A_76, %scan3A_77 : i32
    %scan3A_79 = arith.constant 1 : i32
    %scan3A_80 = scf.for %scan3A_191 = %scan3A_76 to %scan3A_78 step %scan3A_79 iter_args(%scan3A_192 = %scan3A_75) -> (i32)  : i32 {
      %mul3A_193 = arith.constant 8 : i32
      %mul3A_194 = arith.muli %scan3A_191, %mul3A_193 : i32
      %add3A = arith.constant 0 : i32
      %add3A_195 = arith.addi %mul3A_194, %add3A : i32
      %mul3A_196 = arith.constant 16 : i32
      %mul3A_197 = arith.muli %add3A_195, %mul3A_196 : i32
      %get3A = arith.index_cast %mul3A_197 : i32 to index
      %get3A_198 = tpu.vector_load %arg15[%get3A] {strides = array<i32>} : memref<6272xi32, #tpu.memory_space<vmem>>, vector<16xi32>,
      %and3A = arith.constant 255 : i32
      %and3A_199 = vector.broadcast %and3A : i32 to vector<16xi32>
      %and3A_200 = arith.andi %get3A_198, %and3A_199 : vector<16xi32>
      %gather3A = tpu.vector_load_idx %arg13[%and3A_200] : memref<256xi32, #tpu.memory_space<vmem>>[vector<16xi32>], vector<16xi32>,
      %shift_right_arithmetic3A = arith.constant 8 : i32
      %shift_right_arithmetic3A_201 = vector.broadcast %shift_right_arithmetic3A : i32 to vector<16xi32>
      %shift_right_arithmetic3A_202 = arith.shrsi %get3A_198, %shift_right_arithmetic3A_201 : vector<16xi32>
      %add3A_203 = arith.addi %gather3A, %shift_right_arithmetic3A_202 : vector<16xi32>
      %swap3A = arith.index_cast %mul3A_197 : i32 to index
      %swap3A_204 = tpu.vector_load %arg14[%swap3A] {strides = array<i32>} : memref<6272xi32, #tpu.memory_space<vmem>>, vector<16xi32>,
      tpu.vector_store %arg14[%swap3A], %add3A_203 {strides = array<i32>} : memref<6272xi32, #tpu.memory_space<vmem>>, vector<16xi32>,
      %mul3A_205 = arith.constant 8 : i32
      %mul3A_206 = arith.muli %scan3A_191, %mul3A_205 : i32
      %add3A_207 = arith.constant 1 : i32
      %add3A_208 = arith.addi %mul3A_206, %add3A_207 : i32
      %mul3A_209 = arith.constant 16 : i32
      %mul3A_210 = arith.muli %add3A_208, %mul3A_209 : i32
      %get3A_211 = arith.index_cast %mul3A_210 : i32 to index
      %get3A_212 = tpu.vector_load %arg15[%get3A_211] {strides = array<i32>} : memref<6272xi32, #tpu.memory_space<vmem>>, vector<16xi32>,
      %and3A_213 = arith.constant 255 : i32
      %and3A_214 = vector.broadcast %and3A_213 : i32 to vector<16xi32>
      %and3A_215 = arith.andi %get3A_212, %and3A_214 : vector<16xi32>
      %gather3A_216 = tpu.vector_load_idx %arg13[%and3A_215] : memref<256xi32, #tpu.memory_space<vmem>>[vector<16xi32>], vector<16xi32>,
      %shift_right_arithmetic3A_217 = arith.constant 8 : i32
      %shift_right_arithmetic3A_218 = vector.broadcast %shift_right_arithmetic3A_217 : i32 to vector<16xi32>
      %shift_right_arithmetic3A_219 = arith.shrsi %get3A_212, %shift_right_arithmetic3A_218 : vector<16xi32>
      %add3A_220 = arith.addi %gather3A_216, %shift_right_arithmetic3A_219 : vector<16xi32>
      %swap3A_221 = arith.index_cast %mul3A_210 : i32 to index
      %swap3A_222 = tpu.vector_load %arg14[%swap3A_221] {strides = array<i32>} : memref<6272xi32, #tpu.memory_space<vmem>>, vector<16xi32>,
      tpu.vector_store %arg14[%swap3A_221], %add3A_220 {strides = array<i32>} : memref<6272xi32, #tpu.memory_space<vmem>>, vector<16xi32>,
      %mul3A_223 = arith.constant 8 : i32
      %mul3A_224 = arith.muli %scan3A_191, %mul3A_223 : i32
      %add3A_225 = arith.constant 2 : i32
      %add3A_226 = arith.addi %mul3A_224, %add3A_225 : i32
      %mul3A_227 = arith.constant 16 : i32
      %mul3A_228 = arith.muli %add3A_226, %mul3A_227 : i32
      %get3A_229 = arith.index_cast %mul3A_228 : i32 to index
      %get3A_230 = tpu.vector_load %arg15[%get3A_229] {strides = array<i32>} : memref<6272xi32, #tpu.memory_space<vmem>>, vector<16xi32>,
      %and3A_231 = arith.constant 255 : i32
      %and3A_232 = vector.broadcast %and3A_231 : i32 to vector<16xi32>
      %and3A_233 = arith.andi %get3A_230, %and3A_232 : vector<16xi32>
      %gather3A_234 = tpu.vector_load_idx %arg13[%and3A_233] : memref<256xi32, #tpu.memory_space<vmem>>[vector<16xi32>], vector<16xi32>,
      %shift_right_arithmetic3A_235 = arith.constant 8 : i32
      %shift_right_arithmetic3A_236 = vector.broadcast %shift_right_arithmetic3A_235 : i32 to vector<16xi32>
      %shift_right_arithmetic3A_237 = arith.shrsi %get3A_230, %shift_right_arithmetic3A_236 : vector<16xi32>
      %add3A_238 = arith.addi %gather3A_234, %shift_right_arithmetic3A_237 : vector<16xi32>
      %swap3A_239 = arith.index_cast %mul3A_228 : i32 to index
      %swap3A_240 = tpu.vector_load %arg14[%swap3A_239] {strides = array<i32>} : memref<6272xi32, #tpu.memory_space<vmem>>, vector<16xi32>,
      tpu.vector_store %arg14[%swap3A_239], %add3A_238 {strides = array<i32>} : memref<6272xi32, #tpu.memory_space<vmem>>, vector<16xi32>,
      %mul3A_241 = arith.constant 8 : i32
      %mul3A_242 = arith.muli %scan3A_191, %mul3A_241 : i32
      %add3A_243 = arith.constant 3 : i32
      %add3A_244 = arith.addi %mul3A_242, %add3A_243 : i32
      %mul3A_245 = arith.constant 16 : i32
      %mul3A_246 = arith.muli %add3A_244, %mul3A_245 : i32
      %get3A_247 = arith.index_cast %mul3A_246 : i32 to index
      %get3A_248 = tpu.vector_load %arg15[%get3A_247] {strides = array<i32>} : memref<6272xi32, #tpu.memory_space<vmem>>, vector<16xi32>,
      %and3A_249 = arith.constant 255 : i32
      %and3A_250 = vector.broadcast %and3A_249 : i32 to vector<16xi32>
      %and3A_251 = arith.andi %get3A_248, %and3A_250 : vector<16xi32>
      %gather3A_252 = tpu.vector_load_idx %arg13[%and3A_251] : memref<256xi32, #tpu.memory_space<vmem>>[vector<16xi32>], vector<16xi32>,
      %shift_right_arithmetic3A_253 = arith.constant 8 : i32
      %shift_right_arithmetic3A_254 = vector.broadcast %shift_right_arithmetic3A_253 : i32 to vector<16xi32>
      %shift_right_arithmetic3A_255 = arith.shrsi %get3A_248, %shift_right_arithmetic3A_254 : vector<16xi32>
      %add3A_256 = arith.addi %gather3A_252, %shift_right_arithmetic3A_255 : vector<16xi32>
      %swap3A_257 = arith.index_cast %mul3A_246 : i32 to index
      %swap3A_258 = tpu.vector_load %arg14[%swap3A_257] {strides = array<i32>} : memref<6272xi32, #tpu.memory_space<vmem>>, vector<16xi32>,
      tpu.vector_store %arg14[%swap3A_257], %add3A_256 {strides = array<i32>} : memref<6272xi32, #tpu.memory_space<vmem>>, vector<16xi32>,
      %mul3A_259 = arith.constant 8 : i32
      %mul3A_260 = arith.muli %scan3A_191, %mul3A_259 : i32
      %add3A_261 = arith.constant 4 : i32
      %add3A_262 = arith.addi %mul3A_260, %add3A_261 : i32
      %mul3A_263 = arith.constant 16 : i32
      %mul3A_264 = arith.muli %add3A_262, %mul3A_263 : i32
      %get3A_265 = arith.index_cast %mul3A_264 : i32 to index
      %get3A_266 = tpu.vector_load %arg15[%get3A_265] {strides = array<i32>} : memref<6272xi32, #tpu.memory_space<vmem>>, vector<16xi32>,
      %and3A_267 = arith.constant 255 : i32
      %and3A_268 = vector.broadcast %and3A_267 : i32 to vector<16xi32>
      %and3A_269 = arith.andi %get3A_266, %and3A_268 : vector<16xi32>
      %gather3A_270 = tpu.vector_load_idx %arg13[%and3A_269] : memref<256xi32, #tpu.memory_space<vmem>>[vector<16xi32>], vector<16xi32>,
      %shift_right_arithmetic3A_271 = arith.constant 8 : i32
      %shift_right_arithmetic3A_272 = vector.broadcast %shift_right_arithmetic3A_271 : i32 to vector<16xi32>
      %shift_right_arithmetic3A_273 = arith.shrsi %get3A_266, %shift_right_arithmetic3A_272 : vector<16xi32>
      %add3A_274 = arith.addi %gather3A_270, %shift_right_arithmetic3A_273 : vector<16xi32>
      %swap3A_275 = arith.index_cast %mul3A_264 : i32 to index
      %swap3A_276 = tpu.vector_load %arg14[%swap3A_275] {strides = array<i32>} : memref<6272xi32, #tpu.memory_space<vmem>>, vector<16xi32>,
      tpu.vector_store %arg14[%swap3A_275], %add3A_274 {strides = array<i32>} : memref<6272xi32, #tpu.memory_space<vmem>>, vector<16xi32>,
      %mul3A_277 = arith.constant 8 : i32
      %mul3A_278 = arith.muli %scan3A_191, %mul3A_277 : i32
      %add3A_279 = arith.constant 5 : i32
      %add3A_280 = arith.addi %mul3A_278, %add3A_279 : i32
      %mul3A_281 = arith.constant 16 : i32
      %mul3A_282 = arith.muli %add3A_280, %mul3A_281 : i32
      %get3A_283 = arith.index_cast %mul3A_282 : i32 to index
      %get3A_284 = tpu.vector_load %arg15[%get3A_283] {strides = array<i32>} : memref<6272xi32, #tpu.memory_space<vmem>>, vector<16xi32>,
      %and3A_285 = arith.constant 255 : i32
      %and3A_286 = vector.broadcast %and3A_285 : i32 to vector<16xi32>
      %and3A_287 = arith.andi %get3A_284, %and3A_286 : vector<16xi32>
      %gather3A_288 = tpu.vector_load_idx %arg13[%and3A_287] : memref<256xi32, #tpu.memory_space<vmem>>[vector<16xi32>], vector<16xi32>,
      %shift_right_arithmetic3A_289 = arith.constant 8 : i32
      %shift_right_arithmetic3A_290 = vector.broadcast %shift_right_arithmetic3A_289 : i32 to vector<16xi32>
      %shift_right_arithmetic3A_291 = arith.shrsi %get3A_284, %shift_right_arithmetic3A_290 : vector<16xi32>
      %add3A_292 = arith.addi %gather3A_288, %shift_right_arithmetic3A_291 : vector<16xi32>
      %swap3A_293 = arith.index_cast %mul3A_282 : i32 to index
      %swap3A_294 = tpu.vector_load %arg14[%swap3A_293] {strides = array<i32>} : memref<6272xi32, #tpu.memory_space<vmem>>, vector<16xi32>,
      tpu.vector_store %arg14[%swap3A_293], %add3A_292 {strides = array<i32>} : memref<6272xi32, #tpu.memory_space<vmem>>, vector<16xi32>,
      %mul3A_295 = arith.constant 8 : i32
      %mul3A_296 = arith.muli %scan3A_191, %mul3A_295 : i32
      %add3A_297 = arith.constant 6 : i32
      %add3A_298 = arith.addi %mul3A_296, %add3A_297 : i32
      %mul3A_299 = arith.constant 16 : i32
      %mul3A_300 = arith.muli %add3A_298, %mul3A_299 : i32
      %get3A_301 = arith.index_cast %mul3A_300 : i32 to index
      %get3A_302 = tpu.vector_load %arg15[%get3A_301] {strides = array<i32>} : memref<6272xi32, #tpu.memory_space<vmem>>, vector<16xi32>,
      %and3A_303 = arith.constant 255 : i32
      %and3A_304 = vector.broadcast %and3A_303 : i32 to vector<16xi32>
      %and3A_305 = arith.andi %get3A_302, %and3A_304 : vector<16xi32>
      %gather3A_306 = tpu.vector_load_idx %arg13[%and3A_305] : memref<256xi32, #tpu.memory_space<vmem>>[vector<16xi32>], vector<16xi32>,
      %shift_right_arithmetic3A_307 = arith.constant 8 : i32
      %shift_right_arithmetic3A_308 = vector.broadcast %shift_right_arithmetic3A_307 : i32 to vector<16xi32>
      %shift_right_arithmetic3A_309 = arith.shrsi %get3A_302, %shift_right_arithmetic3A_308 : vector<16xi32>
      %add3A_310 = arith.addi %gather3A_306, %shift_right_arithmetic3A_309 : vector<16xi32>
      %swap3A_311 = arith.index_cast %mul3A_300 : i32 to index
      %swap3A_312 = tpu.vector_load %arg14[%swap3A_311] {strides = array<i32>} : memref<6272xi32, #tpu.memory_space<vmem>>, vector<16xi32>,
      tpu.vector_store %arg14[%swap3A_311], %add3A_310 {strides = array<i32>} : memref<6272xi32, #tpu.memory_space<vmem>>, vector<16xi32>,
      %mul3A_313 = arith.constant 8 : i32
      %mul3A_314 = arith.muli %scan3A_191, %mul3A_313 : i32
      %add3A_315 = arith.constant 7 : i32
      %add3A_316 = arith.addi %mul3A_314, %add3A_315 : i32
      %mul3A_317 = arith.constant 16 : i32
      %mul3A_318 = arith.muli %add3A_316, %mul3A_317 : i32
      %get3A_319 = arith.index_cast %mul3A_318 : i32 to index
      %get3A_320 = tpu.vector_load %arg15[%get3A_319] {strides = array<i32>} : memref<6272xi32, #tpu.memory_space<vmem>>, vector<16xi32>,
      %and3A_321 = arith.constant 255 : i32
      %and3A_322 = vector.broadcast %and3A_321 : i32 to vector<16xi32>
      %and3A_323 = arith.andi %get3A_320, %and3A_322 : vector<16xi32>
      %gather3A_324 = tpu.vector_load_idx %arg13[%and3A_323] : memref<256xi32, #tpu.memory_space<vmem>>[vector<16xi32>], vector<16xi32>,
      %shift_right_arithmetic3A_325 = arith.constant 8 : i32
      %shift_right_arithmetic3A_326 = vector.broadcast %shift_right_arithmetic3A_325 : i32 to vector<16xi32>
      %shift_right_arithmetic3A_327 = arith.shrsi %get3A_320, %shift_right_arithmetic3A_326 : vector<16xi32>
      %add3A_328 = arith.addi %gather3A_324, %shift_right_arithmetic3A_327 : vector<16xi32>
      %swap3A_329 = arith.index_cast %mul3A_318 : i32 to index
      %swap3A_330 = tpu.vector_load %arg14[%swap3A_329] {strides = array<i32>} : memref<6272xi32, #tpu.memory_space<vmem>>, vector<16xi32>,
      tpu.vector_store %arg14[%swap3A_329], %add3A_328 {strides = array<i32>} : memref<6272xi32, #tpu.memory_space<vmem>>, vector<16xi32>,
      %scan3A_331 = arith.constant 0 : i32
      scf.yield %scan3A_331 : i32
    }
    %scan3A_81 = arith.constant 49 : i32
    %dma_start3A_82 = arith.constant 0 : i32
    %dma_start3A_83 = tpu.memref_slice %arg6[%dma_start3A_82] : memref<100352xi32, #tpu.memory_space<vmem_shared>> -> memref<100352xi32, #tpu.memory_space<vmem_shared>>
    tpu.enqueue_indirect_dma source(%arg9 : memref<6272xi32, #tpu.memory_space<vmem>>) target(%dma_start3A_83 : memref<100352xi32, #tpu.memory_space<vmem_shared>>) offsets(%arg14 : memref<6272xi32, #tpu.memory_space<vmem>>) semaphore(%arg16 : memref<!tpu.dma_semaphore, #tpu.memory_space<semaphore_mem>>)
    %dma_wait3A_84 = tpu.memref_slice %arg5[%mul3A_48] : memref<100352xi32, #tpu.memory_space<vmem_shared>> -> memref<6272xi32, #tpu.memory_space<vmem_shared>>
    %dma_wait3A_85 = tpu.memref_slice %arg5[%mul3A_48] : memref<100352xi32, #tpu.memory_space<vmem_shared>> -> memref<6272xi32, #tpu.memory_space<vmem_shared>>
    tpu.wait_dma2 semaphore(%arg17 : memref<!tpu.dma_semaphore, #tpu.memory_space<semaphore_mem>>) src(%dma_wait3A_85 : memref<6272xi32, #tpu.memory_space<vmem_shared>>) dst(%arg10 : memref<6272xi32, #tpu.memory_space<vmem>>)
    %dma_start3A_86 = arith.constant 0 : i32
    %dma_start3A_87 = tpu.memref_slice %arg7[%dma_start3A_86] : memref<100352xi32, #tpu.memory_space<vmem_shared>> -> memref<100352xi32, #tpu.memory_space<vmem_shared>>
    tpu.enqueue_indirect_dma source(%arg10 : memref<6272xi32, #tpu.memory_space<vmem>>) target(%dma_start3A_87 : memref<100352xi32, #tpu.memory_space<vmem_shared>>) offsets(%arg14 : memref<6272xi32, #tpu.memory_space<vmem>>) semaphore(%arg16 : memref<!tpu.dma_semaphore, #tpu.memory_space<semaphore_mem>>)
    %dma_wait3A_88 = arith.constant 0 : i32
    %dma_wait3A_89 = tpu.memref_slice %arg6[%dma_wait3A_88] : memref<100352xi32, #tpu.memory_space<vmem_shared>> -> memref<100352xi32, #tpu.memory_space<vmem_shared>>
    tpu.wait_indirect_dma semaphore(%arg16 : memref<!tpu.dma_semaphore, #tpu.memory_space<semaphore_mem>>) src(%arg9 : memref<6272xi32, #tpu.memory_space<vmem>>) dst(%dma_wait3A_89 : memref<100352xi32, #tpu.memory_space<vmem_shared>>)
    %dma_wait3A_90 = arith.constant 0 : i32
    %dma_wait3A_91 = tpu.memref_slice %arg7[%dma_wait3A_90] : memref<100352xi32, #tpu.memory_space<vmem_shared>> -> memref<100352xi32, #tpu.memory_space<vmem_shared>>
    tpu.wait_indirect_dma semaphore(%arg16 : memref<!tpu.dma_semaphore, #tpu.memory_space<semaphore_mem>>) src(%arg10 : memref<6272xi32, #tpu.memory_space<vmem>>) dst(%dma_wait3A_91 : memref<100352xi32, #tpu.memory_space<vmem_shared>>)
    %barrier3A_92 = arith.constant 0 : index
    tpu.barrier barrier_id(%barrier3A_92)
    %mul3A_93 = arith.constant 6272 : i32
    %mul3A_94 = arith.muli %arg1, %mul3A_93 : i32
    "tpu.region"() ({
      %run_scoped3A = tpu.sem_alloc : memref<!tpu.dma_semaphore, #tpu.memory_space<semaphore_mem>>
      %dma_start3A_191 = tpu.memref_slice %arg6[%mul3A_94] : memref<100352xi32, #tpu.memory_space<vmem_shared>> -> memref<6272xi32, #tpu.memory_space<vmem_shared>>
      %dma_start3A_192 = tpu.memref_slice %arg6[%mul3A_94] : memref<100352xi32, #tpu.memory_space<vmem_shared>> -> memref<6272xi32, #tpu.memory_space<vmem_shared>>
      tpu.enqueue_dma source(%dma_start3A_192 : memref<6272xi32, #tpu.memory_space<vmem_shared>>) target(%arg9 : memref<6272xi32, #tpu.memory_space<vmem>>) target_semaphore(%run_scoped3A : memref<!tpu.dma_semaphore, #tpu.memory_space<semaphore_mem>>)
      %dma_wait3A_193 = tpu.memref_slice %arg6[%mul3A_94] : memref<100352xi32, #tpu.memory_space<vmem_shared>> -> memref<6272xi32, #tpu.memory_space<vmem_shared>>
      %dma_wait3A_194 = tpu.memref_slice %arg6[%mul3A_94] : memref<100352xi32, #tpu.memory_space<vmem_shared>> -> memref<6272xi32, #tpu.memory_space<vmem_shared>>
      tpu.wait_dma2 semaphore(%run_scoped3A : memref<!tpu.dma_semaphore, #tpu.memory_space<semaphore_mem>>) src(%dma_wait3A_194 : memref<6272xi32, #tpu.memory_space<vmem_shared>>) dst(%arg9 : memref<6272xi32, #tpu.memory_space<vmem>>)
      tpu.yield
    }) : () -> ()
    %mul3A_95 = arith.constant 6272 : i32
    %mul3A_96 = arith.muli %arg1, %mul3A_95 : i32
    %dma_start3A_97 = tpu.memref_slice %arg7[%mul3A_96] : memref<100352xi32, #tpu.memory_space<vmem_shared>> -> memref<6272xi32, #tpu.memory_space<vmem_shared>>
    %dma_start3A_98 = tpu.memref_slice %arg7[%mul3A_96] : memref<100352xi32, #tpu.memory_space<vmem_shared>> -> memref<6272xi32, #tpu.memory_space<vmem_shared>>
    tpu.enqueue_dma source(%dma_start3A_98 : memref<6272xi32, #tpu.memory_space<vmem_shared>>) target(%arg10 : memref<6272xi32, #tpu.memory_space<vmem>>) target_semaphore(%arg17 : memref<!tpu.dma_semaphore, #tpu.memory_space<semaphore_mem>>)
    %scan3A_99 = arith.constant 0 : i32
    %scan3A_100 = arith.constant 0 : i32
    %scan3A_101 = arith.constant 16 : i32
    %scan3A_102 = arith.addi %scan3A_100, %scan3A_101 : i32
    %scan3A_103 = arith.constant 1 : i32
    %scan3A_104 = scf.for %scan3A_191 = %scan3A_100 to %scan3A_102 step %scan3A_103 iter_args(%scan3A_192 = %scan3A_99) -> (i32)  : i32 {
      %mul3A_193 = arith.constant 16 : i32
      %mul3A_194 = arith.muli %scan3A_191, %mul3A_193 : i32
      %swap3A = arith.index_cast %mul3A_194 : i32 to index
      %swap3A_195 = tpu.vector_load %arg12[%swap3A] {strides = array<i32>} : memref<256xi32, #tpu.memory_space<vmem>>, vector<16xi32>,
      tpu.vector_store %arg12[%swap3A], %broadcast_in_dim3A_0 {strides = array<i32>} : memref<256xi32, #tpu.memory_space<vmem>>, vector<16xi32>,
      %scan3A_196 = arith.constant 0 : i32
      scf.yield %scan3A_196 : i32
    }
    %scan3A_105 = arith.constant 16 : i32
    %scan3A_106 = arith.constant 0 : i32
    %scan3A_107 = arith.constant 0 : i32
    %scan3A_108 = arith.constant 49 : i32
    %scan3A_109 = arith.addi %scan3A_107, %scan3A_108 : i32
    %scan3A_110 = arith.constant 1 : i32
    %scan3A_111 = scf.for %scan3A_191 = %scan3A_107 to %scan3A_109 step %scan3A_110 iter_args(%scan3A_192 = %scan3A_106) -> (i32)  : i32 {
      %mul3A_193 = arith.constant 8 : i32
      %mul3A_194 = arith.muli %scan3A_191, %mul3A_193 : i32
      %add3A = arith.constant 0 : i32
      %add3A_195 = arith.addi %mul3A_194, %add3A : i32
      %mul3A_196 = arith.constant 16 : i32
      %mul3A_197 = arith.muli %add3A_195, %mul3A_196 : i32
      %get3A = arith.index_cast %mul3A_197 : i32 to index
      %get3A_198 = tpu.vector_load %arg9[%get3A] {strides = array<i32>} : memref<6272xi32, #tpu.memory_space<vmem>>, vector<16xi32>,
      %shift_right_arithmetic3A = arith.constant 16 : i32
      %shift_right_arithmetic3A_199 = vector.broadcast %shift_right_arithmetic3A : i32 to vector<16xi32>
      %shift_right_arithmetic3A_200 = arith.shrsi %get3A_198, %shift_right_arithmetic3A_199 : vector<16xi32>
      %and3A = arith.constant 255 : i32
      %and3A_201 = vector.broadcast %and3A : i32 to vector<16xi32>
      %and3A_202 = arith.andi %shift_right_arithmetic3A_200, %and3A_201 : vector<16xi32>
      %broadcast_in_dim3A_203 = arith.constant true
      %broadcast_in_dim3A_204 = vector.broadcast %broadcast_in_dim3A_203 : i1 to vector<16xi1>
      %unique3A, %unique3A_205 = tpu.scan_count mask(%broadcast_in_dim3A_204 : vector<16xi1>) value(%and3A_202 : vector<16xi32>) : vector<16xi1>, vector<16xi32>
      %gather3A = tpu.vector_load_idx %arg12[%and3A_202] : memref<256xi32, #tpu.memory_space<vmem>>[vector<16xi32>], vector<16xi32>,
      %add3A_206 = arith.addi %gather3A, %unique3A_205 : vector<16xi32>
      %shift_left3A = arith.constant 8 : i32
      %shift_left3A_207 = vector.broadcast %shift_left3A : i32 to vector<16xi32>
      %shift_left3A_208 = arith.shli %add3A_206, %shift_left3A_207 : vector<16xi32>
      %or3A = arith.ori %and3A_202, %shift_left3A_208 : vector<16xi32>
      %swap3A = arith.index_cast %mul3A_197 : i32 to index
      %swap3A_209 = tpu.vector_load %arg15[%swap3A] {strides = array<i32>} : memref<6272xi32, #tpu.memory_space<vmem>>, vector<16xi32>,
      tpu.vector_store %arg15[%swap3A], %or3A {strides = array<i32>} : memref<6272xi32, #tpu.memory_space<vmem>>, vector<16xi32>,
      tpu.vector_store_idx %arg12[%and3A_202], %unique3A_205 masked %unique3A {add = true} : memref<256xi32, #tpu.memory_space<vmem>>[vector<16xi32>], vector<16xi32>, vector<16xi1>
      %mul3A_210 = arith.constant 8 : i32
      %mul3A_211 = arith.muli %scan3A_191, %mul3A_210 : i32
      %add3A_212 = arith.constant 1 : i32
      %add3A_213 = arith.addi %mul3A_211, %add3A_212 : i32
      %mul3A_214 = arith.constant 16 : i32
      %mul3A_215 = arith.muli %add3A_213, %mul3A_214 : i32
      %get3A_216 = arith.index_cast %mul3A_215 : i32 to index
      %get3A_217 = tpu.vector_load %arg9[%get3A_216] {strides = array<i32>} : memref<6272xi32, #tpu.memory_space<vmem>>, vector<16xi32>,
      %shift_right_arithmetic3A_218 = arith.constant 16 : i32
      %shift_right_arithmetic3A_219 = vector.broadcast %shift_right_arithmetic3A_218 : i32 to vector<16xi32>
      %shift_right_arithmetic3A_220 = arith.shrsi %get3A_217, %shift_right_arithmetic3A_219 : vector<16xi32>
      %and3A_221 = arith.constant 255 : i32
      %and3A_222 = vector.broadcast %and3A_221 : i32 to vector<16xi32>
      %and3A_223 = arith.andi %shift_right_arithmetic3A_220, %and3A_222 : vector<16xi32>
      %broadcast_in_dim3A_224 = arith.constant true
      %broadcast_in_dim3A_225 = vector.broadcast %broadcast_in_dim3A_224 : i1 to vector<16xi1>
      %unique3A_226, %unique3A_227 = tpu.scan_count mask(%broadcast_in_dim3A_225 : vector<16xi1>) value(%and3A_223 : vector<16xi32>) : vector<16xi1>, vector<16xi32>
      %gather3A_228 = tpu.vector_load_idx %arg12[%and3A_223] : memref<256xi32, #tpu.memory_space<vmem>>[vector<16xi32>], vector<16xi32>,
      %add3A_229 = arith.addi %gather3A_228, %unique3A_227 : vector<16xi32>
      %shift_left3A_230 = arith.constant 8 : i32
      %shift_left3A_231 = vector.broadcast %shift_left3A_230 : i32 to vector<16xi32>
      %shift_left3A_232 = arith.shli %add3A_229, %shift_left3A_231 : vector<16xi32>
      %or3A_233 = arith.ori %and3A_223, %shift_left3A_232 : vector<16xi32>
      %swap3A_234 = arith.index_cast %mul3A_215 : i32 to index
      %swap3A_235 = tpu.vector_load %arg15[%swap3A_234] {strides = array<i32>} : memref<6272xi32, #tpu.memory_space<vmem>>, vector<16xi32>,
      tpu.vector_store %arg15[%swap3A_234], %or3A_233 {strides = array<i32>} : memref<6272xi32, #tpu.memory_space<vmem>>, vector<16xi32>,
      tpu.vector_store_idx %arg12[%and3A_223], %unique3A_227 masked %unique3A_226 {add = true} : memref<256xi32, #tpu.memory_space<vmem>>[vector<16xi32>], vector<16xi32>, vector<16xi1>
      %mul3A_236 = arith.constant 8 : i32
      %mul3A_237 = arith.muli %scan3A_191, %mul3A_236 : i32
      %add3A_238 = arith.constant 2 : i32
      %add3A_239 = arith.addi %mul3A_237, %add3A_238 : i32
      %mul3A_240 = arith.constant 16 : i32
      %mul3A_241 = arith.muli %add3A_239, %mul3A_240 : i32
      %get3A_242 = arith.index_cast %mul3A_241 : i32 to index
      %get3A_243 = tpu.vector_load %arg9[%get3A_242] {strides = array<i32>} : memref<6272xi32, #tpu.memory_space<vmem>>, vector<16xi32>,
      %shift_right_arithmetic3A_244 = arith.constant 16 : i32
      %shift_right_arithmetic3A_245 = vector.broadcast %shift_right_arithmetic3A_244 : i32 to vector<16xi32>
      %shift_right_arithmetic3A_246 = arith.shrsi %get3A_243, %shift_right_arithmetic3A_245 : vector<16xi32>
      %and3A_247 = arith.constant 255 : i32
      %and3A_248 = vector.broadcast %and3A_247 : i32 to vector<16xi32>
      %and3A_249 = arith.andi %shift_right_arithmetic3A_246, %and3A_248 : vector<16xi32>
      %broadcast_in_dim3A_250 = arith.constant true
      %broadcast_in_dim3A_251 = vector.broadcast %broadcast_in_dim3A_250 : i1 to vector<16xi1>
      %unique3A_252, %unique3A_253 = tpu.scan_count mask(%broadcast_in_dim3A_251 : vector<16xi1>) value(%and3A_249 : vector<16xi32>) : vector<16xi1>, vector<16xi32>
      %gather3A_254 = tpu.vector_load_idx %arg12[%and3A_249] : memref<256xi32, #tpu.memory_space<vmem>>[vector<16xi32>], vector<16xi32>,
      %add3A_255 = arith.addi %gather3A_254, %unique3A_253 : vector<16xi32>
      %shift_left3A_256 = arith.constant 8 : i32
      %shift_left3A_257 = vector.broadcast %shift_left3A_256 : i32 to vector<16xi32>
      %shift_left3A_258 = arith.shli %add3A_255, %shift_left3A_257 : vector<16xi32>
      %or3A_259 = arith.ori %and3A_249, %shift_left3A_258 : vector<16xi32>
      %swap3A_260 = arith.index_cast %mul3A_241 : i32 to index
      %swap3A_261 = tpu.vector_load %arg15[%swap3A_260] {strides = array<i32>} : memref<6272xi32, #tpu.memory_space<vmem>>, vector<16xi32>,
      tpu.vector_store %arg15[%swap3A_260], %or3A_259 {strides = array<i32>} : memref<6272xi32, #tpu.memory_space<vmem>>, vector<16xi32>,
      tpu.vector_store_idx %arg12[%and3A_249], %unique3A_253 masked %unique3A_252 {add = true} : memref<256xi32, #tpu.memory_space<vmem>>[vector<16xi32>], vector<16xi32>, vector<16xi1>
      %mul3A_262 = arith.constant 8 : i32
      %mul3A_263 = arith.muli %scan3A_191, %mul3A_262 : i32
      %add3A_264 = arith.constant 3 : i32
      %add3A_265 = arith.addi %mul3A_263, %add3A_264 : i32
      %mul3A_266 = arith.constant 16 : i32
      %mul3A_267 = arith.muli %add3A_265, %mul3A_266 : i32
      %get3A_268 = arith.index_cast %mul3A_267 : i32 to index
      %get3A_269 = tpu.vector_load %arg9[%get3A_268] {strides = array<i32>} : memref<6272xi32, #tpu.memory_space<vmem>>, vector<16xi32>,
      %shift_right_arithmetic3A_270 = arith.constant 16 : i32
      %shift_right_arithmetic3A_271 = vector.broadcast %shift_right_arithmetic3A_270 : i32 to vector<16xi32>
      %shift_right_arithmetic3A_272 = arith.shrsi %get3A_269, %shift_right_arithmetic3A_271 : vector<16xi32>
      %and3A_273 = arith.constant 255 : i32
      %and3A_274 = vector.broadcast %and3A_273 : i32 to vector<16xi32>
      %and3A_275 = arith.andi %shift_right_arithmetic3A_272, %and3A_274 : vector<16xi32>
      %broadcast_in_dim3A_276 = arith.constant true
      %broadcast_in_dim3A_277 = vector.broadcast %broadcast_in_dim3A_276 : i1 to vector<16xi1>
      %unique3A_278, %unique3A_279 = tpu.scan_count mask(%broadcast_in_dim3A_277 : vector<16xi1>) value(%and3A_275 : vector<16xi32>) : vector<16xi1>, vector<16xi32>
      %gather3A_280 = tpu.vector_load_idx %arg12[%and3A_275] : memref<256xi32, #tpu.memory_space<vmem>>[vector<16xi32>], vector<16xi32>,
      %add3A_281 = arith.addi %gather3A_280, %unique3A_279 : vector<16xi32>
      %shift_left3A_282 = arith.constant 8 : i32
      %shift_left3A_283 = vector.broadcast %shift_left3A_282 : i32 to vector<16xi32>
      %shift_left3A_284 = arith.shli %add3A_281, %shift_left3A_283 : vector<16xi32>
      %or3A_285 = arith.ori %and3A_275, %shift_left3A_284 : vector<16xi32>
      %swap3A_286 = arith.index_cast %mul3A_267 : i32 to index
      %swap3A_287 = tpu.vector_load %arg15[%swap3A_286] {strides = array<i32>} : memref<6272xi32, #tpu.memory_space<vmem>>, vector<16xi32>,
      tpu.vector_store %arg15[%swap3A_286], %or3A_285 {strides = array<i32>} : memref<6272xi32, #tpu.memory_space<vmem>>, vector<16xi32>,
      tpu.vector_store_idx %arg12[%and3A_275], %unique3A_279 masked %unique3A_278 {add = true} : memref<256xi32, #tpu.memory_space<vmem>>[vector<16xi32>], vector<16xi32>, vector<16xi1>
      %mul3A_288 = arith.constant 8 : i32
      %mul3A_289 = arith.muli %scan3A_191, %mul3A_288 : i32
      %add3A_290 = arith.constant 4 : i32
      %add3A_291 = arith.addi %mul3A_289, %add3A_290 : i32
      %mul3A_292 = arith.constant 16 : i32
      %mul3A_293 = arith.muli %add3A_291, %mul3A_292 : i32
      %get3A_294 = arith.index_cast %mul3A_293 : i32 to index
      %get3A_295 = tpu.vector_load %arg9[%get3A_294] {strides = array<i32>} : memref<6272xi32, #tpu.memory_space<vmem>>, vector<16xi32>,
      %shift_right_arithmetic3A_296 = arith.constant 16 : i32
      %shift_right_arithmetic3A_297 = vector.broadcast %shift_right_arithmetic3A_296 : i32 to vector<16xi32>
      %shift_right_arithmetic3A_298 = arith.shrsi %get3A_295, %shift_right_arithmetic3A_297 : vector<16xi32>
      %and3A_299 = arith.constant 255 : i32
      %and3A_300 = vector.broadcast %and3A_299 : i32 to vector<16xi32>
      %and3A_301 = arith.andi %shift_right_arithmetic3A_298, %and3A_300 : vector<16xi32>
      %broadcast_in_dim3A_302 = arith.constant true
      %broadcast_in_dim3A_303 = vector.broadcast %broadcast_in_dim3A_302 : i1 to vector<16xi1>
      %unique3A_304, %unique3A_305 = tpu.scan_count mask(%broadcast_in_dim3A_303 : vector<16xi1>) value(%and3A_301 : vector<16xi32>) : vector<16xi1>, vector<16xi32>
      %gather3A_306 = tpu.vector_load_idx %arg12[%and3A_301] : memref<256xi32, #tpu.memory_space<vmem>>[vector<16xi32>], vector<16xi32>,
      %add3A_307 = arith.addi %gather3A_306, %unique3A_305 : vector<16xi32>
      %shift_left3A_308 = arith.constant 8 : i32
      %shift_left3A_309 = vector.broadcast %shift_left3A_308 : i32 to vector<16xi32>
      %shift_left3A_310 = arith.shli %add3A_307, %shift_left3A_309 : vector<16xi32>
      %or3A_311 = arith.ori %and3A_301, %shift_left3A_310 : vector<16xi32>
      %swap3A_312 = arith.index_cast %mul3A_293 : i32 to index
      %swap3A_313 = tpu.vector_load %arg15[%swap3A_312] {strides = array<i32>} : memref<6272xi32, #tpu.memory_space<vmem>>, vector<16xi32>,
      tpu.vector_store %arg15[%swap3A_312], %or3A_311 {strides = array<i32>} : memref<6272xi32, #tpu.memory_space<vmem>>, vector<16xi32>,
      tpu.vector_store_idx %arg12[%and3A_301], %unique3A_305 masked %unique3A_304 {add = true} : memref<256xi32, #tpu.memory_space<vmem>>[vector<16xi32>], vector<16xi32>, vector<16xi1>
      %mul3A_314 = arith.constant 8 : i32
      %mul3A_315 = arith.muli %scan3A_191, %mul3A_314 : i32
      %add3A_316 = arith.constant 5 : i32
      %add3A_317 = arith.addi %mul3A_315, %add3A_316 : i32
      %mul3A_318 = arith.constant 16 : i32
      %mul3A_319 = arith.muli %add3A_317, %mul3A_318 : i32
      %get3A_320 = arith.index_cast %mul3A_319 : i32 to index
      %get3A_321 = tpu.vector_load %arg9[%get3A_320] {strides = array<i32>} : memref<6272xi32, #tpu.memory_space<vmem>>, vector<16xi32>,
      %shift_right_arithmetic3A_322 = arith.constant 16 : i32
      %shift_right_arithmetic3A_323 = vector.broadcast %shift_right_arithmetic3A_322 : i32 to vector<16xi32>
      %shift_right_arithmetic3A_324 = arith.shrsi %get3A_321, %shift_right_arithmetic3A_323 : vector<16xi32>
      %and3A_325 = arith.constant 255 : i32
      %and3A_326 = vector.broadcast %and3A_325 : i32 to vector<16xi32>
      %and3A_327 = arith.andi %shift_right_arithmetic3A_324, %and3A_326 : vector<16xi32>
      %broadcast_in_dim3A_328 = arith.constant true
      %broadcast_in_dim3A_329 = vector.broadcast %broadcast_in_dim3A_328 : i1 to vector<16xi1>
      %unique3A_330, %unique3A_331 = tpu.scan_count mask(%broadcast_in_dim3A_329 : vector<16xi1>) value(%and3A_327 : vector<16xi32>) : vector<16xi1>, vector<16xi32>
      %gather3A_332 = tpu.vector_load_idx %arg12[%and3A_327] : memref<256xi32, #tpu.memory_space<vmem>>[vector<16xi32>], vector<16xi32>,
      %add3A_333 = arith.addi %gather3A_332, %unique3A_331 : vector<16xi32>
      %shift_left3A_334 = arith.constant 8 : i32
      %shift_left3A_335 = vector.broadcast %shift_left3A_334 : i32 to vector<16xi32>
      %shift_left3A_336 = arith.shli %add3A_333, %shift_left3A_335 : vector<16xi32>
      %or3A_337 = arith.ori %and3A_327, %shift_left3A_336 : vector<16xi32>
      %swap3A_338 = arith.index_cast %mul3A_319 : i32 to index
      %swap3A_339 = tpu.vector_load %arg15[%swap3A_338] {strides = array<i32>} : memref<6272xi32, #tpu.memory_space<vmem>>, vector<16xi32>,
      tpu.vector_store %arg15[%swap3A_338], %or3A_337 {strides = array<i32>} : memref<6272xi32, #tpu.memory_space<vmem>>, vector<16xi32>,
      tpu.vector_store_idx %arg12[%and3A_327], %unique3A_331 masked %unique3A_330 {add = true} : memref<256xi32, #tpu.memory_space<vmem>>[vector<16xi32>], vector<16xi32>, vector<16xi1>
      %mul3A_340 = arith.constant 8 : i32
      %mul3A_341 = arith.muli %scan3A_191, %mul3A_340 : i32
      %add3A_342 = arith.constant 6 : i32
      %add3A_343 = arith.addi %mul3A_341, %add3A_342 : i32
      %mul3A_344 = arith.constant 16 : i32
      %mul3A_345 = arith.muli %add3A_343, %mul3A_344 : i32
      %get3A_346 = arith.index_cast %mul3A_345 : i32 to index
      %get3A_347 = tpu.vector_load %arg9[%get3A_346] {strides = array<i32>} : memref<6272xi32, #tpu.memory_space<vmem>>, vector<16xi32>,
      %shift_right_arithmetic3A_348 = arith.constant 16 : i32
      %shift_right_arithmetic3A_349 = vector.broadcast %shift_right_arithmetic3A_348 : i32 to vector<16xi32>
      %shift_right_arithmetic3A_350 = arith.shrsi %get3A_347, %shift_right_arithmetic3A_349 : vector<16xi32>
      %and3A_351 = arith.constant 255 : i32
      %and3A_352 = vector.broadcast %and3A_351 : i32 to vector<16xi32>
      %and3A_353 = arith.andi %shift_right_arithmetic3A_350, %and3A_352 : vector<16xi32>
      %broadcast_in_dim3A_354 = arith.constant true
      %broadcast_in_dim3A_355 = vector.broadcast %broadcast_in_dim3A_354 : i1 to vector<16xi1>
      %unique3A_356, %unique3A_357 = tpu.scan_count mask(%broadcast_in_dim3A_355 : vector<16xi1>) value(%and3A_353 : vector<16xi32>) : vector<16xi1>, vector<16xi32>
      %gather3A_358 = tpu.vector_load_idx %arg12[%and3A_353] : memref<256xi32, #tpu.memory_space<vmem>>[vector<16xi32>], vector<16xi32>,
      %add3A_359 = arith.addi %gather3A_358, %unique3A_357 : vector<16xi32>
      %shift_left3A_360 = arith.constant 8 : i32
      %shift_left3A_361 = vector.broadcast %shift_left3A_360 : i32 to vector<16xi32>
      %shift_left3A_362 = arith.shli %add3A_359, %shift_left3A_361 : vector<16xi32>
      %or3A_363 = arith.ori %and3A_353, %shift_left3A_362 : vector<16xi32>
      %swap3A_364 = arith.index_cast %mul3A_345 : i32 to index
      %swap3A_365 = tpu.vector_load %arg15[%swap3A_364] {strides = array<i32>} : memref<6272xi32, #tpu.memory_space<vmem>>, vector<16xi32>,
      tpu.vector_store %arg15[%swap3A_364], %or3A_363 {strides = array<i32>} : memref<6272xi32, #tpu.memory_space<vmem>>, vector<16xi32>,
      tpu.vector_store_idx %arg12[%and3A_353], %unique3A_357 masked %unique3A_356 {add = true} : memref<256xi32, #tpu.memory_space<vmem>>[vector<16xi32>], vector<16xi32>, vector<16xi1>
      %mul3A_366 = arith.constant 8 : i32
      %mul3A_367 = arith.muli %scan3A_191, %mul3A_366 : i32
      %add3A_368 = arith.constant 7 : i32
      %add3A_369 = arith.addi %mul3A_367, %add3A_368 : i32
      %mul3A_370 = arith.constant 16 : i32
      %mul3A_371 = arith.muli %add3A_369, %mul3A_370 : i32
      %get3A_372 = arith.index_cast %mul3A_371 : i32 to index
      %get3A_373 = tpu.vector_load %arg9[%get3A_372] {strides = array<i32>} : memref<6272xi32, #tpu.memory_space<vmem>>, vector<16xi32>,
      %shift_right_arithmetic3A_374 = arith.constant 16 : i32
      %shift_right_arithmetic3A_375 = vector.broadcast %shift_right_arithmetic3A_374 : i32 to vector<16xi32>
      %shift_right_arithmetic3A_376 = arith.shrsi %get3A_373, %shift_right_arithmetic3A_375 : vector<16xi32>
      %and3A_377 = arith.constant 255 : i32
      %and3A_378 = vector.broadcast %and3A_377 : i32 to vector<16xi32>
      %and3A_379 = arith.andi %shift_right_arithmetic3A_376, %and3A_378 : vector<16xi32>
      %broadcast_in_dim3A_380 = arith.constant true
      %broadcast_in_dim3A_381 = vector.broadcast %broadcast_in_dim3A_380 : i1 to vector<16xi1>
      %unique3A_382, %unique3A_383 = tpu.scan_count mask(%broadcast_in_dim3A_381 : vector<16xi1>) value(%and3A_379 : vector<16xi32>) : vector<16xi1>, vector<16xi32>
      %gather3A_384 = tpu.vector_load_idx %arg12[%and3A_379] : memref<256xi32, #tpu.memory_space<vmem>>[vector<16xi32>], vector<16xi32>,
      %add3A_385 = arith.addi %gather3A_384, %unique3A_383 : vector<16xi32>
      %shift_left3A_386 = arith.constant 8 : i32
      %shift_left3A_387 = vector.broadcast %shift_left3A_386 : i32 to vector<16xi32>
      %shift_left3A_388 = arith.shli %add3A_385, %shift_left3A_387 : vector<16xi32>
      %or3A_389 = arith.ori %and3A_379, %shift_left3A_388 : vector<16xi32>
      %swap3A_390 = arith.index_cast %mul3A_371 : i32 to index
      %swap3A_391 = tpu.vector_load %arg15[%swap3A_390] {strides = array<i32>} : memref<6272xi32, #tpu.memory_space<vmem>>, vector<16xi32>,
      tpu.vector_store %arg15[%swap3A_390], %or3A_389 {strides = array<i32>} : memref<6272xi32, #tpu.memory_space<vmem>>, vector<16xi32>,
      tpu.vector_store_idx %arg12[%and3A_379], %unique3A_383 masked %unique3A_382 {add = true} : memref<256xi32, #tpu.memory_space<vmem>>[vector<16xi32>], vector<16xi32>, vector<16xi1>
      %scan3A_392 = arith.constant 0 : i32
      scf.yield %scan3A_392 : i32
    }
    %scan3A_112 = arith.constant 49 : i32
    %mul3A_113 = arith.constant 256 : i32
    %mul3A_114 = arith.muli %arg1, %mul3A_113 : i32
    "tpu.region"() ({
      %run_scoped3A = tpu.sem_alloc : memref<!tpu.dma_semaphore, #tpu.memory_space<semaphore_mem>>
      %dma_start3A_191 = tpu.memref_slice %arg8[%mul3A_114] : memref<4096xi32, #tpu.memory_space<vmem_shared>> -> memref<256xi32, #tpu.memory_space<vmem_shared>>
      %dma_start3A_192 = tpu.memref_slice %arg8[%mul3A_114] : memref<4096xi32, #tpu.memory_space<vmem_shared>> -> memref<256xi32, #tpu.memory_space<vmem_shared>>
      tpu.enqueue_dma source(%arg12 : memref<256xi32, #tpu.memory_space<vmem>>) target(%dma_start3A_192 : memref<256xi32, #tpu.memory_space<vmem_shared>>) target_semaphore(%run_scoped3A : memref<!tpu.dma_semaphore, #tpu.memory_space<semaphore_mem>>)
      %dma_wait3A_193 = tpu.memref_slice %arg8[%mul3A_114] : memref<4096xi32, #tpu.memory_space<vmem_shared>> -> memref<256xi32, #tpu.memory_space<vmem_shared>>
      %dma_wait3A_194 = tpu.memref_slice %arg8[%mul3A_114] : memref<4096xi32, #tpu.memory_space<vmem_shared>> -> memref<256xi32, #tpu.memory_space<vmem_shared>>
      tpu.wait_dma2 semaphore(%run_scoped3A : memref<!tpu.dma_semaphore, #tpu.memory_space<semaphore_mem>>) src(%arg12 : memref<256xi32, #tpu.memory_space<vmem>>) dst(%dma_wait3A_194 : memref<256xi32, #tpu.memory_space<vmem_shared>>)
      tpu.yield
    }) : () -> ()
    %barrier3A_115 = arith.constant 0 : index
    tpu.barrier barrier_id(%barrier3A_115)
    "tpu.region"() ({
      %run_scoped3A = tpu.sem_alloc : memref<!tpu.dma_semaphore, #tpu.memory_space<semaphore_mem>>
      tpu.enqueue_dma source(%arg8 : memref<4096xi32, #tpu.memory_space<vmem_shared>>) target(%arg11 : memref<4096xi32, #tpu.memory_space<vmem>>) target_semaphore(%run_scoped3A : memref<!tpu.dma_semaphore, #tpu.memory_space<semaphore_mem>>)
      tpu.wait_dma2 semaphore(%run_scoped3A : memref<!tpu.dma_semaphore, #tpu.memory_space<semaphore_mem>>) src(%arg8 : memref<4096xi32, #tpu.memory_space<vmem_shared>>) dst(%arg11 : memref<4096xi32, #tpu.memory_space<vmem>>)
      tpu.yield
    }) : () -> ()
    %scan3A_116 = arith.constant 0 : i32
    %scan3A_117 = arith.constant 0 : i32
    %scan3A_118 = arith.constant 16 : i32
    %scan3A_119 = arith.addi %scan3A_117, %scan3A_118 : i32
    %scan3A_120 = arith.constant 1 : i32
    %scan3A_121 = scf.for %scan3A_191 = %scan3A_117 to %scan3A_119 step %scan3A_120 iter_args(%scan3A_192 = %scan3A_116) -> (i32)  : i32 {
      %mul3A_193 = arith.constant 16 : i32
      %mul3A_194 = arith.muli %scan3A_191, %mul3A_193 : i32
      %add3A = vector.broadcast %mul3A_194 : i32 to vector<16xi32>
      %add3A_195 = arith.addi %add3A, %iota3A : vector<16xi32>
      %scan3A_196 = arith.constant 0 : i32
      %scan3A_197 = arith.constant 16 : i32
      %scan3A_198 = arith.addi %scan3A_196, %scan3A_197 : i32
      %scan3A_199 = arith.constant 1 : i32
      %scan3A_200:2 = scf.for %scan3A_217 = %scan3A_196 to %scan3A_198 step %scan3A_199 iter_args(%scan3A_218 = %broadcast_in_dim3A_0, %scan3A_219 = %broadcast_in_dim3A_0) -> (vector<16xi32>, vector<16xi32>)  : i32 {
        %mul3A_220 = arith.constant 256 : i32
        %mul3A_221 = arith.muli %scan3A_217, %mul3A_220 : i32
        %add3A_222 = vector.broadcast %mul3A_221 : i32 to vector<16xi32>
        %add3A_223 = arith.addi %add3A_222, %add3A_195 : vector<16xi32>
        %gather3A = tpu.vector_load_idx %arg11[%add3A_223] : memref<4096xi32, #tpu.memory_space<vmem>>[vector<16xi32>], vector<16xi32>,
        %add3A_224 = arith.addi %scan3A_218, %gather3A : vector<16xi32>
        %lt3A_225 = arith.cmpi slt, %scan3A_217, %arg1 : i32
        %jit3A = arith.constant 0 : i32
        %broadcast_in_dim3A_226 = vector.broadcast %jit3A : i32 to vector<16xi32>
        %select_n3A = arith.select %lt3A_225, %gather3A, %broadcast_in_dim3A_226 : vector<16xi32>
        %add3A_227 = arith.addi %scan3A_219, %select_n3A : vector<16xi32>
        scf.yield %add3A_224, %add3A_227 : vector<16xi32>, vector<16xi32>
      }
      %scan3A_201 = arith.constant 16 : i32
      %broadcast_in_dim3A_202 = arith.constant true
      %broadcast_in_dim3A_203 = vector.broadcast %broadcast_in_dim3A_202 : i1 to vector<16xi1>
      %masked_cumsum3A = tpu.scan <sum>, %scan3A_200#0 masked %broadcast_in_dim3A_203 : vector<16xi32>, vector<16xi1> -> vector<16xi32>
      %sub3A = arith.subi %masked_cumsum3A, %scan3A_200#0 : vector<16xi32>
      %add3A_204 = vector.broadcast %scan3A_192 : i32 to vector<16xi32>
      %add3A_205 = arith.addi %sub3A, %add3A_204 : vector<16xi32>
      %add3A_206 = arith.addi %add3A_205, %scan3A_200#1 : vector<16xi32>
      %sub3A_207 = arith.constant 1 : i32
      %sub3A_208 = vector.broadcast %sub3A_207 : i32 to vector<16xi32>
      %sub3A_209 = arith.subi %add3A_206, %sub3A_208 : vector<16xi32>
      %mul3A_210 = arith.constant 16 : i32
      %mul3A_211 = arith.muli %scan3A_191, %mul3A_210 : i32
      %swap3A = arith.index_cast %mul3A_211 : i32 to index
      %swap3A_212 = tpu.vector_load %arg13[%swap3A] {strides = array<i32>} : memref<256xi32, #tpu.memory_space<vmem>>, vector<16xi32>,
      tpu.vector_store %arg13[%swap3A], %sub3A_209 {strides = array<i32>} : memref<256xi32, #tpu.memory_space<vmem>>, vector<16xi32>,
      %reduce_sum3A = arith.constant true
      %reduce_sum3A_213 = vector.broadcast %reduce_sum3A : i1 to vector<16xi1>
      %reduce_sum3A_214 = tpu.scan <sum>, %scan3A_200#0 masked %reduce_sum3A_213 : vector<16xi32>, vector<16xi1> -> vector<16xi32>
      %reduce_sum3A_215 = vector.extract %reduce_sum3A_214[15] : i32 from vector<16xi32>
      %add3A_216 = arith.addi %scan3A_192, %reduce_sum3A_215 : i32
      scf.yield %add3A_216 : i32
    }
    %scan3A_122 = arith.constant 16 : i32
    %scan3A_123 = arith.constant 0 : i32
    %scan3A_124 = arith.constant 0 : i32
    %scan3A_125 = arith.constant 49 : i32
    %scan3A_126 = arith.addi %scan3A_124, %scan3A_125 : i32
    %scan3A_127 = arith.constant 1 : i32
    %scan3A_128 = scf.for %scan3A_191 = %scan3A_124 to %scan3A_126 step %scan3A_127 iter_args(%scan3A_192 = %scan3A_123) -> (i32)  : i32 {
      %mul3A_193 = arith.constant 8 : i32
      %mul3A_194 = arith.muli %scan3A_191, %mul3A_193 : i32
      %add3A = arith.constant 0 : i32
      %add3A_195 = arith.addi %mul3A_194, %add3A : i32
      %mul3A_196 = arith.constant 16 : i32
      %mul3A_197 = arith.muli %add3A_195, %mul3A_196 : i32
      %get3A = arith.index_cast %mul3A_197 : i32 to index
      %get3A_198 = tpu.vector_load %arg15[%get3A] {strides = array<i32>} : memref<6272xi32, #tpu.memory_space<vmem>>, vector<16xi32>,
      %and3A = arith.constant 255 : i32
      %and3A_199 = vector.broadcast %and3A : i32 to vector<16xi32>
      %and3A_200 = arith.andi %get3A_198, %and3A_199 : vector<16xi32>
      %gather3A = tpu.vector_load_idx %arg13[%and3A_200] : memref<256xi32, #tpu.memory_space<vmem>>[vector<16xi32>], vector<16xi32>,
      %shift_right_arithmetic3A = arith.constant 8 : i32
      %shift_right_arithmetic3A_201 = vector.broadcast %shift_right_arithmetic3A : i32 to vector<16xi32>
      %shift_right_arithmetic3A_202 = arith.shrsi %get3A_198, %shift_right_arithmetic3A_201 : vector<16xi32>
      %add3A_203 = arith.addi %gather3A, %shift_right_arithmetic3A_202 : vector<16xi32>
      %swap3A = arith.index_cast %mul3A_197 : i32 to index
      %swap3A_204 = tpu.vector_load %arg14[%swap3A] {strides = array<i32>} : memref<6272xi32, #tpu.memory_space<vmem>>, vector<16xi32>,
      tpu.vector_store %arg14[%swap3A], %add3A_203 {strides = array<i32>} : memref<6272xi32, #tpu.memory_space<vmem>>, vector<16xi32>,
      %mul3A_205 = arith.constant 8 : i32
      %mul3A_206 = arith.muli %scan3A_191, %mul3A_205 : i32
      %add3A_207 = arith.constant 1 : i32
      %add3A_208 = arith.addi %mul3A_206, %add3A_207 : i32
      %mul3A_209 = arith.constant 16 : i32
      %mul3A_210 = arith.muli %add3A_208, %mul3A_209 : i32
      %get3A_211 = arith.index_cast %mul3A_210 : i32 to index
      %get3A_212 = tpu.vector_load %arg15[%get3A_211] {strides = array<i32>} : memref<6272xi32, #tpu.memory_space<vmem>>, vector<16xi32>,
      %and3A_213 = arith.constant 255 : i32
      %and3A_214 = vector.broadcast %and3A_213 : i32 to vector<16xi32>
      %and3A_215 = arith.andi %get3A_212, %and3A_214 : vector<16xi32>
      %gather3A_216 = tpu.vector_load_idx %arg13[%and3A_215] : memref<256xi32, #tpu.memory_space<vmem>>[vector<16xi32>], vector<16xi32>,
      %shift_right_arithmetic3A_217 = arith.constant 8 : i32
      %shift_right_arithmetic3A_218 = vector.broadcast %shift_right_arithmetic3A_217 : i32 to vector<16xi32>
      %shift_right_arithmetic3A_219 = arith.shrsi %get3A_212, %shift_right_arithmetic3A_218 : vector<16xi32>
      %add3A_220 = arith.addi %gather3A_216, %shift_right_arithmetic3A_219 : vector<16xi32>
      %swap3A_221 = arith.index_cast %mul3A_210 : i32 to index
      %swap3A_222 = tpu.vector_load %arg14[%swap3A_221] {strides = array<i32>} : memref<6272xi32, #tpu.memory_space<vmem>>, vector<16xi32>,
      tpu.vector_store %arg14[%swap3A_221], %add3A_220 {strides = array<i32>} : memref<6272xi32, #tpu.memory_space<vmem>>, vector<16xi32>,
      %mul3A_223 = arith.constant 8 : i32
      %mul3A_224 = arith.muli %scan3A_191, %mul3A_223 : i32
      %add3A_225 = arith.constant 2 : i32
      %add3A_226 = arith.addi %mul3A_224, %add3A_225 : i32
      %mul3A_227 = arith.constant 16 : i32
      %mul3A_228 = arith.muli %add3A_226, %mul3A_227 : i32
      %get3A_229 = arith.index_cast %mul3A_228 : i32 to index
      %get3A_230 = tpu.vector_load %arg15[%get3A_229] {strides = array<i32>} : memref<6272xi32, #tpu.memory_space<vmem>>, vector<16xi32>,
      %and3A_231 = arith.constant 255 : i32
      %and3A_232 = vector.broadcast %and3A_231 : i32 to vector<16xi32>
      %and3A_233 = arith.andi %get3A_230, %and3A_232 : vector<16xi32>
      %gather3A_234 = tpu.vector_load_idx %arg13[%and3A_233] : memref<256xi32, #tpu.memory_space<vmem>>[vector<16xi32>], vector<16xi32>,
      %shift_right_arithmetic3A_235 = arith.constant 8 : i32
      %shift_right_arithmetic3A_236 = vector.broadcast %shift_right_arithmetic3A_235 : i32 to vector<16xi32>
      %shift_right_arithmetic3A_237 = arith.shrsi %get3A_230, %shift_right_arithmetic3A_236 : vector<16xi32>
      %add3A_238 = arith.addi %gather3A_234, %shift_right_arithmetic3A_237 : vector<16xi32>
      %swap3A_239 = arith.index_cast %mul3A_228 : i32 to index
      %swap3A_240 = tpu.vector_load %arg14[%swap3A_239] {strides = array<i32>} : memref<6272xi32, #tpu.memory_space<vmem>>, vector<16xi32>,
      tpu.vector_store %arg14[%swap3A_239], %add3A_238 {strides = array<i32>} : memref<6272xi32, #tpu.memory_space<vmem>>, vector<16xi32>,
      %mul3A_241 = arith.constant 8 : i32
      %mul3A_242 = arith.muli %scan3A_191, %mul3A_241 : i32
      %add3A_243 = arith.constant 3 : i32
      %add3A_244 = arith.addi %mul3A_242, %add3A_243 : i32
      %mul3A_245 = arith.constant 16 : i32
      %mul3A_246 = arith.muli %add3A_244, %mul3A_245 : i32
      %get3A_247 = arith.index_cast %mul3A_246 : i32 to index
      %get3A_248 = tpu.vector_load %arg15[%get3A_247] {strides = array<i32>} : memref<6272xi32, #tpu.memory_space<vmem>>, vector<16xi32>,
      %and3A_249 = arith.constant 255 : i32
      %and3A_250 = vector.broadcast %and3A_249 : i32 to vector<16xi32>
      %and3A_251 = arith.andi %get3A_248, %and3A_250 : vector<16xi32>
      %gather3A_252 = tpu.vector_load_idx %arg13[%and3A_251] : memref<256xi32, #tpu.memory_space<vmem>>[vector<16xi32>], vector<16xi32>,
      %shift_right_arithmetic3A_253 = arith.constant 8 : i32
      %shift_right_arithmetic3A_254 = vector.broadcast %shift_right_arithmetic3A_253 : i32 to vector<16xi32>
      %shift_right_arithmetic3A_255 = arith.shrsi %get3A_248, %shift_right_arithmetic3A_254 : vector<16xi32>
      %add3A_256 = arith.addi %gather3A_252, %shift_right_arithmetic3A_255 : vector<16xi32>
      %swap3A_257 = arith.index_cast %mul3A_246 : i32 to index
      %swap3A_258 = tpu.vector_load %arg14[%swap3A_257] {strides = array<i32>} : memref<6272xi32, #tpu.memory_space<vmem>>, vector<16xi32>,
      tpu.vector_store %arg14[%swap3A_257], %add3A_256 {strides = array<i32>} : memref<6272xi32, #tpu.memory_space<vmem>>, vector<16xi32>,
      %mul3A_259 = arith.constant 8 : i32
      %mul3A_260 = arith.muli %scan3A_191, %mul3A_259 : i32
      %add3A_261 = arith.constant 4 : i32
      %add3A_262 = arith.addi %mul3A_260, %add3A_261 : i32
      %mul3A_263 = arith.constant 16 : i32
      %mul3A_264 = arith.muli %add3A_262, %mul3A_263 : i32
      %get3A_265 = arith.index_cast %mul3A_264 : i32 to index
      %get3A_266 = tpu.vector_load %arg15[%get3A_265] {strides = array<i32>} : memref<6272xi32, #tpu.memory_space<vmem>>, vector<16xi32>,
      %and3A_267 = arith.constant 255 : i32
      %and3A_268 = vector.broadcast %and3A_267 : i32 to vector<16xi32>
      %and3A_269 = arith.andi %get3A_266, %and3A_268 : vector<16xi32>
      %gather3A_270 = tpu.vector_load_idx %arg13[%and3A_269] : memref<256xi32, #tpu.memory_space<vmem>>[vector<16xi32>], vector<16xi32>,
      %shift_right_arithmetic3A_271 = arith.constant 8 : i32
      %shift_right_arithmetic3A_272 = vector.broadcast %shift_right_arithmetic3A_271 : i32 to vector<16xi32>
      %shift_right_arithmetic3A_273 = arith.shrsi %get3A_266, %shift_right_arithmetic3A_272 : vector<16xi32>
      %add3A_274 = arith.addi %gather3A_270, %shift_right_arithmetic3A_273 : vector<16xi32>
      %swap3A_275 = arith.index_cast %mul3A_264 : i32 to index
      %swap3A_276 = tpu.vector_load %arg14[%swap3A_275] {strides = array<i32>} : memref<6272xi32, #tpu.memory_space<vmem>>, vector<16xi32>,
      tpu.vector_store %arg14[%swap3A_275], %add3A_274 {strides = array<i32>} : memref<6272xi32, #tpu.memory_space<vmem>>, vector<16xi32>,
      %mul3A_277 = arith.constant 8 : i32
      %mul3A_278 = arith.muli %scan3A_191, %mul3A_277 : i32
      %add3A_279 = arith.constant 5 : i32
      %add3A_280 = arith.addi %mul3A_278, %add3A_279 : i32
      %mul3A_281 = arith.constant 16 : i32
      %mul3A_282 = arith.muli %add3A_280, %mul3A_281 : i32
      %get3A_283 = arith.index_cast %mul3A_282 : i32 to index
      %get3A_284 = tpu.vector_load %arg15[%get3A_283] {strides = array<i32>} : memref<6272xi32, #tpu.memory_space<vmem>>, vector<16xi32>,
      %and3A_285 = arith.constant 255 : i32
      %and3A_286 = vector.broadcast %and3A_285 : i32 to vector<16xi32>
      %and3A_287 = arith.andi %get3A_284, %and3A_286 : vector<16xi32>
      %gather3A_288 = tpu.vector_load_idx %arg13[%and3A_287] : memref<256xi32, #tpu.memory_space<vmem>>[vector<16xi32>], vector<16xi32>,
      %shift_right_arithmetic3A_289 = arith.constant 8 : i32
      %shift_right_arithmetic3A_290 = vector.broadcast %shift_right_arithmetic3A_289 : i32 to vector<16xi32>
      %shift_right_arithmetic3A_291 = arith.shrsi %get3A_284, %shift_right_arithmetic3A_290 : vector<16xi32>
      %add3A_292 = arith.addi %gather3A_288, %shift_right_arithmetic3A_291 : vector<16xi32>
      %swap3A_293 = arith.index_cast %mul3A_282 : i32 to index
      %swap3A_294 = tpu.vector_load %arg14[%swap3A_293] {strides = array<i32>} : memref<6272xi32, #tpu.memory_space<vmem>>, vector<16xi32>,
      tpu.vector_store %arg14[%swap3A_293], %add3A_292 {strides = array<i32>} : memref<6272xi32, #tpu.memory_space<vmem>>, vector<16xi32>,
      %mul3A_295 = arith.constant 8 : i32
      %mul3A_296 = arith.muli %scan3A_191, %mul3A_295 : i32
      %add3A_297 = arith.constant 6 : i32
      %add3A_298 = arith.addi %mul3A_296, %add3A_297 : i32
      %mul3A_299 = arith.constant 16 : i32
      %mul3A_300 = arith.muli %add3A_298, %mul3A_299 : i32
      %get3A_301 = arith.index_cast %mul3A_300 : i32 to index
      %get3A_302 = tpu.vector_load %arg15[%get3A_301] {strides = array<i32>} : memref<6272xi32, #tpu.memory_space<vmem>>, vector<16xi32>,
      %and3A_303 = arith.constant 255 : i32
      %and3A_304 = vector.broadcast %and3A_303 : i32 to vector<16xi32>
      %and3A_305 = arith.andi %get3A_302, %and3A_304 : vector<16xi32>
      %gather3A_306 = tpu.vector_load_idx %arg13[%and3A_305] : memref<256xi32, #tpu.memory_space<vmem>>[vector<16xi32>], vector<16xi32>,
      %shift_right_arithmetic3A_307 = arith.constant 8 : i32
      %shift_right_arithmetic3A_308 = vector.broadcast %shift_right_arithmetic3A_307 : i32 to vector<16xi32>
      %shift_right_arithmetic3A_309 = arith.shrsi %get3A_302, %shift_right_arithmetic3A_308 : vector<16xi32>
      %add3A_310 = arith.addi %gather3A_306, %shift_right_arithmetic3A_309 : vector<16xi32>
      %swap3A_311 = arith.index_cast %mul3A_300 : i32 to index
      %swap3A_312 = tpu.vector_load %arg14[%swap3A_311] {strides = array<i32>} : memref<6272xi32, #tpu.memory_space<vmem>>, vector<16xi32>,
      tpu.vector_store %arg14[%swap3A_311], %add3A_310 {strides = array<i32>} : memref<6272xi32, #tpu.memory_space<vmem>>, vector<16xi32>,
      %mul3A_313 = arith.constant 8 : i32
      %mul3A_314 = arith.muli %scan3A_191, %mul3A_313 : i32
      %add3A_315 = arith.constant 7 : i32
      %add3A_316 = arith.addi %mul3A_314, %add3A_315 : i32
      %mul3A_317 = arith.constant 16 : i32
      %mul3A_318 = arith.muli %add3A_316, %mul3A_317 : i32
      %get3A_319 = arith.index_cast %mul3A_318 : i32 to index
      %get3A_320 = tpu.vector_load %arg15[%get3A_319] {strides = array<i32>} : memref<6272xi32, #tpu.memory_space<vmem>>, vector<16xi32>,
      %and3A_321 = arith.constant 255 : i32
      %and3A_322 = vector.broadcast %and3A_321 : i32 to vector<16xi32>
      %and3A_323 = arith.andi %get3A_320, %and3A_322 : vector<16xi32>
      %gather3A_324 = tpu.vector_load_idx %arg13[%and3A_323] : memref<256xi32, #tpu.memory_space<vmem>>[vector<16xi32>], vector<16xi32>,
      %shift_right_arithmetic3A_325 = arith.constant 8 : i32
      %shift_right_arithmetic3A_326 = vector.broadcast %shift_right_arithmetic3A_325 : i32 to vector<16xi32>
      %shift_right_arithmetic3A_327 = arith.shrsi %get3A_320, %shift_right_arithmetic3A_326 : vector<16xi32>
      %add3A_328 = arith.addi %gather3A_324, %shift_right_arithmetic3A_327 : vector<16xi32>
      %swap3A_329 = arith.index_cast %mul3A_318 : i32 to index
      %swap3A_330 = tpu.vector_load %arg14[%swap3A_329] {strides = array<i32>} : memref<6272xi32, #tpu.memory_space<vmem>>, vector<16xi32>,
      tpu.vector_store %arg14[%swap3A_329], %add3A_328 {strides = array<i32>} : memref<6272xi32, #tpu.memory_space<vmem>>, vector<16xi32>,
      %scan3A_331 = arith.constant 0 : i32
      scf.yield %scan3A_331 : i32
    }
    %scan3A_129 = arith.constant 49 : i32
    %dma_start3A_130 = arith.constant 0 : i32
    %dma_start3A_131 = tpu.memref_slice %arg4[%dma_start3A_130] : memref<100352xi32, #tpu.memory_space<vmem_shared>> -> memref<100352xi32, #tpu.memory_space<vmem_shared>>
    tpu.enqueue_indirect_dma source(%arg9 : memref<6272xi32, #tpu.memory_space<vmem>>) target(%dma_start3A_131 : memref<100352xi32, #tpu.memory_space<vmem_shared>>) offsets(%arg14 : memref<6272xi32, #tpu.memory_space<vmem>>) semaphore(%arg16 : memref<!tpu.dma_semaphore, #tpu.memory_space<semaphore_mem>>)
    %dma_wait3A_132 = tpu.memref_slice %arg7[%mul3A_96] : memref<100352xi32, #tpu.memory_space<vmem_shared>> -> memref<6272xi32, #tpu.memory_space<vmem_shared>>
    %dma_wait3A_133 = tpu.memref_slice %arg7[%mul3A_96] : memref<100352xi32, #tpu.memory_space<vmem_shared>> -> memref<6272xi32, #tpu.memory_space<vmem_shared>>
    tpu.wait_dma2 semaphore(%arg17 : memref<!tpu.dma_semaphore, #tpu.memory_space<semaphore_mem>>) src(%dma_wait3A_133 : memref<6272xi32, #tpu.memory_space<vmem_shared>>) dst(%arg10 : memref<6272xi32, #tpu.memory_space<vmem>>)
    %dma_start3A_134 = arith.constant 0 : i32
    %dma_start3A_135 = tpu.memref_slice %arg5[%dma_start3A_134] : memref<100352xi32, #tpu.memory_space<vmem_shared>> -> memref<100352xi32, #tpu.memory_space<vmem_shared>>
    tpu.enqueue_indirect_dma source(%arg10 : memref<6272xi32, #tpu.memory_space<vmem>>) target(%dma_start3A_135 : memref<100352xi32, #tpu.memory_space<vmem_shared>>) offsets(%arg14 : memref<6272xi32, #tpu.memory_space<vmem>>) semaphore(%arg16 : memref<!tpu.dma_semaphore, #tpu.memory_space<semaphore_mem>>)
    %dma_wait3A_136 = arith.constant 0 : i32
    %dma_wait3A_137 = tpu.memref_slice %arg4[%dma_wait3A_136] : memref<100352xi32, #tpu.memory_space<vmem_shared>> -> memref<100352xi32, #tpu.memory_space<vmem_shared>>
    tpu.wait_indirect_dma semaphore(%arg16 : memref<!tpu.dma_semaphore, #tpu.memory_space<semaphore_mem>>) src(%arg9 : memref<6272xi32, #tpu.memory_space<vmem>>) dst(%dma_wait3A_137 : memref<100352xi32, #tpu.memory_space<vmem_shared>>)
    %dma_wait3A_138 = arith.constant 0 : i32
    %dma_wait3A_139 = tpu.memref_slice %arg5[%dma_wait3A_138] : memref<100352xi32, #tpu.memory_space<vmem_shared>> -> memref<100352xi32, #tpu.memory_space<vmem_shared>>
    tpu.wait_indirect_dma semaphore(%arg16 : memref<!tpu.dma_semaphore, #tpu.memory_space<semaphore_mem>>) src(%arg10 : memref<6272xi32, #tpu.memory_space<vmem>>) dst(%dma_wait3A_139 : memref<100352xi32, #tpu.memory_space<vmem_shared>>)
    %barrier3A_140 = arith.constant 0 : index
    tpu.barrier barrier_id(%barrier3A_140)
    %mul3A_141 = arith.constant 6272 : i32
    %mul3A_142 = arith.muli %arg1, %mul3A_141 : i32
    "tpu.region"() ({
      %run_scoped3A = tpu.sem_alloc : memref<!tpu.dma_semaphore, #tpu.memory_space<semaphore_mem>>
      %dma_start3A_191 = tpu.memref_slice %arg4[%mul3A_142] : memref<100352xi32, #tpu.memory_space<vmem_shared>> -> memref<6272xi32, #tpu.memory_space<vmem_shared>>
      %dma_start3A_192 = tpu.memref_slice %arg4[%mul3A_142] : memref<100352xi32, #tpu.memory_space<vmem_shared>> -> memref<6272xi32, #tpu.memory_space<vmem_shared>>
      tpu.enqueue_dma source(%dma_start3A_192 : memref<6272xi32, #tpu.memory_space<vmem_shared>>) target(%arg9 : memref<6272xi32, #tpu.memory_space<vmem>>) target_semaphore(%run_scoped3A : memref<!tpu.dma_semaphore, #tpu.memory_space<semaphore_mem>>)
      %dma_wait3A_193 = tpu.memref_slice %arg4[%mul3A_142] : memref<100352xi32, #tpu.memory_space<vmem_shared>> -> memref<6272xi32, #tpu.memory_space<vmem_shared>>
      %dma_wait3A_194 = tpu.memref_slice %arg4[%mul3A_142] : memref<100352xi32, #tpu.memory_space<vmem_shared>> -> memref<6272xi32, #tpu.memory_space<vmem_shared>>
      tpu.wait_dma2 semaphore(%run_scoped3A : memref<!tpu.dma_semaphore, #tpu.memory_space<semaphore_mem>>) src(%dma_wait3A_194 : memref<6272xi32, #tpu.memory_space<vmem_shared>>) dst(%arg9 : memref<6272xi32, #tpu.memory_space<vmem>>)
      tpu.yield
    }) : () -> ()
    %mul3A_143 = arith.constant 6272 : i32
    %mul3A_144 = arith.muli %arg1, %mul3A_143 : i32
    %dma_start3A_145 = tpu.memref_slice %arg5[%mul3A_144] : memref<100352xi32, #tpu.memory_space<vmem_shared>> -> memref<6272xi32, #tpu.memory_space<vmem_shared>>
    %dma_start3A_146 = tpu.memref_slice %arg5[%mul3A_144] : memref<100352xi32, #tpu.memory_space<vmem_shared>> -> memref<6272xi32, #tpu.memory_space<vmem_shared>>
    tpu.enqueue_dma source(%dma_start3A_146 : memref<6272xi32, #tpu.memory_space<vmem_shared>>) target(%arg10 : memref<6272xi32, #tpu.memory_space<vmem>>) target_semaphore(%arg17 : memref<!tpu.dma_semaphore, #tpu.memory_space<semaphore_mem>>)
    %scan3A_147 = arith.constant 0 : i32
    %scan3A_148 = arith.constant 0 : i32
    %scan3A_149 = arith.constant 16 : i32
    %scan3A_150 = arith.addi %scan3A_148, %scan3A_149 : i32
    %scan3A_151 = arith.constant 1 : i32
    %scan3A_152 = scf.for %scan3A_191 = %scan3A_148 to %scan3A_150 step %scan3A_151 iter_args(%scan3A_192 = %scan3A_147) -> (i32)  : i32 {
      %mul3A_193 = arith.constant 16 : i32
      %mul3A_194 = arith.muli %scan3A_191, %mul3A_193 : i32
      %swap3A = arith.index_cast %mul3A_194 : i32 to index
      %swap3A_195 = tpu.vector_load %arg12[%swap3A] {strides = array<i32>} : memref<256xi32, #tpu.memory_space<vmem>>, vector<16xi32>,
      tpu.vector_store %arg12[%swap3A], %broadcast_in_dim3A_0 {strides = array<i32>} : memref<256xi32, #tpu.memory_space<vmem>>, vector<16xi32>,
      %scan3A_196 = arith.constant 0 : i32
      scf.yield %scan3A_196 : i32
    }
    %scan3A_153 = arith.constant 16 : i32
    %scan3A_154 = arith.constant 0 : i32
    %scan3A_155 = arith.constant 0 : i32
    %scan3A_156 = arith.constant 49 : i32
    %scan3A_157 = arith.addi %scan3A_155, %scan3A_156 : i32
    %scan3A_158 = arith.constant 1 : i32
    %scan3A_159 = scf.for %scan3A_191 = %scan3A_155 to %scan3A_157 step %scan3A_158 iter_args(%scan3A_192 = %scan3A_154) -> (i32)  : i32 {
      %mul3A_193 = arith.constant 8 : i32
      %mul3A_194 = arith.muli %scan3A_191, %mul3A_193 : i32
      %add3A = arith.constant 0 : i32
      %add3A_195 = arith.addi %mul3A_194, %add3A : i32
      %mul3A_196 = arith.constant 16 : i32
      %mul3A_197 = arith.muli %add3A_195, %mul3A_196 : i32
      %get3A = arith.index_cast %mul3A_197 : i32 to index
      %get3A_198 = tpu.vector_load %arg9[%get3A] {strides = array<i32>} : memref<6272xi32, #tpu.memory_space<vmem>>, vector<16xi32>,
      %shift_right_arithmetic3A = arith.constant 24 : i32
      %shift_right_arithmetic3A_199 = vector.broadcast %shift_right_arithmetic3A : i32 to vector<16xi32>
      %shift_right_arithmetic3A_200 = arith.shrsi %get3A_198, %shift_right_arithmetic3A_199 : vector<16xi32>
      %and3A = arith.constant 255 : i32
      %and3A_201 = vector.broadcast %and3A : i32 to vector<16xi32>
      %and3A_202 = arith.andi %shift_right_arithmetic3A_200, %and3A_201 : vector<16xi32>
      %broadcast_in_dim3A_203 = arith.constant true
      %broadcast_in_dim3A_204 = vector.broadcast %broadcast_in_dim3A_203 : i1 to vector<16xi1>
      %unique3A, %unique3A_205 = tpu.scan_count mask(%broadcast_in_dim3A_204 : vector<16xi1>) value(%and3A_202 : vector<16xi32>) : vector<16xi1>, vector<16xi32>
      %gather3A = tpu.vector_load_idx %arg12[%and3A_202] : memref<256xi32, #tpu.memory_space<vmem>>[vector<16xi32>], vector<16xi32>,
      %add3A_206 = arith.addi %gather3A, %unique3A_205 : vector<16xi32>
      %shift_left3A = arith.constant 8 : i32
      %shift_left3A_207 = vector.broadcast %shift_left3A : i32 to vector<16xi32>
      %shift_left3A_208 = arith.shli %add3A_206, %shift_left3A_207 : vector<16xi32>
      %or3A = arith.ori %and3A_202, %shift_left3A_208 : vector<16xi32>
      %swap3A = arith.index_cast %mul3A_197 : i32 to index
      %swap3A_209 = tpu.vector_load %arg15[%swap3A] {strides = array<i32>} : memref<6272xi32, #tpu.memory_space<vmem>>, vector<16xi32>,
      tpu.vector_store %arg15[%swap3A], %or3A {strides = array<i32>} : memref<6272xi32, #tpu.memory_space<vmem>>, vector<16xi32>,
      tpu.vector_store_idx %arg12[%and3A_202], %unique3A_205 masked %unique3A {add = true} : memref<256xi32, #tpu.memory_space<vmem>>[vector<16xi32>], vector<16xi32>, vector<16xi1>
      %mul3A_210 = arith.constant 8 : i32
      %mul3A_211 = arith.muli %scan3A_191, %mul3A_210 : i32
      %add3A_212 = arith.constant 1 : i32
      %add3A_213 = arith.addi %mul3A_211, %add3A_212 : i32
      %mul3A_214 = arith.constant 16 : i32
      %mul3A_215 = arith.muli %add3A_213, %mul3A_214 : i32
      %get3A_216 = arith.index_cast %mul3A_215 : i32 to index
      %get3A_217 = tpu.vector_load %arg9[%get3A_216] {strides = array<i32>} : memref<6272xi32, #tpu.memory_space<vmem>>, vector<16xi32>,
      %shift_right_arithmetic3A_218 = arith.constant 24 : i32
      %shift_right_arithmetic3A_219 = vector.broadcast %shift_right_arithmetic3A_218 : i32 to vector<16xi32>
      %shift_right_arithmetic3A_220 = arith.shrsi %get3A_217, %shift_right_arithmetic3A_219 : vector<16xi32>
      %and3A_221 = arith.constant 255 : i32
      %and3A_222 = vector.broadcast %and3A_221 : i32 to vector<16xi32>
      %and3A_223 = arith.andi %shift_right_arithmetic3A_220, %and3A_222 : vector<16xi32>
      %broadcast_in_dim3A_224 = arith.constant true
      %broadcast_in_dim3A_225 = vector.broadcast %broadcast_in_dim3A_224 : i1 to vector<16xi1>
      %unique3A_226, %unique3A_227 = tpu.scan_count mask(%broadcast_in_dim3A_225 : vector<16xi1>) value(%and3A_223 : vector<16xi32>) : vector<16xi1>, vector<16xi32>
      %gather3A_228 = tpu.vector_load_idx %arg12[%and3A_223] : memref<256xi32, #tpu.memory_space<vmem>>[vector<16xi32>], vector<16xi32>,
      %add3A_229 = arith.addi %gather3A_228, %unique3A_227 : vector<16xi32>
      %shift_left3A_230 = arith.constant 8 : i32
      %shift_left3A_231 = vector.broadcast %shift_left3A_230 : i32 to vector<16xi32>
      %shift_left3A_232 = arith.shli %add3A_229, %shift_left3A_231 : vector<16xi32>
      %or3A_233 = arith.ori %and3A_223, %shift_left3A_232 : vector<16xi32>
      %swap3A_234 = arith.index_cast %mul3A_215 : i32 to index
      %swap3A_235 = tpu.vector_load %arg15[%swap3A_234] {strides = array<i32>} : memref<6272xi32, #tpu.memory_space<vmem>>, vector<16xi32>,
      tpu.vector_store %arg15[%swap3A_234], %or3A_233 {strides = array<i32>} : memref<6272xi32, #tpu.memory_space<vmem>>, vector<16xi32>,
      tpu.vector_store_idx %arg12[%and3A_223], %unique3A_227 masked %unique3A_226 {add = true} : memref<256xi32, #tpu.memory_space<vmem>>[vector<16xi32>], vector<16xi32>, vector<16xi1>
      %mul3A_236 = arith.constant 8 : i32
      %mul3A_237 = arith.muli %scan3A_191, %mul3A_236 : i32
      %add3A_238 = arith.constant 2 : i32
      %add3A_239 = arith.addi %mul3A_237, %add3A_238 : i32
      %mul3A_240 = arith.constant 16 : i32
      %mul3A_241 = arith.muli %add3A_239, %mul3A_240 : i32
      %get3A_242 = arith.index_cast %mul3A_241 : i32 to index
      %get3A_243 = tpu.vector_load %arg9[%get3A_242] {strides = array<i32>} : memref<6272xi32, #tpu.memory_space<vmem>>, vector<16xi32>,
      %shift_right_arithmetic3A_244 = arith.constant 24 : i32
      %shift_right_arithmetic3A_245 = vector.broadcast %shift_right_arithmetic3A_244 : i32 to vector<16xi32>
      %shift_right_arithmetic3A_246 = arith.shrsi %get3A_243, %shift_right_arithmetic3A_245 : vector<16xi32>
      %and3A_247 = arith.constant 255 : i32
      %and3A_248 = vector.broadcast %and3A_247 : i32 to vector<16xi32>
      %and3A_249 = arith.andi %shift_right_arithmetic3A_246, %and3A_248 : vector<16xi32>
      %broadcast_in_dim3A_250 = arith.constant true
      %broadcast_in_dim3A_251 = vector.broadcast %broadcast_in_dim3A_250 : i1 to vector<16xi1>
      %unique3A_252, %unique3A_253 = tpu.scan_count mask(%broadcast_in_dim3A_251 : vector<16xi1>) value(%and3A_249 : vector<16xi32>) : vector<16xi1>, vector<16xi32>
      %gather3A_254 = tpu.vector_load_idx %arg12[%and3A_249] : memref<256xi32, #tpu.memory_space<vmem>>[vector<16xi32>], vector<16xi32>,
      %add3A_255 = arith.addi %gather3A_254, %unique3A_253 : vector<16xi32>
      %shift_left3A_256 = arith.constant 8 : i32
      %shift_left3A_257 = vector.broadcast %shift_left3A_256 : i32 to vector<16xi32>
      %shift_left3A_258 = arith.shli %add3A_255, %shift_left3A_257 : vector<16xi32>
      %or3A_259 = arith.ori %and3A_249, %shift_left3A_258 : vector<16xi32>
      %swap3A_260 = arith.index_cast %mul3A_241 : i32 to index
      %swap3A_261 = tpu.vector_load %arg15[%swap3A_260] {strides = array<i32>} : memref<6272xi32, #tpu.memory_space<vmem>>, vector<16xi32>,
      tpu.vector_store %arg15[%swap3A_260], %or3A_259 {strides = array<i32>} : memref<6272xi32, #tpu.memory_space<vmem>>, vector<16xi32>,
      tpu.vector_store_idx %arg12[%and3A_249], %unique3A_253 masked %unique3A_252 {add = true} : memref<256xi32, #tpu.memory_space<vmem>>[vector<16xi32>], vector<16xi32>, vector<16xi1>
      %mul3A_262 = arith.constant 8 : i32
      %mul3A_263 = arith.muli %scan3A_191, %mul3A_262 : i32
      %add3A_264 = arith.constant 3 : i32
      %add3A_265 = arith.addi %mul3A_263, %add3A_264 : i32
      %mul3A_266 = arith.constant 16 : i32
      %mul3A_267 = arith.muli %add3A_265, %mul3A_266 : i32
      %get3A_268 = arith.index_cast %mul3A_267 : i32 to index
      %get3A_269 = tpu.vector_load %arg9[%get3A_268] {strides = array<i32>} : memref<6272xi32, #tpu.memory_space<vmem>>, vector<16xi32>,
      %shift_right_arithmetic3A_270 = arith.constant 24 : i32
      %shift_right_arithmetic3A_271 = vector.broadcast %shift_right_arithmetic3A_270 : i32 to vector<16xi32>
      %shift_right_arithmetic3A_272 = arith.shrsi %get3A_269, %shift_right_arithmetic3A_271 : vector<16xi32>
      %and3A_273 = arith.constant 255 : i32
      %and3A_274 = vector.broadcast %and3A_273 : i32 to vector<16xi32>
      %and3A_275 = arith.andi %shift_right_arithmetic3A_272, %and3A_274 : vector<16xi32>
      %broadcast_in_dim3A_276 = arith.constant true
      %broadcast_in_dim3A_277 = vector.broadcast %broadcast_in_dim3A_276 : i1 to vector<16xi1>
      %unique3A_278, %unique3A_279 = tpu.scan_count mask(%broadcast_in_dim3A_277 : vector<16xi1>) value(%and3A_275 : vector<16xi32>) : vector<16xi1>, vector<16xi32>
      %gather3A_280 = tpu.vector_load_idx %arg12[%and3A_275] : memref<256xi32, #tpu.memory_space<vmem>>[vector<16xi32>], vector<16xi32>,
      %add3A_281 = arith.addi %gather3A_280, %unique3A_279 : vector<16xi32>
      %shift_left3A_282 = arith.constant 8 : i32
      %shift_left3A_283 = vector.broadcast %shift_left3A_282 : i32 to vector<16xi32>
      %shift_left3A_284 = arith.shli %add3A_281, %shift_left3A_283 : vector<16xi32>
      %or3A_285 = arith.ori %and3A_275, %shift_left3A_284 : vector<16xi32>
      %swap3A_286 = arith.index_cast %mul3A_267 : i32 to index
      %swap3A_287 = tpu.vector_load %arg15[%swap3A_286] {strides = array<i32>} : memref<6272xi32, #tpu.memory_space<vmem>>, vector<16xi32>,
      tpu.vector_store %arg15[%swap3A_286], %or3A_285 {strides = array<i32>} : memref<6272xi32, #tpu.memory_space<vmem>>, vector<16xi32>,
      tpu.vector_store_idx %arg12[%and3A_275], %unique3A_279 masked %unique3A_278 {add = true} : memref<256xi32, #tpu.memory_space<vmem>>[vector<16xi32>], vector<16xi32>, vector<16xi1>
      %mul3A_288 = arith.constant 8 : i32
      %mul3A_289 = arith.muli %scan3A_191, %mul3A_288 : i32
      %add3A_290 = arith.constant 4 : i32
      %add3A_291 = arith.addi %mul3A_289, %add3A_290 : i32
      %mul3A_292 = arith.constant 16 : i32
      %mul3A_293 = arith.muli %add3A_291, %mul3A_292 : i32
      %get3A_294 = arith.index_cast %mul3A_293 : i32 to index
      %get3A_295 = tpu.vector_load %arg9[%get3A_294] {strides = array<i32>} : memref<6272xi32, #tpu.memory_space<vmem>>, vector<16xi32>,
      %shift_right_arithmetic3A_296 = arith.constant 24 : i32
      %shift_right_arithmetic3A_297 = vector.broadcast %shift_right_arithmetic3A_296 : i32 to vector<16xi32>
      %shift_right_arithmetic3A_298 = arith.shrsi %get3A_295, %shift_right_arithmetic3A_297 : vector<16xi32>
      %and3A_299 = arith.constant 255 : i32
      %and3A_300 = vector.broadcast %and3A_299 : i32 to vector<16xi32>
      %and3A_301 = arith.andi %shift_right_arithmetic3A_298, %and3A_300 : vector<16xi32>
      %broadcast_in_dim3A_302 = arith.constant true
      %broadcast_in_dim3A_303 = vector.broadcast %broadcast_in_dim3A_302 : i1 to vector<16xi1>
      %unique3A_304, %unique3A_305 = tpu.scan_count mask(%broadcast_in_dim3A_303 : vector<16xi1>) value(%and3A_301 : vector<16xi32>) : vector<16xi1>, vector<16xi32>
      %gather3A_306 = tpu.vector_load_idx %arg12[%and3A_301] : memref<256xi32, #tpu.memory_space<vmem>>[vector<16xi32>], vector<16xi32>,
      %add3A_307 = arith.addi %gather3A_306, %unique3A_305 : vector<16xi32>
      %shift_left3A_308 = arith.constant 8 : i32
      %shift_left3A_309 = vector.broadcast %shift_left3A_308 : i32 to vector<16xi32>
      %shift_left3A_310 = arith.shli %add3A_307, %shift_left3A_309 : vector<16xi32>
      %or3A_311 = arith.ori %and3A_301, %shift_left3A_310 : vector<16xi32>
      %swap3A_312 = arith.index_cast %mul3A_293 : i32 to index
      %swap3A_313 = tpu.vector_load %arg15[%swap3A_312] {strides = array<i32>} : memref<6272xi32, #tpu.memory_space<vmem>>, vector<16xi32>,
      tpu.vector_store %arg15[%swap3A_312], %or3A_311 {strides = array<i32>} : memref<6272xi32, #tpu.memory_space<vmem>>, vector<16xi32>,
      tpu.vector_store_idx %arg12[%and3A_301], %unique3A_305 masked %unique3A_304 {add = true} : memref<256xi32, #tpu.memory_space<vmem>>[vector<16xi32>], vector<16xi32>, vector<16xi1>
      %mul3A_314 = arith.constant 8 : i32
      %mul3A_315 = arith.muli %scan3A_191, %mul3A_314 : i32
      %add3A_316 = arith.constant 5 : i32
      %add3A_317 = arith.addi %mul3A_315, %add3A_316 : i32
      %mul3A_318 = arith.constant 16 : i32
      %mul3A_319 = arith.muli %add3A_317, %mul3A_318 : i32
      %get3A_320 = arith.index_cast %mul3A_319 : i32 to index
      %get3A_321 = tpu.vector_load %arg9[%get3A_320] {strides = array<i32>} : memref<6272xi32, #tpu.memory_space<vmem>>, vector<16xi32>,
      %shift_right_arithmetic3A_322 = arith.constant 24 : i32
      %shift_right_arithmetic3A_323 = vector.broadcast %shift_right_arithmetic3A_322 : i32 to vector<16xi32>
      %shift_right_arithmetic3A_324 = arith.shrsi %get3A_321, %shift_right_arithmetic3A_323 : vector<16xi32>
      %and3A_325 = arith.constant 255 : i32
      %and3A_326 = vector.broadcast %and3A_325 : i32 to vector<16xi32>
      %and3A_327 = arith.andi %shift_right_arithmetic3A_324, %and3A_326 : vector<16xi32>
      %broadcast_in_dim3A_328 = arith.constant true
      %broadcast_in_dim3A_329 = vector.broadcast %broadcast_in_dim3A_328 : i1 to vector<16xi1>
      %unique3A_330, %unique3A_331 = tpu.scan_count mask(%broadcast_in_dim3A_329 : vector<16xi1>) value(%and3A_327 : vector<16xi32>) : vector<16xi1>, vector<16xi32>
      %gather3A_332 = tpu.vector_load_idx %arg12[%and3A_327] : memref<256xi32, #tpu.memory_space<vmem>>[vector<16xi32>], vector<16xi32>,
      %add3A_333 = arith.addi %gather3A_332, %unique3A_331 : vector<16xi32>
      %shift_left3A_334 = arith.constant 8 : i32
      %shift_left3A_335 = vector.broadcast %shift_left3A_334 : i32 to vector<16xi32>
      %shift_left3A_336 = arith.shli %add3A_333, %shift_left3A_335 : vector<16xi32>
      %or3A_337 = arith.ori %and3A_327, %shift_left3A_336 : vector<16xi32>
      %swap3A_338 = arith.index_cast %mul3A_319 : i32 to index
      %swap3A_339 = tpu.vector_load %arg15[%swap3A_338] {strides = array<i32>} : memref<6272xi32, #tpu.memory_space<vmem>>, vector<16xi32>,
      tpu.vector_store %arg15[%swap3A_338], %or3A_337 {strides = array<i32>} : memref<6272xi32, #tpu.memory_space<vmem>>, vector<16xi32>,
      tpu.vector_store_idx %arg12[%and3A_327], %unique3A_331 masked %unique3A_330 {add = true} : memref<256xi32, #tpu.memory_space<vmem>>[vector<16xi32>], vector<16xi32>, vector<16xi1>
      %mul3A_340 = arith.constant 8 : i32
      %mul3A_341 = arith.muli %scan3A_191, %mul3A_340 : i32
      %add3A_342 = arith.constant 6 : i32
      %add3A_343 = arith.addi %mul3A_341, %add3A_342 : i32
      %mul3A_344 = arith.constant 16 : i32
      %mul3A_345 = arith.muli %add3A_343, %mul3A_344 : i32
      %get3A_346 = arith.index_cast %mul3A_345 : i32 to index
      %get3A_347 = tpu.vector_load %arg9[%get3A_346] {strides = array<i32>} : memref<6272xi32, #tpu.memory_space<vmem>>, vector<16xi32>,
      %shift_right_arithmetic3A_348 = arith.constant 24 : i32
      %shift_right_arithmetic3A_349 = vector.broadcast %shift_right_arithmetic3A_348 : i32 to vector<16xi32>
      %shift_right_arithmetic3A_350 = arith.shrsi %get3A_347, %shift_right_arithmetic3A_349 : vector<16xi32>
      %and3A_351 = arith.constant 255 : i32
      %and3A_352 = vector.broadcast %and3A_351 : i32 to vector<16xi32>
      %and3A_353 = arith.andi %shift_right_arithmetic3A_350, %and3A_352 : vector<16xi32>
      %broadcast_in_dim3A_354 = arith.constant true
      %broadcast_in_dim3A_355 = vector.broadcast %broadcast_in_dim3A_354 : i1 to vector<16xi1>
      %unique3A_356, %unique3A_357 = tpu.scan_count mask(%broadcast_in_dim3A_355 : vector<16xi1>) value(%and3A_353 : vector<16xi32>) : vector<16xi1>, vector<16xi32>
      %gather3A_358 = tpu.vector_load_idx %arg12[%and3A_353] : memref<256xi32, #tpu.memory_space<vmem>>[vector<16xi32>], vector<16xi32>,
      %add3A_359 = arith.addi %gather3A_358, %unique3A_357 : vector<16xi32>
      %shift_left3A_360 = arith.constant 8 : i32
      %shift_left3A_361 = vector.broadcast %shift_left3A_360 : i32 to vector<16xi32>
      %shift_left3A_362 = arith.shli %add3A_359, %shift_left3A_361 : vector<16xi32>
      %or3A_363 = arith.ori %and3A_353, %shift_left3A_362 : vector<16xi32>
      %swap3A_364 = arith.index_cast %mul3A_345 : i32 to index
      %swap3A_365 = tpu.vector_load %arg15[%swap3A_364] {strides = array<i32>} : memref<6272xi32, #tpu.memory_space<vmem>>, vector<16xi32>,
      tpu.vector_store %arg15[%swap3A_364], %or3A_363 {strides = array<i32>} : memref<6272xi32, #tpu.memory_space<vmem>>, vector<16xi32>,
      tpu.vector_store_idx %arg12[%and3A_353], %unique3A_357 masked %unique3A_356 {add = true} : memref<256xi32, #tpu.memory_space<vmem>>[vector<16xi32>], vector<16xi32>, vector<16xi1>
      %mul3A_366 = arith.constant 8 : i32
      %mul3A_367 = arith.muli %scan3A_191, %mul3A_366 : i32
      %add3A_368 = arith.constant 7 : i32
      %add3A_369 = arith.addi %mul3A_367, %add3A_368 : i32
      %mul3A_370 = arith.constant 16 : i32
      %mul3A_371 = arith.muli %add3A_369, %mul3A_370 : i32
      %get3A_372 = arith.index_cast %mul3A_371 : i32 to index
      %get3A_373 = tpu.vector_load %arg9[%get3A_372] {strides = array<i32>} : memref<6272xi32, #tpu.memory_space<vmem>>, vector<16xi32>,
      %shift_right_arithmetic3A_374 = arith.constant 24 : i32
      %shift_right_arithmetic3A_375 = vector.broadcast %shift_right_arithmetic3A_374 : i32 to vector<16xi32>
      %shift_right_arithmetic3A_376 = arith.shrsi %get3A_373, %shift_right_arithmetic3A_375 : vector<16xi32>
      %and3A_377 = arith.constant 255 : i32
      %and3A_378 = vector.broadcast %and3A_377 : i32 to vector<16xi32>
      %and3A_379 = arith.andi %shift_right_arithmetic3A_376, %and3A_378 : vector<16xi32>
      %broadcast_in_dim3A_380 = arith.constant true
      %broadcast_in_dim3A_381 = vector.broadcast %broadcast_in_dim3A_380 : i1 to vector<16xi1>
      %unique3A_382, %unique3A_383 = tpu.scan_count mask(%broadcast_in_dim3A_381 : vector<16xi1>) value(%and3A_379 : vector<16xi32>) : vector<16xi1>, vector<16xi32>
      %gather3A_384 = tpu.vector_load_idx %arg12[%and3A_379] : memref<256xi32, #tpu.memory_space<vmem>>[vector<16xi32>], vector<16xi32>,
      %add3A_385 = arith.addi %gather3A_384, %unique3A_383 : vector<16xi32>
      %shift_left3A_386 = arith.constant 8 : i32
      %shift_left3A_387 = vector.broadcast %shift_left3A_386 : i32 to vector<16xi32>
      %shift_left3A_388 = arith.shli %add3A_385, %shift_left3A_387 : vector<16xi32>
      %or3A_389 = arith.ori %and3A_379, %shift_left3A_388 : vector<16xi32>
      %swap3A_390 = arith.index_cast %mul3A_371 : i32 to index
      %swap3A_391 = tpu.vector_load %arg15[%swap3A_390] {strides = array<i32>} : memref<6272xi32, #tpu.memory_space<vmem>>, vector<16xi32>,
      tpu.vector_store %arg15[%swap3A_390], %or3A_389 {strides = array<i32>} : memref<6272xi32, #tpu.memory_space<vmem>>, vector<16xi32>,
      tpu.vector_store_idx %arg12[%and3A_379], %unique3A_383 masked %unique3A_382 {add = true} : memref<256xi32, #tpu.memory_space<vmem>>[vector<16xi32>], vector<16xi32>, vector<16xi1>
      %scan3A_392 = arith.constant 0 : i32
      scf.yield %scan3A_392 : i32
    }
    %scan3A_160 = arith.constant 49 : i32
    %mul3A_161 = arith.constant 256 : i32
    %mul3A_162 = arith.muli %arg1, %mul3A_161 : i32
    "tpu.region"() ({
      %run_scoped3A = tpu.sem_alloc : memref<!tpu.dma_semaphore, #tpu.memory_space<semaphore_mem>>
      %dma_start3A_191 = tpu.memref_slice %arg8[%mul3A_162] : memref<4096xi32, #tpu.memory_space<vmem_shared>> -> memref<256xi32, #tpu.memory_space<vmem_shared>>
      %dma_start3A_192 = tpu.memref_slice %arg8[%mul3A_162] : memref<4096xi32, #tpu.memory_space<vmem_shared>> -> memref<256xi32, #tpu.memory_space<vmem_shared>>
      tpu.enqueue_dma source(%arg12 : memref<256xi32, #tpu.memory_space<vmem>>) target(%dma_start3A_192 : memref<256xi32, #tpu.memory_space<vmem_shared>>) target_semaphore(%run_scoped3A : memref<!tpu.dma_semaphore, #tpu.memory_space<semaphore_mem>>)
      %dma_wait3A_193 = tpu.memref_slice %arg8[%mul3A_162] : memref<4096xi32, #tpu.memory_space<vmem_shared>> -> memref<256xi32, #tpu.memory_space<vmem_shared>>
      %dma_wait3A_194 = tpu.memref_slice %arg8[%mul3A_162] : memref<4096xi32, #tpu.memory_space<vmem_shared>> -> memref<256xi32, #tpu.memory_space<vmem_shared>>
      tpu.wait_dma2 semaphore(%run_scoped3A : memref<!tpu.dma_semaphore, #tpu.memory_space<semaphore_mem>>) src(%arg12 : memref<256xi32, #tpu.memory_space<vmem>>) dst(%dma_wait3A_194 : memref<256xi32, #tpu.memory_space<vmem_shared>>)
      tpu.yield
    }) : () -> ()
    %barrier3A_163 = arith.constant 0 : index
    tpu.barrier barrier_id(%barrier3A_163)
    "tpu.region"() ({
      %run_scoped3A = tpu.sem_alloc : memref<!tpu.dma_semaphore, #tpu.memory_space<semaphore_mem>>
      tpu.enqueue_dma source(%arg8 : memref<4096xi32, #tpu.memory_space<vmem_shared>>) target(%arg11 : memref<4096xi32, #tpu.memory_space<vmem>>) target_semaphore(%run_scoped3A : memref<!tpu.dma_semaphore, #tpu.memory_space<semaphore_mem>>)
      tpu.wait_dma2 semaphore(%run_scoped3A : memref<!tpu.dma_semaphore, #tpu.memory_space<semaphore_mem>>) src(%arg8 : memref<4096xi32, #tpu.memory_space<vmem_shared>>) dst(%arg11 : memref<4096xi32, #tpu.memory_space<vmem>>)
      tpu.yield
    }) : () -> ()
    %scan3A_164 = arith.constant 0 : i32
    %scan3A_165 = arith.constant 0 : i32
    %scan3A_166 = arith.constant 16 : i32
    %scan3A_167 = arith.addi %scan3A_165, %scan3A_166 : i32
    %scan3A_168 = arith.constant 1 : i32
    %scan3A_169 = scf.for %scan3A_191 = %scan3A_165 to %scan3A_167 step %scan3A_168 iter_args(%scan3A_192 = %scan3A_164) -> (i32)  : i32 {
      %mul3A_193 = arith.constant 16 : i32
      %mul3A_194 = arith.muli %scan3A_191, %mul3A_193 : i32
      %add3A = vector.broadcast %mul3A_194 : i32 to vector<16xi32>
      %add3A_195 = arith.addi %add3A, %iota3A : vector<16xi32>
      %scan3A_196 = arith.constant 0 : i32
      %scan3A_197 = arith.constant 16 : i32
      %scan3A_198 = arith.addi %scan3A_196, %scan3A_197 : i32
      %scan3A_199 = arith.constant 1 : i32
      %scan3A_200:2 = scf.for %scan3A_217 = %scan3A_196 to %scan3A_198 step %scan3A_199 iter_args(%scan3A_218 = %broadcast_in_dim3A_0, %scan3A_219 = %broadcast_in_dim3A_0) -> (vector<16xi32>, vector<16xi32>)  : i32 {
        %mul3A_220 = arith.constant 256 : i32
        %mul3A_221 = arith.muli %scan3A_217, %mul3A_220 : i32
        %add3A_222 = vector.broadcast %mul3A_221 : i32 to vector<16xi32>
        %add3A_223 = arith.addi %add3A_222, %add3A_195 : vector<16xi32>
        %gather3A = tpu.vector_load_idx %arg11[%add3A_223] : memref<4096xi32, #tpu.memory_space<vmem>>[vector<16xi32>], vector<16xi32>,
        %add3A_224 = arith.addi %scan3A_218, %gather3A : vector<16xi32>
        %lt3A_225 = arith.cmpi slt, %scan3A_217, %arg1 : i32
        %jit3A = arith.constant 0 : i32
        %broadcast_in_dim3A_226 = vector.broadcast %jit3A : i32 to vector<16xi32>
        %select_n3A = arith.select %lt3A_225, %gather3A, %broadcast_in_dim3A_226 : vector<16xi32>
        %add3A_227 = arith.addi %scan3A_219, %select_n3A : vector<16xi32>
        scf.yield %add3A_224, %add3A_227 : vector<16xi32>, vector<16xi32>
      }
      %scan3A_201 = arith.constant 16 : i32
      %broadcast_in_dim3A_202 = arith.constant true
      %broadcast_in_dim3A_203 = vector.broadcast %broadcast_in_dim3A_202 : i1 to vector<16xi1>
      %masked_cumsum3A = tpu.scan <sum>, %scan3A_200#0 masked %broadcast_in_dim3A_203 : vector<16xi32>, vector<16xi1> -> vector<16xi32>
      %sub3A = arith.subi %masked_cumsum3A, %scan3A_200#0 : vector<16xi32>
      %add3A_204 = vector.broadcast %scan3A_192 : i32 to vector<16xi32>
      %add3A_205 = arith.addi %sub3A, %add3A_204 : vector<16xi32>
      %add3A_206 = arith.addi %add3A_205, %scan3A_200#1 : vector<16xi32>
      %sub3A_207 = arith.constant 1 : i32
      %sub3A_208 = vector.broadcast %sub3A_207 : i32 to vector<16xi32>
      %sub3A_209 = arith.subi %add3A_206, %sub3A_208 : vector<16xi32>
      %mul3A_210 = arith.constant 16 : i32
      %mul3A_211 = arith.muli %scan3A_191, %mul3A_210 : i32
      %swap3A = arith.index_cast %mul3A_211 : i32 to index
      %swap3A_212 = tpu.vector_load %arg13[%swap3A] {strides = array<i32>} : memref<256xi32, #tpu.memory_space<vmem>>, vector<16xi32>,
      tpu.vector_store %arg13[%swap3A], %sub3A_209 {strides = array<i32>} : memref<256xi32, #tpu.memory_space<vmem>>, vector<16xi32>,
      %reduce_sum3A = arith.constant true
      %reduce_sum3A_213 = vector.broadcast %reduce_sum3A : i1 to vector<16xi1>
      %reduce_sum3A_214 = tpu.scan <sum>, %scan3A_200#0 masked %reduce_sum3A_213 : vector<16xi32>, vector<16xi1> -> vector<16xi32>
      %reduce_sum3A_215 = vector.extract %reduce_sum3A_214[15] : i32 from vector<16xi32>
      %add3A_216 = arith.addi %scan3A_192, %reduce_sum3A_215 : i32
      scf.yield %add3A_216 : i32
    }
    %scan3A_170 = arith.constant 16 : i32
    %scan3A_171 = arith.constant 0 : i32
    %scan3A_172 = arith.constant 0 : i32
    %scan3A_173 = arith.constant 49 : i32
    %scan3A_174 = arith.addi %scan3A_172, %scan3A_173 : i32
    %scan3A_175 = arith.constant 1 : i32
    %scan3A_176 = scf.for %scan3A_191 = %scan3A_172 to %scan3A_174 step %scan3A_175 iter_args(%scan3A_192 = %scan3A_171) -> (i32)  : i32 {
      %mul3A_193 = arith.constant 8 : i32
      %mul3A_194 = arith.muli %scan3A_191, %mul3A_193 : i32
      %add3A = arith.constant 0 : i32
      %add3A_195 = arith.addi %mul3A_194, %add3A : i32
      %mul3A_196 = arith.constant 16 : i32
      %mul3A_197 = arith.muli %add3A_195, %mul3A_196 : i32
      %get3A = arith.index_cast %mul3A_197 : i32 to index
      %get3A_198 = tpu.vector_load %arg15[%get3A] {strides = array<i32>} : memref<6272xi32, #tpu.memory_space<vmem>>, vector<16xi32>,
      %and3A = arith.constant 255 : i32
      %and3A_199 = vector.broadcast %and3A : i32 to vector<16xi32>
      %and3A_200 = arith.andi %get3A_198, %and3A_199 : vector<16xi32>
      %gather3A = tpu.vector_load_idx %arg13[%and3A_200] : memref<256xi32, #tpu.memory_space<vmem>>[vector<16xi32>], vector<16xi32>,
      %shift_right_arithmetic3A = arith.constant 8 : i32
      %shift_right_arithmetic3A_201 = vector.broadcast %shift_right_arithmetic3A : i32 to vector<16xi32>
      %shift_right_arithmetic3A_202 = arith.shrsi %get3A_198, %shift_right_arithmetic3A_201 : vector<16xi32>
      %add3A_203 = arith.addi %gather3A, %shift_right_arithmetic3A_202 : vector<16xi32>
      %swap3A = arith.index_cast %mul3A_197 : i32 to index
      %swap3A_204 = tpu.vector_load %arg14[%swap3A] {strides = array<i32>} : memref<6272xi32, #tpu.memory_space<vmem>>, vector<16xi32>,
      tpu.vector_store %arg14[%swap3A], %add3A_203 {strides = array<i32>} : memref<6272xi32, #tpu.memory_space<vmem>>, vector<16xi32>,
      %mul3A_205 = arith.constant 8 : i32
      %mul3A_206 = arith.muli %scan3A_191, %mul3A_205 : i32
      %add3A_207 = arith.constant 1 : i32
      %add3A_208 = arith.addi %mul3A_206, %add3A_207 : i32
      %mul3A_209 = arith.constant 16 : i32
      %mul3A_210 = arith.muli %add3A_208, %mul3A_209 : i32
      %get3A_211 = arith.index_cast %mul3A_210 : i32 to index
      %get3A_212 = tpu.vector_load %arg15[%get3A_211] {strides = array<i32>} : memref<6272xi32, #tpu.memory_space<vmem>>, vector<16xi32>,
      %and3A_213 = arith.constant 255 : i32
      %and3A_214 = vector.broadcast %and3A_213 : i32 to vector<16xi32>
      %and3A_215 = arith.andi %get3A_212, %and3A_214 : vector<16xi32>
      %gather3A_216 = tpu.vector_load_idx %arg13[%and3A_215] : memref<256xi32, #tpu.memory_space<vmem>>[vector<16xi32>], vector<16xi32>,
      %shift_right_arithmetic3A_217 = arith.constant 8 : i32
      %shift_right_arithmetic3A_218 = vector.broadcast %shift_right_arithmetic3A_217 : i32 to vector<16xi32>
      %shift_right_arithmetic3A_219 = arith.shrsi %get3A_212, %shift_right_arithmetic3A_218 : vector<16xi32>
      %add3A_220 = arith.addi %gather3A_216, %shift_right_arithmetic3A_219 : vector<16xi32>
      %swap3A_221 = arith.index_cast %mul3A_210 : i32 to index
      %swap3A_222 = tpu.vector_load %arg14[%swap3A_221] {strides = array<i32>} : memref<6272xi32, #tpu.memory_space<vmem>>, vector<16xi32>,
      tpu.vector_store %arg14[%swap3A_221], %add3A_220 {strides = array<i32>} : memref<6272xi32, #tpu.memory_space<vmem>>, vector<16xi32>,
      %mul3A_223 = arith.constant 8 : i32
      %mul3A_224 = arith.muli %scan3A_191, %mul3A_223 : i32
      %add3A_225 = arith.constant 2 : i32
      %add3A_226 = arith.addi %mul3A_224, %add3A_225 : i32
      %mul3A_227 = arith.constant 16 : i32
      %mul3A_228 = arith.muli %add3A_226, %mul3A_227 : i32
      %get3A_229 = arith.index_cast %mul3A_228 : i32 to index
      %get3A_230 = tpu.vector_load %arg15[%get3A_229] {strides = array<i32>} : memref<6272xi32, #tpu.memory_space<vmem>>, vector<16xi32>,
      %and3A_231 = arith.constant 255 : i32
      %and3A_232 = vector.broadcast %and3A_231 : i32 to vector<16xi32>
      %and3A_233 = arith.andi %get3A_230, %and3A_232 : vector<16xi32>
      %gather3A_234 = tpu.vector_load_idx %arg13[%and3A_233] : memref<256xi32, #tpu.memory_space<vmem>>[vector<16xi32>], vector<16xi32>,
      %shift_right_arithmetic3A_235 = arith.constant 8 : i32
      %shift_right_arithmetic3A_236 = vector.broadcast %shift_right_arithmetic3A_235 : i32 to vector<16xi32>
      %shift_right_arithmetic3A_237 = arith.shrsi %get3A_230, %shift_right_arithmetic3A_236 : vector<16xi32>
      %add3A_238 = arith.addi %gather3A_234, %shift_right_arithmetic3A_237 : vector<16xi32>
      %swap3A_239 = arith.index_cast %mul3A_228 : i32 to index
      %swap3A_240 = tpu.vector_load %arg14[%swap3A_239] {strides = array<i32>} : memref<6272xi32, #tpu.memory_space<vmem>>, vector<16xi32>,
      tpu.vector_store %arg14[%swap3A_239], %add3A_238 {strides = array<i32>} : memref<6272xi32, #tpu.memory_space<vmem>>, vector<16xi32>,
      %mul3A_241 = arith.constant 8 : i32
      %mul3A_242 = arith.muli %scan3A_191, %mul3A_241 : i32
      %add3A_243 = arith.constant 3 : i32
      %add3A_244 = arith.addi %mul3A_242, %add3A_243 : i32
      %mul3A_245 = arith.constant 16 : i32
      %mul3A_246 = arith.muli %add3A_244, %mul3A_245 : i32
      %get3A_247 = arith.index_cast %mul3A_246 : i32 to index
      %get3A_248 = tpu.vector_load %arg15[%get3A_247] {strides = array<i32>} : memref<6272xi32, #tpu.memory_space<vmem>>, vector<16xi32>,
      %and3A_249 = arith.constant 255 : i32
      %and3A_250 = vector.broadcast %and3A_249 : i32 to vector<16xi32>
      %and3A_251 = arith.andi %get3A_248, %and3A_250 : vector<16xi32>
      %gather3A_252 = tpu.vector_load_idx %arg13[%and3A_251] : memref<256xi32, #tpu.memory_space<vmem>>[vector<16xi32>], vector<16xi32>,
      %shift_right_arithmetic3A_253 = arith.constant 8 : i32
      %shift_right_arithmetic3A_254 = vector.broadcast %shift_right_arithmetic3A_253 : i32 to vector<16xi32>
      %shift_right_arithmetic3A_255 = arith.shrsi %get3A_248, %shift_right_arithmetic3A_254 : vector<16xi32>
      %add3A_256 = arith.addi %gather3A_252, %shift_right_arithmetic3A_255 : vector<16xi32>
      %swap3A_257 = arith.index_cast %mul3A_246 : i32 to index
      %swap3A_258 = tpu.vector_load %arg14[%swap3A_257] {strides = array<i32>} : memref<6272xi32, #tpu.memory_space<vmem>>, vector<16xi32>,
      tpu.vector_store %arg14[%swap3A_257], %add3A_256 {strides = array<i32>} : memref<6272xi32, #tpu.memory_space<vmem>>, vector<16xi32>,
      %mul3A_259 = arith.constant 8 : i32
      %mul3A_260 = arith.muli %scan3A_191, %mul3A_259 : i32
      %add3A_261 = arith.constant 4 : i32
      %add3A_262 = arith.addi %mul3A_260, %add3A_261 : i32
      %mul3A_263 = arith.constant 16 : i32
      %mul3A_264 = arith.muli %add3A_262, %mul3A_263 : i32
      %get3A_265 = arith.index_cast %mul3A_264 : i32 to index
      %get3A_266 = tpu.vector_load %arg15[%get3A_265] {strides = array<i32>} : memref<6272xi32, #tpu.memory_space<vmem>>, vector<16xi32>,
      %and3A_267 = arith.constant 255 : i32
      %and3A_268 = vector.broadcast %and3A_267 : i32 to vector<16xi32>
      %and3A_269 = arith.andi %get3A_266, %and3A_268 : vector<16xi32>
      %gather3A_270 = tpu.vector_load_idx %arg13[%and3A_269] : memref<256xi32, #tpu.memory_space<vmem>>[vector<16xi32>], vector<16xi32>,
      %shift_right_arithmetic3A_271 = arith.constant 8 : i32
      %shift_right_arithmetic3A_272 = vector.broadcast %shift_right_arithmetic3A_271 : i32 to vector<16xi32>
      %shift_right_arithmetic3A_273 = arith.shrsi %get3A_266, %shift_right_arithmetic3A_272 : vector<16xi32>
      %add3A_274 = arith.addi %gather3A_270, %shift_right_arithmetic3A_273 : vector<16xi32>
      %swap3A_275 = arith.index_cast %mul3A_264 : i32 to index
      %swap3A_276 = tpu.vector_load %arg14[%swap3A_275] {strides = array<i32>} : memref<6272xi32, #tpu.memory_space<vmem>>, vector<16xi32>,
      tpu.vector_store %arg14[%swap3A_275], %add3A_274 {strides = array<i32>} : memref<6272xi32, #tpu.memory_space<vmem>>, vector<16xi32>,
      %mul3A_277 = arith.constant 8 : i32
      %mul3A_278 = arith.muli %scan3A_191, %mul3A_277 : i32
      %add3A_279 = arith.constant 5 : i32
      %add3A_280 = arith.addi %mul3A_278, %add3A_279 : i32
      %mul3A_281 = arith.constant 16 : i32
      %mul3A_282 = arith.muli %add3A_280, %mul3A_281 : i32
      %get3A_283 = arith.index_cast %mul3A_282 : i32 to index
      %get3A_284 = tpu.vector_load %arg15[%get3A_283] {strides = array<i32>} : memref<6272xi32, #tpu.memory_space<vmem>>, vector<16xi32>,
      %and3A_285 = arith.constant 255 : i32
      %and3A_286 = vector.broadcast %and3A_285 : i32 to vector<16xi32>
      %and3A_287 = arith.andi %get3A_284, %and3A_286 : vector<16xi32>
      %gather3A_288 = tpu.vector_load_idx %arg13[%and3A_287] : memref<256xi32, #tpu.memory_space<vmem>>[vector<16xi32>], vector<16xi32>,
      %shift_right_arithmetic3A_289 = arith.constant 8 : i32
      %shift_right_arithmetic3A_290 = vector.broadcast %shift_right_arithmetic3A_289 : i32 to vector<16xi32>
      %shift_right_arithmetic3A_291 = arith.shrsi %get3A_284, %shift_right_arithmetic3A_290 : vector<16xi32>
      %add3A_292 = arith.addi %gather3A_288, %shift_right_arithmetic3A_291 : vector<16xi32>
      %swap3A_293 = arith.index_cast %mul3A_282 : i32 to index
      %swap3A_294 = tpu.vector_load %arg14[%swap3A_293] {strides = array<i32>} : memref<6272xi32, #tpu.memory_space<vmem>>, vector<16xi32>,
      tpu.vector_store %arg14[%swap3A_293], %add3A_292 {strides = array<i32>} : memref<6272xi32, #tpu.memory_space<vmem>>, vector<16xi32>,
      %mul3A_295 = arith.constant 8 : i32
      %mul3A_296 = arith.muli %scan3A_191, %mul3A_295 : i32
      %add3A_297 = arith.constant 6 : i32
      %add3A_298 = arith.addi %mul3A_296, %add3A_297 : i32
      %mul3A_299 = arith.constant 16 : i32
      %mul3A_300 = arith.muli %add3A_298, %mul3A_299 : i32
      %get3A_301 = arith.index_cast %mul3A_300 : i32 to index
      %get3A_302 = tpu.vector_load %arg15[%get3A_301] {strides = array<i32>} : memref<6272xi32, #tpu.memory_space<vmem>>, vector<16xi32>,
      %and3A_303 = arith.constant 255 : i32
      %and3A_304 = vector.broadcast %and3A_303 : i32 to vector<16xi32>
      %and3A_305 = arith.andi %get3A_302, %and3A_304 : vector<16xi32>
      %gather3A_306 = tpu.vector_load_idx %arg13[%and3A_305] : memref<256xi32, #tpu.memory_space<vmem>>[vector<16xi32>], vector<16xi32>,
      %shift_right_arithmetic3A_307 = arith.constant 8 : i32
      %shift_right_arithmetic3A_308 = vector.broadcast %shift_right_arithmetic3A_307 : i32 to vector<16xi32>
      %shift_right_arithmetic3A_309 = arith.shrsi %get3A_302, %shift_right_arithmetic3A_308 : vector<16xi32>
      %add3A_310 = arith.addi %gather3A_306, %shift_right_arithmetic3A_309 : vector<16xi32>
      %swap3A_311 = arith.index_cast %mul3A_300 : i32 to index
      %swap3A_312 = tpu.vector_load %arg14[%swap3A_311] {strides = array<i32>} : memref<6272xi32, #tpu.memory_space<vmem>>, vector<16xi32>,
      tpu.vector_store %arg14[%swap3A_311], %add3A_310 {strides = array<i32>} : memref<6272xi32, #tpu.memory_space<vmem>>, vector<16xi32>,
      %mul3A_313 = arith.constant 8 : i32
      %mul3A_314 = arith.muli %scan3A_191, %mul3A_313 : i32
      %add3A_315 = arith.constant 7 : i32
      %add3A_316 = arith.addi %mul3A_314, %add3A_315 : i32
      %mul3A_317 = arith.constant 16 : i32
      %mul3A_318 = arith.muli %add3A_316, %mul3A_317 : i32
      %get3A_319 = arith.index_cast %mul3A_318 : i32 to index
      %get3A_320 = tpu.vector_load %arg15[%get3A_319] {strides = array<i32>} : memref<6272xi32, #tpu.memory_space<vmem>>, vector<16xi32>,
      %and3A_321 = arith.constant 255 : i32
      %and3A_322 = vector.broadcast %and3A_321 : i32 to vector<16xi32>
      %and3A_323 = arith.andi %get3A_320, %and3A_322 : vector<16xi32>
      %gather3A_324 = tpu.vector_load_idx %arg13[%and3A_323] : memref<256xi32, #tpu.memory_space<vmem>>[vector<16xi32>], vector<16xi32>,
      %shift_right_arithmetic3A_325 = arith.constant 8 : i32
      %shift_right_arithmetic3A_326 = vector.broadcast %shift_right_arithmetic3A_325 : i32 to vector<16xi32>
      %shift_right_arithmetic3A_327 = arith.shrsi %get3A_320, %shift_right_arithmetic3A_326 : vector<16xi32>
      %add3A_328 = arith.addi %gather3A_324, %shift_right_arithmetic3A_327 : vector<16xi32>
      %swap3A_329 = arith.index_cast %mul3A_318 : i32 to index
      %swap3A_330 = tpu.vector_load %arg14[%swap3A_329] {strides = array<i32>} : memref<6272xi32, #tpu.memory_space<vmem>>, vector<16xi32>,
      tpu.vector_store %arg14[%swap3A_329], %add3A_328 {strides = array<i32>} : memref<6272xi32, #tpu.memory_space<vmem>>, vector<16xi32>,
      %scan3A_331 = arith.constant 0 : i32
      scf.yield %scan3A_331 : i32
    }
    %scan3A_177 = arith.constant 49 : i32
    %dma_wait3A_178 = tpu.memref_slice %arg5[%mul3A_144] : memref<100352xi32, #tpu.memory_space<vmem_shared>> -> memref<6272xi32, #tpu.memory_space<vmem_shared>>
    %dma_wait3A_179 = tpu.memref_slice %arg5[%mul3A_144] : memref<100352xi32, #tpu.memory_space<vmem_shared>> -> memref<6272xi32, #tpu.memory_space<vmem_shared>>
    tpu.wait_dma2 semaphore(%arg17 : memref<!tpu.dma_semaphore, #tpu.memory_space<semaphore_mem>>) src(%dma_wait3A_179 : memref<6272xi32, #tpu.memory_space<vmem_shared>>) dst(%arg10 : memref<6272xi32, #tpu.memory_space<vmem>>)
    %dma_start3A_180 = arith.constant 0 : i32
    %dma_start3A_181 = tpu.memref_slice %arg7[%dma_start3A_180] : memref<100352xi32, #tpu.memory_space<vmem_shared>> -> memref<100352xi32, #tpu.memory_space<vmem_shared>>
    tpu.enqueue_indirect_dma source(%arg10 : memref<6272xi32, #tpu.memory_space<vmem>>) target(%dma_start3A_181 : memref<100352xi32, #tpu.memory_space<vmem_shared>>) offsets(%arg14 : memref<6272xi32, #tpu.memory_space<vmem>>) semaphore(%arg16 : memref<!tpu.dma_semaphore, #tpu.memory_space<semaphore_mem>>)
    %dma_wait3A_182 = arith.constant 0 : i32
    %dma_wait3A_183 = tpu.memref_slice %arg7[%dma_wait3A_182] : memref<100352xi32, #tpu.memory_space<vmem_shared>> -> memref<100352xi32, #tpu.memory_space<vmem_shared>>
    tpu.wait_indirect_dma semaphore(%arg16 : memref<!tpu.dma_semaphore, #tpu.memory_space<semaphore_mem>>) src(%arg10 : memref<6272xi32, #tpu.memory_space<vmem>>) dst(%dma_wait3A_183 : memref<100352xi32, #tpu.memory_space<vmem_shared>>)
    %barrier3A_184 = arith.constant 0 : index
    tpu.barrier barrier_id(%barrier3A_184)
    %lt3A = arith.constant 15 : i32
    %lt3A_185 = arith.cmpi slt, %arg1, %lt3A : i32
    %convert_element_type3A = arith.extui %lt3A_185 : i1 to i32
    %cond3A = arith.constant 0 : i32
    %cond3A_186 = arith.cmpi ne, %convert_element_type3A, %cond3A : i32
    scf.if %cond3A_186 {
      %mul3A_191 = arith.constant 3200 : i32
      %mul3A_192 = arith.muli %arg1, %mul3A_191 : i32
      "tpu.region"() ({
        %run_scoped3A = tpu.sem_alloc : memref<!tpu.dma_semaphore, #tpu.memory_space<semaphore_mem>>
        %dma_start3A_195 = arith.constant 0 : i32
        %dma_start3A_196 = tpu.memref_slice %arg10[%dma_start3A_195] : memref<6272xi32, #tpu.memory_space<vmem>> -> memref<3200xi32, #tpu.memory_space<vmem>>
        %dma_start3A_197 = tpu.memref_slice %arg7[%mul3A_192] : memref<100352xi32, #tpu.memory_space<vmem_shared>> -> memref<3200xi32, #tpu.memory_space<vmem_shared>>
        %dma_start3A_198 = arith.constant 0 : i32
        %dma_start3A_199 = tpu.memref_slice %arg10[%dma_start3A_198] : memref<6272xi32, #tpu.memory_space<vmem>> -> memref<3200xi32, #tpu.memory_space<vmem>>
        %dma_start3A_200 = tpu.memref_slice %arg7[%mul3A_192] : memref<100352xi32, #tpu.memory_space<vmem_shared>> -> memref<3200xi32, #tpu.memory_space<vmem_shared>>
        tpu.enqueue_dma source(%dma_start3A_200 : memref<3200xi32, #tpu.memory_space<vmem_shared>>) target(%dma_start3A_199 : memref<3200xi32, #tpu.memory_space<vmem>>) target_semaphore(%run_scoped3A : memref<!tpu.dma_semaphore, #tpu.memory_space<semaphore_mem>>)
        %dma_wait3A_201 = arith.constant 0 : i32
        %dma_wait3A_202 = tpu.memref_slice %arg10[%dma_wait3A_201] : memref<6272xi32, #tpu.memory_space<vmem>> -> memref<3200xi32, #tpu.memory_space<vmem>>
        %dma_wait3A_203 = tpu.memref_slice %arg7[%mul3A_192] : memref<100352xi32, #tpu.memory_space<vmem_shared>> -> memref<3200xi32, #tpu.memory_space<vmem_shared>>
        %dma_wait3A_204 = arith.constant 0 : i32
        %dma_wait3A_205 = tpu.memref_slice %arg10[%dma_wait3A_204] : memref<6272xi32, #tpu.memory_space<vmem>> -> memref<3200xi32, #tpu.memory_space<vmem>>
        %dma_wait3A_206 = tpu.memref_slice %arg7[%mul3A_192] : memref<100352xi32, #tpu.memory_space<vmem_shared>> -> memref<3200xi32, #tpu.memory_space<vmem_shared>>
        tpu.wait_dma2 semaphore(%run_scoped3A : memref<!tpu.dma_semaphore, #tpu.memory_space<semaphore_mem>>) src(%dma_wait3A_206 : memref<3200xi32, #tpu.memory_space<vmem_shared>>) dst(%dma_wait3A_205 : memref<3200xi32, #tpu.memory_space<vmem>>)
        tpu.yield
      }) : () -> ()
      %mul3A_193 = arith.constant 3200 : i32
      %mul3A_194 = arith.muli %arg1, %mul3A_193 : i32
      "tpu.region"() ({
        %run_scoped3A = tpu.sem_alloc : memref<!tpu.dma_semaphore, #tpu.memory_space<semaphore_mem>>
        %dma_start3A_195 = arith.constant 0 : i32
        %dma_start3A_196 = tpu.memref_slice %arg10[%dma_start3A_195] : memref<6272xi32, #tpu.memory_space<vmem>> -> memref<3200xi32, #tpu.memory_space<vmem>>
        %dma_start3A_197 = tpu.memref_slice %arg3[%mul3A_194] : memref<50000xi32, #tpu.memory_space<hbm>> -> memref<3200xi32, #tpu.memory_space<hbm>>
        %dma_start3A_198 = tpu.memref_slice %arg3[%mul3A_194] : memref<50000xi32, #tpu.memory_space<hbm>> -> memref<3200xi32, #tpu.memory_space<hbm>>
        %dma_start3A_199 = arith.constant 0 : i32
        %dma_start3A_200 = tpu.memref_slice %arg10[%dma_start3A_199] : memref<6272xi32, #tpu.memory_space<vmem>> -> memref<3200xi32, #tpu.memory_space<vmem>>
        tpu.enqueue_dma source(%dma_start3A_200 : memref<3200xi32, #tpu.memory_space<vmem>>) target(%dma_start3A_198 : memref<3200xi32, #tpu.memory_space<hbm>>) target_semaphore(%run_scoped3A : memref<!tpu.dma_semaphore, #tpu.memory_space<semaphore_mem>>)
        %dma_wait3A_201 = arith.constant 0 : i32
        %dma_wait3A_202 = tpu.memref_slice %arg10[%dma_wait3A_201] : memref<6272xi32, #tpu.memory_space<vmem>> -> memref<3200xi32, #tpu.memory_space<vmem>>
        %dma_wait3A_203 = tpu.memref_slice %arg3[%mul3A_194] : memref<50000xi32, #tpu.memory_space<hbm>> -> memref<3200xi32, #tpu.memory_space<hbm>>
        %dma_wait3A_204 = tpu.memref_slice %arg3[%mul3A_194] : memref<50000xi32, #tpu.memory_space<hbm>> -> memref<3200xi32, #tpu.memory_space<hbm>>
        %dma_wait3A_205 = arith.constant 0 : i32
        %dma_wait3A_206 = tpu.memref_slice %arg10[%dma_wait3A_205] : memref<6272xi32, #tpu.memory_space<vmem>> -> memref<3200xi32, #tpu.memory_space<vmem>>
        tpu.wait_dma2 semaphore(%run_scoped3A : memref<!tpu.dma_semaphore, #tpu.memory_space<semaphore_mem>>) src(%dma_wait3A_206 : memref<3200xi32, #tpu.memory_space<vmem>>) dst(%dma_wait3A_204 : memref<3200xi32, #tpu.memory_space<hbm>>)
        tpu.yield
      }) : () -> ()
    } else {
    }
    %eq3A = arith.constant 15 : i32
    %eq3A_187 = arith.cmpi eq, %arg1, %eq3A : i32
    %convert_element_type3A_188 = arith.extui %eq3A_187 : i1 to i32
    %cond3A_189 = arith.constant 0 : i32
    %cond3A_190 = arith.cmpi ne, %convert_element_type3A_188, %cond3A_189 : i32
    scf.if %cond3A_190 {
      "tpu.region"() ({
        %run_scoped3A = tpu.sem_alloc : memref<!tpu.dma_semaphore, #tpu.memory_space<semaphore_mem>>
        %dma_start3A_191 = arith.constant 0 : i32
        %dma_start3A_192 = tpu.memref_slice %arg10[%dma_start3A_191] : memref<6272xi32, #tpu.memory_space<vmem>> -> memref<2000xi32, #tpu.memory_space<vmem>>
        %dma_start3A_193 = arith.constant 48000 : i32
        %dma_start3A_194 = tpu.memref_slice %arg7[%dma_start3A_193] : memref<100352xi32, #tpu.memory_space<vmem_shared>> -> memref<2000xi32, #tpu.memory_space<vmem_shared>>
        %dma_start3A_195 = arith.constant 0 : i32
        %dma_start3A_196 = tpu.memref_slice %arg10[%dma_start3A_195] : memref<6272xi32, #tpu.memory_space<vmem>> -> memref<2000xi32, #tpu.memory_space<vmem>>
        %dma_start3A_197 = arith.constant 48000 : i32
        %dma_start3A_198 = tpu.memref_slice %arg7[%dma_start3A_197] : memref<100352xi32, #tpu.memory_space<vmem_shared>> -> memref<2000xi32, #tpu.memory_space<vmem_shared>>
        tpu.enqueue_dma source(%dma_start3A_198 : memref<2000xi32, #tpu.memory_space<vmem_shared>>) target(%dma_start3A_196 : memref<2000xi32, #tpu.memory_space<vmem>>) target_semaphore(%run_scoped3A : memref<!tpu.dma_semaphore, #tpu.memory_space<semaphore_mem>>)
        %dma_wait3A_199 = arith.constant 0 : i32
        %dma_wait3A_200 = tpu.memref_slice %arg10[%dma_wait3A_199] : memref<6272xi32, #tpu.memory_space<vmem>> -> memref<2000xi32, #tpu.memory_space<vmem>>
        %dma_wait3A_201 = arith.constant 48000 : i32
        %dma_wait3A_202 = tpu.memref_slice %arg7[%dma_wait3A_201] : memref<100352xi32, #tpu.memory_space<vmem_shared>> -> memref<2000xi32, #tpu.memory_space<vmem_shared>>
        %dma_wait3A_203 = arith.constant 0 : i32
        %dma_wait3A_204 = tpu.memref_slice %arg10[%dma_wait3A_203] : memref<6272xi32, #tpu.memory_space<vmem>> -> memref<2000xi32, #tpu.memory_space<vmem>>
        %dma_wait3A_205 = arith.constant 48000 : i32
        %dma_wait3A_206 = tpu.memref_slice %arg7[%dma_wait3A_205] : memref<100352xi32, #tpu.memory_space<vmem_shared>> -> memref<2000xi32, #tpu.memory_space<vmem_shared>>
        tpu.wait_dma2 semaphore(%run_scoped3A : memref<!tpu.dma_semaphore, #tpu.memory_space<semaphore_mem>>) src(%dma_wait3A_206 : memref<2000xi32, #tpu.memory_space<vmem_shared>>) dst(%dma_wait3A_204 : memref<2000xi32, #tpu.memory_space<vmem>>)
        tpu.yield
      }) : () -> ()
      "tpu.region"() ({
        %run_scoped3A = tpu.sem_alloc : memref<!tpu.dma_semaphore, #tpu.memory_space<semaphore_mem>>
        %dma_start3A_191 = arith.constant 0 : i32
        %dma_start3A_192 = tpu.memref_slice %arg10[%dma_start3A_191] : memref<6272xi32, #tpu.memory_space<vmem>> -> memref<2000xi32, #tpu.memory_space<vmem>>
        %dma_start3A_193 = arith.constant 48000 : i32
        %dma_start3A_194 = tpu.memref_slice %arg3[%dma_start3A_193] : memref<50000xi32, #tpu.memory_space<hbm>> -> memref<2000xi32, #tpu.memory_space<hbm>>
        %dma_start3A_195 = arith.constant 48000 : i32
        %dma_start3A_196 = tpu.memref_slice %arg3[%dma_start3A_195] : memref<50000xi32, #tpu.memory_space<hbm>> -> memref<2000xi32, #tpu.memory_space<hbm>>
        %dma_start3A_197 = arith.constant 0 : i32
        %dma_start3A_198 = tpu.memref_slice %arg10[%dma_start3A_197] : memref<6272xi32, #tpu.memory_space<vmem>> -> memref<2000xi32, #tpu.memory_space<vmem>>
        tpu.enqueue_dma source(%dma_start3A_198 : memref<2000xi32, #tpu.memory_space<vmem>>) target(%dma_start3A_196 : memref<2000xi32, #tpu.memory_space<hbm>>) target_semaphore(%run_scoped3A : memref<!tpu.dma_semaphore, #tpu.memory_space<semaphore_mem>>)
        %dma_wait3A_199 = arith.constant 0 : i32
        %dma_wait3A_200 = tpu.memref_slice %arg10[%dma_wait3A_199] : memref<6272xi32, #tpu.memory_space<vmem>> -> memref<2000xi32, #tpu.memory_space<vmem>>
        %dma_wait3A_201 = arith.constant 48000 : i32
        %dma_wait3A_202 = tpu.memref_slice %arg3[%dma_wait3A_201] : memref<50000xi32, #tpu.memory_space<hbm>> -> memref<2000xi32, #tpu.memory_space<hbm>>
        %dma_wait3A_203 = arith.constant 48000 : i32
        %dma_wait3A_204 = tpu.memref_slice %arg3[%dma_wait3A_203] : memref<50000xi32, #tpu.memory_space<hbm>> -> memref<2000xi32, #tpu.memory_space<hbm>>
        %dma_wait3A_205 = arith.constant 0 : i32
        %dma_wait3A_206 = tpu.memref_slice %arg10[%dma_wait3A_205] : memref<6272xi32, #tpu.memory_space<vmem>> -> memref<2000xi32, #tpu.memory_space<vmem>>
        tpu.wait_dma2 semaphore(%run_scoped3A : memref<!tpu.dma_semaphore, #tpu.memory_space<semaphore_mem>>) src(%dma_wait3A_206 : memref<2000xi32, #tpu.memory_space<vmem>>) dst(%dma_wait3A_204 : memref<2000xi32, #tpu.memory_space<hbm>>)
        tpu.yield
      }) : () -> ()
    } else {
    }
    return
  }
}

module attributes {stable_mosaic.version = 14 : i64} {
  func.func @_scores_body(%arg0: i32, %arg1: memref<7168x128xf32, #tpu.memory_space<vmem>>, %arg2: memref<128x1xf32, #tpu.memory_space<vmem>>, %arg3: memref<1xf32, #tpu.memory_space<smem>>, %arg4: memref<56x128xi32, #tpu.memory_space<vmem>>) attributes {dimension_semantics = [#tpu.dimension_semantics<arbitrary>], iteration_bounds = array<i64: 14>, scalar_prefetch = 0 : i64, scratch_operands = 0 : i64, tpu.core_type = #tpu.core_type<tc>, window_params = [{transform_indices = @transform_0, window_bounds = array<i64: 7168, 128>}, {pipeline_mode = #tpu.pipeline_mode<synchronous>, transform_indices = @transform_1, window_bounds = array<i64: 128, 1>}, {transform_indices = @transform_2, window_bounds = array<i64: 1>}, {transform_indices = @transform_3, window_bounds = array<i64: 56, 128>}]} {
    %get3A = arith.constant 0 : index
    %get3A_0 = arith.constant 0 : index
    %get3A_1 = vector.load %arg1[%get3A, %get3A_0] : memref<7168x128xf32, #tpu.memory_space<vmem>>, vector<7168x128xf32>
    %get3A_2 = arith.constant 0 : index
    %get3A_3 = arith.constant 0 : index
    %get3A_4 = vector.load %arg2[%get3A_2, %get3A_3] : memref<128x1xf32, #tpu.memory_space<vmem>>, vector<128x1xf32>
    %dot_general3A = arith.constant dense<0.000000e+00> : vector<7168x1xf32>
    %dot_general3A_5 = tpu.matmul %get3A_1, %get3A_4, %dot_general3A {dimension_numbers = #tpu.dot_dimension_numbers<[1], [0], [0], [1], [0, 0, 1, 1], [], []>, transpose_lhs_hint = false} : vector<7168x128xf32>, vector<128x1xf32>, vector<7168x1xf32> -> vector<7168x1xf32>
    %reshape3A = vector.shape_cast %dot_general3A_5 : vector<7168x1xf32> to vector<7168xf32>
    %get3A_6 = arith.constant 0 : index
    %get3A_7 = memref.load %arg3[%get3A_6] : memref<1xf32, #tpu.memory_space<smem>>
    %add3A = vector.broadcast %get3A_7 : f32 to vector<7168xf32>
    %add3A_8 = arith.addf %reshape3A, %add3A : vector<7168xf32>
    %bitcast_convert_type3A = tpu.bitcast %add3A_8 : vector<7168xf32> -> vector<7168xi32>
    %ge3A = arith.constant -2147483648 : i32
    %ge3A_9 = vector.broadcast %ge3A : i32 to vector<7168xi32>
    %ge3A_10 = arith.cmpi uge, %bitcast_convert_type3A, %ge3A_9 : vector<7168xi32>
    %or3A = arith.constant -2147483648 : i32
    %or3A_11 = vector.broadcast %or3A : i32 to vector<7168xi32>
    %or3A_12 = arith.ori %bitcast_convert_type3A, %or3A_11 : vector<7168xi32>
    %not3A = arith.constant dense<-1> : vector<7168xi32>
    %not3A_13 = arith.xori %or3A_12, %not3A : vector<7168xi32>
    %select_n3A = arith.select %ge3A_10, %bitcast_convert_type3A, %not3A_13 : vector<7168xi1>, vector<7168xi32>
    %reshape3A_14 = vector.shape_cast %select_n3A : vector<7168xi32> to vector<56x128xi32>
    %iota3A = tpu.iota {dimensions = array<i32: 0>} : vector<56x128xi32>
    %mul3A = arith.constant 128 : i32
    %mul3A_15 = vector.broadcast %mul3A : i32 to vector<56x128xi32>
    %mul3A_16 = arith.muli %iota3A, %mul3A_15 : vector<56x128xi32>
    %iota3A_17 = tpu.iota {dimensions = array<i32: 1>} : vector<56x128xi32>
    %add3A_18 = arith.addi %mul3A_16, %iota3A_17 : vector<56x128xi32>
    %mul3A_19 = arith.constant 7168 : i32
    %mul3A_20 = arith.muli %arg0, %mul3A_19 : i32
    %add3A_21 = vector.broadcast %mul3A_20 : i32 to vector<56x128xi32>
    %add3A_22 = arith.addi %add3A_18, %add3A_21 : vector<56x128xi32>
    %lt3A = arith.constant 100000 : i32
    %lt3A_23 = vector.broadcast %lt3A : i32 to vector<56x128xi32>
    %lt3A_24 = arith.cmpi slt, %add3A_22, %lt3A_23 : vector<56x128xi32>
    %jit3A = arith.constant -1 : i32
    %broadcast_in_dim3A = vector.broadcast %jit3A : i32 to vector<56x128xi32>
    %select_n3A_25 = arith.select %lt3A_24, %reshape3A_14, %broadcast_in_dim3A : vector<56x128xi1>, vector<56x128xi32>
    %bitcast_convert_type3A_26 = tpu.bitcast %select_n3A_25 : vector<56x128xi32> -> vector<56x128xi32>
    %swap3A = arith.constant 0 : index
    %swap3A_27 = arith.constant 0 : index
    %swap3A_28 = vector.load %arg4[%swap3A, %swap3A_27] : memref<56x128xi32, #tpu.memory_space<vmem>>, vector<56x128xi32>
    tpu.vector_store %arg4[%swap3A, %swap3A_27], %bitcast_convert_type3A_26 {strides = array<i32>} : memref<56x128xi32, #tpu.memory_space<vmem>>, vector<56x128xi32>,
    return
  }
  func.func @transform_0(%arg0: i32) -> (i32, i32) {
    %c0_i32 = arith.constant 0 : i32
    %c0_i32_0 = arith.constant 0 : i32
    return %arg0, %c0_i32 : i32, i32
  }
  func.func @transform_1(%arg0: i32) -> (i32, i32) {
    %c0_i32 = arith.constant 0 : i32
    %c0_i32_0 = arith.constant 0 : i32
    %c0_i32_1 = arith.constant 0 : i32
    return %c0_i32, %c0_i32_0 : i32, i32
  }
  func.func @transform_2(%arg0: i32) -> i32 {
    %c0_i32 = arith.constant 0 : i32
    %c0_i32_0 = arith.constant 0 : i32
    return %c0_i32 : i32
  }
  func.func @transform_3(%arg0: i32) -> (i32, i32) {
    %c0_i32 = arith.constant 0 : i32
    %c0_i32_0 = arith.constant 0 : i32
    return %arg0, %c0_i32 : i32, i32
  }
}

</mosaic_0001>

<sc_bundles>
// kernel: kernel.5.cloned.1.call-start
scs
__scs_entry_jumppad:
0x0: {  	(pc) =	sbr.rel $0x88, $3  }
0x1: {  	(tag) =	ssettag $0x0;
	lr =	simm.s32 $0x1  }
0x2: {  	[smem:$0x3F9E] =	sst lr;
	_ =	strace $0xD0000000  }
0x3: {  	_ = 	snop  }
0x4: {  	_ = 	snop  }
0x5: {  	_ = 	snop  }
0x6: {  	_ = 	snop  }
0x7: {  	_ = 	snop  }
__scs_overlays_trampoline_lowered:
0x8: {  	[smem:$0x3FAD] =	sst s0  }
0x9: {  	[smem:$0x3FAE] =	sst s1  }
0xa: {  	[smem:$0x3FAF] =	sst s2  }
0xb: {  	[smem:$0x3FB0] =	sst s3  }
0xc: {  	[smem:$0x3FB1] =	sst s4  }
0xd: {  	[smem:$0x3FB2] =	sst s5  }
0xe: {  	[smem:$0x3FB3] =	sst s6  }
0xf: {  	[smem:$0x3FB4] =	sst s7  }
0x10: {  	[smem:$0x3FB5] =	sst s8  }
0x11: {  	[smem:$0x3FB6] =	sst s9;
	s0 =	simm.s32 @!p0 $0x0  }
0x12: {  	s1 =	sld [smem:$0x3F9C];
	s0 =	simm.s32 @p0 $0x1  }
0x13: {  	[smem:$0x3FB7] =	sst s0;
	s0 =	simm.s32 @!p1 $0x0  }
0x14: {  	s2 =	sld [smem:$0x3F9B];
	s0 =	simm.s32 @p1 $0x1  }
0x15: {  	[smem:$0x3FB8] =	sst s0;
	s0 =	simm.s32 @!p2 $0x0  }
0x16: {  	s3 =	sld [smem:$0x3FDB];
	s0 =	simm.s32 @p2 $0x1  }
0x17: {  	s4 =	simm.s32 $0x1BF5;
	[smem:$0x3FBA] =	sst s0  }
0x18: {  	s0 =	sld [smem:$0x3F9D];
	_ =	swait.ge [sflag:s4], $0x0  }
0x19: {  	s7 =	sld [smem:$0x3F9E]  }
0x1a: {  	s8 =	sadd.s32 $0xFFFFE003, lr  }
0x1b: {  	s9 =	sadd.s32 $0xFFFFFEF7, lr;
	s5 =	simm.s32 $0xFFFFFFFF;
	p2 =	slt.u32 s8, $0xFFFFF086  }
0x1c: {  	p1 =	slt.u32 s9, $0xF7A;
	s5 =	simm.s32 @!p2 $0x0  }
0x1d: {  	s5 =	simm.s32 @p1 $0x1;
	p0 =	seq.s32 s7, s2  }
0x1e: {  	s7 =	smul.u32 @!p0 $0xF7A, s2;
	p2 =	seq.s32 @!p0 s5, $0x0  }
0x1f: {  	s9 =	smul.u32 $0xF7A, s1;
	s8 =	simm.s32 @!p0 $0x1BF5;
	p2 =	por !p2, p0  }
0x20: {  	[sflag:s8] =	ssyncset.s32 @!p0 $0xFFFFF086;
	s6 =	sadd.s32 @!p0 s3, s7;
	s7 =	simm.s32 @!p0 $0x108  }
0x21: {  	s3 =	sadd.s32 s3, s9;
	s6 =	sadd.s32 @!p0 $0x88, s6;
	s7 =	simm.s32 @p2 $0x1082  }
0x22: {  	[simem:s7], [sflag:s8] =	dma.local @!p0 [hbm:s6], $0xF7A  }
0x23: {  	s9 =	sor.u32 $0xD0000000, s2;
	s6 =	simm.s32 $0x108;
	_ =	swait.ge @!p0 [sflag:s8], $0x0  }
0x24: {  	s3 =	sadd.s32 $0x88, s3;
	s6 =	simm.s32 @!p1 $0x1082;
	[sflag:s4] =	ssyncset.s32 $0xFFFFF086  }
0x25: {  	[simem:s6], [sflag:s4] =	dma.local [hbm:s3], $0xF7A  }
0x26: {  	[smem:$0x3F9E] =	sst s1;
	(tag) =	ssettag s2;
	_ =	strace s9  }
0x27: {  	s1 =	sld [smem:$0x3FAE]  }
0x28: {  	s2 =	sld [smem:$0x3FAF]  }
0x29: {  	s4 =	sld [smem:$0x3FB1]  }
0x2a: {  	p0 =	seq.s32 s5, $0x0;
	s5 =	sld [smem:$0x3FB2]  }
0x2b: {  	s6 =	sld [smem:$0x3FB3]  }
0x2c: {  	s7 =	sld [smem:$0x3FB4]  }
0x2d: {  	s3 =	simm.s32 $0x108;
	s8 =	sld [smem:$0x3FB5]  }
0x2e: {  	s3 =	simm.s32 @!p0 $0x1082;
	s9 =	sld [smem:$0x3FB6]  }
0x2f: {  	lr =	sadd.s32 s0, s3;
	s0 =	sld [smem:$0x3FAD]  }
0x30: {  	s3 =	sld [smem:$0x3FB0]  }
0x31: {  	[smem:$0x3FB9] =	sst s10  }
0x32: {  	s10 =	sld [smem:$0x3FB7];
	_ =	sdelay $0x3  }
0x33: {  	p0 =	seq.s32 s10, $0x1;
	s10 =	sld [smem:$0x3FB9];
	_ =	sdelay $0x3  }
0x34: {  	[smem:$0x3FB9] =	sst s10  }
0x35: {  	s10 =	sld [smem:$0x3FB8];
	_ =	sdelay $0x3  }
0x36: {  	p1 =	seq.s32 s10, $0x1;
	s10 =	sld [smem:$0x3FB9];
	_ =	sdelay $0x3  }
0x37: {  	[smem:$0x3FB9] =	sst s10  }
0x38: {  	s10 =	sld [smem:$0x3FBA]  }
0x39: {  	_ = 	snop;
	(pc) =	sbr.ind lr, $3  }
0x3a: {  	_ = 	snop  }
0x3b: {  	_ = 	snop  }
0x3c: {  	p2 =	seq.s32 s10, $0x1;
	s10 =	sld [smem:$0x3FB9]  }
0x3d: {  	_ =	shalt  }
0x3e: {  	_ =	shalt  }
0x3f: {  	_ =	shalt  }
0x40: {  	_ =	shalt  }
0x41: {  	_ =	shalt  }
0x42: {  	_ =	shalt  }
0x43: {  	_ =	shalt  }
0x44: {  	_ =	shalt  }
0x45: {  	_ =	shalt  }
0x46: {  	_ =	shalt  }
0x47: {  	_ =	shalt  }
0x48: {  	_ =	shalt  }
0x49: {  	_ =	shalt  }
0x4a: {  	_ =	shalt  }
0x4b: {  	_ =	shalt  }
0x4c: {  	_ =	shalt  }
0x4d: {  	_ =	shalt  }
0x4e: {  	_ =	shalt  }
0x4f: {  	_ =	shalt  }
0x50: {  	_ =	shalt  }
0x51: {  	_ =	shalt  }
0x52: {  	_ =	shalt  }
0x53: {  	_ =	shalt  }
0x54: {  	_ =	shalt  }
0x55: {  	_ =	shalt  }
0x56: {  	_ =	shalt  }
0x57: {  	_ =	shalt  }
0x58: {  	_ =	shalt  }
0x59: {  	_ =	shalt  }
0x5a: {  	_ =	shalt  }
0x5b: {  	_ =	shalt  }
0x5c: {  	_ =	shalt  }
0x5d: {  	_ =	shalt  }
0x5e: {  	_ =	shalt  }
0x5f: {  	_ =	shalt  }
0x60: {  	_ =	shalt  }
0x61: {  	_ =	shalt  }
0x62: {  	_ =	shalt  }
0x63: {  	_ =	shalt  }
0x64: {  	_ =	shalt  }
0x65: {  	_ =	shalt  }
0x66: {  	_ =	shalt  }
0x67: {  	_ =	shalt  }
0x68: {  	_ =	shalt  }
0x69: {  	_ =	shalt  }
0x6a: {  	_ =	shalt  }
0x6b: {  	_ =	shalt  }
0x6c: {  	_ =	shalt  }
0x6d: {  	_ =	shalt  }
0x6e: {  	_ =	shalt  }
0x6f: {  	_ =	shalt  }
0x70: {  	_ =	shalt  }
0x71: {  	_ =	shalt  }
0x72: {  	_ =	shalt  }
0x73: {  	_ =	shalt  }
0x74: {  	_ =	shalt  }
0x75: {  	_ =	shalt  }
0x76: {  	_ =	shalt  }
0x77: {  	_ =	shalt  }
0x78: {  	_ =	shalt  }
0x79: {  	_ =	shalt  }
0x7a: {  	_ =	shalt  }
0x7b: {  	_ =	shalt  }
0x7c: {  	_ =	shalt  }
0x7d: {  	_ =	shalt  }
0x7e: {  	_ =	shalt  }
0x7f: {  	_ =	shalt  }
0x80: {  	_ =	shalt  }
0x81: {  	_ =	shalt  }
0x82: {  	_ =	shalt  }
0x83: {  	_ =	shalt  }
0x84: {  	_ =	shalt  }
0x85: {  	_ =	shalt  }
0x86: {  	_ =	shalt  }
0x87: {  	_ =	shalt  }
.Lfunc_end0:
.L_simem_size_0:
called_computation_lowered:
.L_overlay_start_0:
0x88: {  	s0 =	sld [smem:$0x3FD9]  }
0x89: {  	s1 =	sld [smem:$0x3FFE];
	_ =	sdelay $0x3  }
0x8a: {  	s0 =	sadd.s32 s1, s0  }
0x8b: {  	[smem:$0x3FC5] =	sst s0  }
0x8c: {  	_ = 	snop  }
0x8d: {  	s0 =	sld [smem:$0x3FD0];
	_ =	sdelay $0x2  }
0x8e: {  	s14 =	simm.s32 $0xA;
	s2 =	simm.s32 $0x10  }
0x8f: {  	[smem:s2], [sflag:s14] =	dma.local [hbm:s0], $0x1  }
0x90: {  	_ =	swait.eq [sflag:s14], $0x1  }
0x91: {  	[sflag:s14] =	ssyncset.done $0x0  }
0x92: {  	s15 =	sld [smem:$0x10];
	[sflag:s14] =	ssyncadd.s32 $0xFFFFFFFF  }
0x93: {  	s16 =	sld [smem:$0x11];
	(tm) =	ssettm $0x1  }
0x94: {  	s17 =	sld [smem:$0x3FFB];
	_ =	sdelay $0x3  }
0x95: {  	_ =	strace s17  }
0x96: {  	s2 =	sld [smem:$0x3FFC];
	_ =	sdelay $0x3  }
0x97: {  	_ =	strace s2  }
0x98: {  	s2 =	sld [smem:$0x3FFD];
	_ =	sdelay $0x3  }
0x99: {  	_ =	strace s2  }
0x9a: {  	_ =	strace $0x8FFFFFFF  }
0x9b: {  	s18 =	sld [smem:$0x3FDB];
	_ =	sdelay $0x1  }
0x9c: {  	s3 =	simm.s32 $_scs_section_size  }
0x9d: {  	s4 =	simm.s32 $_size__tile_overlayer_lowered;
	s5 =	simm.s32 $_tile_overlayer_lowered  }
0x9e: {  	s21 =	simm.s32 $0x1BFF;
	s20 =	sshll.u32 s5, $0x1;
	s2 =	sadd.s32 s3, s18  }
0x9f: {  	s6 =	simm.s32 $0x0;
	s19 =	sshll.u32 s4, $0x1;
	s4 =	sadd.s32 s20, s2  }
0xa0: {  	[timem:s6], [sflag:s21] =	dma.local [hbm:s4], s19  }
0xa1: {  	_ =	swait.ge [sflag:s21], s19  }
0xa2: {  	s3 =	ssub.s32 $0x0, s19;
	[sflag:s21] =	ssyncset.done $0x0  }
0xa3: {  	[sflag:s21] =	ssyncadd.s32 s3;
	_ =	sdelay $0x1  }
0xa4: {  	s22 =	simm.s32 $0x1B8B  }
0xa5: {  	_ =	swait.ge [sflag:s22], $0x1  }
0xa6: {  	[sflag:s22] =	ssyncset.done $0x0  }
0xa7: {  	s23 =	simm.s32 $0x1B8E;
	[sflag:s22] =	ssyncadd.s32 $0xFFFFFFFF  }
0xa8: {  	s24 =	simm.s32 $execute0_lowered;
	[smem:$0x3FD2] =	sst s23  }
0xa9: {  	s3 =	sshll.u32 s24, $0x1;
	_ =	strace $0x80000046;
	[dreg:$0x1] =	wrdreg $0xFFFFFFFF  }
0xaa: {  	s25 =	simm.s32 $_size_execute0_lowered;
	s2 =	sadd.s32 s2, s3;
	[dreg:$0x0] =	wrdreg $0x0  }
0xab: {  	s3 =	sshll.u32 s25, $0x1;
	[dreg:$0x2] =	wrdreg s2  }
0xac: {  	[dreg:$0x3] =	wrdreg s3  }
0xad: {  	[dreg:$0x4] =	wrdreg $0xC0  }
0xae: {  	_ =	task [dreg:s6], $0x5FFFF  }
0xaf: {  	[dreg:$0x1] =	wrdreg $0xFFFFFFFF  }
0xb0: {  	[dreg:$0x0] =	wrdreg $0x60  }
0xb1: {  	[dreg:$0x2] =	wrdreg s15  }
0xb2: {  	[dreg:$0x3] =	wrdreg s16  }
0xb3: {  	[dreg:$0x4] =	wrdreg $0x62000  }
0xb4: {  	[dreg:$0x5] =	wrdreg $0x0  }
0xb5: {  	[dreg:$0x6] =	wrdreg $0x18800  }
0xb6: {  	[dreg:$0x7] =	wrdreg $0x31000  }
0xb7: {  	[dreg:$0x8] =	wrdreg $0x49800  }
0xb8: {  	[dreg:$0x9] =	wrdreg $0x9  }
0xb9: {  	_ =	task.clear_ibuf [dreg:s6], $0xAFFFF;
	_ =	strace $0x90000046  }
0xba: {  	s26 =	simm.s32 $0x9;
	_ =	strace $0x80000048  }
0xbb: {  	_ =	swait.ge [sflag:s26], $0x1  }
0xbc: {  	[sflag:s26] =	ssyncadd.s32 $0xFFFFFFFF  }
0xbd: {  	_ =	strace $0x90000048  }
0xbe: {  	_ =	sfence  }
0xbf: {  	s28 =	sld [smem:$0x0];
	_ =	sdelay $0x1  }
0xc0: {  	s29 =	srdreg.scid  }
0xc1: {  	s30 =	sshll.u32 s29, $0xD;
	s31 =	sshrl.u32 s29, $0x2  }
0xc2: {  	s1 =	sand.u32 $0x1, s29;
	s2 =	sand.u32 $0x4000, s30;
	s0 =	sadd.s32 s31, s28  }
0xc3: {  	s1 =	sor.u32 s2, s1;
	s0 =	sshll.u32 s0, $0x11  }
0xc4: {  	s0 =	sor.u32 s0, s1  }
0xc5: {  	s0 =	sadd.s32 $0x8F2B, s0  }
0xc6: {  	[sflag:s0] =	ssyncadd.remote.s32 $0x1  }
0xc7: {  	_ =	sfence.sel $0xFFFF  }
0xc8: {  	[dreg:$0x0] =	wrdreg $0xFFFFFFFF;
	(pc) =	sbr.abs _section_cstart, $3  }
0xc9: {  	[dreg:$0x1] =	wrdreg $0xFFFFFFFF  }
0xca: {  	_ =	task.clear_ibuf [dreg:s6], $0x2FFFF;
	_ =	strace $0x9FFFFFFF  }
0xcb: {  	(tm) =	ssettm $0x7FFFFFFF  }
tec
execute0_lowered:
.L_overlay_start_1:
0x0: {  	(tag) =	ssettag $0x1  }
0x1: {  	s7 =	rddreg [dreg:$0x0]  }
0x2: {  	s2 =	rddreg [dreg:$0x1]  }
0x3: {  	s4 =	rddreg [dreg:$0x2]  }
0x4: {  	s6 =	rddreg [dreg:$0x3]  }
0x5: {  	s5 =	rddreg [dreg:$0x4]  }
0x6: {  	s9 =	rddreg [dreg:$0x5];
	s0 =	stileid.u32  }
0x7: {  	s3 =	rddreg [dreg:$0x6];
	s8 =	smul.u32 $0x1880, s0  }
0x8: {  	s1 =	rddreg [dreg:$0x7];
	s10 =	simm.s32 $0x0  }
0x9: {  	s22 =	simm.s32 $0x6300;
	[smem:$0x7FF] =	sst s10;
	s11 =	sshrl.u32 s8, $0x3  }
0xa: {  	s23 =	simm.s32 $0x3;
	_ =	strace $0x80000047;
	s7 =	sadd.s32 s7, s11  }
0xb: {  	[tilespmem:s22], [sflag:$0x3] =	stream.linear.gather [hbm4b:s7+s10], $0x1880, $0x38;
	[tilespmem:$0xD700] =	vst v63  }
0xc: {  	s24 =	sadd.s32 $0x0, s8;
	_ =	swait.ge [sflag:s23], $0x1880  }
0xd: {  	v0 =	vlaneseq.u32;
	s25 =	sadd.s32 $0x70, s24;
	[sflag:s23] =	ssyncset.done $0x0  }
0xe: {  	s12 =	sadd.s32 $0x10, s24;
	s7 =	simm.s32 $0x7BC0;
	v1 =	vor.u32 s25, v0;
	[sflag:s23] =	ssyncadd.s32 $0xFFFFE780  }
0xf: {  	s30 =	sadd.s32 $0x50, s24;
	v2 =	vor.u32 s12, v0;
	[tilespmem:s7+$0x30] =	vst v1  }
0x10: {  	s26 =	sadd.s32 $0x20, s24;
	v3 =	vor.u32 s30, v0;
	[tilespmem:s7+$0xFFFFFFD0] =	vst v2  }
0x11: {  	s28 =	sadd.s32 $0x30, s24;
	v1 =	vor.u32 s26, v0;
	[tilespmem:s7+$0x10] =	vst v3  }
0x12: {  	s29 =	sadd.s32 $0x40, s24;
	v2 =	vor.u32 s28, v0;
	[tilespmem:s7+$0xFFFFFFE0] =	vst v1  }
0x13: {  	s31 =	sadd.s32 $0x60, s24;
	v1 =	vor.u32 s29, v0;
	[tilespmem:s7+$0xFFFFFFF0] =	vst v2  }
0x14: {  	s11 =	simm.s32 $0x100;
	s10 =	sadd.s32 $0x80, s8;
	v2 =	vor.u32 s31, v0;
	[tilespmem:s7+$0x0] =	vst v1;
	v1 =	vor.u32 s24, v0  }
.LBB2_1:
0x15: {  	p0 =	sne.s32 s11, $0x1800;
	v3 =	vor.u32 s10, v0;
	s12 =	sadd.s32 $0x10, s10;
	s13 =	sadd.s32 $0x70, s10;
	[tilespmem:s7+$0x20] =	vst v2  }
0x16: {  	s14 =	sadd.s32 $0x30, s10;
	v2 =	vor.u32 s12, v0;
	s12 =	sadd.s32 $0x20, s10;
	v4 =	vor.u32 s13, v0;
	[tilespmem:s7+$0xFFFFFFC0] =	vst v1;
	s7 =	sadd.s32 $0x80, s7;
	v1 =	vmov v3  }
0x17: {  	v5 =	vor.u32 s14, v0;
	s13 =	sadd.s32 $0x50, s10;
	v3 =	vor.u32 s12, v0;
	s12 =	sadd.s32 $0x40, s10;
	s10 =	sadd.s32 $0x60, s10;
	[tilespmem:s7+$0x30] =	vst v4  }
.Ltmp0:
0x18: {  	v6 =	vor.u32 s13, v0;
	[tilespmem:s7+$0xFFFFFFD0] =	vst v2;
	v4 =	vor.u32 s12, v0;
	v2 =	vor.u32 s10, v0;
	(pc) =	sbr.rel @p0 .LBB2_1-.Ltmp0, $4  }
0x19: {  	[tilespmem:s7+$0xFFFFFFE0] =	vst v3  }
0x1a: {  	[tilespmem:s7+$0xFFFFFFF0] =	vst v5  }
0x1b: {  	[tilespmem:s7+$0x0] =	vst v4  }
0x1c: {  	s10 =	sadd.s32 s11, s8;
	s11 =	sadd.s32 $0x80, s11;
	[tilespmem:s7+$0x10] =	vst v6  }
0x1d: {  	[tilespmem:s7+$0x20] =	vst v2  }
0x1e: {  	s11 =	sadd.s32 $0x70, s10;
	[tilespmem:s7+$0xFFFFFFC0] =	vst v1;
	s25 =	sadd.s32 $0x80, s7;
	v62 =	vor.u32 s10, v0  }
0x1f: {  	s12 =	sadd.s32 $0x10, s10;
	v55 =	vor.u32 s11, v0;
	[tilespmem:s25+$0xFFFFFFC0] =	vst v62  }
0x20: {  	s26 =	sadd.s32 $0x20, s10;
	v56 =	vor.u32 s12, v0;
	[tilespmem:s25+$0x30] =	vst v55  }
0x21: {  	s28 =	sadd.s32 $0x30, s10;
	v57 =	vor.u32 s26, v0;
	[tilespmem:s25+$0xFFFFFFD0] =	vst v56  }
0x22: {  	s29 =	sadd.s32 $0x40, s10;
	v58 =	vor.u32 s28, v0;
	[tilespmem:s25+$0xFFFFFFE0] =	vst v57  }
0x23: {  	s30 =	sadd.s32 $0x50, s10;
	v59 =	vor.u32 s29, v0;
	[tilespmem:s25+$0xFFFFFFF0] =	vst v58  }
0x24: {  	s31 =	sadd.s32 $0x60, s10;
	v60 =	vor.u32 s30, v0;
	[tilespmem:s25+$0x0] =	vst v59  }
0x25: {  	v61 =	vor.u32 s31, v0;
	[tilespmem:s25+$0x10] =	vst v60  }
0x26: {  	v63 =	vimm.s32 $0x0;
	[tilespmem:s25+$0x20] =	vst v61  }
0x27: {  	[tilespmem:$0xA400] =	vst v63  }
0x28: {  	[tilespmem:$0xA410] =	vst v63  }
0x29: {  	[tilespmem:$0xA420] =	vst v63  }
0x2a: {  	[tilespmem:$0xA430] =	vst v63  }
0x2b: {  	[tilespmem:$0xA440] =	vst v63  }
0x2c: {  	[tilespmem:$0xA450] =	vst v63  }
0x2d: {  	[tilespmem:$0xA460] =	vst v63  }
0x2e: {  	[tilespmem:$0xA470] =	vst v63  }
0x2f: {  	[tilespmem:$0xA480] =	vst v63  }
0x30: {  	[tilespmem:$0xA490] =	vst v63  }
0x31: {  	[tilespmem:$0xA4A0] =	vst v63  }
0x32: {  	[tilespmem:$0xA4B0] =	vst v63  }
0x33: {  	[tilespmem:$0xA4C0] =	vst v63  }
0x34: {  	[tilespmem:$0xA4D0] =	vst v63  }
0x35: {  	[tilespmem:$0xA4E0] =	vst v63  }
0x36: {  	s7 =	simm.s32 $0x0;
	s10 =	simm.s32 $0xA400;
	[tilespmem:$0xA4F0] =	vst v63  }
.LBB2_3:
0x37: {  	s11 =	sshra.s32 s7, $0x2  }
0x38: {  	v0 =	vld [tilespmem:s11+$0x6300];
	_ =	sdelay $0x4  }
0x39: {  	v0 =	vand.u32 $0xFF, v0  }
0x3a: {  	(xrf1) =	vunique.msk.u32 $0xffff, v0;
	_ =	sdelay $0xa  }
0x3b: {  	v1 =	vld.idx.msk [tilespmem:v0+s10+$0x0], $0xffff;
	_ =	sdelay $0x2  }
0x3c: {  	_, v2, vm0 =	vpop (xrf1);
	_ =	sdelay $0x1  }
0x3d: {  	v1 =	vadd.s32 v1, v2  }
0x3e: {  	v1 =	vshll.u32 v1, $0x8  }
0x3f: {  	v1 =	vor.u32 v0, v1  }
0x40: {  	[tilespmem:s11+$0xBE80] =	vst v1  }
0x41: {  	[tilespmem:v0+s10+$0x0] =	vst.idx.add.s32.msk vm0, v2  }
0x42: {  	v0 =	vld [tilespmem:s11+$0x6310];
	_ =	sdelay $0x4  }
0x43: {  	v0 =	vand.u32 $0xFF, v0  }
0x44: {  	(xrf1) =	vunique.msk.u32 $0xffff, v0;
	_ =	sdelay $0xa  }
0x45: {  	v1 =	vld.idx.msk [tilespmem:v0+s10+$0x0], $0xffff;
	_ =	sdelay $0x2  }
0x46: {  	_, v2, vm0 =	vpop (xrf1);
	_ =	sdelay $0x1  }
0x47: {  	v1 =	vadd.s32 v1, v2  }
0x48: {  	v1 =	vshll.u32 v1, $0x8  }
0x49: {  	v1 =	vor.u32 v0, v1  }
0x4a: {  	[tilespmem:s11+$0xBE90] =	vst v1  }
0x4b: {  	[tilespmem:v0+s10+$0x0] =	vst.idx.add.s32.msk vm0, v2  }
0x4c: {  	v0 =	vld [tilespmem:s11+$0x6320];
	_ =	sdelay $0x4  }
0x4d: {  	v0 =	vand.u32 $0xFF, v0  }
0x4e: {  	(xrf1) =	vunique.msk.u32 $0xffff, v0;
	_ =	sdelay $0xa  }
0x4f: {  	v1 =	vld.idx.msk [tilespmem:v0+s10+$0x0], $0xffff;
	_ =	sdelay $0x2  }
0x50: {  	_, v2, vm0 =	vpop (xrf1);
	_ =	sdelay $0x1  }
0x51: {  	v1 =	vadd.s32 v1, v2  }
0x52: {  	v1 =	vshll.u32 v1, $0x8  }
0x53: {  	v1 =	vor.u32 v0, v1  }
0x54: {  	[tilespmem:s11+$0xBEA0] =	vst v1  }
0x55: {  	[tilespmem:v0+s10+$0x0] =	vst.idx.add.s32.msk vm0, v2  }
0x56: {  	v0 =	vld [tilespmem:s11+$0x6330];
	_ =	sdelay $0x4  }
0x57: {  	v0 =	vand.u32 $0xFF, v0  }
0x58: {  	(xrf1) =	vunique.msk.u32 $0xffff, v0;
	_ =	sdelay $0xa  }
0x59: {  	v1 =	vld.idx.msk [tilespmem:v0+s10+$0x0], $0xffff;
	_ =	sdelay $0x2  }
0x5a: {  	_, v2, vm0 =	vpop (xrf1);
	_ =	sdelay $0x1  }
0x5b: {  	v1 =	vadd.s32 v1, v2  }
0x5c: {  	v1 =	vshll.u32 v1, $0x8  }
0x5d: {  	v1 =	vor.u32 v0, v1  }
0x5e: {  	[tilespmem:s11+$0xBEB0] =	vst v1  }
0x5f: {  	[tilespmem:v0+s10+$0x0] =	vst.idx.add.s32.msk vm0, v2  }
0x60: {  	v0 =	vld [tilespmem:s11+$0x6340];
	_ =	sdelay $0x4  }
0x61: {  	v0 =	vand.u32 $0xFF, v0  }
0x62: {  	(xrf1) =	vunique.msk.u32 $0xffff, v0;
	_ =	sdelay $0xa  }
0x63: {  	v1 =	vld.idx.msk [tilespmem:v0+s10+$0x0], $0xffff;
	_ =	sdelay $0x2  }
0x64: {  	_, v2, vm0 =	vpop (xrf1);
	_ =	sdelay $0x1  }
0x65: {  	v1 =	vadd.s32 v1, v2  }
0x66: {  	v1 =	vshll.u32 v1, $0x8  }
0x67: {  	v1 =	vor.u32 v0, v1  }
0x68: {  	[tilespmem:s11+$0xBEC0] =	vst v1  }
0x69: {  	[tilespmem:v0+s10+$0x0] =	vst.idx.add.s32.msk vm0, v2  }
0x6a: {  	v0 =	vld [tilespmem:s11+$0x6350];
	_ =	sdelay $0x4  }
0x6b: {  	v0 =	vand.u32 $0xFF, v0  }
0x6c: {  	(xrf1) =	vunique.msk.u32 $0xffff, v0;
	_ =	sdelay $0xa  }
0x6d: {  	v1 =	vld.idx.msk [tilespmem:v0+s10+$0x0], $0xffff;
	_ =	sdelay $0x2  }
0x6e: {  	_, v2, vm0 =	vpop (xrf1);
	_ =	sdelay $0x1  }
0x6f: {  	v1 =	vadd.s32 v1, v2  }
0x70: {  	v1 =	vshll.u32 v1, $0x8  }
0x71: {  	v1 =	vor.u32 v0, v1  }
0x72: {  	[tilespmem:s11+$0xBED0] =	vst v1  }
0x73: {  	[tilespmem:v0+s10+$0x0] =	vst.idx.add.s32.msk vm0, v2  }
0x74: {  	v0 =	vld [tilespmem:s11+$0x6360];
	_ =	sdelay $0x4  }
0x75: {  	v0 =	vand.u32 $0xFF, v0  }
0x76: {  	(xrf1) =	vunique.msk.u32 $0xffff, v0;
	_ =	sdelay $0xa  }
0x77: {  	v1 =	vld.idx.msk [tilespmem:v0+s10+$0x0], $0xffff;
	_ =	sdelay $0x2  }
0x78: {  	_, v2, vm0 =	vpop (xrf1);
	_ =	sdelay $0x1  }
0x79: {  	v1 =	vadd.s32 v1, v2  }
0x7a: {  	v1 =	vshll.u32 v1, $0x8  }
0x7b: {  	v1 =	vor.u32 v0, v1  }
0x7c: {  	[tilespmem:s11+$0xBEE0] =	vst v1  }
0x7d: {  	[tilespmem:v0+s10+$0x0] =	vst.idx.add.s32.msk vm0, v2  }
0x7e: {  	v0 =	vld [tilespmem:s11+$0x6370];
	_ =	sdelay $0x4  }
0x7f: {  	v0 =	vand.u32 $0xFF, v0  }
0x80: {  	(xrf1) =	vunique.msk.u32 $0xffff, v0;
	_ =	sdelay $0xa  }
0x81: {  	v1 =	vld.idx.msk [tilespmem:v0+s10+$0x0], $0xffff;
	_ =	sdelay $0x2  }
0x82: {  	_, v2, vm0 =	vpop (xrf1)  }
0x83: {  	p0 =	sne.s32 s7, $0x6000  }
.Ltmp1:
0x84: {  	v1 =	vadd.s32 v1, v2;
	(pc) =	sbr.rel @p0 .LBB2_3-.Ltmp1, $4  }
0x85: {  	v1 =	vshll.u32 v1, $0x8  }
0x86: {  	v1 =	vor.u32 v0, v1  }
0x87: {  	[tilespmem:s11+$0xBEF0] =	vst v1  }
0x88: {  	s7 =	sadd.s32 $0x200, s7;
	[tilespmem:v0+s10+$0x0] =	vst.idx.add.s32.msk vm0, v2  }
0x89: {  	s7 =	sshll.u32 s0, $0x8  }
0x8a: {  	s10 =	simm.s32 $0xA400;
	s11 =	simm.s32 $0x3;
	s7 =	sadd.s32 s7, s4  }
0x8b: {  	[spmem:s7] =	stream.linear.scatter [tilespmem:s10], [sflag:$0x3], $0x100, $0x38;
	[tilespmem:$0xD700] =	vst v63  }
0x8c: {  	_ =	swait.ge [sflag:s11], $0x100  }
0x8d: {  	[sflag:s11] =	ssyncset.done $0x0  }
0x8e: {  	[sflag:s11] =	ssyncadd.s32 $0xFFFFFF00  }
0x8f: {  	s10 =	simm.s32 $0x9400;
	[bflag:$0x0] =	sbarrier.arrive $0xFFFF  }
0x90: {  	[tilespmem:s10], [sflag:$0x3] =	stream.linear.gather [spmem:s4], $0x1000, $0x38;
	[tilespmem:$0xD700] =	vst v63  }
0x91: {  	_ =	swait.ge [sflag:s11], $0x1000  }
0x92: {  	s12 =	simm.s32 $0x0;
	[sflag:s11] =	ssyncset.done $0x0  }
0x93: {  	v0 =	vlaneseq.u32;
	s13 =	simm.s32 $0x0;
	[sflag:s11] =	ssyncadd.s32 $0xFFFFF000;
	s11 =	simm.s32 $0x0  }
.LBB2_5:
0x94: {  	s14 =	sshll.u32 s13, $0x4  }
0x95: {  	s15 =	sor.u32 s14, s11  }
0x96: {  	v1 =	vor.u32 s15, v0;
	_ =	sdelay $0x2  }
0x97: {  	s16 =	simm.s32 $0x100  }
0x98: {  	s17 =	sor.u32 s14, s16  }
0x99: {  	v4 =	vor.u32 s17, v0;
	v1 =	vld.idx.msk [tilespmem:v1+s10+$0x0], $0xffff;
	_ =	sdelay $0x1  }
0x9a: {  	p0 =	sgt.u32 s0, $0x0  }
0x9b: {  	v3 =	vimm.s32 $0x0;
	v2 =	vimm.s32 $0x0;
	s16 =	simm.s32 $0x2;
	s15 =	simm.s32 $0x1;
	s17 =	simm.s32 $0x200  }
.LBB2_6:
0x9c: {  	s18 =	sor.u32 s14, s17  }
0x9d: {  	p1 =	sne.s32 s16, $0xF;
	v3 =	vadd.s32 v3, v1;
	v5 =	vpsel !p0, $0x0, v1;
	v1 =	vld.idx.msk [tilespmem:v4+s10+$0x0], $0xffff;
	s19 =	smov.u32 s16;
	s16 =	sadd.s32 $0x1, s16  }
.Ltmp2:
0x9e: {  	v4 =	vor.u32 s18, v0;
	v2 =	vadd.s32 v2, v5;
	(pc) =	sbr.rel @p1 .LBB2_6-.Ltmp2, $2  }
0x9f: {  	_ =	sdelay $0x2  }
0xa0: {  	s17 =	sadd.s32 $0x100, s17;
	p0 =	slt.u32 s15, s0;
	s15 =	smov.u32 s19  }
0xa1: {  	_ =	sdelay $0x3  }
0xa2: {  	v4 =	vld.idx.msk [tilespmem:v4+s10+$0x0], $0xffff;
	_ =	sdelay $0x3  }
0xa3: {  	v3 =	vadd.s32 v3, v1  }
0xa4: {  	v3 =	vadd.s32 v3, v4  }
0xa5: {  	(xrf0) =	vadd.scan.msk.s32 $0xffff, v3;
	_ =	sdelay $0x5  }
0xa6: {  	v5, _, _ =	vpop (xrf0)  }
0xa7: {  	(v2sf) =	vpush v5, $0xF;
	_ =	sdelay $0x8  }
0xa8: {  	v6 =	vmov s12  }
0xa9: {  	s13 =	sadd.s32 $0x1, s13;
	v6 =	vadd.s32 $0xFFFFFFFF, v6  }
0xaa: {  	v1 =	vpsel !p0, $0x0, v1;
	p6 =	slt.u32 s15, s0;
	p0 =	sne.s32 s13, $0x10;
	v6 =	vbroadcast v6, $0x0  }
.Ltmp3:
0xab: {  	v1 =	vadd.s32 v2, v1;
	v2 =	vpsel !p6, $0x0, v4;
	(pc) =	sbr.rel @p0 .LBB2_5-.Ltmp3, $4  }
0xac: {  	v1 =	vadd.s32 v1, v2;
	v2 =	vsub.s32 v6, v3  }
0xad: {  	v1 =	vadd.s32 v1, v2  }
0xae: {  	v1 =	vadd.s32 v5, v1;
	s31 =	spop (v2sf)  }
0xaf: {  	[tilespmem:s14+$0xA500] =	vst v1;
	s12 =	sadd.s32 s12, s31  }
0xb0: {  	s11 =	simm.s32 $0x0  }
0xb1: {  	v0 =	vld [tilespmem:s11+$0xBE80];
	_ =	sdelay $0x4  }
0xb2: {  	v1 =	vand.u32 $0xFF, v0;
	_ =	sdelay $0x1  }
0xb3: {  	v2 =	vld [tilespmem:s11+$0xBE90];
	_ =	sdelay $0x1  }
0xb4: {  	s10 =	simm.s32 $0xA500  }
0xb5: {  	v1 =	vld.idx.msk [tilespmem:v1+s10+$0x0], $0xffff;
	_ =	sdelay $0x1  }
0xb6: {  	v3 =	vand.u32 $0xFF, v2;
	_ =	sdelay $0x1  }
0xb7: {  	v4 =	vld [tilespmem:s11+$0xBEA0];
	v0 =	vshra.s32 v0, $0x8  }
0xb8: {  	v0 =	vadd.s32 v0, v1  }
0xb9: {  	[tilespmem:s11+$0xA600] =	vst v0  }
0xba: {  	v0 =	vld.idx.msk [tilespmem:v3+s10+$0x0], $0xffff;
	_ =	sdelay $0x1  }
0xbb: {  	v1 =	vand.u32 $0xFF, v4;
	_ =	sdelay $0x1  }
0xbc: {  	v2 =	vshra.s32 v2, $0x8;
	v3 =	vld [tilespmem:s11+$0xBEB0]  }
0xbd: {  	v0 =	vadd.s32 v2, v0  }
0xbe: {  	[tilespmem:s11+$0xA610] =	vst v0  }
0xbf: {  	v0 =	vld.idx.msk [tilespmem:v1+s10+$0x0], $0xffff;
	_ =	sdelay $0x1  }
0xc0: {  	v1 =	vand.u32 $0xFF, v3;
	_ =	sdelay $0x1  }
0xc1: {  	v2 =	vshra.s32 v4, $0x8;
	v4 =	vld [tilespmem:s11+$0xBEC0]  }
0xc2: {  	v0 =	vadd.s32 v2, v0  }
0xc3: {  	[tilespmem:s11+$0xA620] =	vst v0  }
0xc4: {  	v0 =	vld.idx.msk [tilespmem:v1+s10+$0x0], $0xffff;
	_ =	sdelay $0x1  }
0xc5: {  	v1 =	vand.u32 $0xFF, v4;
	_ =	sdelay $0x1  }
0xc6: {  	v2 =	vshra.s32 v3, $0x8;
	v3 =	vld [tilespmem:s11+$0xBED0]  }
0xc7: {  	v0 =	vadd.s32 v2, v0  }
0xc8: {  	[tilespmem:s11+$0xA630] =	vst v0  }
0xc9: {  	v0 =	vld.idx.msk [tilespmem:v1+s10+$0x0], $0xffff;
	_ =	sdelay $0x1  }
0xca: {  	v1 =	vand.u32 $0xFF, v3;
	_ =	sdelay $0x1  }
0xcb: {  	v2 =	vshra.s32 v4, $0x8;
	v4 =	vld [tilespmem:s11+$0xBEE0]  }
0xcc: {  	v0 =	vadd.s32 v2, v0  }
0xcd: {  	[tilespmem:s11+$0xA640] =	vst v0  }
0xce: {  	v1 =	vld.idx.msk [tilespmem:v1+s10+$0x0], $0xffff;
	_ =	sdelay $0x1  }
0xcf: {  	v2 =	vand.u32 $0xFF, v4;
	_ =	sdelay $0x1  }
0xd0: {  	v3 =	vshra.s32 v3, $0x8;
	v0 =	vld [tilespmem:s11+$0xBEF0]  }
0xd1: {  	v1 =	vadd.s32 v3, v1  }
0xd2: {  	[tilespmem:s11+$0xA650] =	vst v1  }
0xd3: {  	v2 =	vld.idx.msk [tilespmem:v2+s10+$0x0], $0xffff;
	_ =	sdelay $0x1  }
0xd4: {  	v1 =	vand.u32 $0xFF, v0;
	_ =	sdelay $0x1  }
0xd5: {  	s13 =	simm.s32 $0x80;
	s12 =	simm.s32 $0x400;
	v3 =	vshra.s32 v4, $0x8  }
.LBB2_9:
0xd6: {  	p0 =	sne.s32 s12, $0x6000;
	v4 =	vld [tilespmem:s13+$0xBE80];
	v2 =	vadd.s32 v3, v2  }
0xd7: {  	[tilespmem:s11+$0xA660] =	vst v2  }
0xd8: {  	v1 =	vld.idx.msk [tilespmem:v1+s10+$0x0], $0xffff;
	_ =	sdelay $0x2  }
0xd9: {  	v2 =	vand.u32 $0xFF, v4;
	_ =	sdelay $0x1  }
0xda: {  	v0 =	vshra.s32 v0, $0x8  }
0xdb: {  	v0 =	vadd.s32 v0, v1;
	v3 =	vld [tilespmem:s13+$0xBE90]  }
0xdc: {  	[tilespmem:s11+$0xA670] =	vst v0;
	s11 =	smov.u32 s13  }
0xdd: {  	v0 =	vld.idx.msk [tilespmem:v2+s10+$0x0], $0xffff;
	_ =	sdelay $0x2  }
0xde: {  	v1 =	vand.u32 $0xFF, v3;
	_ =	sdelay $0x1  }
0xdf: {  	v2 =	vshra.s32 v4, $0x8  }
0xe0: {  	v0 =	vadd.s32 v2, v0;
	v2 =	vld [tilespmem:s11+$0xBEA0]  }
0xe1: {  	[tilespmem:s11+$0xA600] =	vst v0  }
0xe2: {  	v0 =	vld.idx.msk [tilespmem:v1+s10+$0x0], $0xffff;
	_ =	sdelay $0x2  }
0xe3: {  	v1 =	vand.u32 $0xFF, v2;
	_ =	sdelay $0x1  }
0xe4: {  	v3 =	vshra.s32 v3, $0x8  }
0xe5: {  	v0 =	vadd.s32 v3, v0;
	v3 =	vld [tilespmem:s11+$0xBEB0]  }
0xe6: {  	[tilespmem:s11+$0xA610] =	vst v0  }
0xe7: {  	v0 =	vld.idx.msk [tilespmem:v1+s10+$0x0], $0xffff;
	_ =	sdelay $0x2  }
0xe8: {  	v1 =	vand.u32 $0xFF, v3;
	_ =	sdelay $0x1  }
0xe9: {  	v2 =	vshra.s32 v2, $0x8  }
0xea: {  	v0 =	vadd.s32 v2, v0;
	v2 =	vld [tilespmem:s11+$0xBEC0]  }
0xeb: {  	[tilespmem:s11+$0xA620] =	vst v0  }
0xec: {  	v0 =	vld.idx.msk [tilespmem:v1+s10+$0x0], $0xffff;
	_ =	sdelay $0x2  }
0xed: {  	v1 =	vand.u32 $0xFF, v2;
	_ =	sdelay $0x1  }
0xee: {  	v3 =	vshra.s32 v3, $0x8  }
0xef: {  	v0 =	vadd.s32 v3, v0;
	v3 =	vld [tilespmem:s11+$0xBED0]  }
0xf0: {  	[tilespmem:s11+$0xA630] =	vst v0  }
0xf1: {  	v0 =	vld.idx.msk [tilespmem:v1+s10+$0x0], $0xffff;
	_ =	sdelay $0x2  }
0xf2: {  	v1 =	vand.u32 $0xFF, v3;
	_ =	sdelay $0x1  }
0xf3: {  	v2 =	vshra.s32 v2, $0x8  }
0xf4: {  	v0 =	vadd.s32 v2, v0;
	v4 =	vld [tilespmem:s11+$0xBEE0]  }
0xf5: {  	[tilespmem:s11+$0xA640] =	vst v0  }
0xf6: {  	v0 =	vld.idx.msk [tilespmem:v1+s10+$0x0], $0xffff;
	_ =	sdelay $0x2  }
0xf7: {  	v1 =	vand.u32 $0xFF, v4;
	_ =	sdelay $0x1  }
0xf8: {  	v2 =	vshra.s32 v3, $0x8  }
0xf9: {  	v2 =	vadd.s32 v2, v0;
	v0 =	vld [tilespmem:s11+$0xBEF0]  }
0xfa: {  	[tilespmem:s11+$0xA650] =	vst v2  }
0xfb: {  	v2 =	vld.idx.msk [tilespmem:v1+s10+$0x0], $0xffff  }
.Ltmp4:
0xfc: {  	(pc) =	sbr.rel @p0 .LBB2_9-.Ltmp4, $3  }
0xfd: {  	_ = 	snop  }
0xfe: {  	v1 =	vand.u32 $0xFF, v0;
	_ =	sdelay $0x1  }
0xff: {  	s13 =	sshra.s32 s12, $0x2;
	s12 =	sadd.s32 $0x200, s12;
	v3 =	vshra.s32 v4, $0x8  }
0x100: {  	_ = 	snop  }
0x101: {  	v4 =	vld [tilespmem:s13+$0xBE80]  }
0x102: {  	v2 =	vadd.s32 v3, v2  }
0x103: {  	[tilespmem:s11+$0xA660] =	vst v2  }
0x104: {  	v1 =	vld.idx.msk [tilespmem:v1+s10+$0x0], $0xffff;
	_ =	sdelay $0x1  }
0x105: {  	v40 =	vand.u32 $0xFF, v4;
	_ =	sdelay $0x1  }
0x106: {  	v0 =	vshra.s32 v0, $0x8;
	v41 =	vld [tilespmem:s13+$0xBE90]  }
0x107: {  	v0 =	vadd.s32 v0, v1  }
0x108: {  	[tilespmem:s11+$0xA670] =	vst v0  }
0x109: {  	v0 =	vld.idx.msk [tilespmem:v40+s10+$0x0], $0xffff;
	_ =	sdelay $0x1  }
0x10a: {  	v42 =	vand.u32 $0xFF, v41;
	_ =	sdelay $0x1  }
0x10b: {  	v43 =	vshra.s32 v4, $0x8;
	v44 =	vld [tilespmem:s13+$0xBEA0]  }
0x10c: {  	v0 =	vadd.s32 v43, v0  }
0x10d: {  	[tilespmem:s13+$0xA600] =	vst v0  }
0x10e: {  	v0 =	vld.idx.msk [tilespmem:v42+s10+$0x0], $0xffff;
	_ =	sdelay $0x1  }
0x10f: {  	v45 =	vand.u32 $0xFF, v44;
	_ =	sdelay $0x1  }
0x110: {  	v46 =	vshra.s32 v41, $0x8;
	v47 =	vld [tilespmem:s13+$0xBEB0]  }
0x111: {  	v0 =	vadd.s32 v46, v0  }
0x112: {  	[tilespmem:s13+$0xA610] =	vst v0  }
0x113: {  	v0 =	vld.idx.msk [tilespmem:v45+s10+$0x0], $0xffff;
	_ =	sdelay $0x1  }
0x114: {  	v48 =	vand.u32 $0xFF, v47;
	_ =	sdelay $0x1  }
0x115: {  	v50 =	vld [tilespmem:s13+$0xBEC0];
	v49 =	vshra.s32 v44, $0x8  }
0x116: {  	v0 =	vadd.s32 v49, v0  }
0x117: {  	[tilespmem:s13+$0xA620] =	vst v0  }
0x118: {  	v0 =	vld.idx.msk [tilespmem:v48+s10+$0x0], $0xffff;
	_ =	sdelay $0x1  }
0x119: {  	v51 =	vand.u32 $0xFF, v50;
	_ =	sdelay $0x1  }
0x11a: {  	v53 =	vld [tilespmem:s13+$0xBED0];
	v52 =	vshra.s32 v47, $0x8  }
0x11b: {  	v0 =	vadd.s32 v52, v0  }
0x11c: {  	[tilespmem:s13+$0xA630] =	vst v0  }
0x11d: {  	v0 =	vld.idx.msk [tilespmem:v51+s10+$0x0], $0xffff;
	_ =	sdelay $0x1  }
0x11e: {  	v54 =	vand.u32 $0xFF, v53;
	_ =	sdelay $0x1  }
0x11f: {  	v56 =	vld [tilespmem:s13+$0xBEE0];
	v55 =	vshra.s32 v50, $0x8  }
0x120: {  	v0 =	vadd.s32 v55, v0  }
0x121: {  	[tilespmem:s13+$0xA640] =	vst v0  }
0x122: {  	v0 =	vld.idx.msk [tilespmem:v54+s10+$0x0], $0xffff;
	_ =	sdelay $0x1  }
0x123: {  	v57 =	vand.u32 $0xFF, v56;
	_ =	sdelay $0x1  }
0x124: {  	v59 =	vld [tilespmem:s13+$0xBEF0];
	v58 =	vshra.s32 v53, $0x8  }
0x125: {  	v0 =	vadd.s32 v58, v0  }
0x126: {  	[tilespmem:s13+$0xA650] =	vst v0  }
0x127: {  	v0 =	vld.idx.msk [tilespmem:v57+s10+$0x0], $0xffff;
	_ =	sdelay $0x1  }
0x128: {  	v60 =	vand.u32 $0xFF, v59;
	_ =	sdelay $0x1  }
0x129: {  	v61 =	vshra.s32 v56, $0x8  }
0x12a: {  	v0 =	vadd.s32 v61, v0  }
0x12b: {  	[tilespmem:s13+$0xA660] =	vst v0  }
0x12c: {  	v0 =	vld.idx.msk [tilespmem:v60+s10+$0x0], $0xffff;
	_ =	sdelay $0x3  }
0x12d: {  	v62 =	vshra.s32 v59, $0x8  }
0x12e: {  	v0 =	vadd.s32 v62, v0  }
0x12f: {  	s26 =	simm.s32 $0x1880;
	s28 =	simm.s32 $0xA600;
	s12 =	simm.s32 $0x6300;
	[tilespmem:s13+$0xA670] =	vst v0  }
0x130: {  	[spmem:s6] =	stream.indirect.scatter [tilespmem:s12], [sflag:$0x1], $0x1, s28, s26, $0xb8;
	[tilespmem:$0xD700] =	vst v63  }
0x131: {  	s29 =	simm.s32 $0x7B80;
	s30 =	simm.s32 $0x1  }
0x132: {  	[spmem:s5] =	stream.indirect.scatter [tilespmem:s29], [sflag:$0x1], $0x1, s28, s26, $0xb8;
	[tilespmem:$0xD700] =	vst v63  }
0x133: {  	_ =	swait.ge [sflag:s30], $0x1880  }
0x134: {  	[sflag:s30] =	ssyncset.done $0x0  }
0x135: {  	[sflag:s30] =	ssyncadd.s32 $0xFFFFE780  }
0x136: {  	_ =	swait.ge [sflag:s30], $0x1880  }
0x137: {  	[sflag:s30] =	ssyncset.done $0x0  }
0x138: {  	[sflag:s30] =	ssyncadd.s32 $0xFFFFE780  }
0x139: {  	s31 =	simm.s32 $0x3;
	s10 =	sadd.s32 s8, s6;
	[bflag:$0x0] =	sbarrier.arrive $0xFFFF  }
0x13a: {  	[tilespmem:s12], [sflag:$0x3] =	stream.linear.gather [spmem:s10], $0x1880, $0x38;
	[tilespmem:$0xD700] =	vst v63  }
0x13b: {  	_ =	swait.ge [sflag:s31], $0x1880  }
0x13c: {  	[sflag:s31] =	ssyncset.done $0x0  }
0x13d: {  	s11 =	sadd.s32 s8, s5;
	[sflag:s31] =	ssyncadd.s32 $0xFFFFE780  }
0x13e: {  	v63 =	vimm.s32 $0x0;
	[tilespmem:s29], [sflag:$0x2] =	stream.linear.gather [spmem:s11], $0x1880, $0x38;
	[tilespmem:$0xD700] =	vst v63  }
0x13f: {  	[tilespmem:$0xA400] =	vst v63  }
0x140: {  	[tilespmem:$0xA410] =	vst v63  }
0x141: {  	[tilespmem:$0xA420] =	vst v63  }
0x142: {  	[tilespmem:$0xA430] =	vst v63  }
0x143: {  	[tilespmem:$0xA440] =	vst v63  }
0x144: {  	[tilespmem:$0xA450] =	vst v63  }
0x145: {  	[tilespmem:$0xA460] =	vst v63  }
0x146: {  	[tilespmem:$0xA470] =	vst v63  }
0x147: {  	[tilespmem:$0xA480] =	vst v63  }
0x148: {  	[tilespmem:$0xA490] =	vst v63  }
0x149: {  	[tilespmem:$0xA4A0] =	vst v63  }
0x14a: {  	[tilespmem:$0xA4B0] =	vst v63  }
0x14b: {  	[tilespmem:$0xA4C0] =	vst v63  }
0x14c: {  	[tilespmem:$0xA4D0] =	vst v63  }
0x14d: {  	[tilespmem:$0xA4E0] =	vst v63  }
0x14e: {  	s13 =	simm.s32 $0xA400;
	s12 =	simm.s32 $0x0;
	[tilespmem:$0xA4F0] =	vst v63  }
.LBB2_11:
0x14f: {  	s14 =	sshra.s32 s12, $0x2  }
0x150: {  	v0 =	vld [tilespmem:s14+$0x6300];
	_ =	sdelay $0x4  }
0x151: {  	v0 =	vshrl.u32 v0, $0x8  }
0x152: {  	v0 =	vand.u32 $0xFF, v0  }
0x153: {  	(xrf1) =	vunique.msk.u32 $0xffff, v0;
	_ =	sdelay $0xa  }
0x154: {  	v1 =	vld.idx.msk [tilespmem:v0+s13+$0x0], $0xffff;
	_ =	sdelay $0x2  }
0x155: {  	_, v2, vm0 =	vpop (xrf1);
	_ =	sdelay $0x1  }
0x156: {  	v1 =	vadd.s32 v1, v2  }
0x157: {  	v1 =	vshll.u32 v1, $0x8  }
0x158: {  	v1 =	vor.u32 v0, v1  }
0x159: {  	[tilespmem:s14+$0xBE80] =	vst v1  }
0x15a: {  	[tilespmem:v0+s13+$0x0] =	vst.idx.add.s32.msk vm0, v2  }
0x15b: {  	v0 =	vld [tilespmem:s14+$0x6310];
	_ =	sdelay $0x4  }
0x15c: {  	v0 =	vshrl.u32 v0, $0x8  }
0x15d: {  	v0 =	vand.u32 $0xFF, v0  }
0x15e: {  	(xrf1) =	vunique.msk.u32 $0xffff, v0;
	_ =	sdelay $0xa  }
0x15f: {  	v1 =	vld.idx.msk [tilespmem:v0+s13+$0x0], $0xffff;
	_ =	sdelay $0x2  }
0x160: {  	_, v2, vm0 =	vpop (xrf1);
	_ =	sdelay $0x1  }
0x161: {  	v1 =	vadd.s32 v1, v2  }
0x162: {  	v1 =	vshll.u32 v1, $0x8  }
0x163: {  	v1 =	vor.u32 v0, v1  }
0x164: {  	[tilespmem:s14+$0xBE90] =	vst v1  }
0x165: {  	[tilespmem:v0+s13+$0x0] =	vst.idx.add.s32.msk vm0, v2  }
0x166: {  	v0 =	vld [tilespmem:s14+$0x6320];
	_ =	sdelay $0x4  }
0x167: {  	v0 =	vshrl.u32 v0, $0x8  }
0x168: {  	v0 =	vand.u32 $0xFF, v0  }
0x169: {  	(xrf1) =	vunique.msk.u32 $0xffff, v0;
	_ =	sdelay $0xa  }
0x16a: {  	v1 =	vld.idx.msk [tilespmem:v0+s13+$0x0], $0xffff;
	_ =	sdelay $0x2  }
0x16b: {  	_, v2, vm0 =	vpop (xrf1);
	_ =	sdelay $0x1  }
0x16c: {  	v1 =	vadd.s32 v1, v2  }
0x16d: {  	v1 =	vshll.u32 v1, $0x8  }
0x16e: {  	v1 =	vor.u32 v0, v1  }
0x16f: {  	[tilespmem:s14+$0xBEA0] =	vst v1  }
0x170: {  	[tilespmem:v0+s13+$0x0] =	vst.idx.add.s32.msk vm0, v2  }
0x171: {  	v0 =	vld [tilespmem:s14+$0x6330];
	_ =	sdelay $0x4  }
0x172: {  	v0 =	vshrl.u32 v0, $0x8  }
0x173: {  	v0 =	vand.u32 $0xFF, v0  }
0x174: {  	(xrf1) =	vunique.msk.u32 $0xffff, v0;
	_ =	sdelay $0xa  }
0x175: {  	v1 =	vld.idx.msk [tilespmem:v0+s13+$0x0], $0xffff;
	_ =	sdelay $0x2  }
0x176: {  	_, v2, vm0 =	vpop (xrf1);
	_ =	sdelay $0x1  }
0x177: {  	v1 =	vadd.s32 v1, v2  }
0x178: {  	v1 =	vshll.u32 v1, $0x8  }
0x179: {  	v1 =	vor.u32 v0, v1  }
0x17a: {  	[tilespmem:s14+$0xBEB0] =	vst v1  }
0x17b: {  	[tilespmem:v0+s13+$0x0] =	vst.idx.add.s32.msk vm0, v2  }
0x17c: {  	v0 =	vld [tilespmem:s14+$0x6340];
	_ =	sdelay $0x4  }
0x17d: {  	v0 =	vshrl.u32 v0, $0x8  }
0x17e: {  	v0 =	vand.u32 $0xFF, v0  }
0x17f: {  	(xrf1) =	vunique.msk.u32 $0xffff, v0;
	_ =	sdelay $0xa  }
0x180: {  	v1 =	vld.idx.msk [tilespmem:v0+s13+$0x0], $0xffff;
	_ =	sdelay $0x2  }
0x181: {  	_, v2, vm0 =	vpop (xrf1);
	_ =	sdelay $0x1  }
0x182: {  	v1 =	vadd.s32 v1, v2  }
0x183: {  	v1 =	vshll.u32 v1, $0x8  }
0x184: {  	v1 =	vor.u32 v0, v1  }
0x185: {  	[tilespmem:s14+$0xBEC0] =	vst v1  }
0x186: {  	[tilespmem:v0+s13+$0x0] =	vst.idx.add.s32.msk vm0, v2  }
0x187: {  	v0 =	vld [tilespmem:s14+$0x6350];
	_ =	sdelay $0x4  }
0x188: {  	v0 =	vshrl.u32 v0, $0x8  }
0x189: {  	v0 =	vand.u32 $0xFF, v0  }
0x18a: {  	(xrf1) =	vunique.msk.u32 $0xffff, v0;
	_ =	sdelay $0xa  }
0x18b: {  	v1 =	vld.idx.msk [tilespmem:v0+s13+$0x0], $0xffff;
	_ =	sdelay $0x2  }
0x18c: {  	_, v2, vm0 =	vpop (xrf1);
	_ =	sdelay $0x1  }
0x18d: {  	v1 =	vadd.s32 v1, v2  }
0x18e: {  	v1 =	vshll.u32 v1, $0x8  }
0x18f: {  	v1 =	vor.u32 v0, v1  }
0x190: {  	[tilespmem:s14+$0xBED0] =	vst v1  }
0x191: {  	[tilespmem:v0+s13+$0x0] =	vst.idx.add.s32.msk vm0, v2  }
0x192: {  	v0 =	vld [tilespmem:s14+$0x6360];
	_ =	sdelay $0x4  }
0x193: {  	v0 =	vshrl.u32 v0, $0x8  }
0x194: {  	v0 =	vand.u32 $0xFF, v0  }
0x195: {  	(xrf1) =	vunique.msk.u32 $0xffff, v0;
	_ =	sdelay $0xa  }
0x196: {  	v1 =	vld.idx.msk [tilespmem:v0+s13+$0x0], $0xffff;
	_ =	sdelay $0x2  }
0x197: {  	_, v2, vm0 =	vpop (xrf1);
	_ =	sdelay $0x1  }
0x198: {  	v1 =	vadd.s32 v1, v2  }
0x199: {  	v1 =	vshll.u32 v1, $0x8  }
0x19a: {  	v1 =	vor.u32 v0, v1  }
0x19b: {  	[tilespmem:s14+$0xBEE0] =	vst v1  }
0x19c: {  	[tilespmem:v0+s13+$0x0] =	vst.idx.add.s32.msk vm0, v2  }
0x19d: {  	v0 =	vld [tilespmem:s14+$0x6370];
	_ =	sdelay $0x4  }
0x19e: {  	v0 =	vshrl.u32 v0, $0x8  }
0x19f: {  	v0 =	vand.u32 $0xFF, v0  }
0x1a0: {  	(xrf1) =	vunique.msk.u32 $0xffff, v0;
	_ =	sdelay $0xa  }
0x1a1: {  	v1 =	vld.idx.msk [tilespmem:v0+s13+$0x0], $0xffff;
	_ =	sdelay $0x2  }
0x1a2: {  	_, v2, vm0 =	vpop (xrf1)  }
0x1a3: {  	p0 =	sne.s32 s12, $0x6000  }
.Ltmp5:
0x1a4: {  	v1 =	vadd.s32 v1, v2;
	(pc) =	sbr.rel @p0 .LBB2_11-.Ltmp5, $4  }
0x1a5: {  	v1 =	vshll.u32 v1, $0x8  }
0x1a6: {  	v1 =	vor.u32 v0, v1  }
0x1a7: {  	[tilespmem:s14+$0xBEF0] =	vst v1  }
0x1a8: {  	s12 =	sadd.s32 $0x200, s12;
	[tilespmem:v0+s13+$0x0] =	vst.idx.add.s32.msk vm0, v2  }
0x1a9: {  	s12 =	simm.s32 $0xA400;
	s13 =	simm.s32 $0x3  }
0x1aa: {  	[spmem:s7] =	stream.linear.scatter [tilespmem:s12], [sflag:$0x3], $0x100, $0x38;
	[tilespmem:$0xD700] =	vst v63  }
0x1ab: {  	_ =	swait.ge [sflag:s13], $0x100  }
0x1ac: {  	[sflag:s13] =	ssyncset.done $0x0  }
0x1ad: {  	[sflag:s13] =	ssyncadd.s32 $0xFFFFFF00  }
0x1ae: {  	s12 =	simm.s32 $0x9400;
	[bflag:$0x0] =	sbarrier.arrive $0xFFFF  }
0x1af: {  	[tilespmem:s12], [sflag:$0x3] =	stream.linear.gather [spmem:s4], $0x1000, $0x38;
	[tilespmem:$0xD700] =	vst v63  }
0x1b0: {  	_ =	swait.ge [sflag:s13], $0x1000  }
0x1b1: {  	s14 =	simm.s32 $0x0;
	[sflag:s13] =	ssyncset.done $0x0  }
0x1b2: {  	v0 =	vlaneseq.u32;
	s15 =	simm.s32 $0x0;
	[sflag:s13] =	ssyncadd.s32 $0xFFFFF000;
	s13 =	simm.s32 $0x0  }
.LBB2_13:
0x1b3: {  	s16 =	sshll.u32 s15, $0x4  }
0x1b4: {  	s17 =	sor.u32 s16, s13  }
0x1b5: {  	v1 =	vor.u32 s17, v0;
	_ =	sdelay $0x2  }
0x1b6: {  	s18 =	simm.s32 $0x100  }
0x1b7: {  	s19 =	sor.u32 s16, s18  }
0x1b8: {  	v4 =	vor.u32 s19, v0;
	v1 =	vld.idx.msk [tilespmem:v1+s12+$0x0], $0xffff;
	_ =	sdelay $0x1  }
0x1b9: {  	p0 =	sgt.u32 s0, $0x0  }
0x1ba: {  	v3 =	vimm.s32 $0x0;
	v2 =	vimm.s32 $0x0;
	s18 =	simm.s32 $0x2;
	s17 =	simm.s32 $0x1;
	s19 =	simm.s32 $0x200  }
.LBB2_14:
0x1bb: {  	s20 =	sor.u32 s16, s19  }
0x1bc: {  	p1 =	sne.s32 s18, $0xF;
	v3 =	vadd.s32 v3, v1;
	v5 =	vpsel !p0, $0x0, v1;
	v1 =	vld.idx.msk [tilespmem:v4+s12+$0x0], $0xffff;
	s21 =	smov.u32 s18;
	s18 =	sadd.s32 $0x1, s18  }
.Ltmp6:
0x1bd: {  	v4 =	vor.u32 s20, v0;
	v2 =	vadd.s32 v2, v5;
	(pc) =	sbr.rel @p1 .LBB2_14-.Ltmp6, $2  }
0x1be: {  	_ =	sdelay $0x2  }
0x1bf: {  	s19 =	sadd.s32 $0x100, s19;
	p0 =	slt.u32 s17, s0;
	s17 =	smov.u32 s21  }
0x1c0: {  	_ =	sdelay $0x3  }
0x1c1: {  	v4 =	vld.idx.msk [tilespmem:v4+s12+$0x0], $0xffff;
	_ =	sdelay $0x3  }
0x1c2: {  	v3 =	vadd.s32 v3, v1  }
0x1c3: {  	v3 =	vadd.s32 v3, v4  }
0x1c4: {  	(xrf0) =	vadd.scan.msk.s32 $0xffff, v3;
	_ =	sdelay $0x5  }
0x1c5: {  	v5, _, _ =	vpop (xrf0)  }
0x1c6: {  	(v2sf) =	vpush v5, $0xF;
	_ =	sdelay $0x8  }
0x1c7: {  	v6 =	vmov s14  }
0x1c8: {  	s15 =	sadd.s32 $0x1, s15;
	v6 =	vadd.s32 $0xFFFFFFFF, v6  }
0x1c9: {  	v1 =	vpsel !p0, $0x0, v1;
	p6 =	slt.u32 s17, s0;
	p0 =	sne.s32 s15, $0x10;
	v6 =	vbroadcast v6, $0x0  }
.Ltmp7:
0x1ca: {  	v1 =	vadd.s32 v2, v1;
	v2 =	vpsel !p6, $0x0, v4;
	(pc) =	sbr.rel @p0 .LBB2_13-.Ltmp7, $4  }
0x1cb: {  	v1 =	vadd.s32 v1, v2;
	v2 =	vsub.s32 v6, v3  }
0x1cc: {  	v1 =	vadd.s32 v1, v2  }
0x1cd: {  	v1 =	vadd.s32 v5, v1;
	s31 =	spop (v2sf)  }
0x1ce: {  	[tilespmem:s16+$0xA500] =	vst v1;
	s14 =	sadd.s32 s14, s31  }
0x1cf: {  	s13 =	simm.s32 $0x0  }
0x1d0: {  	v0 =	vld [tilespmem:s13+$0xBE80];
	_ =	sdelay $0x4  }
0x1d1: {  	v1 =	vand.u32 $0xFF, v0;
	_ =	sdelay $0x1  }
0x1d2: {  	v2 =	vld [tilespmem:s13+$0xBE90];
	_ =	sdelay $0x1  }
0x1d3: {  	s12 =	simm.s32 $0xA500  }
0x1d4: {  	v1 =	vld.idx.msk [tilespmem:v1+s12+$0x0], $0xffff;
	_ =	sdelay $0x1  }
0x1d5: {  	v3 =	vand.u32 $0xFF, v2;
	_ =	sdelay $0x1  }
0x1d6: {  	v4 =	vld [tilespmem:s13+$0xBEA0];
	v0 =	vshra.s32 v0, $0x8  }
0x1d7: {  	v0 =	vadd.s32 v0, v1  }
0x1d8: {  	[tilespmem:s13+$0xA600] =	vst v0  }
0x1d9: {  	v0 =	vld.idx.msk [tilespmem:v3+s12+$0x0], $0xffff;
	_ =	sdelay $0x1  }
0x1da: {  	v1 =	vand.u32 $0xFF, v4;
	_ =	sdelay $0x1  }
0x1db: {  	v2 =	vshra.s32 v2, $0x8;
	v3 =	vld [tilespmem:s13+$0xBEB0]  }
0x1dc: {  	v0 =	vadd.s32 v2, v0  }
0x1dd: {  	[tilespmem:s13+$0xA610] =	vst v0  }
0x1de: {  	v0 =	vld.idx.msk [tilespmem:v1+s12+$0x0], $0xffff;
	_ =	sdelay $0x1  }
0x1df: {  	v1 =	vand.u32 $0xFF, v3;
	_ =	sdelay $0x1  }
0x1e0: {  	v2 =	vshra.s32 v4, $0x8;
	v4 =	vld [tilespmem:s13+$0xBEC0]  }
0x1e1: {  	v0 =	vadd.s32 v2, v0  }
0x1e2: {  	[tilespmem:s13+$0xA620] =	vst v0  }
0x1e3: {  	v0 =	vld.idx.msk [tilespmem:v1+s12+$0x0], $0xffff;
	_ =	sdelay $0x1  }
0x1e4: {  	v1 =	vand.u32 $0xFF, v4;
	_ =	sdelay $0x1  }
0x1e5: {  	v2 =	vshra.s32 v3, $0x8;
	v3 =	vld [tilespmem:s13+$0xBED0]  }
0x1e6: {  	v0 =	vadd.s32 v2, v0  }
0x1e7: {  	[tilespmem:s13+$0xA630] =	vst v0  }
0x1e8: {  	v0 =	vld.idx.msk [tilespmem:v1+s12+$0x0], $0xffff;
	_ =	sdelay $0x1  }
0x1e9: {  	v1 =	vand.u32 $0xFF, v3;
	_ =	sdelay $0x1  }
0x1ea: {  	v2 =	vshra.s32 v4, $0x8;
	v4 =	vld [tilespmem:s13+$0xBEE0]  }
0x1eb: {  	v0 =	vadd.s32 v2, v0  }
0x1ec: {  	[tilespmem:s13+$0xA640] =	vst v0  }
0x1ed: {  	v1 =	vld.idx.msk [tilespmem:v1+s12+$0x0], $0xffff;
	_ =	sdelay $0x1  }
0x1ee: {  	v2 =	vand.u32 $0xFF, v4;
	_ =	sdelay $0x1  }
0x1ef: {  	v3 =	vshra.s32 v3, $0x8;
	v0 =	vld [tilespmem:s13+$0xBEF0]  }
0x1f0: {  	v1 =	vadd.s32 v3, v1  }
0x1f1: {  	[tilespmem:s13+$0xA650] =	vst v1  }
0x1f2: {  	v2 =	vld.idx.msk [tilespmem:v2+s12+$0x0], $0xffff;
	_ =	sdelay $0x1  }
0x1f3: {  	v1 =	vand.u32 $0xFF, v0;
	_ =	sdelay $0x1  }
0x1f4: {  	s15 =	simm.s32 $0x80;
	s14 =	simm.s32 $0x400;
	v3 =	vshra.s32 v4, $0x8  }
.LBB2_17:
0x1f5: {  	p0 =	sne.s32 s14, $0x6000;
	v4 =	vld [tilespmem:s15+$0xBE80];
	v2 =	vadd.s32 v3, v2  }
0x1f6: {  	[tilespmem:s13+$0xA660] =	vst v2  }
0x1f7: {  	v1 =	vld.idx.msk [tilespmem:v1+s12+$0x0], $0xffff;
	_ =	sdelay $0x2  }
0x1f8: {  	v2 =	vand.u32 $0xFF, v4;
	_ =	sdelay $0x1  }
0x1f9: {  	v0 =	vshra.s32 v0, $0x8  }
0x1fa: {  	v0 =	vadd.s32 v0, v1;
	v3 =	vld [tilespmem:s15+$0xBE90]  }
0x1fb: {  	[tilespmem:s13+$0xA670] =	vst v0;
	s13 =	smov.u32 s15  }
0x1fc: {  	v0 =	vld.idx.msk [tilespmem:v2+s12+$0x0], $0xffff;
	_ =	sdelay $0x2  }
0x1fd: {  	v1 =	vand.u32 $0xFF, v3;
	_ =	sdelay $0x1  }
0x1fe: {  	v2 =	vshra.s32 v4, $0x8  }
0x1ff: {  	v0 =	vadd.s32 v2, v0;
	v2 =	vld [tilespmem:s13+$0xBEA0]  }
0x200: {  	[tilespmem:s13+$0xA600] =	vst v0  }
0x201: {  	v0 =	vld.idx.msk [tilespmem:v1+s12+$0x0], $0xffff;
	_ =	sdelay $0x2  }
0x202: {  	v1 =	vand.u32 $0xFF, v2;
	_ =	sdelay $0x1  }
0x203: {  	v3 =	vshra.s32 v3, $0x8  }
0x204: {  	v0 =	vadd.s32 v3, v0;
	v3 =	vld [tilespmem:s13+$0xBEB0]  }
0x205: {  	[tilespmem:s13+$0xA610] =	vst v0  }
0x206: {  	v0 =	vld.idx.msk [tilespmem:v1+s12+$0x0], $0xffff;
	_ =	sdelay $0x2  }
0x207: {  	v1 =	vand.u32 $0xFF, v3;
	_ =	sdelay $0x1  }
0x208: {  	v2 =	vshra.s32 v2, $0x8  }
0x209: {  	v0 =	vadd.s32 v2, v0;
	v2 =	vld [tilespmem:s13+$0xBEC0]  }
0x20a: {  	[tilespmem:s13+$0xA620] =	vst v0  }
0x20b: {  	v0 =	vld.idx.msk [tilespmem:v1+s12+$0x0], $0xffff;
	_ =	sdelay $0x2  }
0x20c: {  	v1 =	vand.u32 $0xFF, v2;
	_ =	sdelay $0x1  }
0x20d: {  	v3 =	vshra.s32 v3, $0x8  }
0x20e: {  	v0 =	vadd.s32 v3, v0;
	v3 =	vld [tilespmem:s13+$0xBED0]  }
0x20f: {  	[tilespmem:s13+$0xA630] =	vst v0  }
0x210: {  	v0 =	vld.idx.msk [tilespmem:v1+s12+$0x0], $0xffff;
	_ =	sdelay $0x2  }
0x211: {  	v1 =	vand.u32 $0xFF, v3;
	_ =	sdelay $0x1  }
0x212: {  	v2 =	vshra.s32 v2, $0x8  }
0x213: {  	v0 =	vadd.s32 v2, v0;
	v4 =	vld [tilespmem:s13+$0xBEE0]  }
0x214: {  	[tilespmem:s13+$0xA640] =	vst v0  }
0x215: {  	v0 =	vld.idx.msk [tilespmem:v1+s12+$0x0], $0xffff;
	_ =	sdelay $0x2  }
0x216: {  	v1 =	vand.u32 $0xFF, v4;
	_ =	sdelay $0x1  }
0x217: {  	v2 =	vshra.s32 v3, $0x8  }
0x218: {  	v2 =	vadd.s32 v2, v0;
	v0 =	vld [tilespmem:s13+$0xBEF0]  }
0x219: {  	[tilespmem:s13+$0xA650] =	vst v2  }
0x21a: {  	v2 =	vld.idx.msk [tilespmem:v1+s12+$0x0], $0xffff  }
.Ltmp8:
0x21b: {  	(pc) =	sbr.rel @p0 .LBB2_17-.Ltmp8, $3  }
0x21c: {  	_ = 	snop  }
0x21d: {  	v1 =	vand.u32 $0xFF, v0;
	_ =	sdelay $0x1  }
0x21e: {  	s15 =	sshra.s32 s14, $0x2;
	s14 =	sadd.s32 $0x200, s14;
	v3 =	vshra.s32 v4, $0x8  }
0x21f: {  	_ = 	snop  }
0x220: {  	v4 =	vld [tilespmem:s15+$0xBE80]  }
0x221: {  	v2 =	vadd.s32 v3, v2  }
0x222: {  	[tilespmem:s13+$0xA660] =	vst v2  }
0x223: {  	v1 =	vld.idx.msk [tilespmem:v1+s12+$0x0], $0xffff;
	_ =	sdelay $0x1  }
0x224: {  	v40 =	vand.u32 $0xFF, v4;
	_ =	sdelay $0x1  }
0x225: {  	v0 =	vshra.s32 v0, $0x8;
	v41 =	vld [tilespmem:s15+$0xBE90]  }
0x226: {  	v0 =	vadd.s32 v0, v1  }
0x227: {  	[tilespmem:s13+$0xA670] =	vst v0  }
0x228: {  	v0 =	vld.idx.msk [tilespmem:v40+s12+$0x0], $0xffff;
	_ =	sdelay $0x1  }
0x229: {  	v42 =	vand.u32 $0xFF, v41;
	_ =	sdelay $0x1  }
0x22a: {  	v43 =	vshra.s32 v4, $0x8;
	v44 =	vld [tilespmem:s15+$0xBEA0]  }
0x22b: {  	v0 =	vadd.s32 v43, v0  }
0x22c: {  	[tilespmem:s15+$0xA600] =	vst v0  }
0x22d: {  	v0 =	vld.idx.msk [tilespmem:v42+s12+$0x0], $0xffff;
	_ =	sdelay $0x1  }
0x22e: {  	v45 =	vand.u32 $0xFF, v44;
	_ =	sdelay $0x1  }
0x22f: {  	v46 =	vshra.s32 v41, $0x8;
	v47 =	vld [tilespmem:s15+$0xBEB0]  }
0x230: {  	v0 =	vadd.s32 v46, v0  }
0x231: {  	[tilespmem:s15+$0xA610] =	vst v0  }
0x232: {  	v0 =	vld.idx.msk [tilespmem:v45+s12+$0x0], $0xffff;
	_ =	sdelay $0x1  }
0x233: {  	v48 =	vand.u32 $0xFF, v47;
	_ =	sdelay $0x1  }
0x234: {  	v50 =	vld [tilespmem:s15+$0xBEC0];
	v49 =	vshra.s32 v44, $0x8  }
0x235: {  	v0 =	vadd.s32 v49, v0  }
0x236: {  	[tilespmem:s15+$0xA620] =	vst v0  }
0x237: {  	v0 =	vld.idx.msk [tilespmem:v48+s12+$0x0], $0xffff;
	_ =	sdelay $0x1  }
0x238: {  	v51 =	vand.u32 $0xFF, v50;
	_ =	sdelay $0x1  }
0x239: {  	v53 =	vld [tilespmem:s15+$0xBED0];
	v52 =	vshra.s32 v47, $0x8  }
0x23a: {  	v0 =	vadd.s32 v52, v0  }
0x23b: {  	[tilespmem:s15+$0xA630] =	vst v0  }
0x23c: {  	v0 =	vld.idx.msk [tilespmem:v51+s12+$0x0], $0xffff;
	_ =	sdelay $0x1  }
0x23d: {  	v54 =	vand.u32 $0xFF, v53;
	_ =	sdelay $0x1  }
0x23e: {  	v56 =	vld [tilespmem:s15+$0xBEE0];
	v55 =	vshra.s32 v50, $0x8  }
0x23f: {  	v0 =	vadd.s32 v55, v0  }
0x240: {  	[tilespmem:s15+$0xA640] =	vst v0  }
0x241: {  	v0 =	vld.idx.msk [tilespmem:v54+s12+$0x0], $0xffff;
	_ =	sdelay $0x1  }
0x242: {  	v57 =	vand.u32 $0xFF, v56;
	_ =	sdelay $0x1  }
0x243: {  	v59 =	vld [tilespmem:s15+$0xBEF0];
	v58 =	vshra.s32 v53, $0x8  }
0x244: {  	v0 =	vadd.s32 v58, v0  }
0x245: {  	[tilespmem:s15+$0xA650] =	vst v0  }
0x246: {  	v0 =	vld.idx.msk [tilespmem:v57+s12+$0x0], $0xffff;
	_ =	sdelay $0x1  }
0x247: {  	v60 =	vand.u32 $0xFF, v59;
	_ =	sdelay $0x1  }
0x248: {  	v61 =	vshra.s32 v56, $0x8  }
0x249: {  	v0 =	vadd.s32 v61, v0  }
0x24a: {  	[tilespmem:s15+$0xA660] =	vst v0  }
0x24b: {  	v0 =	vld.idx.msk [tilespmem:v60+s12+$0x0], $0xffff;
	_ =	sdelay $0x3  }
0x24c: {  	v62 =	vshra.s32 v59, $0x8  }
0x24d: {  	s23 =	simm.s32 $0x1880;
	v0 =	vadd.s32 v62, v0  }
0x24e: {  	s24 =	simm.s32 $0xA600;
	s14 =	simm.s32 $0x6300;
	s25 =	simm.s32 $0x2;
	[tilespmem:s15+$0xA670] =	vst v0  }
0x24f: {  	[spmem:s9] =	stream.indirect.scatter [tilespmem:s14], [sflag:$0x1], $0x1, s24, s23, $0xb8;
	[tilespmem:$0xD700] =	vst v63  }
0x250: {  	_ =	swait.ge [sflag:s25], $0x1880  }
0x251: {  	[sflag:s25] =	ssyncset.done $0x0  }
0x252: {  	s26 =	simm.s32 $0x7B80;
	s28 =	simm.s32 $0x1;
	[sflag:s25] =	ssyncadd.s32 $0xFFFFE780  }
0x253: {  	[spmem:s3] =	stream.indirect.scatter [tilespmem:s26], [sflag:$0x1], $0x1, s24, s23, $0xb8;
	[tilespmem:$0xD700] =	vst v63  }
0x254: {  	_ =	swait.ge [sflag:s28], $0x1880  }
0x255: {  	[sflag:s28] =	ssyncset.done $0x0  }
0x256: {  	[sflag:s28] =	ssyncadd.s32 $0xFFFFE780  }
0x257: {  	_ =	swait.ge [sflag:s28], $0x1880  }
0x258: {  	[sflag:s28] =	ssyncset.done $0x0  }
0x259: {  	[sflag:s28] =	ssyncadd.s32 $0xFFFFE780  }
0x25a: {  	s29 =	sadd.s32 s8, s9;
	s30 =	simm.s32 $0x3;
	[bflag:$0x0] =	sbarrier.arrive $0xFFFF  }
0x25b: {  	[tilespmem:s14], [sflag:$0x3] =	stream.linear.gather [spmem:s29], $0x1880, $0x38;
	[tilespmem:$0xD700] =	vst v63  }
0x25c: {  	_ =	swait.ge [sflag:s30], $0x1880  }
0x25d: {  	[sflag:s30] =	ssyncset.done $0x0  }
0x25e: {  	s31 =	sadd.s32 s8, s3;
	[sflag:s30] =	ssyncadd.s32 $0xFFFFE780  }
0x25f: {  	v63 =	vimm.s32 $0x0;
	[tilespmem:s26], [sflag:$0x2] =	stream.linear.gather [spmem:s31], $0x1880, $0x38;
	[tilespmem:$0xD700] =	vst v63  }
0x260: {  	[tilespmem:$0xA400] =	vst v63  }
0x261: {  	[tilespmem:$0xA410] =	vst v63  }
0x262: {  	[tilespmem:$0xA420] =	vst v63  }
0x263: {  	[tilespmem:$0xA430] =	vst v63  }
0x264: {  	[tilespmem:$0xA440] =	vst v63  }
0x265: {  	[tilespmem:$0xA450] =	vst v63  }
0x266: {  	[tilespmem:$0xA460] =	vst v63  }
0x267: {  	[tilespmem:$0xA470] =	vst v63  }
0x268: {  	[tilespmem:$0xA480] =	vst v63  }
0x269: {  	[tilespmem:$0xA490] =	vst v63  }
0x26a: {  	[tilespmem:$0xA4A0] =	vst v63  }
0x26b: {  	[tilespmem:$0xA4B0] =	vst v63  }
0x26c: {  	[tilespmem:$0xA4C0] =	vst v63  }
0x26d: {  	[tilespmem:$0xA4D0] =	vst v63  }
0x26e: {  	[tilespmem:$0xA4E0] =	vst v63  }
0x26f: {  	s8 =	simm.s32 $0x0;
	s9 =	simm.s32 $0xA400;
	[tilespmem:$0xA4F0] =	vst v63  }
.LBB2_19:
0x270: {  	s12 =	sshra.s32 s8, $0x2  }
0x271: {  	v0 =	vld [tilespmem:s12+$0x6300];
	_ =	sdelay $0x4  }
0x272: {  	v0 =	vshrl.u32 v0, $0x10  }
0x273: {  	v0 =	vand.u32 $0xFF, v0  }
0x274: {  	(xrf1) =	vunique.msk.u32 $0xffff, v0;
	_ =	sdelay $0xa  }
0x275: {  	v1 =	vld.idx.msk [tilespmem:v0+s9+$0x0], $0xffff;
	_ =	sdelay $0x2  }
0x276: {  	_, v2, vm0 =	vpop (xrf1);
	_ =	sdelay $0x1  }
0x277: {  	v1 =	vadd.s32 v1, v2  }
0x278: {  	v1 =	vshll.u32 v1, $0x8  }
0x279: {  	v1 =	vor.u32 v0, v1  }
0x27a: {  	[tilespmem:s12+$0xBE80] =	vst v1  }
0x27b: {  	[tilespmem:v0+s9+$0x0] =	vst.idx.add.s32.msk vm0, v2  }
0x27c: {  	v0 =	vld [tilespmem:s12+$0x6310];
	_ =	sdelay $0x4  }
0x27d: {  	v0 =	vshrl.u32 v0, $0x10  }
0x27e: {  	v0 =	vand.u32 $0xFF, v0  }
0x27f: {  	(xrf1) =	vunique.msk.u32 $0xffff, v0;
	_ =	sdelay $0xa  }
0x280: {  	v1 =	vld.idx.msk [tilespmem:v0+s9+$0x0], $0xffff;
	_ =	sdelay $0x2  }
0x281: {  	_, v2, vm0 =	vpop (xrf1);
	_ =	sdelay $0x1  }
0x282: {  	v1 =	vadd.s32 v1, v2  }
0x283: {  	v1 =	vshll.u32 v1, $0x8  }
0x284: {  	v1 =	vor.u32 v0, v1  }
0x285: {  	[tilespmem:s12+$0xBE90] =	vst v1  }
0x286: {  	[tilespmem:v0+s9+$0x0] =	vst.idx.add.s32.msk vm0, v2  }
0x287: {  	v0 =	vld [tilespmem:s12+$0x6320];
	_ =	sdelay $0x4  }
0x288: {  	v0 =	vshrl.u32 v0, $0x10  }
0x289: {  	v0 =	vand.u32 $0xFF, v0  }
0x28a: {  	(xrf1) =	vunique.msk.u32 $0xffff, v0;
	_ =	sdelay $0xa  }
0x28b: {  	v1 =	vld.idx.msk [tilespmem:v0+s9+$0x0], $0xffff;
	_ =	sdelay $0x2  }
0x28c: {  	_, v2, vm0 =	vpop (xrf1);
	_ =	sdelay $0x1  }
0x28d: {  	v1 =	vadd.s32 v1, v2  }
0x28e: {  	v1 =	vshll.u32 v1, $0x8  }
0x28f: {  	v1 =	vor.u32 v0, v1  }
0x290: {  	[tilespmem:s12+$0xBEA0] =	vst v1  }
0x291: {  	[tilespmem:v0+s9+$0x0] =	vst.idx.add.s32.msk vm0, v2  }
0x292: {  	v0 =	vld [tilespmem:s12+$0x6330];
	_ =	sdelay $0x4  }
0x293: {  	v0 =	vshrl.u32 v0, $0x10  }
0x294: {  	v0 =	vand.u32 $0xFF, v0  }
0x295: {  	(xrf1) =	vunique.msk.u32 $0xffff, v0;
	_ =	sdelay $0xa  }
0x296: {  	v1 =	vld.idx.msk [tilespmem:v0+s9+$0x0], $0xffff;
	_ =	sdelay $0x2  }
0x297: {  	_, v2, vm0 =	vpop (xrf1);
	_ =	sdelay $0x1  }
0x298: {  	v1 =	vadd.s32 v1, v2  }
0x299: {  	v1 =	vshll.u32 v1, $0x8  }
0x29a: {  	v1 =	vor.u32 v0, v1  }
0x29b: {  	[tilespmem:s12+$0xBEB0] =	vst v1  }
0x29c: {  	[tilespmem:v0+s9+$0x0] =	vst.idx.add.s32.msk vm0, v2  }
0x29d: {  	v0 =	vld [tilespmem:s12+$0x6340];
	_ =	sdelay $0x4  }
0x29e: {  	v0 =	vshrl.u32 v0, $0x10  }
0x29f: {  	v0 =	vand.u32 $0xFF, v0  }
0x2a0: {  	(xrf1) =	vunique.msk.u32 $0xffff, v0;
	_ =	sdelay $0xa  }
0x2a1: {  	v1 =	vld.idx.msk [tilespmem:v0+s9+$0x0], $0xffff;
	_ =	sdelay $0x2  }
0x2a2: {  	_, v2, vm0 =	vpop (xrf1);
	_ =	sdelay $0x1  }
0x2a3: {  	v1 =	vadd.s32 v1, v2  }
0x2a4: {  	v1 =	vshll.u32 v1, $0x8  }
0x2a5: {  	v1 =	vor.u32 v0, v1  }
0x2a6: {  	[tilespmem:s12+$0xBEC0] =	vst v1  }
0x2a7: {  	[tilespmem:v0+s9+$0x0] =	vst.idx.add.s32.msk vm0, v2  }
0x2a8: {  	v0 =	vld [tilespmem:s12+$0x6350];
	_ =	sdelay $0x4  }
0x2a9: {  	v0 =	vshrl.u32 v0, $0x10  }
0x2aa: {  	v0 =	vand.u32 $0xFF, v0  }
0x2ab: {  	(xrf1) =	vunique.msk.u32 $0xffff, v0;
	_ =	sdelay $0xa  }
0x2ac: {  	v1 =	vld.idx.msk [tilespmem:v0+s9+$0x0], $0xffff;
	_ =	sdelay $0x2  }
0x2ad: {  	_, v2, vm0 =	vpop (xrf1);
	_ =	sdelay $0x1  }
0x2ae: {  	v1 =	vadd.s32 v1, v2  }
0x2af: {  	v1 =	vshll.u32 v1, $0x8  }
0x2b0: {  	v1 =	vor.u32 v0, v1  }
0x2b1: {  	[tilespmem:s12+$0xBED0] =	vst v1  }
0x2b2: {  	[tilespmem:v0+s9+$0x0] =	vst.idx.add.s32.msk vm0, v2  }
0x2b3: {  	v0 =	vld [tilespmem:s12+$0x6360];
	_ =	sdelay $0x4  }
0x2b4: {  	v0 =	vshrl.u32 v0, $0x10  }
0x2b5: {  	v0 =	vand.u32 $0xFF, v0  }
0x2b6: {  	(xrf1) =	vunique.msk.u32 $0xffff, v0;
	_ =	sdelay $0xa  }
0x2b7: {  	v1 =	vld.idx.msk [tilespmem:v0+s9+$0x0], $0xffff;
	_ =	sdelay $0x2  }
0x2b8: {  	_, v2, vm0 =	vpop (xrf1);
	_ =	sdelay $0x1  }
0x2b9: {  	v1 =	vadd.s32 v1, v2  }
0x2ba: {  	v1 =	vshll.u32 v1, $0x8  }
0x2bb: {  	v1 =	vor.u32 v0, v1  }
0x2bc: {  	[tilespmem:s12+$0xBEE0] =	vst v1  }
0x2bd: {  	[tilespmem:v0+s9+$0x0] =	vst.idx.add.s32.msk vm0, v2  }
0x2be: {  	v0 =	vld [tilespmem:s12+$0x6370];
	_ =	sdelay $0x4  }
0x2bf: {  	v0 =	vshrl.u32 v0, $0x10  }
0x2c0: {  	v0 =	vand.u32 $0xFF, v0  }
0x2c1: {  	(xrf1) =	vunique.msk.u32 $0xffff, v0;
	_ =	sdelay $0xa  }
0x2c2: {  	v1 =	vld.idx.msk [tilespmem:v0+s9+$0x0], $0xffff;
	_ =	sdelay $0x2  }
0x2c3: {  	_, v2, vm0 =	vpop (xrf1)  }
0x2c4: {  	p0 =	sne.s32 s8, $0x6000  }
.Ltmp9:
0x2c5: {  	v1 =	vadd.s32 v1, v2;
	(pc) =	sbr.rel @p0 .LBB2_19-.Ltmp9, $4  }
0x2c6: {  	v1 =	vshll.u32 v1, $0x8  }
0x2c7: {  	v1 =	vor.u32 v0, v1  }
0x2c8: {  	[tilespmem:s12+$0xBEF0] =	vst v1  }
0x2c9: {  	s8 =	sadd.s32 $0x200, s8;
	[tilespmem:v0+s9+$0x0] =	vst.idx.add.s32.msk vm0, v2  }
0x2ca: {  	s8 =	simm.s32 $0xA400;
	s9 =	simm.s32 $0x3  }
0x2cb: {  	[spmem:s7] =	stream.linear.scatter [tilespmem:s8], [sflag:$0x3], $0x100, $0x38;
	[tilespmem:$0xD700] =	vst v63  }
0x2cc: {  	_ =	swait.ge [sflag:s9], $0x100  }
0x2cd: {  	[sflag:s9] =	ssyncset.done $0x0  }
0x2ce: {  	[sflag:s9] =	ssyncadd.s32 $0xFFFFFF00  }
0x2cf: {  	s8 =	simm.s32 $0x9400;
	[bflag:$0x0] =	sbarrier.arrive $0xFFFF  }
0x2d0: {  	[tilespmem:s8], [sflag:$0x3] =	stream.linear.gather [spmem:s4], $0x1000, $0x38;
	[tilespmem:$0xD700] =	vst v63  }
0x2d1: {  	_ =	swait.ge [sflag:s9], $0x1000  }
0x2d2: {  	s12 =	simm.s32 $0x0;
	[sflag:s9] =	ssyncset.done $0x0  }
0x2d3: {  	v0 =	vlaneseq.u32;
	s13 =	simm.s32 $0x0;
	[sflag:s9] =	ssyncadd.s32 $0xFFFFF000;
	s9 =	simm.s32 $0x0  }
.LBB2_21:
0x2d4: {  	s14 =	sshll.u32 s13, $0x4  }
0x2d5: {  	s15 =	sor.u32 s14, s9  }
0x2d6: {  	v1 =	vor.u32 s15, v0;
	_ =	sdelay $0x2  }
0x2d7: {  	s16 =	simm.s32 $0x100  }
0x2d8: {  	s17 =	sor.u32 s14, s16  }
0x2d9: {  	v4 =	vor.u32 s17, v0;
	v1 =	vld.idx.msk [tilespmem:v1+s8+$0x0], $0xffff;
	_ =	sdelay $0x1  }
0x2da: {  	p0 =	sgt.u32 s0, $0x0  }
0x2db: {  	v3 =	vimm.s32 $0x0;
	v2 =	vimm.s32 $0x0;
	s16 =	simm.s32 $0x2;
	s15 =	simm.s32 $0x1;
	s17 =	simm.s32 $0x200  }
.LBB2_22:
0x2dc: {  	s18 =	sor.u32 s14, s17  }
0x2dd: {  	p1 =	sne.s32 s16, $0xF;
	v3 =	vadd.s32 v3, v1;
	v5 =	vpsel !p0, $0x0, v1;
	v1 =	vld.idx.msk [tilespmem:v4+s8+$0x0], $0xffff;
	s19 =	smov.u32 s16;
	s16 =	sadd.s32 $0x1, s16  }
.Ltmp10:
0x2de: {  	v4 =	vor.u32 s18, v0;
	v2 =	vadd.s32 v2, v5;
	(pc) =	sbr.rel @p1 .LBB2_22-.Ltmp10, $2  }
0x2df: {  	_ =	sdelay $0x2  }
0x2e0: {  	s17 =	sadd.s32 $0x100, s17;
	p0 =	slt.u32 s15, s0;
	s15 =	smov.u32 s19  }
0x2e1: {  	_ =	sdelay $0x3  }
0x2e2: {  	v4 =	vld.idx.msk [tilespmem:v4+s8+$0x0], $0xffff;
	_ =	sdelay $0x3  }
0x2e3: {  	v3 =	vadd.s32 v3, v1  }
0x2e4: {  	v3 =	vadd.s32 v3, v4  }
0x2e5: {  	(xrf0) =	vadd.scan.msk.s32 $0xffff, v3;
	_ =	sdelay $0x5  }
0x2e6: {  	v5, _, _ =	vpop (xrf0)  }
0x2e7: {  	(v2sf) =	vpush v5, $0xF;
	_ =	sdelay $0x8  }
0x2e8: {  	v6 =	vmov s12  }
0x2e9: {  	s13 =	sadd.s32 $0x1, s13;
	v6 =	vadd.s32 $0xFFFFFFFF, v6  }
0x2ea: {  	v1 =	vpsel !p0, $0x0, v1;
	p6 =	slt.u32 s15, s0;
	p0 =	sne.s32 s13, $0x10;
	v6 =	vbroadcast v6, $0x0  }
.Ltmp11:
0x2eb: {  	v1 =	vadd.s32 v2, v1;
	v2 =	vpsel !p6, $0x0, v4;
	(pc) =	sbr.rel @p0 .LBB2_21-.Ltmp11, $4  }
0x2ec: {  	v1 =	vadd.s32 v1, v2;
	v2 =	vsub.s32 v6, v3  }
0x2ed: {  	v1 =	vadd.s32 v1, v2  }
0x2ee: {  	v1 =	vadd.s32 v5, v1;
	s31 =	spop (v2sf)  }
0x2ef: {  	[tilespmem:s14+$0xA500] =	vst v1;
	s12 =	sadd.s32 s12, s31  }
0x2f0: {  	s9 =	simm.s32 $0x0  }
0x2f1: {  	v0 =	vld [tilespmem:s9+$0xBE80];
	_ =	sdelay $0x4  }
0x2f2: {  	v1 =	vand.u32 $0xFF, v0;
	_ =	sdelay $0x1  }
0x2f3: {  	v2 =	vld [tilespmem:s9+$0xBE90];
	_ =	sdelay $0x1  }
0x2f4: {  	s8 =	simm.s32 $0xA500  }
0x2f5: {  	v1 =	vld.idx.msk [tilespmem:v1+s8+$0x0], $0xffff;
	_ =	sdelay $0x1  }
0x2f6: {  	v3 =	vand.u32 $0xFF, v2;
	_ =	sdelay $0x1  }
0x2f7: {  	v4 =	vld [tilespmem:s9+$0xBEA0];
	v0 =	vshra.s32 v0, $0x8  }
0x2f8: {  	v0 =	vadd.s32 v0, v1  }
0x2f9: {  	[tilespmem:s9+$0xA600] =	vst v0  }
0x2fa: {  	v0 =	vld.idx.msk [tilespmem:v3+s8+$0x0], $0xffff;
	_ =	sdelay $0x1  }
0x2fb: {  	v1 =	vand.u32 $0xFF, v4;
	_ =	sdelay $0x1  }
0x2fc: {  	v2 =	vshra.s32 v2, $0x8;
	v3 =	vld [tilespmem:s9+$0xBEB0]  }
0x2fd: {  	v0 =	vadd.s32 v2, v0  }
0x2fe: {  	[tilespmem:s9+$0xA610] =	vst v0  }
0x2ff: {  	v0 =	vld.idx.msk [tilespmem:v1+s8+$0x0], $0xffff;
	_ =	sdelay $0x1  }
0x300: {  	v1 =	vand.u32 $0xFF, v3;
	_ =	sdelay $0x1  }
0x301: {  	v2 =	vshra.s32 v4, $0x8;
	v4 =	vld [tilespmem:s9+$0xBEC0]  }
0x302: {  	v0 =	vadd.s32 v2, v0  }
0x303: {  	[tilespmem:s9+$0xA620] =	vst v0  }
0x304: {  	v0 =	vld.idx.msk [tilespmem:v1+s8+$0x0], $0xffff;
	_ =	sdelay $0x1  }
0x305: {  	v1 =	vand.u32 $0xFF, v4;
	_ =	sdelay $0x1  }
0x306: {  	v2 =	vshra.s32 v3, $0x8;
	v3 =	vld [tilespmem:s9+$0xBED0]  }
0x307: {  	v0 =	vadd.s32 v2, v0  }
0x308: {  	[tilespmem:s9+$0xA630] =	vst v0  }
0x309: {  	v0 =	vld.idx.msk [tilespmem:v1+s8+$0x0], $0xffff;
	_ =	sdelay $0x1  }
0x30a: {  	v1 =	vand.u32 $0xFF, v3;
	_ =	sdelay $0x1  }
0x30b: {  	v2 =	vshra.s32 v4, $0x8;
	v4 =	vld [tilespmem:s9+$0xBEE0]  }
0x30c: {  	v0 =	vadd.s32 v2, v0  }
0x30d: {  	[tilespmem:s9+$0xA640] =	vst v0  }
0x30e: {  	v1 =	vld.idx.msk [tilespmem:v1+s8+$0x0], $0xffff;
	_ =	sdelay $0x1  }
0x30f: {  	v2 =	vand.u32 $0xFF, v4;
	_ =	sdelay $0x1  }
0x310: {  	v3 =	vshra.s32 v3, $0x8;
	v0 =	vld [tilespmem:s9+$0xBEF0]  }
0x311: {  	v1 =	vadd.s32 v3, v1  }
0x312: {  	[tilespmem:s9+$0xA650] =	vst v1  }
0x313: {  	v2 =	vld.idx.msk [tilespmem:v2+s8+$0x0], $0xffff;
	_ =	sdelay $0x1  }
0x314: {  	v1 =	vand.u32 $0xFF, v0;
	_ =	sdelay $0x1  }
0x315: {  	s13 =	simm.s32 $0x80;
	s12 =	simm.s32 $0x400;
	v3 =	vshra.s32 v4, $0x8  }
.LBB2_25:
0x316: {  	p0 =	sne.s32 s12, $0x6000;
	v4 =	vld [tilespmem:s13+$0xBE80];
	v2 =	vadd.s32 v3, v2  }
0x317: {  	[tilespmem:s9+$0xA660] =	vst v2  }
0x318: {  	v1 =	vld.idx.msk [tilespmem:v1+s8+$0x0], $0xffff;
	_ =	sdelay $0x2  }
0x319: {  	v2 =	vand.u32 $0xFF, v4;
	_ =	sdelay $0x1  }
0x31a: {  	v0 =	vshra.s32 v0, $0x8  }
0x31b: {  	v0 =	vadd.s32 v0, v1;
	v3 =	vld [tilespmem:s13+$0xBE90]  }
0x31c: {  	[tilespmem:s9+$0xA670] =	vst v0;
	s9 =	smov.u32 s13  }
0x31d: {  	v0 =	vld.idx.msk [tilespmem:v2+s8+$0x0], $0xffff;
	_ =	sdelay $0x2  }
0x31e: {  	v1 =	vand.u32 $0xFF, v3;
	_ =	sdelay $0x1  }
0x31f: {  	v2 =	vshra.s32 v4, $0x8  }
0x320: {  	v0 =	vadd.s32 v2, v0;
	v2 =	vld [tilespmem:s9+$0xBEA0]  }
0x321: {  	[tilespmem:s9+$0xA600] =	vst v0  }
0x322: {  	v0 =	vld.idx.msk [tilespmem:v1+s8+$0x0], $0xffff;
	_ =	sdelay $0x2  }
0x323: {  	v1 =	vand.u32 $0xFF, v2;
	_ =	sdelay $0x1  }
0x324: {  	v3 =	vshra.s32 v3, $0x8  }
0x325: {  	v0 =	vadd.s32 v3, v0;
	v3 =	vld [tilespmem:s9+$0xBEB0]  }
0x326: {  	[tilespmem:s9+$0xA610] =	vst v0  }
0x327: {  	v0 =	vld.idx.msk [tilespmem:v1+s8+$0x0], $0xffff;
	_ =	sdelay $0x2  }
0x328: {  	v1 =	vand.u32 $0xFF, v3;
	_ =	sdelay $0x1  }
0x329: {  	v2 =	vshra.s32 v2, $0x8  }
0x32a: {  	v0 =	vadd.s32 v2, v0;
	v2 =	vld [tilespmem:s9+$0xBEC0]  }
0x32b: {  	[tilespmem:s9+$0xA620] =	vst v0  }
0x32c: {  	v0 =	vld.idx.msk [tilespmem:v1+s8+$0x0], $0xffff;
	_ =	sdelay $0x2  }
0x32d: {  	v1 =	vand.u32 $0xFF, v2;
	_ =	sdelay $0x1  }
0x32e: {  	v3 =	vshra.s32 v3, $0x8  }
0x32f: {  	v0 =	vadd.s32 v3, v0;
	v3 =	vld [tilespmem:s9+$0xBED0]  }
0x330: {  	[tilespmem:s9+$0xA630] =	vst v0  }
0x331: {  	v0 =	vld.idx.msk [tilespmem:v1+s8+$0x0], $0xffff;
	_ =	sdelay $0x2  }
0x332: {  	v1 =	vand.u32 $0xFF, v3;
	_ =	sdelay $0x1  }
0x333: {  	v2 =	vshra.s32 v2, $0x8  }
0x334: {  	v0 =	vadd.s32 v2, v0;
	v4 =	vld [tilespmem:s9+$0xBEE0]  }
0x335: {  	[tilespmem:s9+$0xA640] =	vst v0  }
0x336: {  	v0 =	vld.idx.msk [tilespmem:v1+s8+$0x0], $0xffff;
	_ =	sdelay $0x2  }
0x337: {  	v1 =	vand.u32 $0xFF, v4;
	_ =	sdelay $0x1  }
0x338: {  	v2 =	vshra.s32 v3, $0x8  }
0x339: {  	v2 =	vadd.s32 v2, v0;
	v0 =	vld [tilespmem:s9+$0xBEF0]  }
0x33a: {  	[tilespmem:s9+$0xA650] =	vst v2  }
0x33b: {  	v2 =	vld.idx.msk [tilespmem:v1+s8+$0x0], $0xffff  }
.Ltmp12:
0x33c: {  	(pc) =	sbr.rel @p0 .LBB2_25-.Ltmp12, $3  }
0x33d: {  	_ = 	snop  }
0x33e: {  	v1 =	vand.u32 $0xFF, v0;
	_ =	sdelay $0x1  }
0x33f: {  	s13 =	sshra.s32 s12, $0x2;
	s12 =	sadd.s32 $0x200, s12;
	v3 =	vshra.s32 v4, $0x8  }
0x340: {  	_ = 	snop  }
0x341: {  	v4 =	vld [tilespmem:s13+$0xBE80]  }
0x342: {  	v2 =	vadd.s32 v3, v2  }
0x343: {  	[tilespmem:s9+$0xA660] =	vst v2  }
0x344: {  	v1 =	vld.idx.msk [tilespmem:v1+s8+$0x0], $0xffff;
	_ =	sdelay $0x1  }
0x345: {  	v40 =	vand.u32 $0xFF, v4;
	_ =	sdelay $0x1  }
0x346: {  	v0 =	vshra.s32 v0, $0x8;
	v41 =	vld [tilespmem:s13+$0xBE90]  }
0x347: {  	v0 =	vadd.s32 v0, v1  }
0x348: {  	[tilespmem:s9+$0xA670] =	vst v0  }
0x349: {  	v0 =	vld.idx.msk [tilespmem:v40+s8+$0x0], $0xffff;
	_ =	sdelay $0x1  }
0x34a: {  	v42 =	vand.u32 $0xFF, v41;
	_ =	sdelay $0x1  }
0x34b: {  	v43 =	vshra.s32 v4, $0x8;
	v44 =	vld [tilespmem:s13+$0xBEA0]  }
0x34c: {  	v0 =	vadd.s32 v43, v0  }
0x34d: {  	[tilespmem:s13+$0xA600] =	vst v0  }
0x34e: {  	v0 =	vld.idx.msk [tilespmem:v42+s8+$0x0], $0xffff;
	_ =	sdelay $0x1  }
0x34f: {  	v45 =	vand.u32 $0xFF, v44;
	_ =	sdelay $0x1  }
0x350: {  	v46 =	vshra.s32 v41, $0x8;
	v47 =	vld [tilespmem:s13+$0xBEB0]  }
0x351: {  	v0 =	vadd.s32 v46, v0  }
0x352: {  	[tilespmem:s13+$0xA610] =	vst v0  }
0x353: {  	v0 =	vld.idx.msk [tilespmem:v45+s8+$0x0], $0xffff;
	_ =	sdelay $0x1  }
0x354: {  	v48 =	vand.u32 $0xFF, v47;
	_ =	sdelay $0x1  }
0x355: {  	v50 =	vld [tilespmem:s13+$0xBEC0];
	v49 =	vshra.s32 v44, $0x8  }
0x356: {  	v0 =	vadd.s32 v49, v0  }
0x357: {  	[tilespmem:s13+$0xA620] =	vst v0  }
0x358: {  	v0 =	vld.idx.msk [tilespmem:v48+s8+$0x0], $0xffff;
	_ =	sdelay $0x1  }
0x359: {  	v51 =	vand.u32 $0xFF, v50;
	_ =	sdelay $0x1  }
0x35a: {  	v53 =	vld [tilespmem:s13+$0xBED0];
	v52 =	vshra.s32 v47, $0x8  }
0x35b: {  	v0 =	vadd.s32 v52, v0  }
0x35c: {  	[tilespmem:s13+$0xA630] =	vst v0  }
0x35d: {  	v0 =	vld.idx.msk [tilespmem:v51+s8+$0x0], $0xffff;
	_ =	sdelay $0x1  }
0x35e: {  	v54 =	vand.u32 $0xFF, v53;
	_ =	sdelay $0x1  }
0x35f: {  	v56 =	vld [tilespmem:s13+$0xBEE0];
	v55 =	vshra.s32 v50, $0x8  }
0x360: {  	v0 =	vadd.s32 v55, v0  }
0x361: {  	[tilespmem:s13+$0xA640] =	vst v0  }
0x362: {  	v0 =	vld.idx.msk [tilespmem:v54+s8+$0x0], $0xffff;
	_ =	sdelay $0x1  }
0x363: {  	v57 =	vand.u32 $0xFF, v56;
	_ =	sdelay $0x1  }
0x364: {  	v59 =	vld [tilespmem:s13+$0xBEF0];
	v58 =	vshra.s32 v53, $0x8  }
0x365: {  	v0 =	vadd.s32 v58, v0  }
0x366: {  	[tilespmem:s13+$0xA650] =	vst v0  }
0x367: {  	v0 =	vld.idx.msk [tilespmem:v57+s8+$0x0], $0xffff;
	_ =	sdelay $0x1  }
0x368: {  	v60 =	vand.u32 $0xFF, v59;
	_ =	sdelay $0x1  }
0x369: {  	v61 =	vshra.s32 v56, $0x8  }
0x36a: {  	v0 =	vadd.s32 v61, v0  }
0x36b: {  	[tilespmem:s13+$0xA660] =	vst v0  }
0x36c: {  	v0 =	vld.idx.msk [tilespmem:v60+s8+$0x0], $0xffff;
	_ =	sdelay $0x3  }
0x36d: {  	v62 =	vshra.s32 v59, $0x8  }
0x36e: {  	s25 =	simm.s32 $0x1880;
	v0 =	vadd.s32 v62, v0  }
0x36f: {  	s26 =	simm.s32 $0xA600;
	s12 =	simm.s32 $0x6300;
	s28 =	simm.s32 $0x2;
	[tilespmem:s13+$0xA670] =	vst v0  }
0x370: {  	[spmem:s6] =	stream.indirect.scatter [tilespmem:s12], [sflag:$0x1], $0x1, s26, s25, $0xb8;
	[tilespmem:$0xD700] =	vst v63  }
0x371: {  	_ =	swait.ge [sflag:s28], $0x1880  }
0x372: {  	[sflag:s28] =	ssyncset.done $0x0  }
0x373: {  	s29 =	simm.s32 $0x7B80;
	s30 =	simm.s32 $0x1;
	[sflag:s28] =	ssyncadd.s32 $0xFFFFE780  }
0x374: {  	[spmem:s5] =	stream.indirect.scatter [tilespmem:s29], [sflag:$0x1], $0x1, s26, s25, $0xb8;
	[tilespmem:$0xD700] =	vst v63  }
0x375: {  	_ =	swait.ge [sflag:s30], $0x1880  }
0x376: {  	[sflag:s30] =	ssyncset.done $0x0  }
0x377: {  	[sflag:s30] =	ssyncadd.s32 $0xFFFFE780  }
0x378: {  	_ =	swait.ge [sflag:s30], $0x1880  }
0x379: {  	[sflag:s30] =	ssyncset.done $0x0  }
0x37a: {  	[sflag:s30] =	ssyncadd.s32 $0xFFFFE780  }
0x37b: {  	s31 =	simm.s32 $0x3;
	[bflag:$0x0] =	sbarrier.arrive $0xFFFF  }
0x37c: {  	[tilespmem:s12], [sflag:$0x3] =	stream.linear.gather [spmem:s10], $0x1880, $0x38;
	[tilespmem:$0xD700] =	vst v63  }
0x37d: {  	_ =	swait.ge [sflag:s31], $0x1880  }
0x37e: {  	[sflag:s31] =	ssyncset.done $0x0  }
0x37f: {  	[sflag:s31] =	ssyncadd.s32 $0xFFFFE780  }
0x380: {  	v63 =	vimm.s32 $0x0;
	[tilespmem:s29], [sflag:$0x2] =	stream.linear.gather [spmem:s11], $0x1880, $0x38;
	[tilespmem:$0xD700] =	vst v63  }
0x381: {  	[tilespmem:$0xA400] =	vst v63  }
0x382: {  	[tilespmem:$0xA410] =	vst v63  }
0x383: {  	[tilespmem:$0xA420] =	vst v63  }
0x384: {  	[tilespmem:$0xA430] =	vst v63  }
0x385: {  	[tilespmem:$0xA440] =	vst v63  }
0x386: {  	[tilespmem:$0xA450] =	vst v63  }
0x387: {  	[tilespmem:$0xA460] =	vst v63  }
0x388: {  	[tilespmem:$0xA470] =	vst v63  }
0x389: {  	[tilespmem:$0xA480] =	vst v63  }
0x38a: {  	[tilespmem:$0xA490] =	vst v63  }
0x38b: {  	[tilespmem:$0xA4A0] =	vst v63  }
0x38c: {  	[tilespmem:$0xA4B0] =	vst v63  }
0x38d: {  	[tilespmem:$0xA4C0] =	vst v63  }
0x38e: {  	[tilespmem:$0xA4D0] =	vst v63  }
0x38f: {  	[tilespmem:$0xA4E0] =	vst v63  }
0x390: {  	s6 =	simm.s32 $0xA400;
	s5 =	simm.s32 $0x0;
	[tilespmem:$0xA4F0] =	vst v63  }
.LBB2_27:
0x391: {  	s8 =	sshra.s32 s5, $0x2  }
0x392: {  	v0 =	vld [tilespmem:s8+$0x6300];
	_ =	sdelay $0x4  }
0x393: {  	v0 =	vshrl.u32 v0, $0x18  }
0x394: {  	(xrf1) =	vunique.msk.u32 $0xffff, v0;
	_ =	sdelay $0xa  }
0x395: {  	v1 =	vld.idx.msk [tilespmem:v0+s6+$0x0], $0xffff;
	_ =	sdelay $0x2  }
0x396: {  	_, v2, vm0 =	vpop (xrf1);
	_ =	sdelay $0x1  }
0x397: {  	v1 =	vadd.s32 v1, v2  }
0x398: {  	v1 =	vshll.u32 v1, $0x8  }
0x399: {  	v1 =	vor.u32 v0, v1  }
0x39a: {  	[tilespmem:s8+$0xBE80] =	vst v1  }
0x39b: {  	[tilespmem:v0+s6+$0x0] =	vst.idx.add.s32.msk vm0, v2  }
0x39c: {  	v0 =	vld [tilespmem:s8+$0x6310];
	_ =	sdelay $0x4  }
0x39d: {  	v0 =	vshrl.u32 v0, $0x18  }
0x39e: {  	(xrf1) =	vunique.msk.u32 $0xffff, v0;
	_ =	sdelay $0xa  }
0x39f: {  	v1 =	vld.idx.msk [tilespmem:v0+s6+$0x0], $0xffff;
	_ =	sdelay $0x2  }
0x3a0: {  	_, v2, vm0 =	vpop (xrf1);
	_ =	sdelay $0x1  }
0x3a1: {  	v1 =	vadd.s32 v1, v2  }
0x3a2: {  	v1 =	vshll.u32 v1, $0x8  }
0x3a3: {  	v1 =	vor.u32 v0, v1  }
0x3a4: {  	[tilespmem:s8+$0xBE90] =	vst v1  }
0x3a5: {  	[tilespmem:v0+s6+$0x0] =	vst.idx.add.s32.msk vm0, v2  }
0x3a6: {  	v0 =	vld [tilespmem:s8+$0x6320];
	_ =	sdelay $0x4  }
0x3a7: {  	v0 =	vshrl.u32 v0, $0x18  }
0x3a8: {  	(xrf1) =	vunique.msk.u32 $0xffff, v0;
	_ =	sdelay $0xa  }
0x3a9: {  	v1 =	vld.idx.msk [tilespmem:v0+s6+$0x0], $0xffff;
	_ =	sdelay $0x2  }
0x3aa: {  	_, v2, vm0 =	vpop (xrf1);
	_ =	sdelay $0x1  }
0x3ab: {  	v1 =	vadd.s32 v1, v2  }
0x3ac: {  	v1 =	vshll.u32 v1, $0x8  }
0x3ad: {  	v1 =	vor.u32 v0, v1  }
0x3ae: {  	[tilespmem:s8+$0xBEA0] =	vst v1  }
0x3af: {  	[tilespmem:v0+s6+$0x0] =	vst.idx.add.s32.msk vm0, v2  }
0x3b0: {  	v0 =	vld [tilespmem:s8+$0x6330];
	_ =	sdelay $0x4  }
0x3b1: {  	v0 =	vshrl.u32 v0, $0x18  }
0x3b2: {  	(xrf1) =	vunique.msk.u32 $0xffff, v0;
	_ =	sdelay $0xa  }
0x3b3: {  	v1 =	vld.idx.msk [tilespmem:v0+s6+$0x0], $0xffff;
	_ =	sdelay $0x2  }
0x3b4: {  	_, v2, vm0 =	vpop (xrf1);
	_ =	sdelay $0x1  }
0x3b5: {  	v1 =	vadd.s32 v1, v2  }
0x3b6: {  	v1 =	vshll.u32 v1, $0x8  }
0x3b7: {  	v1 =	vor.u32 v0, v1  }
0x3b8: {  	[tilespmem:s8+$0xBEB0] =	vst v1  }
0x3b9: {  	[tilespmem:v0+s6+$0x0] =	vst.idx.add.s32.msk vm0, v2  }
0x3ba: {  	v0 =	vld [tilespmem:s8+$0x6340];
	_ =	sdelay $0x4  }
0x3bb: {  	v0 =	vshrl.u32 v0, $0x18  }
0x3bc: {  	(xrf1) =	vunique.msk.u32 $0xffff, v0;
	_ =	sdelay $0xa  }
0x3bd: {  	v1 =	vld.idx.msk [tilespmem:v0+s6+$0x0], $0xffff;
	_ =	sdelay $0x2  }
0x3be: {  	_, v2, vm0 =	vpop (xrf1);
	_ =	sdelay $0x1  }
0x3bf: {  	v1 =	vadd.s32 v1, v2  }
0x3c0: {  	v1 =	vshll.u32 v1, $0x8  }
0x3c1: {  	v1 =	vor.u32 v0, v1  }
0x3c2: {  	[tilespmem:s8+$0xBEC0] =	vst v1  }
0x3c3: {  	[tilespmem:v0+s6+$0x0] =	vst.idx.add.s32.msk vm0, v2  }
0x3c4: {  	v0 =	vld [tilespmem:s8+$0x6350];
	_ =	sdelay $0x4  }
0x3c5: {  	v0 =	vshrl.u32 v0, $0x18  }
0x3c6: {  	(xrf1) =	vunique.msk.u32 $0xffff, v0;
	_ =	sdelay $0xa  }
0x3c7: {  	v1 =	vld.idx.msk [tilespmem:v0+s6+$0x0], $0xffff;
	_ =	sdelay $0x2  }
0x3c8: {  	_, v2, vm0 =	vpop (xrf1);
	_ =	sdelay $0x1  }
0x3c9: {  	v1 =	vadd.s32 v1, v2  }
0x3ca: {  	v1 =	vshll.u32 v1, $0x8  }
0x3cb: {  	v1 =	vor.u32 v0, v1  }
0x3cc: {  	[tilespmem:s8+$0xBED0] =	vst v1  }
0x3cd: {  	[tilespmem:v0+s6+$0x0] =	vst.idx.add.s32.msk vm0, v2  }
0x3ce: {  	v0 =	vld [tilespmem:s8+$0x6360];
	_ =	sdelay $0x4  }
0x3cf: {  	v0 =	vshrl.u32 v0, $0x18  }
0x3d0: {  	(xrf1) =	vunique.msk.u32 $0xffff, v0;
	_ =	sdelay $0xa  }
0x3d1: {  	v1 =	vld.idx.msk [tilespmem:v0+s6+$0x0], $0xffff;
	_ =	sdelay $0x2  }
0x3d2: {  	_, v2, vm0 =	vpop (xrf1);
	_ =	sdelay $0x1  }
0x3d3: {  	v1 =	vadd.s32 v1, v2  }
0x3d4: {  	v1 =	vshll.u32 v1, $0x8  }
0x3d5: {  	v1 =	vor.u32 v0, v1  }
0x3d6: {  	[tilespmem:s8+$0xBEE0] =	vst v1  }
0x3d7: {  	[tilespmem:v0+s6+$0x0] =	vst.idx.add.s32.msk vm0, v2  }
0x3d8: {  	v0 =	vld [tilespmem:s8+$0x6370];
	_ =	sdelay $0x4  }
0x3d9: {  	v0 =	vshrl.u32 v0, $0x18  }
0x3da: {  	(xrf1) =	vunique.msk.u32 $0xffff, v0;
	_ =	sdelay $0xa  }
0x3db: {  	v1 =	vld.idx.msk [tilespmem:v0+s6+$0x0], $0xffff;
	_ =	sdelay $0x2  }
0x3dc: {  	_, v2, vm0 =	vpop (xrf1)  }
0x3dd: {  	p0 =	sne.s32 s5, $0x6000  }
.Ltmp13:
0x3de: {  	v1 =	vadd.s32 v1, v2;
	(pc) =	sbr.rel @p0 .LBB2_27-.Ltmp13, $4  }
0x3df: {  	v1 =	vshll.u32 v1, $0x8  }
0x3e0: {  	v1 =	vor.u32 v0, v1  }
0x3e1: {  	[tilespmem:s8+$0xBEF0] =	vst v1  }
0x3e2: {  	s5 =	sadd.s32 $0x200, s5;
	[tilespmem:v0+s6+$0x0] =	vst.idx.add.s32.msk vm0, v2  }
0x3e3: {  	s5 =	simm.s32 $0xA400;
	s6 =	simm.s32 $0x3  }
0x3e4: {  	[spmem:s7] =	stream.linear.scatter [tilespmem:s5], [sflag:$0x3], $0x100, $0x38;
	[tilespmem:$0xD700] =	vst v63  }
0x3e5: {  	_ =	swait.ge [sflag:s6], $0x100  }
0x3e6: {  	[sflag:s6] =	ssyncset.done $0x0  }
0x3e7: {  	[sflag:s6] =	ssyncadd.s32 $0xFFFFFF00  }
0x3e8: {  	s5 =	simm.s32 $0x9400;
	[bflag:$0x0] =	sbarrier.arrive $0xFFFF  }
0x3e9: {  	[tilespmem:s5], [sflag:$0x3] =	stream.linear.gather [spmem:s4], $0x1000, $0x38;
	[tilespmem:$0xD700] =	vst v63  }
0x3ea: {  	_ =	swait.ge [sflag:s6], $0x1000  }
0x3eb: {  	s7 =	simm.s32 $0x0;
	[sflag:s6] =	ssyncset.done $0x0  }
0x3ec: {  	v0 =	vlaneseq.u32;
	s4 =	simm.s32 $0x0;
	[sflag:s6] =	ssyncadd.s32 $0xFFFFF000;
	s6 =	simm.s32 $0x0  }
.LBB2_29:
0x3ed: {  	s8 =	sshll.u32 s7, $0x4  }
0x3ee: {  	s9 =	sor.u32 s8, s4  }
0x3ef: {  	v1 =	vor.u32 s9, v0;
	_ =	sdelay $0x2  }
0x3f0: {  	s10 =	simm.s32 $0x100  }
0x3f1: {  	s11 =	sor.u32 s8, s10  }
0x3f2: {  	v4 =	vor.u32 s11, v0;
	v1 =	vld.idx.msk [tilespmem:v1+s5+$0x0], $0xffff;
	_ =	sdelay $0x1  }
0x3f3: {  	p0 =	sgt.u32 s0, $0x0  }
0x3f4: {  	v3 =	vimm.s32 $0x0;
	v2 =	vimm.s32 $0x0;
	s10 =	simm.s32 $0x2;
	s9 =	simm.s32 $0x1;
	s11 =	simm.s32 $0x200  }
.LBB2_30:
0x3f5: {  	s12 =	sor.u32 s8, s11  }
0x3f6: {  	p1 =	sne.s32 s10, $0xF;
	v3 =	vadd.s32 v3, v1;
	v5 =	vpsel !p0, $0x0, v1;
	v1 =	vld.idx.msk [tilespmem:v4+s5+$0x0], $0xffff;
	s13 =	smov.u32 s10;
	s10 =	sadd.s32 $0x1, s10  }
.Ltmp14:
0x3f7: {  	v4 =	vor.u32 s12, v0;
	v2 =	vadd.s32 v2, v5;
	(pc) =	sbr.rel @p1 .LBB2_30-.Ltmp14, $2  }
0x3f8: {  	_ =	sdelay $0x2  }
0x3f9: {  	s11 =	sadd.s32 $0x100, s11;
	p0 =	slt.u32 s9, s0;
	s9 =	smov.u32 s13  }
0x3fa: {  	_ =	sdelay $0x3  }
0x3fb: {  	v4 =	vld.idx.msk [tilespmem:v4+s5+$0x0], $0xffff;
	_ =	sdelay $0x3  }
0x3fc: {  	v3 =	vadd.s32 v3, v1  }
0x3fd: {  	v3 =	vadd.s32 v3, v4  }
0x3fe: {  	(xrf0) =	vadd.scan.msk.s32 $0xffff, v3;
	_ =	sdelay $0x5  }
0x3ff: {  	v5, _, _ =	vpop (xrf0)  }
0x400: {  	(v2sf) =	vpush v5, $0xF;
	_ =	sdelay $0x8  }
0x401: {  	v6 =	vmov s6  }
0x402: {  	s7 =	sadd.s32 $0x1, s7;
	v6 =	vadd.s32 $0xFFFFFFFF, v6  }
0x403: {  	v1 =	vpsel !p0, $0x0, v1;
	p6 =	slt.u32 s9, s0;
	p0 =	sne.s32 s7, $0x10;
	v6 =	vbroadcast v6, $0x0  }
.Ltmp15:
0x404: {  	v1 =	vadd.s32 v2, v1;
	v2 =	vpsel !p6, $0x0, v4;
	(pc) =	sbr.rel @p0 .LBB2_29-.Ltmp15, $4  }
0x405: {  	v1 =	vadd.s32 v1, v2;
	v2 =	vsub.s32 v6, v3  }
0x406: {  	v1 =	vadd.s32 v1, v2  }
0x407: {  	v1 =	vadd.s32 v5, v1;
	s31 =	spop (v2sf)  }
0x408: {  	[tilespmem:s8+$0xA500] =	vst v1;
	s6 =	sadd.s32 s6, s31  }
0x409: {  	s5 =	simm.s32 $0x0  }
0x40a: {  	v0 =	vld [tilespmem:s5+$0xBE80];
	_ =	sdelay $0x4  }
0x40b: {  	v1 =	vand.u32 $0xFF, v0;
	_ =	sdelay $0x1  }
0x40c: {  	v2 =	vld [tilespmem:s5+$0xBE90];
	_ =	sdelay $0x1  }
0x40d: {  	s4 =	simm.s32 $0xA500  }
0x40e: {  	v1 =	vld.idx.msk [tilespmem:v1+s4+$0x0], $0xffff;
	_ =	sdelay $0x1  }
0x40f: {  	v3 =	vand.u32 $0xFF, v2;
	_ =	sdelay $0x1  }
0x410: {  	v4 =	vld [tilespmem:s5+$0xBEA0];
	v0 =	vshra.s32 v0, $0x8  }
0x411: {  	v0 =	vadd.s32 v0, v1  }
0x412: {  	[tilespmem:s5+$0xA600] =	vst v0  }
0x413: {  	v0 =	vld.idx.msk [tilespmem:v3+s4+$0x0], $0xffff;
	_ =	sdelay $0x1  }
0x414: {  	v1 =	vand.u32 $0xFF, v4;
	_ =	sdelay $0x1  }
0x415: {  	v2 =	vshra.s32 v2, $0x8;
	v3 =	vld [tilespmem:s5+$0xBEB0]  }
0x416: {  	v0 =	vadd.s32 v2, v0  }
0x417: {  	[tilespmem:s5+$0xA610] =	vst v0  }
0x418: {  	v0 =	vld.idx.msk [tilespmem:v1+s4+$0x0], $0xffff;
	_ =	sdelay $0x1  }
0x419: {  	v1 =	vand.u32 $0xFF, v3;
	_ =	sdelay $0x1  }
0x41a: {  	v2 =	vshra.s32 v4, $0x8;
	v4 =	vld [tilespmem:s5+$0xBEC0]  }
0x41b: {  	v0 =	vadd.s32 v2, v0  }
0x41c: {  	[tilespmem:s5+$0xA620] =	vst v0  }
0x41d: {  	v0 =	vld.idx.msk [tilespmem:v1+s4+$0x0], $0xffff;
	_ =	sdelay $0x1  }
0x41e: {  	v1 =	vand.u32 $0xFF, v4;
	_ =	sdelay $0x1  }
0x41f: {  	v2 =	vshra.s32 v3, $0x8;
	v3 =	vld [tilespmem:s5+$0xBED0]  }
0x420: {  	v0 =	vadd.s32 v2, v0  }
0x421: {  	[tilespmem:s5+$0xA630] =	vst v0  }
0x422: {  	v0 =	vld.idx.msk [tilespmem:v1+s4+$0x0], $0xffff;
	_ =	sdelay $0x1  }
0x423: {  	v1 =	vand.u32 $0xFF, v3;
	_ =	sdelay $0x1  }
0x424: {  	v2 =	vshra.s32 v4, $0x8;
	v4 =	vld [tilespmem:s5+$0xBEE0]  }
0x425: {  	v0 =	vadd.s32 v2, v0  }
0x426: {  	[tilespmem:s5+$0xA640] =	vst v0  }
0x427: {  	v1 =	vld.idx.msk [tilespmem:v1+s4+$0x0], $0xffff;
	_ =	sdelay $0x1  }
0x428: {  	v2 =	vand.u32 $0xFF, v4;
	_ =	sdelay $0x1  }
0x429: {  	v3 =	vshra.s32 v3, $0x8;
	v0 =	vld [tilespmem:s5+$0xBEF0]  }
0x42a: {  	v1 =	vadd.s32 v3, v1  }
0x42b: {  	[tilespmem:s5+$0xA650] =	vst v1  }
0x42c: {  	v2 =	vld.idx.msk [tilespmem:v2+s4+$0x0], $0xffff;
	_ =	sdelay $0x1  }
0x42d: {  	v1 =	vand.u32 $0xFF, v0;
	_ =	sdelay $0x1  }
0x42e: {  	s7 =	simm.s32 $0x80;
	s6 =	simm.s32 $0x400;
	v3 =	vshra.s32 v4, $0x8  }
.LBB2_33:
0x42f: {  	p0 =	sne.s32 s6, $0x6000;
	v4 =	vld [tilespmem:s7+$0xBE80];
	v2 =	vadd.s32 v3, v2  }
0x430: {  	[tilespmem:s5+$0xA660] =	vst v2  }
0x431: {  	v1 =	vld.idx.msk [tilespmem:v1+s4+$0x0], $0xffff;
	_ =	sdelay $0x2  }
0x432: {  	v2 =	vand.u32 $0xFF, v4;
	_ =	sdelay $0x1  }
0x433: {  	v0 =	vshra.s32 v0, $0x8  }
0x434: {  	v0 =	vadd.s32 v0, v1;
	v3 =	vld [tilespmem:s7+$0xBE90]  }
0x435: {  	[tilespmem:s5+$0xA670] =	vst v0;
	s5 =	smov.u32 s7  }
0x436: {  	v0 =	vld.idx.msk [tilespmem:v2+s4+$0x0], $0xffff;
	_ =	sdelay $0x2  }
0x437: {  	v1 =	vand.u32 $0xFF, v3;
	_ =	sdelay $0x1  }
0x438: {  	v2 =	vshra.s32 v4, $0x8  }
0x439: {  	v0 =	vadd.s32 v2, v0;
	v2 =	vld [tilespmem:s5+$0xBEA0]  }
0x43a: {  	[tilespmem:s5+$0xA600] =	vst v0  }
0x43b: {  	v0 =	vld.idx.msk [tilespmem:v1+s4+$0x0], $0xffff;
	_ =	sdelay $0x2  }
0x43c: {  	v1 =	vand.u32 $0xFF, v2;
	_ =	sdelay $0x1  }
0x43d: {  	v3 =	vshra.s32 v3, $0x8  }
0x43e: {  	v0 =	vadd.s32 v3, v0;
	v3 =	vld [tilespmem:s5+$0xBEB0]  }
0x43f: {  	[tilespmem:s5+$0xA610] =	vst v0  }
0x440: {  	v0 =	vld.idx.msk [tilespmem:v1+s4+$0x0], $0xffff;
	_ =	sdelay $0x2  }
0x441: {  	v1 =	vand.u32 $0xFF, v3;
	_ =	sdelay $0x1  }
0x442: {  	v2 =	vshra.s32 v2, $0x8  }
0x443: {  	v0 =	vadd.s32 v2, v0;
	v2 =	vld [tilespmem:s5+$0xBEC0]  }
0x444: {  	[tilespmem:s5+$0xA620] =	vst v0  }
0x445: {  	v0 =	vld.idx.msk [tilespmem:v1+s4+$0x0], $0xffff;
	_ =	sdelay $0x2  }
0x446: {  	v1 =	vand.u32 $0xFF, v2;
	_ =	sdelay $0x1  }
0x447: {  	v3 =	vshra.s32 v3, $0x8  }
0x448: {  	v0 =	vadd.s32 v3, v0;
	v3 =	vld [tilespmem:s5+$0xBED0]  }
0x449: {  	[tilespmem:s5+$0xA630] =	vst v0  }
0x44a: {  	v0 =	vld.idx.msk [tilespmem:v1+s4+$0x0], $0xffff;
	_ =	sdelay $0x2  }
0x44b: {  	v1 =	vand.u32 $0xFF, v3;
	_ =	sdelay $0x1  }
0x44c: {  	v2 =	vshra.s32 v2, $0x8  }
0x44d: {  	v0 =	vadd.s32 v2, v0;
	v4 =	vld [tilespmem:s5+$0xBEE0]  }
0x44e: {  	[tilespmem:s5+$0xA640] =	vst v0  }
0x44f: {  	v0 =	vld.idx.msk [tilespmem:v1+s4+$0x0], $0xffff;
	_ =	sdelay $0x2  }
0x450: {  	v1 =	vand.u32 $0xFF, v4;
	_ =	sdelay $0x1  }
0x451: {  	v2 =	vshra.s32 v3, $0x8  }
0x452: {  	v2 =	vadd.s32 v2, v0;
	v0 =	vld [tilespmem:s5+$0xBEF0]  }
0x453: {  	[tilespmem:s5+$0xA650] =	vst v2  }
0x454: {  	v2 =	vld.idx.msk [tilespmem:v1+s4+$0x0], $0xffff  }
.Ltmp16:
0x455: {  	(pc) =	sbr.rel @p0 .LBB2_33-.Ltmp16, $3  }
0x456: {  	_ = 	snop  }
0x457: {  	v1 =	vand.u32 $0xFF, v0;
	_ =	sdelay $0x1  }
0x458: {  	s7 =	sshra.s32 s6, $0x2;
	s6 =	sadd.s32 $0x200, s6;
	v3 =	vshra.s32 v4, $0x8  }
0x459: {  	_ = 	snop  }
0x45a: {  	v4 =	vld [tilespmem:s7+$0xBE80]  }
0x45b: {  	v2 =	vadd.s32 v3, v2  }
0x45c: {  	[tilespmem:s5+$0xA660] =	vst v2  }
0x45d: {  	v1 =	vld.idx.msk [tilespmem:v1+s4+$0x0], $0xffff;
	_ =	sdelay $0x1  }
0x45e: {  	v41 =	vand.u32 $0xFF, v4;
	_ =	sdelay $0x1  }
0x45f: {  	v0 =	vshra.s32 v0, $0x8;
	v42 =	vld [tilespmem:s7+$0xBE90]  }
0x460: {  	v0 =	vadd.s32 v0, v1  }
0x461: {  	[tilespmem:s5+$0xA670] =	vst v0  }
0x462: {  	v0 =	vld.idx.msk [tilespmem:v41+s4+$0x0], $0xffff;
	_ =	sdelay $0x1  }
0x463: {  	v43 =	vand.u32 $0xFF, v42;
	_ =	sdelay $0x1  }
0x464: {  	v44 =	vshra.s32 v4, $0x8;
	v45 =	vld [tilespmem:s7+$0xBEA0]  }
0x465: {  	v0 =	vadd.s32 v44, v0  }
0x466: {  	[tilespmem:s7+$0xA600] =	vst v0  }
0x467: {  	v0 =	vld.idx.msk [tilespmem:v43+s4+$0x0], $0xffff;
	_ =	sdelay $0x1  }
0x468: {  	v46 =	vand.u32 $0xFF, v45;
	_ =	sdelay $0x1  }
0x469: {  	v47 =	vshra.s32 v42, $0x8;
	v48 =	vld [tilespmem:s7+$0xBEB0]  }
0x46a: {  	v0 =	vadd.s32 v47, v0  }
0x46b: {  	[tilespmem:s7+$0xA610] =	vst v0  }
0x46c: {  	v0 =	vld.idx.msk [tilespmem:v46+s4+$0x0], $0xffff;
	_ =	sdelay $0x1  }
0x46d: {  	v49 =	vand.u32 $0xFF, v48;
	_ =	sdelay $0x1  }
0x46e: {  	v51 =	vld [tilespmem:s7+$0xBEC0];
	v50 =	vshra.s32 v45, $0x8  }
0x46f: {  	v0 =	vadd.s32 v50, v0  }
0x470: {  	[tilespmem:s7+$0xA620] =	vst v0  }
0x471: {  	v0 =	vld.idx.msk [tilespmem:v49+s4+$0x0], $0xffff;
	_ =	sdelay $0x1  }
0x472: {  	v52 =	vand.u32 $0xFF, v51;
	_ =	sdelay $0x1  }
0x473: {  	v54 =	vld [tilespmem:s7+$0xBED0];
	v53 =	vshra.s32 v48, $0x8  }
0x474: {  	v0 =	vadd.s32 v53, v0  }
0x475: {  	[tilespmem:s7+$0xA630] =	vst v0  }
0x476: {  	v0 =	vld.idx.msk [tilespmem:v52+s4+$0x0], $0xffff;
	_ =	sdelay $0x1  }
0x477: {  	v55 =	vand.u32 $0xFF, v54;
	_ =	sdelay $0x1  }
0x478: {  	v57 =	vld [tilespmem:s7+$0xBEE0];
	v56 =	vshra.s32 v51, $0x8  }
0x479: {  	v0 =	vadd.s32 v56, v0  }
0x47a: {  	[tilespmem:s7+$0xA640] =	vst v0  }
0x47b: {  	v0 =	vld.idx.msk [tilespmem:v55+s4+$0x0], $0xffff;
	_ =	sdelay $0x1  }
0x47c: {  	v58 =	vand.u32 $0xFF, v57;
	_ =	sdelay $0x1  }
0x47d: {  	v60 =	vld [tilespmem:s7+$0xBEF0];
	v59 =	vshra.s32 v54, $0x8  }
0x47e: {  	v0 =	vadd.s32 v59, v0  }
0x47f: {  	[tilespmem:s7+$0xA650] =	vst v0  }
0x480: {  	v0 =	vld.idx.msk [tilespmem:v58+s4+$0x0], $0xffff;
	_ =	sdelay $0x1  }
0x481: {  	v61 =	vand.u32 $0xFF, v60;
	_ =	sdelay $0x1  }
0x482: {  	v62 =	vshra.s32 v57, $0x8  }
0x483: {  	v0 =	vadd.s32 v62, v0  }
0x484: {  	[tilespmem:s7+$0xA660] =	vst v0  }
0x485: {  	v0 =	vld.idx.msk [tilespmem:v61+s4+$0x0], $0xffff;
	_ =	sdelay $0x3  }
0x486: {  	v63 =	vshra.s32 v60, $0x8  }
0x487: {  	v0 =	vadd.s32 v63, v0  }
0x488: {  	s28 =	simm.s32 $0x2;
	[tilespmem:s7+$0xA670] =	vst v0  }
0x489: {  	_ =	swait.ge [sflag:s28], $0x1880  }
0x48a: {  	s29 =	simm.s32 $0x1880;
	s30 =	simm.s32 $0xA600;
	[sflag:s28] =	ssyncset.done $0x0  }
0x48b: {  	s6 =	simm.s32 $0x7B80;
	s31 =	simm.s32 $0x1;
	[sflag:s28] =	ssyncadd.s32 $0xFFFFE780  }
0x48c: {  	[spmem:s3] =	stream.indirect.scatter [tilespmem:s6], [sflag:$0x1], $0x1, s30, s29, $0xb8;
	[tilespmem:$0xD700] =	vst v63  }
0x48d: {  	_ =	swait.ge [sflag:s31], $0x1880  }
0x48e: {  	[sflag:s31] =	ssyncset.done $0x0  }
0x48f: {  	p0 =	seq.s32 s0, $0xF;
	[sflag:s31] =	ssyncadd.s32 $0xFFFFE780  }
0x490: {  	s5 =	simm.s32 @p0 $0x7B80;
	s4 =	sadd.s32 @p0 $0xBB80, s3;
	[bflag:$0x0] =	sbarrier.arrive $0xFFFF  }
0x491: {  	[tilespmem:s5], [sflag:$0x3] =	stream.linear.gather @p0 [spmem:s4], $0x7D0, $0x38;
	[tilespmem:$0xD700] =	vst v63  }
0x492: {  	s4 =	simm.s32 @p0 $0x3  }
0x493: {  	_ =	swait.ge @p0 [sflag:s4], $0x7D0  }
0x494: {  	[sflag:s4] =	ssyncset.done @p0 $0x0  }
0x495: {  	s7 =	simm.s32 @p0 $0x0;
	s6 =	sadd.s32 @p0 $0x1770, s2;
	[sflag:s4] =	ssyncadd.s32 @p0 $0xFFFFF830  }
0x496: {  	[hbm4b:s6+s7] =	stream.linear.scatter @p0 [tilespmem:s5], [sflag:$0x3], $0x7D0, $0x38;
	[tilespmem:$0xD700] =	vst v63  }
0x497: {  	s5 =	smul.u32 @!p0 $0xC80, s0;
	_ =	swait.ge @p0 [sflag:s4], $0x7D0  }
0x498: {  	[sflag:s4] =	ssyncset.done @p0 $0x0  }
0x499: {  	s3 =	sadd.s32 @!p0 s5, s3;
	[sflag:s4] =	ssyncadd.s32 @p0 $0xFFFFF830;
	s4 =	simm.s32 @!p0 $0x7B80  }
0x49a: {  	[tilespmem:s4], [sflag:$0x3] =	stream.linear.gather @!p0 [spmem:s3], $0xC80, $0x38;
	[tilespmem:$0xD700] =	vst v63  }
0x49b: {  	s3 =	simm.s32 @!p0 $0x3  }
0x49c: {  	_ =	swait.ge @!p0 [sflag:s3], $0xC80  }
0x49d: {  	s5 =	sshrl.u32 @!p0 s5, $0x3;
	[sflag:s3] =	ssyncset.done @!p0 $0x0  }
0x49e: {  	s2 =	sadd.s32 @!p0 s2, s5;
	s5 =	simm.s32 @!p0 $0x0;
	[sflag:s3] =	ssyncadd.s32 @!p0 $0xFFFFF380  }
0x49f: {  	[hbm4b:s2+s5] =	stream.linear.scatter @!p0 [tilespmem:s4], [sflag:$0x3], $0xC80, $0x38;
	[tilespmem:$0xD700] =	vst v63  }
0x4a0: {  	_ =	swait.ge @!p0 [sflag:s3], $0xC80  }
0x4a1: {  	[sflag:s3] =	ssyncset.done @!p0 $0x0  }
0x4a2: {  	[sflag:s3] =	ssyncadd.s32 @!p0 $0xFFFFF380  }
0x4a3: {  	_ =	sfence.sel $0x180000  }
0x4a4: {  	[bflag:$0x0] =	sbarrier.arrive $0xFFFF  }
0x4a5: {  	p0 =	sne.s32 s0, $0x0;
	_ =	strace $0x90000047  }
0x4a6: {  	s0 =	sadd.s32 @!p0 $0x100000, s1;
	[bflag:$0x2] =	sbarrier.arrive $0xFFFF  }
0x4a7: {  	[sflag:s0] =	ssyncadd.tile.s32 @!p0 $0x1;
	_ =	shalt  }
.Lfunc_end2:
_tile_overlayer_lowered:
.L_overlay_start_2:
0x4a8: {  	(tag) =	ssettag $0x2  }
0x4a9: {  	s0 =	rddreg [dreg:$0x0];
	s2 =	stileid.u32  }
0x4aa: {  	s1 =	rddreg [dreg:$0x1];
	p0 =	sne.s32 s2, $0x0  }
0x4ab: {  	s3 =	rddreg [dreg:$0x2];
	[bflag:$0x3] =	sbarrier.arrive $0xFFFF;
	s2 =	simm.s32 @!p0 $0x1C03  }
0x4ac: {  	[timem:s3], [sflag:s2] =	dma.local @!p0 [hbm:s0], s1  }
0x4ad: {  	s0 =	simm.s32 @!p0 $0x3  }
0x4ae: {  	_ =	swait.ge @!p0 [sflag:s0], s1  }
0x4af: {  	s1 =	ssub.s32 @!p0 $0x0, s1;
	[sflag:s0] =	ssyncset.done @!p0 $0x0  }
0x4b0: {  	[sflag:s0] =	ssyncadd.s32 @!p0 s1  }
0x4b1: {  	[bflag:$0x3] =	sbarrier.arrive $0xFFFF  }
0x4b2: {  	_ =	shalt  }

// kernel: kernel.8.cloned.1.call-start
scs
__scs_entry_jumppad:
0x0: {  	(pc) =	sbr.rel $0x88, $3  }
0x1: {  	(tag) =	ssettag $0x0;
	lr =	simm.s32 $0x1  }
0x2: {  	[smem:$0x3F9E] =	sst lr;
	_ =	strace $0xD0000000  }
0x3: {  	_ = 	snop  }
0x4: {  	_ = 	snop  }
0x5: {  	_ = 	snop  }
0x6: {  	_ = 	snop  }
0x7: {  	_ = 	snop  }
__scs_overlays_trampoline_lowered:
0x8: {  	[smem:$0x3FAD] =	sst s0  }
0x9: {  	[smem:$0x3FAE] =	sst s1  }
0xa: {  	[smem:$0x3FAF] =	sst s2  }
0xb: {  	[smem:$0x3FB0] =	sst s3  }
0xc: {  	[smem:$0x3FB1] =	sst s4  }
0xd: {  	[smem:$0x3FB2] =	sst s5  }
0xe: {  	[smem:$0x3FB3] =	sst s6  }
0xf: {  	[smem:$0x3FB4] =	sst s7  }
0x10: {  	[smem:$0x3FB5] =	sst s8  }
0x11: {  	[smem:$0x3FB6] =	sst s9;
	s0 =	simm.s32 @!p0 $0x0  }
0x12: {  	s1 =	sld [smem:$0x3F9C];
	s0 =	simm.s32 @p0 $0x1  }
0x13: {  	[smem:$0x3FB7] =	sst s0;
	s0 =	simm.s32 @!p1 $0x0  }
0x14: {  	s2 =	sld [smem:$0x3F9B];
	s0 =	simm.s32 @p1 $0x1  }
0x15: {  	[smem:$0x3FB8] =	sst s0;
	s0 =	simm.s32 @!p2 $0x0  }
0x16: {  	s3 =	sld [smem:$0x3FDB];
	s0 =	simm.s32 @p2 $0x1  }
0x17: {  	s4 =	simm.s32 $0x1BF5;
	[smem:$0x3FBA] =	sst s0  }
0x18: {  	s0 =	sld [smem:$0x3F9D];
	_ =	swait.ge [sflag:s4], $0x0  }
0x19: {  	s7 =	sld [smem:$0x3F9E]  }
0x1a: {  	s8 =	sadd.s32 $0xFFFFE003, lr  }
0x1b: {  	s9 =	sadd.s32 $0xFFFFFEF7, lr;
	s5 =	simm.s32 $0xFFFFFFFF;
	p2 =	slt.u32 s8, $0xFFFFF086  }
0x1c: {  	p1 =	slt.u32 s9, $0xF7A;
	s5 =	simm.s32 @!p2 $0x0  }
0x1d: {  	s5 =	simm.s32 @p1 $0x1;
	p0 =	seq.s32 s7, s2  }
0x1e: {  	s7 =	smul.u32 @!p0 $0xF7A, s2;
	p2 =	seq.s32 @!p0 s5, $0x0  }
0x1f: {  	s9 =	smul.u32 $0xF7A, s1;
	s8 =	simm.s32 @!p0 $0x1BF5;
	p2 =	por !p2, p0  }
0x20: {  	[sflag:s8] =	ssyncset.s32 @!p0 $0xFFFFF086;
	s6 =	sadd.s32 @!p0 s3, s7;
	s7 =	simm.s32 @!p0 $0x108  }
0x21: {  	s3 =	sadd.s32 s3, s9;
	s6 =	sadd.s32 @!p0 $0x88, s6;
	s7 =	simm.s32 @p2 $0x1082  }
0x22: {  	[simem:s7], [sflag:s8] =	dma.local @!p0 [hbm:s6], $0xF7A  }
0x23: {  	s9 =	sor.u32 $0xD0000000, s2;
	s6 =	simm.s32 $0x108;
	_ =	swait.ge @!p0 [sflag:s8], $0x0  }
0x24: {  	s3 =	sadd.s32 $0x88, s3;
	s6 =	simm.s32 @!p1 $0x1082;
	[sflag:s4] =	ssyncset.s32 $0xFFFFF086  }
0x25: {  	[simem:s6], [sflag:s4] =	dma.local [hbm:s3], $0xF7A  }
0x26: {  	[smem:$0x3F9E] =	sst s1;
	(tag) =	ssettag s2;
	_ =	strace s9  }
0x27: {  	s1 =	sld [smem:$0x3FAE]  }
0x28: {  	s2 =	sld [smem:$0x3FAF]  }
0x29: {  	s4 =	sld [smem:$0x3FB1]  }
0x2a: {  	p0 =	seq.s32 s5, $0x0;
	s5 =	sld [smem:$0x3FB2]  }
0x2b: {  	s6 =	sld [smem:$0x3FB3]  }
0x2c: {  	s7 =	sld [smem:$0x3FB4]  }
0x2d: {  	s3 =	simm.s32 $0x108;
	s8 =	sld [smem:$0x3FB5]  }
0x2e: {  	s3 =	simm.s32 @!p0 $0x1082;
	s9 =	sld [smem:$0x3FB6]  }
0x2f: {  	lr =	sadd.s32 s0, s3;
	s0 =	sld [smem:$0x3FAD]  }
0x30: {  	s3 =	sld [smem:$0x3FB0]  }
0x31: {  	[smem:$0x3FB9] =	sst s10  }
0x32: {  	s10 =	sld [smem:$0x3FB7];
	_ =	sdelay $0x3  }
0x33: {  	p0 =	seq.s32 s10, $0x1;
	s10 =	sld [smem:$0x3FB9];
	_ =	sdelay $0x3  }
0x34: {  	[smem:$0x3FB9] =	sst s10  }
0x35: {  	s10 =	sld [smem:$0x3FB8];
	_ =	sdelay $0x3  }
0x36: {  	p1 =	seq.s32 s10, $0x1;
	s10 =	sld [smem:$0x3FB9];
	_ =	sdelay $0x3  }
0x37: {  	[smem:$0x3FB9] =	sst s10  }
0x38: {  	s10 =	sld [smem:$0x3FBA]  }
0x39: {  	_ = 	snop;
	(pc) =	sbr.ind lr, $3  }
0x3a: {  	_ = 	snop  }
0x3b: {  	_ = 	snop  }
0x3c: {  	p2 =	seq.s32 s10, $0x1;
	s10 =	sld [smem:$0x3FB9]  }
0x3d: {  	_ =	shalt  }
0x3e: {  	_ =	shalt  }
0x3f: {  	_ =	shalt  }
0x40: {  	_ =	shalt  }
0x41: {  	_ =	shalt  }
0x42: {  	_ =	shalt  }
0x43: {  	_ =	shalt  }
0x44: {  	_ =	shalt  }
0x45: {  	_ =	shalt  }
0x46: {  	_ =	shalt  }
0x47: {  	_ =	shalt  }
0x48: {  	_ =	shalt  }
0x49: {  	_ =	shalt  }
0x4a: {  	_ =	shalt  }
0x4b: {  	_ =	shalt  }
0x4c: {  	_ =	shalt  }
0x4d: {  	_ =	shalt  }
0x4e: {  	_ =	shalt  }
0x4f: {  	_ =	shalt  }
0x50: {  	_ =	shalt  }
0x51: {  	_ =	shalt  }
0x52: {  	_ =	shalt  }
0x53: {  	_ =	shalt  }
0x54: {  	_ =	shalt  }
0x55: {  	_ =	shalt  }
0x56: {  	_ =	shalt  }
0x57: {  	_ =	shalt  }
0x58: {  	_ =	shalt  }
0x59: {  	_ =	shalt  }
0x5a: {  	_ =	shalt  }
0x5b: {  	_ =	shalt  }
0x5c: {  	_ =	shalt  }
0x5d: {  	_ =	shalt  }
0x5e: {  	_ =	shalt  }
0x5f: {  	_ =	shalt  }
0x60: {  	_ =	shalt  }
0x61: {  	_ =	shalt  }
0x62: {  	_ =	shalt  }
0x63: {  	_ =	shalt  }
0x64: {  	_ =	shalt  }
0x65: {  	_ =	shalt  }
0x66: {  	_ =	shalt  }
0x67: {  	_ =	shalt  }
0x68: {  	_ =	shalt  }
0x69: {  	_ =	shalt  }
0x6a: {  	_ =	shalt  }
0x6b: {  	_ =	shalt  }
0x6c: {  	_ =	shalt  }
0x6d: {  	_ =	shalt  }
0x6e: {  	_ =	shalt  }
0x6f: {  	_ =	shalt  }
0x70: {  	_ =	shalt  }
0x71: {  	_ =	shalt  }
0x72: {  	_ =	shalt  }
0x73: {  	_ =	shalt  }
0x74: {  	_ =	shalt  }
0x75: {  	_ =	shalt  }
0x76: {  	_ =	shalt  }
0x77: {  	_ =	shalt  }
0x78: {  	_ =	shalt  }
0x79: {  	_ =	shalt  }
0x7a: {  	_ =	shalt  }
0x7b: {  	_ =	shalt  }
0x7c: {  	_ =	shalt  }
0x7d: {  	_ =	shalt  }
0x7e: {  	_ =	shalt  }
0x7f: {  	_ =	shalt  }
0x80: {  	_ =	shalt  }
0x81: {  	_ =	shalt  }
0x82: {  	_ =	shalt  }
0x83: {  	_ =	shalt  }
0x84: {  	_ =	shalt  }
0x85: {  	_ =	shalt  }
0x86: {  	_ =	shalt  }
0x87: {  	_ =	shalt  }
.Lfunc_end0:
.L_simem_size_0:
called_computation.1_lowered:
.L_overlay_start_0:
0x88: {  	s2 =	sld [smem:$0x3FD9]  }
0x89: {  	s3 =	sld [smem:$0x3FFE];
	_ =	sdelay $0x1  }
0x8a: {  	s1 =	srdreg.scid  }
0x8b: {  	s0 =	sand.u32 $0x1, s1  }
0x8c: {  	s15 =	sshll.u32 s0, $0xA;
	s2 =	sadd.s32 s3, s2  }
0x8d: {  	s2 =	sadd.s32 s2, s15  }
0x8e: {  	[smem:$0x3FC5] =	sst s2  }
0x8f: {  	_ = 	snop  }
0x90: {  	s2 =	sld [smem:$0x3FD0];
	_ =	sdelay $0x2  }
0x91: {  	s4 =	simm.s32 $0xA;
	s5 =	simm.s32 $0x10;
	s16 =	sld [smem:$0x3FC9]  }
0x92: {  	[smem:s5], [sflag:s4] =	dma.local [hbm:s2], $0x1  }
0x93: {  	_ =	swait.eq [sflag:s4], $0x1  }
0x94: {  	[sflag:s4] =	ssyncset.done $0x0  }
0x95: {  	s17 =	sld [smem:$0x10];
	[sflag:s4] =	ssyncadd.s32 $0xFFFFFFFF  }
0x96: {  	s18 =	sld [smem:$0x11];
	(tm) =	ssettm $0x1  }
0x97: {  	s19 =	sld [smem:$0x3FFB];
	_ =	sdelay $0x3  }
0x98: {  	_ =	strace s19  }
0x99: {  	s5 =	sld [smem:$0x3FFC];
	_ =	sdelay $0x3  }
0x9a: {  	_ =	strace s5  }
0x9b: {  	s5 =	sld [smem:$0x3FFD];
	_ =	sdelay $0x3  }
0x9c: {  	_ =	strace s5  }
0x9d: {  	_ =	strace $0x8FFFFFFF  }
0x9e: {  	s20 =	sld [smem:$0x3FDB];
	_ =	sdelay $0x1  }
0x9f: {  	s6 =	simm.s32 $_scs_section_size  }
0xa0: {  	s7 =	simm.s32 $_size__tile_overlayer_lowered;
	s8 =	simm.s32 $_tile_overlayer_lowered  }
0xa1: {  	s23 =	simm.s32 $0x1BFF;
	s22 =	sshll.u32 s8, $0x1;
	s5 =	sadd.s32 s6, s20  }
0xa2: {  	s9 =	simm.s32 $0x0;
	s21 =	sshll.u32 s7, $0x1;
	s7 =	sadd.s32 s22, s5  }
0xa3: {  	[timem:s9], [sflag:s23] =	dma.local [hbm:s7], s21  }
0xa4: {  	_ =	swait.ge [sflag:s23], s21  }
0xa5: {  	s6 =	ssub.s32 $0x0, s21;
	[sflag:s23] =	ssyncset.done $0x0  }
0xa6: {  	[sflag:s23] =	ssyncadd.s32 s6;
	_ =	sdelay $0x1  }
0xa7: {  	s24 =	simm.s32 $0x1B8B  }
0xa8: {  	_ =	swait.ge [sflag:s24], $0x1  }
0xa9: {  	[sflag:s24] =	ssyncset.done $0x0  }
0xaa: {  	s25 =	simm.s32 $0x1B8E;
	[sflag:s24] =	ssyncadd.s32 $0xFFFFFFFF  }
0xab: {  	s26 =	simm.s32 $execute0_lowered;
	[smem:$0x3FD2] =	sst s25  }
0xac: {  	s6 =	sshll.u32 s26, $0x1;
	_ =	strace $0x80000049;
	[dreg:$0x1] =	wrdreg $0xFFFFFFFF  }
0xad: {  	s28 =	simm.s32 $_size_execute0_lowered;
	s5 =	sadd.s32 s5, s6;
	[dreg:$0x0] =	wrdreg $0x0  }
0xae: {  	s6 =	sshll.u32 s28, $0x1;
	[dreg:$0x2] =	wrdreg s5  }
0xaf: {  	[dreg:$0x3] =	wrdreg s6  }
0xb0: {  	[dreg:$0x4] =	wrdreg $0xC0  }
0xb1: {  	_ =	task [dreg:s9], $0x5FFFF  }
0xb2: {  	[dreg:$0x1] =	wrdreg $0xFFFFFFFF  }
0xb3: {  	[dreg:$0x0] =	wrdreg $0x60  }
0xb4: {  	[dreg:$0x2] =	wrdreg s16  }
0xb5: {  	[dreg:$0x3] =	wrdreg s18  }
0xb6: {  	[dreg:$0x4] =	wrdreg s17  }
0xb7: {  	[dreg:$0x5] =	wrdreg $0x9  }
0xb8: {  	_ =	task.clear_ibuf [dreg:s9], $0x6FFFF;
	_ =	strace $0x90000049  }
0xb9: {  	s29 =	simm.s32 $0x9;
	_ =	strace $0x8000004B  }
0xba: {  	_ =	swait.ge [sflag:s29], $0x1  }
0xbb: {  	[sflag:s29] =	ssyncadd.s32 $0xFFFFFFFF  }
0xbc: {  	_ =	strace $0x9000004B  }
0xbd: {  	_ =	sfence  }
0xbe: {  	s30 =	sld [smem:$0x0];
	_ =	sdelay $0x2  }
0xbf: {  	s31 =	sshll.u32 s1, $0xD;
	s1 =	sshrl.u32 s1, $0x2  }
0xc0: {  	s3 =	sand.u32 $0x4000, s31;
	s1 =	sadd.s32 s1, s30  }
0xc1: {  	s0 =	sor.u32 s3, s0;
	s1 =	sshll.u32 s1, $0x11  }
0xc2: {  	s0 =	sor.u32 s1, s0  }
0xc3: {  	s0 =	sadd.s32 $0x8F2B, s0  }
0xc4: {  	[sflag:s0] =	ssyncadd.remote.s32 $0x1  }
0xc5: {  	_ =	sfence.sel $0xFFFF  }
0xc6: {  	[dreg:$0x0] =	wrdreg $0xFFFFFFFF;
	(pc) =	sbr.abs _section_cstart, $3  }
0xc7: {  	[dreg:$0x1] =	wrdreg $0xFFFFFFFF  }
0xc8: {  	_ =	task.clear_ibuf [dreg:s9], $0x2FFFF;
	_ =	strace $0x9FFFFFFF  }
0xc9: {  	(tm) =	ssettm $0x7FFFFFFF  }
tec
execute0_lowered:
.L_overlay_start_1:
0x0: {  	(tag) =	ssettag $0x1  }
0x1: {  	s1 =	srdreg.scid;
	s0 =	stileid.u32  }
0x2: {  	s24 =	sand.u32 $0x1, s1;
	s31 =	sshll.u32 s0, $0x1  }
0x3: {  	s2 =	rddreg [dreg:$0x0];
	s1 =	sor.u32 s24, s31  }
0x4: {  	s4 =	rddreg [dreg:$0x1];
	s10 =	smul.u32 $0x620, s1  }
0x5: {  	s11 =	rddreg [dreg:$0x2];
	s3 =	simm.s32 $0x0;
	p0 =	seq.s32 s1, $0x1F  }
0x6: {  	[smem:$0x7FF] =	sst s3;
	s10 =	simm.s32 @p0 $0xBD30  }
0x7: {  	s1 =	rddreg [dreg:$0x3];
	s5 =	sshrl.u32 s10, $0x3  }
0x8: {  	_ =	strace $0x8000004A;
	s4 =	sadd.s32 s4, s5;
	s5 =	simm.s32 $0x5  }
0x9: {  	[tilespmem:s3], [sflag:$0x5] =	stream.linear.gather [hbm4b:s4+s3], $0x620, $0x38;
	[tilespmem:$0xE680] =	vst v63  }
0xa: {  	_ =	swait.ge [sflag:s5], $0x620  }
0xb: {  	[sflag:s5] =	ssyncset.done $0x0  }
0xc: {  	s6 =	simm.s32 $0xE0;
	s7 =	simm.s32 $0x680;
	[sflag:s5] =	ssyncadd.s32 $0xFFFFF9E0  }
0xd: {  	[tilespmem:s7], [sflag:$0x1] =	stream.indirect.gather [hbm4b:s2+s6], $0x80, s3, s6, $0xb8;
	[tilespmem:$0xE680] =	vst v63  }
0xe: {  	s8 =	simm.s32 $0x7680;
	s9 =	simm.s32 $0x1  }
0xf: {  	[tilespmem:s8], [sflag:$0x2] =	stream.indirect.gather [hbm4b:s2+s6], $0x80, s6, s6, $0xb8;
	[tilespmem:$0xE680] =	vst v63  }
0x10: {  	_ =	swait.ge [sflag:s9], $0x7000  }
0x11: {  	s10 =	sshll.u32 s10, $0x4;
	[sflag:s9] =	ssyncset.done $0x0  }
0x12: {  	s10 =	sadd.s32 s11, s10;
	s11 =	simm.s32 $0x3;
	[sflag:s9] =	ssyncadd.s32 $0xFFFF9000  }
0x13: {  	[hbm4b:s10+s3] =	stream.linear.scatter [tilespmem:s7], [sflag:$0x3], $0x7000, $0x38;
	[tilespmem:$0xE680] =	vst v63  }
0x14: {  	_ =	swait.ge [sflag:s11], $0x7000  }
0x15: {  	[sflag:s11] =	ssyncset.done $0x0  }
0x16: {  	s12 =	simm.s32 $0x1C0;
	s13 =	simm.s32 $0x2;
	[sflag:s11] =	ssyncadd.s32 $0xFFFF9000  }
0x17: {  	[tilespmem:s7], [sflag:$0x1] =	stream.indirect.gather [hbm4b:s2+s6], $0x80, s12, s6, $0xb8;
	[tilespmem:$0xE680] =	vst v63  }
0x18: {  	_ =	swait.ge [sflag:s13], $0x7000  }
0x19: {  	[sflag:s13] =	ssyncset.done $0x0  }
0x1a: {  	s14 =	simm.s32 $0x4;
	s15 =	sadd.s32 $0xE00, s10;
	[sflag:s13] =	ssyncadd.s32 $0xFFFF9000  }
0x1b: {  	[hbm4b:s15+s3] =	stream.linear.scatter [tilespmem:s8], [sflag:$0x4], $0x7000, $0x38;
	[tilespmem:$0xE680] =	vst v63  }
0x1c: {  	_ =	swait.ge [sflag:s14], $0x7000  }
0x1d: {  	[sflag:s14] =	ssyncset.done $0x0  }
0x1e: {  	s16 =	simm.s32 $0x2A0;
	[sflag:s14] =	ssyncadd.s32 $0xFFFF9000  }
0x1f: {  	[tilespmem:s8], [sflag:$0x2] =	stream.indirect.gather [hbm4b:s2+s6], $0x80, s16, s6, $0xb8;
	[tilespmem:$0xE680] =	vst v63  }
0x20: {  	_ =	swait.ge [sflag:s9], $0x7000  }
0x21: {  	[sflag:s9] =	ssyncset.done $0x0  }
0x22: {  	s17 =	sadd.s32 $0x1C00, s10;
	[sflag:s9] =	ssyncadd.s32 $0xFFFF9000  }
0x23: {  	[hbm4b:s17+s3] =	stream.linear.scatter [tilespmem:s7], [sflag:$0x3], $0x7000, $0x38;
	[tilespmem:$0xE680] =	vst v63  }
0x24: {  	_ =	swait.ge [sflag:s11], $0x7000  }
0x25: {  	[sflag:s11] =	ssyncset.done $0x0  }
0x26: {  	s18 =	simm.s32 $0x380;
	[sflag:s11] =	ssyncadd.s32 $0xFFFF9000  }
0x27: {  	[tilespmem:s7], [sflag:$0x1] =	stream.indirect.gather [hbm4b:s2+s6], $0x80, s18, s6, $0xb8;
	[tilespmem:$0xE680] =	vst v63  }
0x28: {  	_ =	swait.ge [sflag:s13], $0x7000  }
0x29: {  	[sflag:s13] =	ssyncset.done $0x0  }
0x2a: {  	s19 =	sadd.s32 $0x2A00, s10;
	[sflag:s13] =	ssyncadd.s32 $0xFFFF9000  }
0x2b: {  	[hbm4b:s19+s3] =	stream.linear.scatter [tilespmem:s8], [sflag:$0x4], $0x7000, $0x38;
	[tilespmem:$0xE680] =	vst v63  }
0x2c: {  	_ =	swait.ge [sflag:s14], $0x7000  }
0x2d: {  	[sflag:s14] =	ssyncset.done $0x0  }
0x2e: {  	s20 =	simm.s32 $0x460;
	[sflag:s14] =	ssyncadd.s32 $0xFFFF9000  }
0x2f: {  	[tilespmem:s8], [sflag:$0x2] =	stream.indirect.gather [hbm4b:s2+s6], $0x80, s20, s6, $0xb8;
	[tilespmem:$0xE680] =	vst v63  }
0x30: {  	_ =	swait.ge [sflag:s9], $0x7000  }
0x31: {  	[sflag:s9] =	ssyncset.done $0x0  }
0x32: {  	s21 =	sadd.s32 $0x3800, s10;
	[sflag:s9] =	ssyncadd.s32 $0xFFFF9000  }
0x33: {  	[hbm4b:s21+s3] =	stream.linear.scatter [tilespmem:s7], [sflag:$0x3], $0x7000, $0x38;
	[tilespmem:$0xE680] =	vst v63  }
0x34: {  	_ =	swait.ge [sflag:s11], $0x7000  }
0x35: {  	[sflag:s11] =	ssyncset.done $0x0  }
0x36: {  	s22 =	simm.s32 $0x540;
	[sflag:s11] =	ssyncadd.s32 $0xFFFF9000  }
0x37: {  	[tilespmem:s7], [sflag:$0x1] =	stream.indirect.gather [hbm4b:s2+s6], $0x80, s22, s6, $0xb8;
	[tilespmem:$0xE680] =	vst v63  }
0x38: {  	_ =	swait.ge [sflag:s13], $0x7000  }
0x39: {  	s25 =	ssub.s32 $0x2, s24;
	[sflag:s13] =	ssyncset.done $0x0  }
0x3a: {  	s26 =	sshrl.u32 s25, $0x1;
	s23 =	sadd.s32 $0x4600, s10;
	[sflag:s13] =	ssyncadd.s32 $0xFFFF9000  }
0x3b: {  	[hbm4b:s23+s3] =	stream.linear.scatter [tilespmem:s8], [sflag:$0x4], $0x7000, $0x38;
	[tilespmem:$0xE680] =	vst v63  }
0x3c: {  	s25 =	ssub.s32 s25, s26;
	_ =	swait.ge [sflag:s9], $0x7000  }
0x3d: {  	s25 =	smax.u32 s25, $0x1;
	[sflag:s9] =	ssyncset.done $0x0  }
0x3e: {  	p0 =	sne.s32 s25, $0x1;
	s24 =	sadd.s32 $0x5400, s10;
	[sflag:s9] =	ssyncadd.s32 $0xFFFF9000  }
0x3f: {  	[hbm4b:s24+s3] =	stream.linear.scatter [tilespmem:s7], [sflag:$0x3], $0x7000, $0x38;
	[tilespmem:$0xE680] =	vst v63  }
.Ltmp0:
0x40: {  	_ =	swait.ge [sflag:s11], $0x7000;
	(pc) =	sbr.rel @!p0 .LBB2_2-.Ltmp0, $4  }
0x41: {  	[sflag:s11] =	ssyncset.done $0x0  }
0x42: {  	[sflag:s11] =	ssyncadd.s32 $0xFFFF9000  }
0x43: {  	_ =	swait.ge [sflag:s14], $0x7000  }
0x44: {  	s25 =	sadd.s32 $0xFFFFFFFF, s25;
	[sflag:s14] =	ssyncset.done $0x0  }
.LBB2_1:
0x45: {  	p0 =	sne.s32 s25, $0x1;
	s25 =	sadd.s32 $0xFFFFFFFF, s25;
	[sflag:s14] =	ssyncadd.s32 $0xFFFF9000  }
0x46: {  	[tilespmem:s3], [sflag:$0x5] =	stream.linear.gather [hbm4b:s4+s3], $0x620, $0x38;
	[tilespmem:$0xE680] =	vst v63  }
0x47: {  	_ =	swait.ge [sflag:s5], $0x620  }
0x48: {  	[sflag:s5] =	ssyncset.done $0x0  }
0x49: {  	[sflag:s5] =	ssyncadd.s32 $0xFFFFF9E0  }
0x4a: {  	[tilespmem:s7], [sflag:$0x1] =	stream.indirect.gather [hbm4b:s2+s6], $0x80, s3, s6, $0xb8;
	[tilespmem:$0xE680] =	vst v63  }
0x4b: {  	_ = 	snop  }
0x4c: {  	[tilespmem:s8], [sflag:$0x2] =	stream.indirect.gather [hbm4b:s2+s6], $0x80, s6, s6, $0xb8;
	[tilespmem:$0xE680] =	vst v63  }
0x4d: {  	_ =	swait.ge [sflag:s9], $0x7000  }
0x4e: {  	[sflag:s9] =	ssyncset.done $0x0  }
0x4f: {  	[sflag:s9] =	ssyncadd.s32 $0xFFFF9000  }
0x50: {  	[hbm4b:s10+s3] =	stream.linear.scatter [tilespmem:s7], [sflag:$0x3], $0x7000, $0x38;
	[tilespmem:$0xE680] =	vst v63  }
0x51: {  	_ =	swait.ge [sflag:s11], $0x7000  }
0x52: {  	[sflag:s11] =	ssyncset.done $0x0  }
0x53: {  	[sflag:s11] =	ssyncadd.s32 $0xFFFF9000  }
0x54: {  	[tilespmem:s7], [sflag:$0x1] =	stream.indirect.gather [hbm4b:s2+s6], $0x80, s12, s6, $0xb8;
	[tilespmem:$0xE680] =	vst v63  }
0x55: {  	_ =	swait.ge [sflag:s13], $0x7000  }
0x56: {  	[sflag:s13] =	ssyncset.done $0x0  }
0x57: {  	[sflag:s13] =	ssyncadd.s32 $0xFFFF9000  }
0x58: {  	[hbm4b:s15+s3] =	stream.linear.scatter [tilespmem:s8], [sflag:$0x4], $0x7000, $0x38;
	[tilespmem:$0xE680] =	vst v63  }
0x59: {  	_ =	swait.ge [sflag:s14], $0x7000  }
0x5a: {  	[sflag:s14] =	ssyncset.done $0x0  }
0x5b: {  	[sflag:s14] =	ssyncadd.s32 $0xFFFF9000  }
0x5c: {  	[tilespmem:s8], [sflag:$0x2] =	stream.indirect.gather [hbm4b:s2+s6], $0x80, s16, s6, $0xb8;
	[tilespmem:$0xE680] =	vst v63  }
0x5d: {  	_ =	swait.ge [sflag:s9], $0x7000  }
0x5e: {  	[sflag:s9] =	ssyncset.done $0x0  }
0x5f: {  	[sflag:s9] =	ssyncadd.s32 $0xFFFF9000  }
0x60: {  	[hbm4b:s17+s3] =	stream.linear.scatter [tilespmem:s7], [sflag:$0x3], $0x7000, $0x38;
	[tilespmem:$0xE680] =	vst v63  }
0x61: {  	_ =	swait.ge [sflag:s11], $0x7000  }
0x62: {  	[sflag:s11] =	ssyncset.done $0x0  }
0x63: {  	[sflag:s11] =	ssyncadd.s32 $0xFFFF9000  }
0x64: {  	[tilespmem:s7], [sflag:$0x1] =	stream.indirect.gather [hbm4b:s2+s6], $0x80, s18, s6, $0xb8;
	[tilespmem:$0xE680] =	vst v63  }
0x65: {  	_ =	swait.ge [sflag:s13], $0x7000  }
0x66: {  	[sflag:s13] =	ssyncset.done $0x0  }
0x67: {  	[sflag:s13] =	ssyncadd.s32 $0xFFFF9000  }
0x68: {  	[hbm4b:s19+s3] =	stream.linear.scatter [tilespmem:s8], [sflag:$0x4], $0x7000, $0x38;
	[tilespmem:$0xE680] =	vst v63  }
0x69: {  	_ =	swait.ge [sflag:s14], $0x7000  }
0x6a: {  	[sflag:s14] =	ssyncset.done $0x0  }
0x6b: {  	[sflag:s14] =	ssyncadd.s32 $0xFFFF9000  }
0x6c: {  	[tilespmem:s8], [sflag:$0x2] =	stream.indirect.gather [hbm4b:s2+s6], $0x80, s20, s6, $0xb8;
	[tilespmem:$0xE680] =	vst v63  }
0x6d: {  	_ =	swait.ge [sflag:s9], $0x7000  }
0x6e: {  	[sflag:s9] =	ssyncset.done $0x0  }
0x6f: {  	[sflag:s9] =	ssyncadd.s32 $0xFFFF9000  }
0x70: {  	[hbm4b:s21+s3] =	stream.linear.scatter [tilespmem:s7], [sflag:$0x3], $0x7000, $0x38;
	[tilespmem:$0xE680] =	vst v63  }
0x71: {  	_ =	swait.ge [sflag:s11], $0x7000  }
0x72: {  	[sflag:s11] =	ssyncset.done $0x0  }
0x73: {  	[sflag:s11] =	ssyncadd.s32 $0xFFFF9000  }
0x74: {  	[tilespmem:s7], [sflag:$0x1] =	stream.indirect.gather [hbm4b:s2+s6], $0x80, s22, s6, $0xb8;
	[tilespmem:$0xE680] =	vst v63  }
0x75: {  	_ =	swait.ge [sflag:s13], $0x7000  }
0x76: {  	[sflag:s13] =	ssyncset.done $0x0  }
0x77: {  	[sflag:s13] =	ssyncadd.s32 $0xFFFF9000  }
0x78: {  	[hbm4b:s23+s3] =	stream.linear.scatter [tilespmem:s8], [sflag:$0x4], $0x7000, $0x38;
	[tilespmem:$0xE680] =	vst v63  }
0x79: {  	_ =	swait.ge [sflag:s9], $0x7000  }
0x7a: {  	[sflag:s9] =	ssyncset.done $0x0  }
0x7b: {  	[sflag:s9] =	ssyncadd.s32 $0xFFFF9000  }
0x7c: {  	[hbm4b:s24+s3] =	stream.linear.scatter [tilespmem:s7], [sflag:$0x3], $0x7000, $0x38;
	[tilespmem:$0xE680] =	vst v63  }
.Ltmp1:
0x7d: {  	_ =	swait.ge [sflag:s11], $0x7000;
	(pc) =	sbr.rel @p0 .LBB2_1-.Ltmp1, $4  }
0x7e: {  	[sflag:s11] =	ssyncset.done $0x0  }
0x7f: {  	[sflag:s11] =	ssyncadd.s32 $0xFFFF9000  }
0x80: {  	_ =	swait.ge [sflag:s14], $0x7000  }
0x81: {  	[sflag:s14] =	ssyncset.done $0x0  }
.LBB2_2:
0x82: {  	[sflag:s14] =	ssyncadd.s32 $0xFFFF9000  }
0x83: {  	_ =	sfence.sel $0x180000  }
0x84: {  	[bflag:$0x0] =	sbarrier.arrive $0xFFFF  }
0x85: {  	p0 =	sne.s32 s0, $0x0;
	_ =	strace $0x9000004A  }
0x86: {  	s0 =	sadd.s32 @!p0 $0x100000, s1;
	[bflag:$0x2] =	sbarrier.arrive $0xFFFF  }
0x87: {  	[sflag:s0] =	ssyncadd.tile.s32 @!p0 $0x1;
	_ =	shalt  }
.Lfunc_end2:
_tile_overlayer_lowered:
.L_overlay_start_2:
0x88: {  	(tag) =	ssettag $0x2  }
0x89: {  	s0 =	rddreg [dreg:$0x0];
	s2 =	stileid.u32  }
0x8a: {  	s1 =	rddreg [dreg:$0x1];
	p0 =	sne.s32 s2, $0x0  }
0x8b: {  	s3 =	rddreg [dreg:$0x2];
	[bflag:$0x3] =	sbarrier.arrive $0xFFFF;
	s2 =	simm.s32 @!p0 $0x1C05  }
0x8c: {  	[timem:s3], [sflag:s2] =	dma.local @!p0 [hbm:s0], s1  }
0x8d: {  	s0 =	simm.s32 @!p0 $0x5  }
0x8e: {  	_ =	swait.ge @!p0 [sflag:s0], s1  }
0x8f: {  	s1 =	ssub.s32 @!p0 $0x0, s1;
	[sflag:s0] =	ssyncset.done @!p0 $0x0  }
0x90: {  	[sflag:s0] =	ssyncadd.s32 @!p0 s1  }
0x91: {  	[bflag:$0x3] =	sbarrier.arrive $0xFFFF  }
0x92: {  	_ =	shalt  }

</sc_bundles>
